<compile_context>
chip_gen: v7x
topology: tpu7x:2x2x1
jax: 0.10.2.dev20260603
libtpu: 0.0.44.dev20260713+nightly
codegen_flags: <defaults>
</compile_context>

<pallas_src>
import functools

import jax
import jax.numpy as jnp
from jax import lax
from jax.experimental import pallas as pl
from jax.experimental.pallas import tpu as pltpu
from jax.experimental.pallas import tpu_sc as plsc

N = 10000
NP = 10240
E = 320000
BN_EPS = 1e-5
_BN_SCALE = float(1.0 / (1.0 + BN_EPS) ** 0.5)

NC = 2
NS = 16
ROWS_PT = NP // NS
DG = 64
K = 80
EPT = E // NS
C_MAIN = EPT // K
NBUF = 5
PRE = 4

_SC_PARAMS = pltpu.CompilerParams(use_tc_tiling_on_sc=False)


@functools.cache
def _mesh():
    return plsc.VectorSubcoreMesh(core_axis_name="c", subcore_axis_name="s",
                                  num_cores=NC, num_subcores=NS)



def _deg_body(dst_hbm, zeros_hbm, ones_hbm, out_hbm, dst_v, ones_v, acc, dsem,
              psem):
    c = lax.axis_index("c")
    s = lax.axis_index("s")
    r0 = s * ROWS_PT
    cp0 = pltpu.async_copy(zeros_hbm.at[pl.ds(r0, ROWS_PT)],
                           acc.at[pl.ds(r0, ROWS_PT)], psem)
    cp1 = pltpu.async_copy(ones_hbm, ones_v, psem)
    cp2 = pltpu.async_copy(dst_hbm.at[s], dst_v, psem)
    cp0.wait()
    cp1.wait()
    cp2.wait()
    plsc.subcore_barrier()

    def chunk(j, carry):
        pltpu.async_copy(ones_v, acc.at[dst_v.at[j]], dsem, add=True)
        return carry

    lax.fori_loop(0, C_MAIN, chunk, 0)

    def drain(j, carry):
        pltpu.make_async_copy(ones_v, acc.at[dst_v.at[0]], dsem).wait()
        return carry

    lax.fori_loop(0, C_MAIN, drain, 0)
    plsc.subcore_barrier()
    pltpu.sync_copy(acc.at[pl.ds(r0, ROWS_PT)],
                    out_hbm.at[pl.ds(c * NP + r0, ROWS_PT)])


@functools.cache
def _deg_call():
    return pl.kernel(
        _deg_body,
        out_type=jax.ShapeDtypeStruct((NC * NP, 8), jnp.float32),
        mesh=_mesh(),
        scratch_types=[
            pltpu.VMEM((C_MAIN, K), jnp.int32),
            pltpu.VMEM((K, 8), jnp.float32),
            pltpu.VMEM_SHARED((NP, 8), jnp.float32),
            pltpu.SemaphoreType.DMA,
            pltpu.SemaphoreType.DMA,
        ],
        compiler_params=_SC_PARAMS,
    )


def _scatter_body(u_hbm, src_hbm, dst_hbm, zeros_hbm, out_hbm, src_v, dst_v,
                  *scr):
    msgs = scr[:NBUF]
    acc = scr[NBUF]
    gsems = scr[NBUF + 1:2 * NBUF + 1]
    ssems = scr[2 * NBUF + 1:]
    c = lax.axis_index("c")
    s = lax.axis_index("s")
    wid = c * NS + s
    r0 = s * ROWS_PT
    cp0 = pltpu.async_copy(dst_hbm.at[s], dst_v, gsems[0])
    cp1 = pltpu.async_copy(zeros_hbm.at[pl.ds(r0, ROWS_PT)],
                           acc.at[pl.ds(r0, ROWS_PT)], gsems[1])
    cp2 = pltpu.async_copy(src_hbm.at[wid], src_v, gsems[2])
    cp0.wait()
    cp1.wait()
    cp2.wait()
    plsc.subcore_barrier()

    for b in range(PRE):
        pltpu.async_copy(u_hbm.at[src_v.at[b]], msgs[b], gsems[b])

    def ring(jj, carry):
        for b in range(NBUF):
            j = jj * NBUF + b
            pltpu.make_async_copy(u_hbm.at[src_v.at[j]], msgs[b],
                                  gsems[b]).wait()
            pltpu.async_copy(msgs[b], acc.at[dst_v.at[j]], ssems[b], add=True)
            bn = (b + PRE) % NBUF

            @pl.when(j >= NBUF - PRE)
            def _():
                pltpu.make_async_copy(msgs[bn], acc.at[dst_v.at[j]],
                                      ssems[bn]).wait()

            @pl.when(j + PRE < C_MAIN)
            def _():
                pltpu.async_copy(u_hbm.at[src_v.at[j + PRE]], msgs[bn],
                                 gsems[bn])
        return carry

    lax.fori_loop(0, C_MAIN // NBUF, ring, 0)
    for t in range(C_MAIN - (NBUF - PRE), C_MAIN):
        b = t % NBUF
        pltpu.make_async_copy(msgs[b], acc.at[dst_v.at[0]], ssems[b]).wait()
    plsc.subcore_barrier()
    pltpu.sync_copy(acc.at[pl.ds(r0, ROWS_PT)],
                    out_hbm.at[pl.ds(c * NP + r0, ROWS_PT)])


@functools.cache
def _make_scatter():
    return pl.kernel(
        _scatter_body,
        out_type=jax.ShapeDtypeStruct((NC * NP, DG), jnp.float32),
        mesh=_mesh(),
        scratch_types=(
            [pltpu.VMEM((C_MAIN, K), jnp.int32),
             pltpu.VMEM((C_MAIN, K), jnp.int32)]
            + [pltpu.VMEM((K, DG), jnp.float32)] * NBUF
            + [pltpu.VMEM_SHARED((NP, DG), jnp.float32)]
            + [pltpu.SemaphoreType.DMA] * (2 * NBUF)
        ),
        compiler_params=_SC_PARAMS,
    )



R = 2000
GRID = N // R


def _tc1_body(deg_ref, x_ref, w_ref, dinv_ref, u_ref):
    deg = deg_ref[0] + 1.0
    dinv = lax.rsqrt(deg)
    dinv_ref[...] = dinv
    h = jnp.dot(x_ref[...], w_ref[...], preferred_element_type=jnp.float32)
    u = dinv[:, :1] * h
    for g in range(4):
        u_ref[g] = u[:, g * DG:(g + 1) * DG]


_tc1 = pl.pallas_call(
    _tc1_body,
    grid=(GRID,),
    in_specs=[
        pl.BlockSpec((2, R, 8), lambda r: (0, r, 0)),
        pl.BlockSpec((R, 128), lambda r: (r, 0)),
        pl.BlockSpec((128, 256), lambda r: (0, 0)),
    ],
    out_specs=[
        pl.BlockSpec((R, 8), lambda r: (r, 0)),
        pl.BlockSpec((4, R, DG), lambda r: (0, r, 0)),
    ],
    out_shape=[
        jax.ShapeDtypeStruct((N, 8), jnp.float32),
        jax.ShapeDtypeStruct((4, NP, DG), jnp.float32),
    ],
)


def _make_mid(dn):
    dp = 256
    gn = dn // DG

    def body(u_ref, sa_ref, sb_ref, dinv_ref, b_ref, bnw_ref, bnb_ref, w_ref,
             o_ref):
        a = jnp.concatenate(
            [u_ref[0] + sa_ref[0], u_ref[1] + sa_ref[1],
             u_ref[2] + sb_ref[0], u_ref[3] + sb_ref[1]], axis=1)
        dinv = dinv_ref[...][:, :1]
        t = dinv * a + b_ref[...]
        t = t * (bnw_ref[...] * _BN_SCALE) + bnb_ref[...]
        t = jnp.maximum(t, 0.0)
        h = jnp.dot(t, w_ref[...], preferred_element_type=jnp.float32)
        u = dinv * h
        for g in range(gn):
            o_ref[g] = u[:, g * DG:(g + 1) * DG]

    return pl.pallas_call(
        body,
        grid=(GRID,),
        in_specs=[
            pl.BlockSpec((4, R, DG), lambda r: (0, r, 0)),
            pl.BlockSpec((2, R, DG), lambda r: (0, r, 0)),
            pl.BlockSpec((2, R, DG), lambda r: (0, r, 0)),
            pl.BlockSpec((R, 8), lambda r: (r, 0)),
            pl.BlockSpec((1, dp), lambda r: (0, 0)),
            pl.BlockSpec((1, dp), lambda r: (0, 0)),
            pl.BlockSpec((1, dp), lambda r: (0, 0)),
            pl.BlockSpec((dp, dn), lambda r: (0, 0)),
        ],
        out_specs=pl.BlockSpec((4, R, DG), lambda r: (0, r, 0)),
        out_shape=jax.ShapeDtypeStruct((4, NP, DG), jnp.float32),
    )


_mid1 = _make_mid(256)
_mid2 = _make_mid(128)


def _fin_body(u_ref, s_ref, dinv_ref, b_ref, out_ref):
    a = jnp.concatenate([u_ref[0] + s_ref[0], u_ref[1] + s_ref[1]], axis=1)
    out_ref[...] = dinv_ref[...][:, :1] * a + b_ref[...]


_fin = pl.pallas_call(
    _fin_body,
    grid=(GRID,),
    in_specs=[
        pl.BlockSpec((4, R, DG), lambda r: (0, r, 0)),
        pl.BlockSpec((2, R, DG), lambda r: (0, r, 0)),
        pl.BlockSpec((R, 8), lambda r: (r, 0)),
        pl.BlockSpec((1, 128), lambda r: (0, 0)),
    ],
    out_specs=pl.BlockSpec((R, 128), lambda r: (r, 0)),
    out_shape=jax.ShapeDtypeStruct((N, 128), jnp.float32),
)



def kernel(x, edge_index, W1, b1, bn1_w, bn1_b, W2, b2, bn2_w, bn2_b, W3, b3):
    ei = edge_index.astype(jnp.int32)
    src, dst = ei[0], ei[1]
    src_a = jnp.concatenate([src + c * NP for c in range(NC)]).reshape(
        NC * NS, C_MAIN, K)
    src_b = src_a + 2 * NP
    dst_r = dst.reshape(NS, C_MAIN, K)
    zeros8 = jnp.zeros((NP, 8), jnp.float32)
    zeros64 = jnp.zeros((NP, DG), jnp.float32)
    ones8 = jnp.ones((K, 8), jnp.float32)

    scatter = _make_scatter()
    deg2 = _deg_call()(dst_r, zeros8, ones8).reshape(NC, NP, 8)
    dinv, u1 = _tc1(deg2, x, W1)
    u1f = u1.reshape(4 * NP, DG)
    sa1 = scatter(u1f, src_a, dst_r, zeros64).reshape(NC, NP, DG)
    sb1 = scatter(u1f, src_b, dst_r, zeros64).reshape(NC, NP, DG)
    u2 = _mid1(u1, sa1, sb1, dinv, b1.reshape(1, 256), bn1_w.reshape(1, 256),
               bn1_b.reshape(1, 256), W2)
    u2f = u2.reshape(4 * NP, DG)
    sa2 = scatter(u2f, src_a, dst_r, zeros64).reshape(NC, NP, DG)
    sb2 = scatter(u2f, src_b, dst_r, zeros64).reshape(NC, NP, DG)
    u3 = _mid2(u2, sa2, sb2, dinv, b2.reshape(1, 256), bn2_w.reshape(1, 256),
               bn2_b.reshape(1, 256), W3)
    s3 = scatter(u3.reshape(4 * NP, DG), src_a, dst_r, zeros64).reshape(
        NC, NP, DG)
    return _fin(u3, s3, dinv, b3.reshape(1, 128))

# --- scband reference (transcript-rebuilt; emitter-appended) ---
"""Pipeline reference for scband-gnnmodel-16879221473995 (READ-ONLY COPY).

The authoritative reference and input builder live on the scoring server;
editing this copy changes nothing except your own understanding.
"""

import jax, jax.numpy as jnp
import numpy as np

N = 10000
E = 320000
D_IN = 128
D_H = 256
D_OUT = 128
BN_EPS = 1e-5


def _glorot(key, shape):
    fan_in, fan_out = shape
    lim = (6.0 / (fan_in + fan_out)) ** 0.5
    return jax.random.uniform(key, shape, jnp.float32, -lim, lim)


def setup_inputs(seed: int = 0) -> dict:
    key = jax.random.key(seed)
    ks = [jax.random.fold_in(key, i) for i in range(12)]
    x = jax.random.normal(ks[0], (N, D_IN), jnp.float32)
    edge_index = jax.random.randint(ks[1], (2, E), 0, N)
    W1 = _glorot(ks[2], (D_IN, D_H))
    b1 = jnp.zeros((D_H,), jnp.float32)
    bn1_w = jnp.ones((D_H,), jnp.float32)
    bn1_b = jnp.zeros((D_H,), jnp.float32)
    W2 = _glorot(ks[3], (D_H, D_H))
    b2 = jnp.zeros((D_H,), jnp.float32)
    bn2_w = jnp.ones((D_H,), jnp.float32)
    bn2_b = jnp.zeros((D_H,), jnp.float32)
    W3 = _glorot(ks[4], (D_H, D_OUT))
    b3 = jnp.zeros((D_OUT,), jnp.float32)
    return {"x": x, "edge_index": edge_index, "W1": W1, "b1": b1,
            "bn1_w": bn1_w, "bn1_b": bn1_b, "W2": W2, "b2": b2,
            "bn2_w": bn2_w, "bn2_b": bn2_b, "W3": W3, "b3": b3}


def _gcn_conv(x, W, b, src, dst, n):
    # PyG GCNConv (normalize=True, add_self_loops=True, eval mode):
    # h = x @ W; symmetric norm with self-loops; scatter-add by dst; + bias
    h = x @ W
    deg = jnp.zeros((n,), jnp.float32).at[dst].add(1.0)
    dinv = jnp.where(deg > 0, deg ** -0.5, 0.0)
    norm = dinv[src] * dinv[dst]
    msg = h[src] * norm[:, None]
    out = jnp.zeros((n, h.shape[1]), jnp.float32).at[dst].add(msg)
    return out + b


def _bn_eval(x, g, b):
    # running_mean=0, running_var=1 at init; eval-mode BatchNorm1d
    return (x / jnp.sqrt(1.0 + BN_EPS)) * g + b


def reference(x, edge_index, W1, b1, bn1_w, bn1_b, W2, b2, bn2_w, bn2_b, W3, b3):
    n = x.shape[0]
    loops = jnp.arange(n, dtype=edge_index.dtype)
    src = jnp.concatenate([edge_index[0], loops])
    dst = jnp.concatenate([edge_index[1], loops])
    h = _gcn_conv(x, W1, b1, src, dst, n)
    h = _bn_eval(h, bn1_w, bn1_b)
    h = jax.nn.relu(h)
    # Dropout is identity in eval mode
    h = _gcn_conv(h, W2, b2, src, dst, n)
    h = _bn_eval(h, bn2_w, bn2_b)
    h = jax.nn.relu(h)
    h = _gcn_conv(h, W3, b3, src, dst, n)
    return h

if __name__ == "__main__":
    import jax
    _d = setup_inputs()
    print(jax.jit(kernel)(*tuple(_d.values())))

</pallas_src>

<mosaic_0001>
#map = affine_map<(d0, d1) -> (0, 0)>
#map1 = affine_map<(d0, d1) -> (0, 0, 0)>
module attributes {stable_mosaic.version = 14 : i64} {
  func.func @_scatter_body(%arg0: i32, %arg1: i32, %arg2: memref<40960x64xf32, #tpu.memory_space<hbm>>, %arg3: memref<32x250x80xi32, #tpu.memory_space<hbm>>, %arg4: memref<16x250x80xi32, #tpu.memory_space<hbm>>, %arg5: memref<10240x64xf32, #tpu.memory_space<hbm>>, %arg6: memref<20480x64xf32, #tpu.memory_space<hbm>>, %arg7: memref<250x80xi32, #tpu.memory_space<vmem>>, %arg8: memref<250x80xi32, #tpu.memory_space<vmem>>, %arg9: memref<80x64xf32, #tpu.memory_space<vmem>>, %arg10: memref<80x64xf32, #tpu.memory_space<vmem>>, %arg11: memref<80x64xf32, #tpu.memory_space<vmem>>, %arg12: memref<80x64xf32, #tpu.memory_space<vmem>>, %arg13: memref<80x64xf32, #tpu.memory_space<vmem>>, %arg14: memref<10240x64xf32, #tpu.memory_space<vmem_shared>>, %arg15: memref<!tpu.dma_semaphore, #tpu.memory_space<semaphore_mem>>, %arg16: memref<!tpu.dma_semaphore, #tpu.memory_space<semaphore_mem>>, %arg17: memref<!tpu.dma_semaphore, #tpu.memory_space<semaphore_mem>>, %arg18: memref<!tpu.dma_semaphore, #tpu.memory_space<semaphore_mem>>, %arg19: memref<!tpu.dma_semaphore, #tpu.memory_space<semaphore_mem>>, %arg20: memref<!tpu.dma_semaphore, #tpu.memory_space<semaphore_mem>>, %arg21: memref<!tpu.dma_semaphore, #tpu.memory_space<semaphore_mem>>, %arg22: memref<!tpu.dma_semaphore, #tpu.memory_space<semaphore_mem>>, %arg23: memref<!tpu.dma_semaphore, #tpu.memory_space<semaphore_mem>>, %arg24: memref<!tpu.dma_semaphore, #tpu.memory_space<semaphore_mem>>) attributes {dimension_semantics = [#tpu.dimension_semantics<core_parallel>, #tpu.dimension_semantics<subcore_parallel>], iteration_bounds = array<i64: 2, 16>, scalar_prefetch = 0 : i64, scratch_operands = 18 : i64, tpu.core_type = #tpu.core_type<sc_vector_subcore>, window_params = [{transform_indices = #map}, {transform_indices = #map1}, {transform_indices = #map1}, {transform_indices = #map}, {transform_indices = #map}]} {
    %mul3A = arith.constant 16 : i32
    %mul3A_0 = arith.muli %arg0, %mul3A : i32
    %add3A = arith.addi %mul3A_0, %arg1 : i32
    %mul3A_1 = arith.constant 640 : i32
    %mul3A_2 = arith.muli %arg1, %mul3A_1 : i32
    %dma_start3A = arith.constant 0 : i32
    %dma_start3A_3 = arith.constant 0 : i32
    %dma_start3A_4 = tpu.memref_slice %arg4[%arg1, %dma_start3A, %dma_start3A_3] : memref<16x250x80xi32, #tpu.memory_space<hbm>> -> memref<1x250x80xi32, #tpu.memory_space<hbm>>
    %dma_start3A_5 = tpu.memref_squeeze %dma_start3A_4 : memref<1x250x80xi32, #tpu.memory_space<hbm>> -> memref<250x80xi32, #tpu.memory_space<hbm>>
    %dma_start3A_6 = arith.constant 0 : i32
    %dma_start3A_7 = arith.constant 0 : i32
    %dma_start3A_8 = tpu.memref_slice %arg4[%arg1, %dma_start3A_6, %dma_start3A_7] : memref<16x250x80xi32, #tpu.memory_space<hbm>> -> memref<1x250x80xi32, #tpu.memory_space<hbm>>
    %dma_start3A_9 = tpu.memref_squeeze %dma_start3A_8 : memref<1x250x80xi32, #tpu.memory_space<hbm>> -> memref<250x80xi32, #tpu.memory_space<hbm>>
    tpu.enqueue_dma source(%dma_start3A_9 : memref<250x80xi32, #tpu.memory_space<hbm>>) target(%arg8 : memref<250x80xi32, #tpu.memory_space<vmem>>) target_semaphore(%arg15 : memref<!tpu.dma_semaphore, #tpu.memory_space<semaphore_mem>>)
    %dma_start3A_10 = arith.constant 0 : i32
    %dma_start3A_11 = tpu.memref_slice %arg14[%mul3A_2, %dma_start3A_10] : memref<10240x64xf32, #tpu.memory_space<vmem_shared>> -> memref<640x64xf32, #tpu.memory_space<vmem_shared>>
    %dma_start3A_12 = arith.constant 0 : i32
    %dma_start3A_13 = tpu.memref_slice %arg5[%mul3A_2, %dma_start3A_12] : memref<10240x64xf32, #tpu.memory_space<hbm>> -> memref<640x64xf32, #tpu.memory_space<hbm>>
    tpu.enqueue_dma source(%dma_start3A_13 : memref<640x64xf32, #tpu.memory_space<hbm>>) target(%dma_start3A_11 : memref<640x64xf32, #tpu.memory_space<vmem_shared>>) target_semaphore(%arg16 : memref<!tpu.dma_semaphore, #tpu.memory_space<semaphore_mem>>)
    %dma_start3A_14 = arith.constant 0 : i32
    %dma_start3A_15 = arith.constant 0 : i32
    %dma_start3A_16 = tpu.memref_slice %arg3[%add3A, %dma_start3A_14, %dma_start3A_15] : memref<32x250x80xi32, #tpu.memory_space<hbm>> -> memref<1x250x80xi32, #tpu.memory_space<hbm>>
    %dma_start3A_17 = tpu.memref_squeeze %dma_start3A_16 : memref<1x250x80xi32, #tpu.memory_space<hbm>> -> memref<250x80xi32, #tpu.memory_space<hbm>>
    %dma_start3A_18 = arith.constant 0 : i32
    %dma_start3A_19 = arith.constant 0 : i32
    %dma_start3A_20 = tpu.memref_slice %arg3[%add3A, %dma_start3A_18, %dma_start3A_19] : memref<32x250x80xi32, #tpu.memory_space<hbm>> -> memref<1x250x80xi32, #tpu.memory_space<hbm>>
    %dma_start3A_21 = tpu.memref_squeeze %dma_start3A_20 : memref<1x250x80xi32, #tpu.memory_space<hbm>> -> memref<250x80xi32, #tpu.memory_space<hbm>>
    tpu.enqueue_dma source(%dma_start3A_21 : memref<250x80xi32, #tpu.memory_space<hbm>>) target(%arg7 : memref<250x80xi32, #tpu.memory_space<vmem>>) target_semaphore(%arg17 : memref<!tpu.dma_semaphore, #tpu.memory_space<semaphore_mem>>)
    %dma_wait3A = arith.constant 0 : i32
    %dma_wait3A_22 = arith.constant 0 : i32
    %dma_wait3A_23 = tpu.memref_slice %arg4[%arg1, %dma_wait3A, %dma_wait3A_22] : memref<16x250x80xi32, #tpu.memory_space<hbm>> -> memref<1x250x80xi32, #tpu.memory_space<hbm>>
    %dma_wait3A_24 = tpu.memref_squeeze %dma_wait3A_23 : memref<1x250x80xi32, #tpu.memory_space<hbm>> -> memref<250x80xi32, #tpu.memory_space<hbm>>
    %dma_wait3A_25 = arith.constant 0 : i32
    %dma_wait3A_26 = arith.constant 0 : i32
    %dma_wait3A_27 = tpu.memref_slice %arg4[%arg1, %dma_wait3A_25, %dma_wait3A_26] : memref<16x250x80xi32, #tpu.memory_space<hbm>> -> memref<1x250x80xi32, #tpu.memory_space<hbm>>
    %dma_wait3A_28 = tpu.memref_squeeze %dma_wait3A_27 : memref<1x250x80xi32, #tpu.memory_space<hbm>> -> memref<250x80xi32, #tpu.memory_space<hbm>>
    tpu.wait_dma2 semaphore(%arg15 : memref<!tpu.dma_semaphore, #tpu.memory_space<semaphore_mem>>) src(%dma_wait3A_28 : memref<250x80xi32, #tpu.memory_space<hbm>>) dst(%arg8 : memref<250x80xi32, #tpu.memory_space<vmem>>)
    %dma_wait3A_29 = arith.constant 0 : i32
    %dma_wait3A_30 = tpu.memref_slice %arg14[%mul3A_2, %dma_wait3A_29] : memref<10240x64xf32, #tpu.memory_space<vmem_shared>> -> memref<640x64xf32, #tpu.memory_space<vmem_shared>>
    %dma_wait3A_31 = arith.constant 0 : i32
    %dma_wait3A_32 = tpu.memref_slice %arg5[%mul3A_2, %dma_wait3A_31] : memref<10240x64xf32, #tpu.memory_space<hbm>> -> memref<640x64xf32, #tpu.memory_space<hbm>>
    tpu.wait_dma2 semaphore(%arg16 : memref<!tpu.dma_semaphore, #tpu.memory_space<semaphore_mem>>) src(%dma_wait3A_32 : memref<640x64xf32, #tpu.memory_space<hbm>>) dst(%dma_wait3A_30 : memref<640x64xf32, #tpu.memory_space<vmem_shared>>)
    %dma_wait3A_33 = arith.constant 0 : i32
    %dma_wait3A_34 = arith.constant 0 : i32
    %dma_wait3A_35 = tpu.memref_slice %arg3[%add3A, %dma_wait3A_33, %dma_wait3A_34] : memref<32x250x80xi32, #tpu.memory_space<hbm>> -> memref<1x250x80xi32, #tpu.memory_space<hbm>>
    %dma_wait3A_36 = tpu.memref_squeeze %dma_wait3A_35 : memref<1x250x80xi32, #tpu.memory_space<hbm>> -> memref<250x80xi32, #tpu.memory_space<hbm>>
    %dma_wait3A_37 = arith.constant 0 : i32
    %dma_wait3A_38 = arith.constant 0 : i32
    %dma_wait3A_39 = tpu.memref_slice %arg3[%add3A, %dma_wait3A_37, %dma_wait3A_38] : memref<32x250x80xi32, #tpu.memory_space<hbm>> -> memref<1x250x80xi32, #tpu.memory_space<hbm>>
    %dma_wait3A_40 = tpu.memref_squeeze %dma_wait3A_39 : memref<1x250x80xi32, #tpu.memory_space<hbm>> -> memref<250x80xi32, #tpu.memory_space<hbm>>
    tpu.wait_dma2 semaphore(%arg17 : memref<!tpu.dma_semaphore, #tpu.memory_space<semaphore_mem>>) src(%dma_wait3A_40 : memref<250x80xi32, #tpu.memory_space<hbm>>) dst(%arg7 : memref<250x80xi32, #tpu.memory_space<vmem>>)
    %barrier3A = arith.constant 0 : index
    tpu.barrier barrier_id(%barrier3A)
    %dma_start3A_41 = arith.constant 0 : i32
    %dma_start3A_42 = arith.constant 0 : i32
    %dma_start3A_43 = tpu.memref_slice %arg7[%dma_start3A_41, %dma_start3A_42] : memref<250x80xi32, #tpu.memory_space<vmem>> -> memref<1x80xi32, #tpu.memory_space<vmem>>
    %dma_start3A_44 = tpu.memref_squeeze %dma_start3A_43 : memref<1x80xi32, #tpu.memory_space<vmem>> -> memref<80xi32, #tpu.memory_space<vmem>>
    %dma_start3A_45 = arith.constant 0 : i32
    %dma_start3A_46 = arith.constant 0 : i32
    %dma_start3A_47 = tpu.memref_slice %arg2[%dma_start3A_45, %dma_start3A_46] : memref<40960x64xf32, #tpu.memory_space<hbm>> -> memref<40960x64xf32, #tpu.memory_space<hbm>>
    tpu.enqueue_indirect_dma source(%dma_start3A_47 : memref<40960x64xf32, #tpu.memory_space<hbm>>) target(%arg9 : memref<80x64xf32, #tpu.memory_space<vmem>>) offsets(%dma_start3A_44 : memref<80xi32, #tpu.memory_space<vmem>>) semaphore(%arg15 : memref<!tpu.dma_semaphore, #tpu.memory_space<semaphore_mem>>)
    %dma_start3A_48 = arith.constant 1 : i32
    %dma_start3A_49 = arith.constant 0 : i32
    %dma_start3A_50 = tpu.memref_slice %arg7[%dma_start3A_48, %dma_start3A_49] : memref<250x80xi32, #tpu.memory_space<vmem>> -> memref<1x80xi32, #tpu.memory_space<vmem>>
    %dma_start3A_51 = tpu.memref_squeeze %dma_start3A_50 : memref<1x80xi32, #tpu.memory_space<vmem>> -> memref<80xi32, #tpu.memory_space<vmem>>
    %dma_start3A_52 = arith.constant 0 : i32
    %dma_start3A_53 = arith.constant 0 : i32
    %dma_start3A_54 = tpu.memref_slice %arg2[%dma_start3A_52, %dma_start3A_53] : memref<40960x64xf32, #tpu.memory_space<hbm>> -> memref<40960x64xf32, #tpu.memory_space<hbm>>
    tpu.enqueue_indirect_dma source(%dma_start3A_54 : memref<40960x64xf32, #tpu.memory_space<hbm>>) target(%arg10 : memref<80x64xf32, #tpu.memory_space<vmem>>) offsets(%dma_start3A_51 : memref<80xi32, #tpu.memory_space<vmem>>) semaphore(%arg16 : memref<!tpu.dma_semaphore, #tpu.memory_space<semaphore_mem>>)
    %dma_start3A_55 = arith.constant 2 : i32
    %dma_start3A_56 = arith.constant 0 : i32
    %dma_start3A_57 = tpu.memref_slice %arg7[%dma_start3A_55, %dma_start3A_56] : memref<250x80xi32, #tpu.memory_space<vmem>> -> memref<1x80xi32, #tpu.memory_space<vmem>>
    %dma_start3A_58 = tpu.memref_squeeze %dma_start3A_57 : memref<1x80xi32, #tpu.memory_space<vmem>> -> memref<80xi32, #tpu.memory_space<vmem>>
    %dma_start3A_59 = arith.constant 0 : i32
    %dma_start3A_60 = arith.constant 0 : i32
    %dma_start3A_61 = tpu.memref_slice %arg2[%dma_start3A_59, %dma_start3A_60] : memref<40960x64xf32, #tpu.memory_space<hbm>> -> memref<40960x64xf32, #tpu.memory_space<hbm>>
    tpu.enqueue_indirect_dma source(%dma_start3A_61 : memref<40960x64xf32, #tpu.memory_space<hbm>>) target(%arg11 : memref<80x64xf32, #tpu.memory_space<vmem>>) offsets(%dma_start3A_58 : memref<80xi32, #tpu.memory_space<vmem>>) semaphore(%arg17 : memref<!tpu.dma_semaphore, #tpu.memory_space<semaphore_mem>>)
    %dma_start3A_62 = arith.constant 3 : i32
    %dma_start3A_63 = arith.constant 0 : i32
    %dma_start3A_64 = tpu.memref_slice %arg7[%dma_start3A_62, %dma_start3A_63] : memref<250x80xi32, #tpu.memory_space<vmem>> -> memref<1x80xi32, #tpu.memory_space<vmem>>
    %dma_start3A_65 = tpu.memref_squeeze %dma_start3A_64 : memref<1x80xi32, #tpu.memory_space<vmem>> -> memref<80xi32, #tpu.memory_space<vmem>>
    %dma_start3A_66 = arith.constant 0 : i32
    %dma_start3A_67 = arith.constant 0 : i32
    %dma_start3A_68 = tpu.memref_slice %arg2[%dma_start3A_66, %dma_start3A_67] : memref<40960x64xf32, #tpu.memory_space<hbm>> -> memref<40960x64xf32, #tpu.memory_space<hbm>>
    tpu.enqueue_indirect_dma source(%dma_start3A_68 : memref<40960x64xf32, #tpu.memory_space<hbm>>) target(%arg12 : memref<80x64xf32, #tpu.memory_space<vmem>>) offsets(%dma_start3A_65 : memref<80xi32, #tpu.memory_space<vmem>>) semaphore(%arg18 : memref<!tpu.dma_semaphore, #tpu.memory_space<semaphore_mem>>)
    %scan3A = arith.constant 0 : i32
    %scan3A_69 = arith.constant 0 : i32
    %scan3A_70 = arith.constant 50 : i32
    %scan3A_71 = arith.addi %scan3A_69, %scan3A_70 : i32
    %scan3A_72 = arith.constant 1 : i32
    scf.for %scan3A_85 = %scan3A_69 to %scan3A_71 step %scan3A_72  : i32 {
      %mul3A_86 = arith.constant 5 : i32
      %mul3A_87 = arith.muli %scan3A_85, %mul3A_86 : i32
      %add3A_88 = arith.constant 0 : i32
      %add3A_89 = arith.addi %mul3A_87, %add3A_88 : i32
      %dma_wait3A_90 = arith.constant 0 : i32
      %dma_wait3A_91 = tpu.memref_slice %arg7[%add3A_89, %dma_wait3A_90] : memref<250x80xi32, #tpu.memory_space<vmem>> -> memref<1x80xi32, #tpu.memory_space<vmem>>
      %dma_wait3A_92 = tpu.memref_squeeze %dma_wait3A_91 : memref<1x80xi32, #tpu.memory_space<vmem>> -> memref<80xi32, #tpu.memory_space<vmem>>
      %dma_wait3A_93 = arith.constant 0 : i32
      %dma_wait3A_94 = arith.constant 0 : i32
      %dma_wait3A_95 = tpu.memref_slice %arg2[%dma_wait3A_93, %dma_wait3A_94] : memref<40960x64xf32, #tpu.memory_space<hbm>> -> memref<40960x64xf32, #tpu.memory_space<hbm>>
      tpu.wait_indirect_dma semaphore(%arg15 : memref<!tpu.dma_semaphore, #tpu.memory_space<semaphore_mem>>) src(%dma_wait3A_95 : memref<40960x64xf32, #tpu.memory_space<hbm>>) dst(%arg9 : memref<80x64xf32, #tpu.memory_space<vmem>>)
      %dma_start3A_96 = arith.constant 0 : i32
      %dma_start3A_97 = tpu.memref_slice %arg8[%add3A_89, %dma_start3A_96] : memref<250x80xi32, #tpu.memory_space<vmem>> -> memref<1x80xi32, #tpu.memory_space<vmem>>
      %dma_start3A_98 = tpu.memref_squeeze %dma_start3A_97 : memref<1x80xi32, #tpu.memory_space<vmem>> -> memref<80xi32, #tpu.memory_space<vmem>>
      %dma_start3A_99 = arith.constant 0 : i32
      %dma_start3A_100 = arith.constant 0 : i32
      %dma_start3A_101 = tpu.memref_slice %arg14[%dma_start3A_99, %dma_start3A_100] : memref<10240x64xf32, #tpu.memory_space<vmem_shared>> -> memref<10240x64xf32, #tpu.memory_space<vmem_shared>>
      tpu.enqueue_indirect_dma source(%arg9 : memref<80x64xf32, #tpu.memory_space<vmem>>) target(%dma_start3A_101 : memref<10240x64xf32, #tpu.memory_space<vmem_shared>>) offsets(%dma_start3A_98 : memref<80xi32, #tpu.memory_space<vmem>>) semaphore(%arg20 : memref<!tpu.dma_semaphore, #tpu.memory_space<semaphore_mem>>) {add = true}
      %ge3A = arith.constant 1 : i32
      %ge3A_102 = arith.cmpi sge, %add3A_89, %ge3A : i32
      %convert_element_type3A = arith.extui %ge3A_102 : i1 to i32
      %cond3A = arith.constant 0 : i32
      %cond3A_103 = arith.cmpi ne, %convert_element_type3A, %cond3A : i32
      scf.if %cond3A_103 {
        %dma_wait3A_222 = arith.constant 0 : i32
        %dma_wait3A_223 = tpu.memref_slice %arg8[%add3A_89, %dma_wait3A_222] : memref<250x80xi32, #tpu.memory_space<vmem>> -> memref<1x80xi32, #tpu.memory_space<vmem>>
        %dma_wait3A_224 = tpu.memref_squeeze %dma_wait3A_223 : memref<1x80xi32, #tpu.memory_space<vmem>> -> memref<80xi32, #tpu.memory_space<vmem>>
        %dma_wait3A_225 = arith.constant 0 : i32
        %dma_wait3A_226 = arith.constant 0 : i32
        %dma_wait3A_227 = tpu.memref_slice %arg14[%dma_wait3A_225, %dma_wait3A_226] : memref<10240x64xf32, #tpu.memory_space<vmem_shared>> -> memref<10240x64xf32, #tpu.memory_space<vmem_shared>>
        tpu.wait_indirect_dma semaphore(%arg24 : memref<!tpu.dma_semaphore, #tpu.memory_space<semaphore_mem>>) src(%arg13 : memref<80x64xf32, #tpu.memory_space<vmem>>) dst(%dma_wait3A_227 : memref<10240x64xf32, #tpu.memory_space<vmem_shared>>)
      } else {
      }
      %add3A_104 = arith.constant 4 : i32
      %add3A_105 = arith.addi %add3A_89, %add3A_104 : i32
      %lt3A = arith.constant 250 : i32
      %lt3A_106 = arith.cmpi slt, %add3A_105, %lt3A : i32
      %convert_element_type3A_107 = arith.extui %lt3A_106 : i1 to i32
      %cond3A_108 = arith.constant 0 : i32
      %cond3A_109 = arith.cmpi ne, %convert_element_type3A_107, %cond3A_108 : i32
      scf.if %cond3A_109 {
        %add3A_222 = arith.constant 4 : i32
        %add3A_223 = arith.addi %add3A_89, %add3A_222 : i32
        %dma_start3A_224 = arith.constant 0 : i32
        %dma_start3A_225 = tpu.memref_slice %arg7[%add3A_223, %dma_start3A_224] : memref<250x80xi32, #tpu.memory_space<vmem>> -> memref<1x80xi32, #tpu.memory_space<vmem>>
        %dma_start3A_226 = tpu.memref_squeeze %dma_start3A_225 : memref<1x80xi32, #tpu.memory_space<vmem>> -> memref<80xi32, #tpu.memory_space<vmem>>
        %dma_start3A_227 = arith.constant 0 : i32
        %dma_start3A_228 = arith.constant 0 : i32
        %dma_start3A_229 = tpu.memref_slice %arg2[%dma_start3A_227, %dma_start3A_228] : memref<40960x64xf32, #tpu.memory_space<hbm>> -> memref<40960x64xf32, #tpu.memory_space<hbm>>
        tpu.enqueue_indirect_dma source(%dma_start3A_229 : memref<40960x64xf32, #tpu.memory_space<hbm>>) target(%arg13 : memref<80x64xf32, #tpu.memory_space<vmem>>) offsets(%dma_start3A_226 : memref<80xi32, #tpu.memory_space<vmem>>) semaphore(%arg19 : memref<!tpu.dma_semaphore, #tpu.memory_space<semaphore_mem>>)
      } else {
      }
      %mul3A_110 = arith.constant 5 : i32
      %mul3A_111 = arith.muli %scan3A_85, %mul3A_110 : i32
      %add3A_112 = arith.constant 1 : i32
      %add3A_113 = arith.addi %mul3A_111, %add3A_112 : i32
      %dma_wait3A_114 = arith.constant 0 : i32
      %dma_wait3A_115 = tpu.memref_slice %arg7[%add3A_113, %dma_wait3A_114] : memref<250x80xi32, #tpu.memory_space<vmem>> -> memref<1x80xi32, #tpu.memory_space<vmem>>
      %dma_wait3A_116 = tpu.memref_squeeze %dma_wait3A_115 : memref<1x80xi32, #tpu.memory_space<vmem>> -> memref<80xi32, #tpu.memory_space<vmem>>
      %dma_wait3A_117 = arith.constant 0 : i32
      %dma_wait3A_118 = arith.constant 0 : i32
      %dma_wait3A_119 = tpu.memref_slice %arg2[%dma_wait3A_117, %dma_wait3A_118] : memref<40960x64xf32, #tpu.memory_space<hbm>> -> memref<40960x64xf32, #tpu.memory_space<hbm>>
      tpu.wait_indirect_dma semaphore(%arg16 : memref<!tpu.dma_semaphore, #tpu.memory_space<semaphore_mem>>) src(%dma_wait3A_119 : memref<40960x64xf32, #tpu.memory_space<hbm>>) dst(%arg10 : memref<80x64xf32, #tpu.memory_space<vmem>>)
      %dma_start3A_120 = arith.constant 0 : i32
      %dma_start3A_121 = tpu.memref_slice %arg8[%add3A_113, %dma_start3A_120] : memref<250x80xi32, #tpu.memory_space<vmem>> -> memref<1x80xi32, #tpu.memory_space<vmem>>
      %dma_start3A_122 = tpu.memref_squeeze %dma_start3A_121 : memref<1x80xi32, #tpu.memory_space<vmem>> -> memref<80xi32, #tpu.memory_space<vmem>>
      %dma_start3A_123 = arith.constant 0 : i32
      %dma_start3A_124 = arith.constant 0 : i32
      %dma_start3A_125 = tpu.memref_slice %arg14[%dma_start3A_123, %dma_start3A_124] : memref<10240x64xf32, #tpu.memory_space<vmem_shared>> -> memref<10240x64xf32, #tpu.memory_space<vmem_shared>>
      tpu.enqueue_indirect_dma source(%arg10 : memref<80x64xf32, #tpu.memory_space<vmem>>) target(%dma_start3A_125 : memref<10240x64xf32, #tpu.memory_space<vmem_shared>>) offsets(%dma_start3A_122 : memref<80xi32, #tpu.memory_space<vmem>>) semaphore(%arg21 : memref<!tpu.dma_semaphore, #tpu.memory_space<semaphore_mem>>) {add = true}
      %ge3A_126 = arith.constant 1 : i32
      %ge3A_127 = arith.cmpi sge, %add3A_113, %ge3A_126 : i32
      %convert_element_type3A_128 = arith.extui %ge3A_127 : i1 to i32
      %cond3A_129 = arith.constant 0 : i32
      %cond3A_130 = arith.cmpi ne, %convert_element_type3A_128, %cond3A_129 : i32
      scf.if %cond3A_130 {
        %dma_wait3A_222 = arith.constant 0 : i32
        %dma_wait3A_223 = tpu.memref_slice %arg8[%add3A_113, %dma_wait3A_222] : memref<250x80xi32, #tpu.memory_space<vmem>> -> memref<1x80xi32, #tpu.memory_space<vmem>>
        %dma_wait3A_224 = tpu.memref_squeeze %dma_wait3A_223 : memref<1x80xi32, #tpu.memory_space<vmem>> -> memref<80xi32, #tpu.memory_space<vmem>>
        %dma_wait3A_225 = arith.constant 0 : i32
        %dma_wait3A_226 = arith.constant 0 : i32
        %dma_wait3A_227 = tpu.memref_slice %arg14[%dma_wait3A_225, %dma_wait3A_226] : memref<10240x64xf32, #tpu.memory_space<vmem_shared>> -> memref<10240x64xf32, #tpu.memory_space<vmem_shared>>
        tpu.wait_indirect_dma semaphore(%arg20 : memref<!tpu.dma_semaphore, #tpu.memory_space<semaphore_mem>>) src(%arg9 : memref<80x64xf32, #tpu.memory_space<vmem>>) dst(%dma_wait3A_227 : memref<10240x64xf32, #tpu.memory_space<vmem_shared>>)
      } else {
      }
      %add3A_131 = arith.constant 4 : i32
      %add3A_132 = arith.addi %add3A_113, %add3A_131 : i32
      %lt3A_133 = arith.constant 250 : i32
      %lt3A_134 = arith.cmpi slt, %add3A_132, %lt3A_133 : i32
      %convert_element_type3A_135 = arith.extui %lt3A_134 : i1 to i32
      %cond3A_136 = arith.constant 0 : i32
      %cond3A_137 = arith.cmpi ne, %convert_element_type3A_135, %cond3A_136 : i32
      scf.if %cond3A_137 {
        %add3A_222 = arith.constant 4 : i32
        %add3A_223 = arith.addi %add3A_113, %add3A_222 : i32
        %dma_start3A_224 = arith.constant 0 : i32
        %dma_start3A_225 = tpu.memref_slice %arg7[%add3A_223, %dma_start3A_224] : memref<250x80xi32, #tpu.memory_space<vmem>> -> memref<1x80xi32, #tpu.memory_space<vmem>>
        %dma_start3A_226 = tpu.memref_squeeze %dma_start3A_225 : memref<1x80xi32, #tpu.memory_space<vmem>> -> memref<80xi32, #tpu.memory_space<vmem>>
        %dma_start3A_227 = arith.constant 0 : i32
        %dma_start3A_228 = arith.constant 0 : i32
        %dma_start3A_229 = tpu.memref_slice %arg2[%dma_start3A_227, %dma_start3A_228] : memref<40960x64xf32, #tpu.memory_space<hbm>> -> memref<40960x64xf32, #tpu.memory_space<hbm>>
        tpu.enqueue_indirect_dma source(%dma_start3A_229 : memref<40960x64xf32, #tpu.memory_space<hbm>>) target(%arg9 : memref<80x64xf32, #tpu.memory_space<vmem>>) offsets(%dma_start3A_226 : memref<80xi32, #tpu.memory_space<vmem>>) semaphore(%arg15 : memref<!tpu.dma_semaphore, #tpu.memory_space<semaphore_mem>>)
      } else {
      }
      %mul3A_138 = arith.constant 5 : i32
      %mul3A_139 = arith.muli %scan3A_85, %mul3A_138 : i32
      %add3A_140 = arith.constant 2 : i32
      %add3A_141 = arith.addi %mul3A_139, %add3A_140 : i32
      %dma_wait3A_142 = arith.constant 0 : i32
      %dma_wait3A_143 = tpu.memref_slice %arg7[%add3A_141, %dma_wait3A_142] : memref<250x80xi32, #tpu.memory_space<vmem>> -> memref<1x80xi32, #tpu.memory_space<vmem>>
      %dma_wait3A_144 = tpu.memref_squeeze %dma_wait3A_143 : memref<1x80xi32, #tpu.memory_space<vmem>> -> memref<80xi32, #tpu.memory_space<vmem>>
      %dma_wait3A_145 = arith.constant 0 : i32
      %dma_wait3A_146 = arith.constant 0 : i32
      %dma_wait3A_147 = tpu.memref_slice %arg2[%dma_wait3A_145, %dma_wait3A_146] : memref<40960x64xf32, #tpu.memory_space<hbm>> -> memref<40960x64xf32, #tpu.memory_space<hbm>>
      tpu.wait_indirect_dma semaphore(%arg17 : memref<!tpu.dma_semaphore, #tpu.memory_space<semaphore_mem>>) src(%dma_wait3A_147 : memref<40960x64xf32, #tpu.memory_space<hbm>>) dst(%arg11 : memref<80x64xf32, #tpu.memory_space<vmem>>)
      %dma_start3A_148 = arith.constant 0 : i32
      %dma_start3A_149 = tpu.memref_slice %arg8[%add3A_141, %dma_start3A_148] : memref<250x80xi32, #tpu.memory_space<vmem>> -> memref<1x80xi32, #tpu.memory_space<vmem>>
      %dma_start3A_150 = tpu.memref_squeeze %dma_start3A_149 : memref<1x80xi32, #tpu.memory_space<vmem>> -> memref<80xi32, #tpu.memory_space<vmem>>
      %dma_start3A_151 = arith.constant 0 : i32
      %dma_start3A_152 = arith.constant 0 : i32
      %dma_start3A_153 = tpu.memref_slice %arg14[%dma_start3A_151, %dma_start3A_152] : memref<10240x64xf32, #tpu.memory_space<vmem_shared>> -> memref<10240x64xf32, #tpu.memory_space<vmem_shared>>
      tpu.enqueue_indirect_dma source(%arg11 : memref<80x64xf32, #tpu.memory_space<vmem>>) target(%dma_start3A_153 : memref<10240x64xf32, #tpu.memory_space<vmem_shared>>) offsets(%dma_start3A_150 : memref<80xi32, #tpu.memory_space<vmem>>) semaphore(%arg22 : memref<!tpu.dma_semaphore, #tpu.memory_space<semaphore_mem>>) {add = true}
      %ge3A_154 = arith.constant 1 : i32
      %ge3A_155 = arith.cmpi sge, %add3A_141, %ge3A_154 : i32
      %convert_element_type3A_156 = arith.extui %ge3A_155 : i1 to i32
      %cond3A_157 = arith.constant 0 : i32
      %cond3A_158 = arith.cmpi ne, %convert_element_type3A_156, %cond3A_157 : i32
      scf.if %cond3A_158 {
        %dma_wait3A_222 = arith.constant 0 : i32
        %dma_wait3A_223 = tpu.memref_slice %arg8[%add3A_141, %dma_wait3A_222] : memref<250x80xi32, #tpu.memory_space<vmem>> -> memref<1x80xi32, #tpu.memory_space<vmem>>
        %dma_wait3A_224 = tpu.memref_squeeze %dma_wait3A_223 : memref<1x80xi32, #tpu.memory_space<vmem>> -> memref<80xi32, #tpu.memory_space<vmem>>
        %dma_wait3A_225 = arith.constant 0 : i32
        %dma_wait3A_226 = arith.constant 0 : i32
        %dma_wait3A_227 = tpu.memref_slice %arg14[%dma_wait3A_225, %dma_wait3A_226] : memref<10240x64xf32, #tpu.memory_space<vmem_shared>> -> memref<10240x64xf32, #tpu.memory_space<vmem_shared>>
        tpu.wait_indirect_dma semaphore(%arg21 : memref<!tpu.dma_semaphore, #tpu.memory_space<semaphore_mem>>) src(%arg10 : memref<80x64xf32, #tpu.memory_space<vmem>>) dst(%dma_wait3A_227 : memref<10240x64xf32, #tpu.memory_space<vmem_shared>>)
      } else {
      }
      %add3A_159 = arith.constant 4 : i32
      %add3A_160 = arith.addi %add3A_141, %add3A_159 : i32
      %lt3A_161 = arith.constant 250 : i32
      %lt3A_162 = arith.cmpi slt, %add3A_160, %lt3A_161 : i32
      %convert_element_type3A_163 = arith.extui %lt3A_162 : i1 to i32
      %cond3A_164 = arith.constant 0 : i32
      %cond3A_165 = arith.cmpi ne, %convert_element_type3A_163, %cond3A_164 : i32
      scf.if %cond3A_165 {
        %add3A_222 = arith.constant 4 : i32
        %add3A_223 = arith.addi %add3A_141, %add3A_222 : i32
        %dma_start3A_224 = arith.constant 0 : i32
        %dma_start3A_225 = tpu.memref_slice %arg7[%add3A_223, %dma_start3A_224] : memref<250x80xi32, #tpu.memory_space<vmem>> -> memref<1x80xi32, #tpu.memory_space<vmem>>
        %dma_start3A_226 = tpu.memref_squeeze %dma_start3A_225 : memref<1x80xi32, #tpu.memory_space<vmem>> -> memref<80xi32, #tpu.memory_space<vmem>>
        %dma_start3A_227 = arith.constant 0 : i32
        %dma_start3A_228 = arith.constant 0 : i32
        %dma_start3A_229 = tpu.memref_slice %arg2[%dma_start3A_227, %dma_start3A_228] : memref<40960x64xf32, #tpu.memory_space<hbm>> -> memref<40960x64xf32, #tpu.memory_space<hbm>>
        tpu.enqueue_indirect_dma source(%dma_start3A_229 : memref<40960x64xf32, #tpu.memory_space<hbm>>) target(%arg10 : memref<80x64xf32, #tpu.memory_space<vmem>>) offsets(%dma_start3A_226 : memref<80xi32, #tpu.memory_space<vmem>>) semaphore(%arg16 : memref<!tpu.dma_semaphore, #tpu.memory_space<semaphore_mem>>)
      } else {
      }
      %mul3A_166 = arith.constant 5 : i32
      %mul3A_167 = arith.muli %scan3A_85, %mul3A_166 : i32
      %add3A_168 = arith.constant 3 : i32
      %add3A_169 = arith.addi %mul3A_167, %add3A_168 : i32
      %dma_wait3A_170 = arith.constant 0 : i32
      %dma_wait3A_171 = tpu.memref_slice %arg7[%add3A_169, %dma_wait3A_170] : memref<250x80xi32, #tpu.memory_space<vmem>> -> memref<1x80xi32, #tpu.memory_space<vmem>>
      %dma_wait3A_172 = tpu.memref_squeeze %dma_wait3A_171 : memref<1x80xi32, #tpu.memory_space<vmem>> -> memref<80xi32, #tpu.memory_space<vmem>>
      %dma_wait3A_173 = arith.constant 0 : i32
      %dma_wait3A_174 = arith.constant 0 : i32
      %dma_wait3A_175 = tpu.memref_slice %arg2[%dma_wait3A_173, %dma_wait3A_174] : memref<40960x64xf32, #tpu.memory_space<hbm>> -> memref<40960x64xf32, #tpu.memory_space<hbm>>
      tpu.wait_indirect_dma semaphore(%arg18 : memref<!tpu.dma_semaphore, #tpu.memory_space<semaphore_mem>>) src(%dma_wait3A_175 : memref<40960x64xf32, #tpu.memory_space<hbm>>) dst(%arg12 : memref<80x64xf32, #tpu.memory_space<vmem>>)
      %dma_start3A_176 = arith.constant 0 : i32
      %dma_start3A_177 = tpu.memref_slice %arg8[%add3A_169, %dma_start3A_176] : memref<250x80xi32, #tpu.memory_space<vmem>> -> memref<1x80xi32, #tpu.memory_space<vmem>>
      %dma_start3A_178 = tpu.memref_squeeze %dma_start3A_177 : memref<1x80xi32, #tpu.memory_space<vmem>> -> memref<80xi32, #tpu.memory_space<vmem>>
      %dma_start3A_179 = arith.constant 0 : i32
      %dma_start3A_180 = arith.constant 0 : i32
      %dma_start3A_181 = tpu.memref_slice %arg14[%dma_start3A_179, %dma_start3A_180] : memref<10240x64xf32, #tpu.memory_space<vmem_shared>> -> memref<10240x64xf32, #tpu.memory_space<vmem_shared>>
      tpu.enqueue_indirect_dma source(%arg12 : memref<80x64xf32, #tpu.memory_space<vmem>>) target(%dma_start3A_181 : memref<10240x64xf32, #tpu.memory_space<vmem_shared>>) offsets(%dma_start3A_178 : memref<80xi32, #tpu.memory_space<vmem>>) semaphore(%arg23 : memref<!tpu.dma_semaphore, #tpu.memory_space<semaphore_mem>>) {add = true}
      %ge3A_182 = arith.constant 1 : i32
      %ge3A_183 = arith.cmpi sge, %add3A_169, %ge3A_182 : i32
      %convert_element_type3A_184 = arith.extui %ge3A_183 : i1 to i32
      %cond3A_185 = arith.constant 0 : i32
      %cond3A_186 = arith.cmpi ne, %convert_element_type3A_184, %cond3A_185 : i32
      scf.if %cond3A_186 {
        %dma_wait3A_222 = arith.constant 0 : i32
        %dma_wait3A_223 = tpu.memref_slice %arg8[%add3A_169, %dma_wait3A_222] : memref<250x80xi32, #tpu.memory_space<vmem>> -> memref<1x80xi32, #tpu.memory_space<vmem>>
        %dma_wait3A_224 = tpu.memref_squeeze %dma_wait3A_223 : memref<1x80xi32, #tpu.memory_space<vmem>> -> memref<80xi32, #tpu.memory_space<vmem>>
        %dma_wait3A_225 = arith.constant 0 : i32
        %dma_wait3A_226 = arith.constant 0 : i32
        %dma_wait3A_227 = tpu.memref_slice %arg14[%dma_wait3A_225, %dma_wait3A_226] : memref<10240x64xf32, #tpu.memory_space<vmem_shared>> -> memref<10240x64xf32, #tpu.memory_space<vmem_shared>>
        tpu.wait_indirect_dma semaphore(%arg22 : memref<!tpu.dma_semaphore, #tpu.memory_space<semaphore_mem>>) src(%arg11 : memref<80x64xf32, #tpu.memory_space<vmem>>) dst(%dma_wait3A_227 : memref<10240x64xf32, #tpu.memory_space<vmem_shared>>)
      } else {
      }
      %add3A_187 = arith.constant 4 : i32
      %add3A_188 = arith.addi %add3A_169, %add3A_187 : i32
      %lt3A_189 = arith.constant 250 : i32
      %lt3A_190 = arith.cmpi slt, %add3A_188, %lt3A_189 : i32
      %convert_element_type3A_191 = arith.extui %lt3A_190 : i1 to i32
      %cond3A_192 = arith.constant 0 : i32
      %cond3A_193 = arith.cmpi ne, %convert_element_type3A_191, %cond3A_192 : i32
      scf.if %cond3A_193 {
        %add3A_222 = arith.constant 4 : i32
        %add3A_223 = arith.addi %add3A_169, %add3A_222 : i32
        %dma_start3A_224 = arith.constant 0 : i32
        %dma_start3A_225 = tpu.memref_slice %arg7[%add3A_223, %dma_start3A_224] : memref<250x80xi32, #tpu.memory_space<vmem>> -> memref<1x80xi32, #tpu.memory_space<vmem>>
        %dma_start3A_226 = tpu.memref_squeeze %dma_start3A_225 : memref<1x80xi32, #tpu.memory_space<vmem>> -> memref<80xi32, #tpu.memory_space<vmem>>
        %dma_start3A_227 = arith.constant 0 : i32
        %dma_start3A_228 = arith.constant 0 : i32
        %dma_start3A_229 = tpu.memref_slice %arg2[%dma_start3A_227, %dma_start3A_228] : memref<40960x64xf32, #tpu.memory_space<hbm>> -> memref<40960x64xf32, #tpu.memory_space<hbm>>
        tpu.enqueue_indirect_dma source(%dma_start3A_229 : memref<40960x64xf32, #tpu.memory_space<hbm>>) target(%arg11 : memref<80x64xf32, #tpu.memory_space<vmem>>) offsets(%dma_start3A_226 : memref<80xi32, #tpu.memory_space<vmem>>) semaphore(%arg17 : memref<!tpu.dma_semaphore, #tpu.memory_space<semaphore_mem>>)
      } else {
      }
      %mul3A_194 = arith.constant 5 : i32
      %mul3A_195 = arith.muli %scan3A_85, %mul3A_194 : i32
      %add3A_196 = arith.constant 4 : i32
      %add3A_197 = arith.addi %mul3A_195, %add3A_196 : i32
      %dma_wait3A_198 = arith.constant 0 : i32
      %dma_wait3A_199 = tpu.memref_slice %arg7[%add3A_197, %dma_wait3A_198] : memref<250x80xi32, #tpu.memory_space<vmem>> -> memref<1x80xi32, #tpu.memory_space<vmem>>
      %dma_wait3A_200 = tpu.memref_squeeze %dma_wait3A_199 : memref<1x80xi32, #tpu.memory_space<vmem>> -> memref<80xi32, #tpu.memory_space<vmem>>
      %dma_wait3A_201 = arith.constant 0 : i32
      %dma_wait3A_202 = arith.constant 0 : i32
      %dma_wait3A_203 = tpu.memref_slice %arg2[%dma_wait3A_201, %dma_wait3A_202] : memref<40960x64xf32, #tpu.memory_space<hbm>> -> memref<40960x64xf32, #tpu.memory_space<hbm>>
      tpu.wait_indirect_dma semaphore(%arg19 : memref<!tpu.dma_semaphore, #tpu.memory_space<semaphore_mem>>) src(%dma_wait3A_203 : memref<40960x64xf32, #tpu.memory_space<hbm>>) dst(%arg13 : memref<80x64xf32, #tpu.memory_space<vmem>>)
      %dma_start3A_204 = arith.constant 0 : i32
      %dma_start3A_205 = tpu.memref_slice %arg8[%add3A_197, %dma_start3A_204] : memref<250x80xi32, #tpu.memory_space<vmem>> -> memref<1x80xi32, #tpu.memory_space<vmem>>
      %dma_start3A_206 = tpu.memref_squeeze %dma_start3A_205 : memref<1x80xi32, #tpu.memory_space<vmem>> -> memref<80xi32, #tpu.memory_space<vmem>>
      %dma_start3A_207 = arith.constant 0 : i32
      %dma_start3A_208 = arith.constant 0 : i32
      %dma_start3A_209 = tpu.memref_slice %arg14[%dma_start3A_207, %dma_start3A_208] : memref<10240x64xf32, #tpu.memory_space<vmem_shared>> -> memref<10240x64xf32, #tpu.memory_space<vmem_shared>>
      tpu.enqueue_indirect_dma source(%arg13 : memref<80x64xf32, #tpu.memory_space<vmem>>) target(%dma_start3A_209 : memref<10240x64xf32, #tpu.memory_space<vmem_shared>>) offsets(%dma_start3A_206 : memref<80xi32, #tpu.memory_space<vmem>>) semaphore(%arg24 : memref<!tpu.dma_semaphore, #tpu.memory_space<semaphore_mem>>) {add = true}
      %ge3A_210 = arith.constant 1 : i32
      %ge3A_211 = arith.cmpi sge, %add3A_197, %ge3A_210 : i32
      %convert_element_type3A_212 = arith.extui %ge3A_211 : i1 to i32
      %cond3A_213 = arith.constant 0 : i32
      %cond3A_214 = arith.cmpi ne, %convert_element_type3A_212, %cond3A_213 : i32
      scf.if %cond3A_214 {
        %dma_wait3A_222 = arith.constant 0 : i32
        %dma_wait3A_223 = tpu.memref_slice %arg8[%add3A_197, %dma_wait3A_222] : memref<250x80xi32, #tpu.memory_space<vmem>> -> memref<1x80xi32, #tpu.memory_space<vmem>>
        %dma_wait3A_224 = tpu.memref_squeeze %dma_wait3A_223 : memref<1x80xi32, #tpu.memory_space<vmem>> -> memref<80xi32, #tpu.memory_space<vmem>>
        %dma_wait3A_225 = arith.constant 0 : i32
        %dma_wait3A_226 = arith.constant 0 : i32
        %dma_wait3A_227 = tpu.memref_slice %arg14[%dma_wait3A_225, %dma_wait3A_226] : memref<10240x64xf32, #tpu.memory_space<vmem_shared>> -> memref<10240x64xf32, #tpu.memory_space<vmem_shared>>
        tpu.wait_indirect_dma semaphore(%arg23 : memref<!tpu.dma_semaphore, #tpu.memory_space<semaphore_mem>>) src(%arg12 : memref<80x64xf32, #tpu.memory_space<vmem>>) dst(%dma_wait3A_227 : memref<10240x64xf32, #tpu.memory_space<vmem_shared>>)
      } else {
      }
      %add3A_215 = arith.constant 4 : i32
      %add3A_216 = arith.addi %add3A_197, %add3A_215 : i32
      %lt3A_217 = arith.constant 250 : i32
      %lt3A_218 = arith.cmpi slt, %add3A_216, %lt3A_217 : i32
      %convert_element_type3A_219 = arith.extui %lt3A_218 : i1 to i32
      %cond3A_220 = arith.constant 0 : i32
      %cond3A_221 = arith.cmpi ne, %convert_element_type3A_219, %cond3A_220 : i32
      scf.if %cond3A_221 {
        %add3A_222 = arith.constant 4 : i32
        %add3A_223 = arith.addi %add3A_197, %add3A_222 : i32
        %dma_start3A_224 = arith.constant 0 : i32
        %dma_start3A_225 = tpu.memref_slice %arg7[%add3A_223, %dma_start3A_224] : memref<250x80xi32, #tpu.memory_space<vmem>> -> memref<1x80xi32, #tpu.memory_space<vmem>>
        %dma_start3A_226 = tpu.memref_squeeze %dma_start3A_225 : memref<1x80xi32, #tpu.memory_space<vmem>> -> memref<80xi32, #tpu.memory_space<vmem>>
        %dma_start3A_227 = arith.constant 0 : i32
        %dma_start3A_228 = arith.constant 0 : i32
        %dma_start3A_229 = tpu.memref_slice %arg2[%dma_start3A_227, %dma_start3A_228] : memref<40960x64xf32, #tpu.memory_space<hbm>> -> memref<40960x64xf32, #tpu.memory_space<hbm>>
        tpu.enqueue_indirect_dma source(%dma_start3A_229 : memref<40960x64xf32, #tpu.memory_space<hbm>>) target(%arg12 : memref<80x64xf32, #tpu.memory_space<vmem>>) offsets(%dma_start3A_226 : memref<80xi32, #tpu.memory_space<vmem>>) semaphore(%arg18 : memref<!tpu.dma_semaphore, #tpu.memory_space<semaphore_mem>>)
      } else {
      }
    }
    %scan3A_73 = arith.constant 50 : i32
    %dma_wait3A_74 = arith.constant 0 : i32
    %dma_wait3A_75 = arith.constant 0 : i32
    %dma_wait3A_76 = tpu.memref_slice %arg8[%dma_wait3A_74, %dma_wait3A_75] : memref<250x80xi32, #tpu.memory_space<vmem>> -> memref<1x80xi32, #tpu.memory_space<vmem>>
    %dma_wait3A_77 = tpu.memref_squeeze %dma_wait3A_76 : memref<1x80xi32, #tpu.memory_space<vmem>> -> memref<80xi32, #tpu.memory_space<vmem>>
    %dma_wait3A_78 = arith.constant 0 : i32
    %dma_wait3A_79 = arith.constant 0 : i32
    %dma_wait3A_80 = tpu.memref_slice %arg14[%dma_wait3A_78, %dma_wait3A_79] : memref<10240x64xf32, #tpu.memory_space<vmem_shared>> -> memref<10240x64xf32, #tpu.memory_space<vmem_shared>>
    tpu.wait_indirect_dma semaphore(%arg24 : memref<!tpu.dma_semaphore, #tpu.memory_space<semaphore_mem>>) src(%arg13 : memref<80x64xf32, #tpu.memory_space<vmem>>) dst(%dma_wait3A_80 : memref<10240x64xf32, #tpu.memory_space<vmem_shared>>)
    %barrier3A_81 = arith.constant 0 : index
    tpu.barrier barrier_id(%barrier3A_81)
    %mul3A_82 = arith.constant 10240 : i32
    %mul3A_83 = arith.muli %arg0, %mul3A_82 : i32
    %add3A_84 = arith.addi %mul3A_83, %mul3A_2 : i32
    "tpu.region"() ({
      %run_scoped3A = tpu.sem_alloc : memref<!tpu.dma_semaphore, #tpu.memory_space<semaphore_mem>>
      %dma_start3A_85 = arith.constant 0 : i32
      %dma_start3A_86 = tpu.memref_slice %arg6[%add3A_84, %dma_start3A_85] : memref<20480x64xf32, #tpu.memory_space<hbm>> -> memref<640x64xf32, #tpu.memory_space<hbm>>
      %dma_start3A_87 = arith.constant 0 : i32
      %dma_start3A_88 = tpu.memref_slice %arg14[%mul3A_2, %dma_start3A_87] : memref<10240x64xf32, #tpu.memory_space<vmem_shared>> -> memref<640x64xf32, #tpu.memory_space<vmem_shared>>
      tpu.enqueue_dma source(%dma_start3A_88 : memref<640x64xf32, #tpu.memory_space<vmem_shared>>) target(%dma_start3A_86 : memref<640x64xf32, #tpu.memory_space<hbm>>) target_semaphore(%run_scoped3A : memref<!tpu.dma_semaphore, #tpu.memory_space<semaphore_mem>>)
      %dma_wait3A_89 = arith.constant 0 : i32
      %dma_wait3A_90 = tpu.memref_slice %arg6[%add3A_84, %dma_wait3A_89] : memref<20480x64xf32, #tpu.memory_space<hbm>> -> memref<640x64xf32, #tpu.memory_space<hbm>>
      %dma_wait3A_91 = arith.constant 0 : i32
      %dma_wait3A_92 = tpu.memref_slice %arg14[%mul3A_2, %dma_wait3A_91] : memref<10240x64xf32, #tpu.memory_space<vmem_shared>> -> memref<640x64xf32, #tpu.memory_space<vmem_shared>>
      tpu.wait_dma2 semaphore(%run_scoped3A : memref<!tpu.dma_semaphore, #tpu.memory_space<semaphore_mem>>) src(%dma_wait3A_92 : memref<640x64xf32, #tpu.memory_space<vmem_shared>>) dst(%dma_wait3A_90 : memref<640x64xf32, #tpu.memory_space<hbm>>)
      tpu.yield
    }) : () -> ()
    return
  }
}

#map = affine_map<(d0, d1) -> (0, 0, 0)>
#map1 = affine_map<(d0, d1) -> (0, 0)>
module attributes {stable_mosaic.version = 14 : i64} {
  func.func @_deg_body(%arg0: i32, %arg1: i32, %arg2: memref<16x250x80xi32, #tpu.memory_space<hbm>>, %arg3: memref<10240x8xf32, #tpu.memory_space<hbm>>, %arg4: memref<80x8xf32, #tpu.memory_space<hbm>>, %arg5: memref<20480x8xf32, #tpu.memory_space<hbm>>, %arg6: memref<250x80xi32, #tpu.memory_space<vmem>>, %arg7: memref<80x8xf32, #tpu.memory_space<vmem>>, %arg8: memref<10240x8xf32, #tpu.memory_space<vmem_shared>>, %arg9: memref<!tpu.dma_semaphore, #tpu.memory_space<semaphore_mem>>, %arg10: memref<!tpu.dma_semaphore, #tpu.memory_space<semaphore_mem>>) attributes {dimension_semantics = [#tpu.dimension_semantics<core_parallel>, #tpu.dimension_semantics<subcore_parallel>], iteration_bounds = array<i64: 2, 16>, scalar_prefetch = 0 : i64, scratch_operands = 5 : i64, tpu.core_type = #tpu.core_type<sc_vector_subcore>, window_params = [{transform_indices = #map}, {transform_indices = #map1}, {transform_indices = #map1}, {transform_indices = #map1}]} {
    %mul3A = arith.constant 640 : i32
    %mul3A_0 = arith.muli %arg1, %mul3A : i32
    %dma_start3A = arith.constant 0 : i32
    %dma_start3A_1 = tpu.memref_slice %arg8[%mul3A_0, %dma_start3A] : memref<10240x8xf32, #tpu.memory_space<vmem_shared>> -> memref<640x8xf32, #tpu.memory_space<vmem_shared>>
    %dma_start3A_2 = arith.constant 0 : i32
    %dma_start3A_3 = tpu.memref_slice %arg3[%mul3A_0, %dma_start3A_2] : memref<10240x8xf32, #tpu.memory_space<hbm>> -> memref<640x8xf32, #tpu.memory_space<hbm>>
    tpu.enqueue_dma source(%dma_start3A_3 : memref<640x8xf32, #tpu.memory_space<hbm>>) target(%dma_start3A_1 : memref<640x8xf32, #tpu.memory_space<vmem_shared>>) target_semaphore(%arg10 : memref<!tpu.dma_semaphore, #tpu.memory_space<semaphore_mem>>)
    tpu.enqueue_dma source(%arg4 : memref<80x8xf32, #tpu.memory_space<hbm>>) target(%arg7 : memref<80x8xf32, #tpu.memory_space<vmem>>) target_semaphore(%arg10 : memref<!tpu.dma_semaphore, #tpu.memory_space<semaphore_mem>>)
    %dma_start3A_4 = arith.constant 0 : i32
    %dma_start3A_5 = arith.constant 0 : i32
    %dma_start3A_6 = tpu.memref_slice %arg2[%arg1, %dma_start3A_4, %dma_start3A_5] : memref<16x250x80xi32, #tpu.memory_space<hbm>> -> memref<1x250x80xi32, #tpu.memory_space<hbm>>
    %dma_start3A_7 = tpu.memref_squeeze %dma_start3A_6 : memref<1x250x80xi32, #tpu.memory_space<hbm>> -> memref<250x80xi32, #tpu.memory_space<hbm>>
    %dma_start3A_8 = arith.constant 0 : i32
    %dma_start3A_9 = arith.constant 0 : i32
    %dma_start3A_10 = tpu.memref_slice %arg2[%arg1, %dma_start3A_8, %dma_start3A_9] : memref<16x250x80xi32, #tpu.memory_space<hbm>> -> memref<1x250x80xi32, #tpu.memory_space<hbm>>
    %dma_start3A_11 = tpu.memref_squeeze %dma_start3A_10 : memref<1x250x80xi32, #tpu.memory_space<hbm>> -> memref<250x80xi32, #tpu.memory_space<hbm>>
    tpu.enqueue_dma source(%dma_start3A_11 : memref<250x80xi32, #tpu.memory_space<hbm>>) target(%arg6 : memref<250x80xi32, #tpu.memory_space<vmem>>) target_semaphore(%arg10 : memref<!tpu.dma_semaphore, #tpu.memory_space<semaphore_mem>>)
    %dma_wait3A = arith.constant 0 : i32
    %dma_wait3A_12 = tpu.memref_slice %arg8[%mul3A_0, %dma_wait3A] : memref<10240x8xf32, #tpu.memory_space<vmem_shared>> -> memref<640x8xf32, #tpu.memory_space<vmem_shared>>
    %dma_wait3A_13 = arith.constant 0 : i32
    %dma_wait3A_14 = tpu.memref_slice %arg3[%mul3A_0, %dma_wait3A_13] : memref<10240x8xf32, #tpu.memory_space<hbm>> -> memref<640x8xf32, #tpu.memory_space<hbm>>
    tpu.wait_dma2 semaphore(%arg10 : memref<!tpu.dma_semaphore, #tpu.memory_space<semaphore_mem>>) src(%dma_wait3A_14 : memref<640x8xf32, #tpu.memory_space<hbm>>) dst(%dma_wait3A_12 : memref<640x8xf32, #tpu.memory_space<vmem_shared>>)
    tpu.wait_dma2 semaphore(%arg10 : memref<!tpu.dma_semaphore, #tpu.memory_space<semaphore_mem>>) src(%arg4 : memref<80x8xf32, #tpu.memory_space<hbm>>) dst(%arg7 : memref<80x8xf32, #tpu.memory_space<vmem>>)
    %dma_wait3A_15 = arith.constant 0 : i32
    %dma_wait3A_16 = arith.constant 0 : i32
    %dma_wait3A_17 = tpu.memref_slice %arg2[%arg1, %dma_wait3A_15, %dma_wait3A_16] : memref<16x250x80xi32, #tpu.memory_space<hbm>> -> memref<1x250x80xi32, #tpu.memory_space<hbm>>
    %dma_wait3A_18 = tpu.memref_squeeze %dma_wait3A_17 : memref<1x250x80xi32, #tpu.memory_space<hbm>> -> memref<250x80xi32, #tpu.memory_space<hbm>>
    %dma_wait3A_19 = arith.constant 0 : i32
    %dma_wait3A_20 = arith.constant 0 : i32
    %dma_wait3A_21 = tpu.memref_slice %arg2[%arg1, %dma_wait3A_19, %dma_wait3A_20] : memref<16x250x80xi32, #tpu.memory_space<hbm>> -> memref<1x250x80xi32, #tpu.memory_space<hbm>>
    %dma_wait3A_22 = tpu.memref_squeeze %dma_wait3A_21 : memref<1x250x80xi32, #tpu.memory_space<hbm>> -> memref<250x80xi32, #tpu.memory_space<hbm>>
    tpu.wait_dma2 semaphore(%arg10 : memref<!tpu.dma_semaphore, #tpu.memory_space<semaphore_mem>>) src(%dma_wait3A_22 : memref<250x80xi32, #tpu.memory_space<hbm>>) dst(%arg6 : memref<250x80xi32, #tpu.memory_space<vmem>>)
    %barrier3A = arith.constant 0 : index
    tpu.barrier barrier_id(%barrier3A)
    %scan3A = arith.constant 0 : i32
    %scan3A_23 = arith.constant 0 : i32
    %scan3A_24 = arith.constant 250 : i32
    %scan3A_25 = arith.addi %scan3A_23, %scan3A_24 : i32
    %scan3A_26 = arith.constant 1 : i32
    scf.for %scan3A_37 = %scan3A_23 to %scan3A_25 step %scan3A_26  : i32 {
      %dma_start3A_38 = arith.constant 0 : i32
      %dma_start3A_39 = tpu.memref_slice %arg6[%scan3A_37, %dma_start3A_38] : memref<250x80xi32, #tpu.memory_space<vmem>> -> memref<1x80xi32, #tpu.memory_space<vmem>>
      %dma_start3A_40 = tpu.memref_squeeze %dma_start3A_39 : memref<1x80xi32, #tpu.memory_space<vmem>> -> memref<80xi32, #tpu.memory_space<vmem>>
      %dma_start3A_41 = arith.constant 0 : i32
      %dma_start3A_42 = arith.constant 0 : i32
      %dma_start3A_43 = tpu.memref_slice %arg8[%dma_start3A_41, %dma_start3A_42] : memref<10240x8xf32, #tpu.memory_space<vmem_shared>> -> memref<10240x8xf32, #tpu.memory_space<vmem_shared>>
      tpu.enqueue_indirect_dma source(%arg7 : memref<80x8xf32, #tpu.memory_space<vmem>>) target(%dma_start3A_43 : memref<10240x8xf32, #tpu.memory_space<vmem_shared>>) offsets(%dma_start3A_40 : memref<80xi32, #tpu.memory_space<vmem>>) semaphore(%arg9 : memref<!tpu.dma_semaphore, #tpu.memory_space<semaphore_mem>>) {add = true}
    }
    %scan3A_27 = arith.constant 250 : i32
    %scan3A_28 = arith.constant 0 : i32
    %scan3A_29 = arith.constant 0 : i32
    %scan3A_30 = arith.constant 250 : i32
    %scan3A_31 = arith.addi %scan3A_29, %scan3A_30 : i32
    %scan3A_32 = arith.constant 1 : i32
    scf.for %scan3A_37 = %scan3A_29 to %scan3A_31 step %scan3A_32  : i32 {
      %dma_wait3A_38 = arith.constant 0 : i32
      %dma_wait3A_39 = arith.constant 0 : i32
      %dma_wait3A_40 = tpu.memref_slice %arg6[%dma_wait3A_38, %dma_wait3A_39] : memref<250x80xi32, #tpu.memory_space<vmem>> -> memref<1x80xi32, #tpu.memory_space<vmem>>
      %dma_wait3A_41 = tpu.memref_squeeze %dma_wait3A_40 : memref<1x80xi32, #tpu.memory_space<vmem>> -> memref<80xi32, #tpu.memory_space<vmem>>
      %dma_wait3A_42 = arith.constant 0 : i32
      %dma_wait3A_43 = arith.constant 0 : i32
      %dma_wait3A_44 = tpu.memref_slice %arg8[%dma_wait3A_42, %dma_wait3A_43] : memref<10240x8xf32, #tpu.memory_space<vmem_shared>> -> memref<10240x8xf32, #tpu.memory_space<vmem_shared>>
      tpu.wait_indirect_dma semaphore(%arg9 : memref<!tpu.dma_semaphore, #tpu.memory_space<semaphore_mem>>) src(%arg7 : memref<80x8xf32, #tpu.memory_space<vmem>>) dst(%dma_wait3A_44 : memref<10240x8xf32, #tpu.memory_space<vmem_shared>>)
    }
    %scan3A_33 = arith.constant 250 : i32
    %barrier3A_34 = arith.constant 0 : index
    tpu.barrier barrier_id(%barrier3A_34)
    %mul3A_35 = arith.constant 10240 : i32
    %mul3A_36 = arith.muli %arg0, %mul3A_35 : i32
    %add3A = arith.addi %mul3A_36, %mul3A_0 : i32
    "tpu.region"() ({
      %run_scoped3A = tpu.sem_alloc : memref<!tpu.dma_semaphore, #tpu.memory_space<semaphore_mem>>
      %dma_start3A_37 = arith.constant 0 : i32
      %dma_start3A_38 = tpu.memref_slice %arg5[%add3A, %dma_start3A_37] : memref<20480x8xf32, #tpu.memory_space<hbm>> -> memref<640x8xf32, #tpu.memory_space<hbm>>
      %dma_start3A_39 = arith.constant 0 : i32
      %dma_start3A_40 = tpu.memref_slice %arg8[%mul3A_0, %dma_start3A_39] : memref<10240x8xf32, #tpu.memory_space<vmem_shared>> -> memref<640x8xf32, #tpu.memory_space<vmem_shared>>
      tpu.enqueue_dma source(%dma_start3A_40 : memref<640x8xf32, #tpu.memory_space<vmem_shared>>) target(%dma_start3A_38 : memref<640x8xf32, #tpu.memory_space<hbm>>) target_semaphore(%run_scoped3A : memref<!tpu.dma_semaphore, #tpu.memory_space<semaphore_mem>>)
      %dma_wait3A_41 = arith.constant 0 : i32
      %dma_wait3A_42 = tpu.memref_slice %arg5[%add3A, %dma_wait3A_41] : memref<20480x8xf32, #tpu.memory_space<hbm>> -> memref<640x8xf32, #tpu.memory_space<hbm>>
      %dma_wait3A_43 = arith.constant 0 : i32
      %dma_wait3A_44 = tpu.memref_slice %arg8[%mul3A_0, %dma_wait3A_43] : memref<10240x8xf32, #tpu.memory_space<vmem_shared>> -> memref<640x8xf32, #tpu.memory_space<vmem_shared>>
      tpu.wait_dma2 semaphore(%run_scoped3A : memref<!tpu.dma_semaphore, #tpu.memory_space<semaphore_mem>>) src(%dma_wait3A_44 : memref<640x8xf32, #tpu.memory_space<vmem_shared>>) dst(%dma_wait3A_42 : memref<640x8xf32, #tpu.memory_space<hbm>>)
      tpu.yield
    }) : () -> ()
    return
  }
}

#map = affine_map<(d0, d1) -> (0, 0)>
#map1 = affine_map<(d0, d1) -> (0, 0, 0)>
module attributes {stable_mosaic.version = 14 : i64} {
  func.func @_scatter_body(%arg0: i32, %arg1: i32, %arg2: memref<40960x64xf32, #tpu.memory_space<hbm>>, %arg3: memref<32x250x80xi32, #tpu.memory_space<hbm>>, %arg4: memref<16x250x80xi32, #tpu.memory_space<hbm>>, %arg5: memref<10240x64xf32, #tpu.memory_space<hbm>>, %arg6: memref<20480x64xf32, #tpu.memory_space<hbm>>, %arg7: memref<250x80xi32, #tpu.memory_space<vmem>>, %arg8: memref<250x80xi32, #tpu.memory_space<vmem>>, %arg9: memref<80x64xf32, #tpu.memory_space<vmem>>, %arg10: memref<80x64xf32, #tpu.memory_space<vmem>>, %arg11: memref<80x64xf32, #tpu.memory_space<vmem>>, %arg12: memref<80x64xf32, #tpu.memory_space<vmem>>, %arg13: memref<80x64xf32, #tpu.memory_space<vmem>>, %arg14: memref<10240x64xf32, #tpu.memory_space<vmem_shared>>, %arg15: memref<!tpu.dma_semaphore, #tpu.memory_space<semaphore_mem>>, %arg16: memref<!tpu.dma_semaphore, #tpu.memory_space<semaphore_mem>>, %arg17: memref<!tpu.dma_semaphore, #tpu.memory_space<semaphore_mem>>, %arg18: memref<!tpu.dma_semaphore, #tpu.memory_space<semaphore_mem>>, %arg19: memref<!tpu.dma_semaphore, #tpu.memory_space<semaphore_mem>>, %arg20: memref<!tpu.dma_semaphore, #tpu.memory_space<semaphore_mem>>, %arg21: memref<!tpu.dma_semaphore, #tpu.memory_space<semaphore_mem>>, %arg22: memref<!tpu.dma_semaphore, #tpu.memory_space<semaphore_mem>>, %arg23: memref<!tpu.dma_semaphore, #tpu.memory_space<semaphore_mem>>, %arg24: memref<!tpu.dma_semaphore, #tpu.memory_space<semaphore_mem>>) attributes {dimension_semantics = [#tpu.dimension_semantics<core_parallel>, #tpu.dimension_semantics<subcore_parallel>], iteration_bounds = array<i64: 2, 16>, scalar_prefetch = 0 : i64, scratch_operands = 18 : i64, tpu.core_type = #tpu.core_type<sc_vector_subcore>, window_params = [{transform_indices = #map}, {transform_indices = #map1}, {transform_indices = #map1}, {transform_indices = #map}, {transform_indices = #map}]} {
    %mul3A = arith.constant 16 : i32
    %mul3A_0 = arith.muli %arg0, %mul3A : i32
    %add3A = arith.addi %mul3A_0, %arg1 : i32
    %mul3A_1 = arith.constant 640 : i32
    %mul3A_2 = arith.muli %arg1, %mul3A_1 : i32
    %dma_start3A = arith.constant 0 : i32
    %dma_start3A_3 = arith.constant 0 : i32
    %dma_start3A_4 = tpu.memref_slice %arg4[%arg1, %dma_start3A, %dma_start3A_3] : memref<16x250x80xi32, #tpu.memory_space<hbm>> -> memref<1x250x80xi32, #tpu.memory_space<hbm>>
    %dma_start3A_5 = tpu.memref_squeeze %dma_start3A_4 : memref<1x250x80xi32, #tpu.memory_space<hbm>> -> memref<250x80xi32, #tpu.memory_space<hbm>>
    %dma_start3A_6 = arith.constant 0 : i32
    %dma_start3A_7 = arith.constant 0 : i32
    %dma_start3A_8 = tpu.memref_slice %arg4[%arg1, %dma_start3A_6, %dma_start3A_7] : memref<16x250x80xi32, #tpu.memory_space<hbm>> -> memref<1x250x80xi32, #tpu.memory_space<hbm>>
    %dma_start3A_9 = tpu.memref_squeeze %dma_start3A_8 : memref<1x250x80xi32, #tpu.memory_space<hbm>> -> memref<250x80xi32, #tpu.memory_space<hbm>>
    tpu.enqueue_dma source(%dma_start3A_9 : memref<250x80xi32, #tpu.memory_space<hbm>>) target(%arg8 : memref<250x80xi32, #tpu.memory_space<vmem>>) target_semaphore(%arg15 : memref<!tpu.dma_semaphore, #tpu.memory_space<semaphore_mem>>)
    %dma_start3A_10 = arith.constant 0 : i32
    %dma_start3A_11 = tpu.memref_slice %arg14[%mul3A_2, %dma_start3A_10] : memref<10240x64xf32, #tpu.memory_space<vmem_shared>> -> memref<640x64xf32, #tpu.memory_space<vmem_shared>>
    %dma_start3A_12 = arith.constant 0 : i32
    %dma_start3A_13 = tpu.memref_slice %arg5[%mul3A_2, %dma_start3A_12] : memref<10240x64xf32, #tpu.memory_space<hbm>> -> memref<640x64xf32, #tpu.memory_space<hbm>>
    tpu.enqueue_dma source(%dma_start3A_13 : memref<640x64xf32, #tpu.memory_space<hbm>>) target(%dma_start3A_11 : memref<640x64xf32, #tpu.memory_space<vmem_shared>>) target_semaphore(%arg16 : memref<!tpu.dma_semaphore, #tpu.memory_space<semaphore_mem>>)
    %dma_start3A_14 = arith.constant 0 : i32
    %dma_start3A_15 = arith.constant 0 : i32
    %dma_start3A_16 = tpu.memref_slice %arg3[%add3A, %dma_start3A_14, %dma_start3A_15] : memref<32x250x80xi32, #tpu.memory_space<hbm>> -> memref<1x250x80xi32, #tpu.memory_space<hbm>>
    %dma_start3A_17 = tpu.memref_squeeze %dma_start3A_16 : memref<1x250x80xi32, #tpu.memory_space<hbm>> -> memref<250x80xi32, #tpu.memory_space<hbm>>
    %dma_start3A_18 = arith.constant 0 : i32
    %dma_start3A_19 = arith.constant 0 : i32
    %dma_start3A_20 = tpu.memref_slice %arg3[%add3A, %dma_start3A_18, %dma_start3A_19] : memref<32x250x80xi32, #tpu.memory_space<hbm>> -> memref<1x250x80xi32, #tpu.memory_space<hbm>>
    %dma_start3A_21 = tpu.memref_squeeze %dma_start3A_20 : memref<1x250x80xi32, #tpu.memory_space<hbm>> -> memref<250x80xi32, #tpu.memory_space<hbm>>
    tpu.enqueue_dma source(%dma_start3A_21 : memref<250x80xi32, #tpu.memory_space<hbm>>) target(%arg7 : memref<250x80xi32, #tpu.memory_space<vmem>>) target_semaphore(%arg17 : memref<!tpu.dma_semaphore, #tpu.memory_space<semaphore_mem>>)
    %dma_wait3A = arith.constant 0 : i32
    %dma_wait3A_22 = arith.constant 0 : i32
    %dma_wait3A_23 = tpu.memref_slice %arg4[%arg1, %dma_wait3A, %dma_wait3A_22] : memref<16x250x80xi32, #tpu.memory_space<hbm>> -> memref<1x250x80xi32, #tpu.memory_space<hbm>>
    %dma_wait3A_24 = tpu.memref_squeeze %dma_wait3A_23 : memref<1x250x80xi32, #tpu.memory_space<hbm>> -> memref<250x80xi32, #tpu.memory_space<hbm>>
    %dma_wait3A_25 = arith.constant 0 : i32
    %dma_wait3A_26 = arith.constant 0 : i32
    %dma_wait3A_27 = tpu.memref_slice %arg4[%arg1, %dma_wait3A_25, %dma_wait3A_26] : memref<16x250x80xi32, #tpu.memory_space<hbm>> -> memref<1x250x80xi32, #tpu.memory_space<hbm>>
    %dma_wait3A_28 = tpu.memref_squeeze %dma_wait3A_27 : memref<1x250x80xi32, #tpu.memory_space<hbm>> -> memref<250x80xi32, #tpu.memory_space<hbm>>
    tpu.wait_dma2 semaphore(%arg15 : memref<!tpu.dma_semaphore, #tpu.memory_space<semaphore_mem>>) src(%dma_wait3A_28 : memref<250x80xi32, #tpu.memory_space<hbm>>) dst(%arg8 : memref<250x80xi32, #tpu.memory_space<vmem>>)
    %dma_wait3A_29 = arith.constant 0 : i32
    %dma_wait3A_30 = tpu.memref_slice %arg14[%mul3A_2, %dma_wait3A_29] : memref<10240x64xf32, #tpu.memory_space<vmem_shared>> -> memref<640x64xf32, #tpu.memory_space<vmem_shared>>
    %dma_wait3A_31 = arith.constant 0 : i32
    %dma_wait3A_32 = tpu.memref_slice %arg5[%mul3A_2, %dma_wait3A_31] : memref<10240x64xf32, #tpu.memory_space<hbm>> -> memref<640x64xf32, #tpu.memory_space<hbm>>
    tpu.wait_dma2 semaphore(%arg16 : memref<!tpu.dma_semaphore, #tpu.memory_space<semaphore_mem>>) src(%dma_wait3A_32 : memref<640x64xf32, #tpu.memory_space<hbm>>) dst(%dma_wait3A_30 : memref<640x64xf32, #tpu.memory_space<vmem_shared>>)
    %dma_wait3A_33 = arith.constant 0 : i32
    %dma_wait3A_34 = arith.constant 0 : i32
    %dma_wait3A_35 = tpu.memref_slice %arg3[%add3A, %dma_wait3A_33, %dma_wait3A_34] : memref<32x250x80xi32, #tpu.memory_space<hbm>> -> memref<1x250x80xi32, #tpu.memory_space<hbm>>
    %dma_wait3A_36 = tpu.memref_squeeze %dma_wait3A_35 : memref<1x250x80xi32, #tpu.memory_space<hbm>> -> memref<250x80xi32, #tpu.memory_space<hbm>>
    %dma_wait3A_37 = arith.constant 0 : i32
    %dma_wait3A_38 = arith.constant 0 : i32
    %dma_wait3A_39 = tpu.memref_slice %arg3[%add3A, %dma_wait3A_37, %dma_wait3A_38] : memref<32x250x80xi32, #tpu.memory_space<hbm>> -> memref<1x250x80xi32, #tpu.memory_space<hbm>>
    %dma_wait3A_40 = tpu.memref_squeeze %dma_wait3A_39 : memref<1x250x80xi32, #tpu.memory_space<hbm>> -> memref<250x80xi32, #tpu.memory_space<hbm>>
    tpu.wait_dma2 semaphore(%arg17 : memref<!tpu.dma_semaphore, #tpu.memory_space<semaphore_mem>>) src(%dma_wait3A_40 : memref<250x80xi32, #tpu.memory_space<hbm>>) dst(%arg7 : memref<250x80xi32, #tpu.memory_space<vmem>>)
    %barrier3A = arith.constant 0 : index
    tpu.barrier barrier_id(%barrier3A)
    %dma_start3A_41 = arith.constant 0 : i32
    %dma_start3A_42 = arith.constant 0 : i32
    %dma_start3A_43 = tpu.memref_slice %arg7[%dma_start3A_41, %dma_start3A_42] : memref<250x80xi32, #tpu.memory_space<vmem>> -> memref<1x80xi32, #tpu.memory_space<vmem>>
    %dma_start3A_44 = tpu.memref_squeeze %dma_start3A_43 : memref<1x80xi32, #tpu.memory_space<vmem>> -> memref<80xi32, #tpu.memory_space<vmem>>
    %dma_start3A_45 = arith.constant 0 : i32
    %dma_start3A_46 = arith.constant 0 : i32
    %dma_start3A_47 = tpu.memref_slice %arg2[%dma_start3A_45, %dma_start3A_46] : memref<40960x64xf32, #tpu.memory_space<hbm>> -> memref<40960x64xf32, #tpu.memory_space<hbm>>
    tpu.enqueue_indirect_dma source(%dma_start3A_47 : memref<40960x64xf32, #tpu.memory_space<hbm>>) target(%arg9 : memref<80x64xf32, #tpu.memory_space<vmem>>) offsets(%dma_start3A_44 : memref<80xi32, #tpu.memory_space<vmem>>) semaphore(%arg15 : memref<!tpu.dma_semaphore, #tpu.memory_space<semaphore_mem>>)
    %dma_start3A_48 = arith.constant 1 : i32
    %dma_start3A_49 = arith.constant 0 : i32
    %dma_start3A_50 = tpu.memref_slice %arg7[%dma_start3A_48, %dma_start3A_49] : memref<250x80xi32, #tpu.memory_space<vmem>> -> memref<1x80xi32, #tpu.memory_space<vmem>>
    %dma_start3A_51 = tpu.memref_squeeze %dma_start3A_50 : memref<1x80xi32, #tpu.memory_space<vmem>> -> memref<80xi32, #tpu.memory_space<vmem>>
    %dma_start3A_52 = arith.constant 0 : i32
    %dma_start3A_53 = arith.constant 0 : i32
    %dma_start3A_54 = tpu.memref_slice %arg2[%dma_start3A_52, %dma_start3A_53] : memref<40960x64xf32, #tpu.memory_space<hbm>> -> memref<40960x64xf32, #tpu.memory_space<hbm>>
    tpu.enqueue_indirect_dma source(%dma_start3A_54 : memref<40960x64xf32, #tpu.memory_space<hbm>>) target(%arg10 : memref<80x64xf32, #tpu.memory_space<vmem>>) offsets(%dma_start3A_51 : memref<80xi32, #tpu.memory_space<vmem>>) semaphore(%arg16 : memref<!tpu.dma_semaphore, #tpu.memory_space<semaphore_mem>>)
    %dma_start3A_55 = arith.constant 2 : i32
    %dma_start3A_56 = arith.constant 0 : i32
    %dma_start3A_57 = tpu.memref_slice %arg7[%dma_start3A_55, %dma_start3A_56] : memref<250x80xi32, #tpu.memory_space<vmem>> -> memref<1x80xi32, #tpu.memory_space<vmem>>
    %dma_start3A_58 = tpu.memref_squeeze %dma_start3A_57 : memref<1x80xi32, #tpu.memory_space<vmem>> -> memref<80xi32, #tpu.memory_space<vmem>>
    %dma_start3A_59 = arith.constant 0 : i32
    %dma_start3A_60 = arith.constant 0 : i32
    %dma_start3A_61 = tpu.memref_slice %arg2[%dma_start3A_59, %dma_start3A_60] : memref<40960x64xf32, #tpu.memory_space<hbm>> -> memref<40960x64xf32, #tpu.memory_space<hbm>>
    tpu.enqueue_indirect_dma source(%dma_start3A_61 : memref<40960x64xf32, #tpu.memory_space<hbm>>) target(%arg11 : memref<80x64xf32, #tpu.memory_space<vmem>>) offsets(%dma_start3A_58 : memref<80xi32, #tpu.memory_space<vmem>>) semaphore(%arg17 : memref<!tpu.dma_semaphore, #tpu.memory_space<semaphore_mem>>)
    %dma_start3A_62 = arith.constant 3 : i32
    %dma_start3A_63 = arith.constant 0 : i32
    %dma_start3A_64 = tpu.memref_slice %arg7[%dma_start3A_62, %dma_start3A_63] : memref<250x80xi32, #tpu.memory_space<vmem>> -> memref<1x80xi32, #tpu.memory_space<vmem>>
    %dma_start3A_65 = tpu.memref_squeeze %dma_start3A_64 : memref<1x80xi32, #tpu.memory_space<vmem>> -> memref<80xi32, #tpu.memory_space<vmem>>
    %dma_start3A_66 = arith.constant 0 : i32
    %dma_start3A_67 = arith.constant 0 : i32
    %dma_start3A_68 = tpu.memref_slice %arg2[%dma_start3A_66, %dma_start3A_67] : memref<40960x64xf32, #tpu.memory_space<hbm>> -> memref<40960x64xf32, #tpu.memory_space<hbm>>
    tpu.enqueue_indirect_dma source(%dma_start3A_68 : memref<40960x64xf32, #tpu.memory_space<hbm>>) target(%arg12 : memref<80x64xf32, #tpu.memory_space<vmem>>) offsets(%dma_start3A_65 : memref<80xi32, #tpu.memory_space<vmem>>) semaphore(%arg18 : memref<!tpu.dma_semaphore, #tpu.memory_space<semaphore_mem>>)
    %scan3A = arith.constant 0 : i32
    %scan3A_69 = arith.constant 0 : i32
    %scan3A_70 = arith.constant 50 : i32
    %scan3A_71 = arith.addi %scan3A_69, %scan3A_70 : i32
    %scan3A_72 = arith.constant 1 : i32
    scf.for %scan3A_85 = %scan3A_69 to %scan3A_71 step %scan3A_72  : i32 {
      %mul3A_86 = arith.constant 5 : i32
      %mul3A_87 = arith.muli %scan3A_85, %mul3A_86 : i32
      %add3A_88 = arith.constant 0 : i32
      %add3A_89 = arith.addi %mul3A_87, %add3A_88 : i32
      %dma_wait3A_90 = arith.constant 0 : i32
      %dma_wait3A_91 = tpu.memref_slice %arg7[%add3A_89, %dma_wait3A_90] : memref<250x80xi32, #tpu.memory_space<vmem>> -> memref<1x80xi32, #tpu.memory_space<vmem>>
      %dma_wait3A_92 = tpu.memref_squeeze %dma_wait3A_91 : memref<1x80xi32, #tpu.memory_space<vmem>> -> memref<80xi32, #tpu.memory_space<vmem>>
      %dma_wait3A_93 = arith.constant 0 : i32
      %dma_wait3A_94 = arith.constant 0 : i32
      %dma_wait3A_95 = tpu.memref_slice %arg2[%dma_wait3A_93, %dma_wait3A_94] : memref<40960x64xf32, #tpu.memory_space<hbm>> -> memref<40960x64xf32, #tpu.memory_space<hbm>>
      tpu.wait_indirect_dma semaphore(%arg15 : memref<!tpu.dma_semaphore, #tpu.memory_space<semaphore_mem>>) src(%dma_wait3A_95 : memref<40960x64xf32, #tpu.memory_space<hbm>>) dst(%arg9 : memref<80x64xf32, #tpu.memory_space<vmem>>)
      %dma_start3A_96 = arith.constant 0 : i32
      %dma_start3A_97 = tpu.memref_slice %arg8[%add3A_89, %dma_start3A_96] : memref<250x80xi32, #tpu.memory_space<vmem>> -> memref<1x80xi32, #tpu.memory_space<vmem>>
      %dma_start3A_98 = tpu.memref_squeeze %dma_start3A_97 : memref<1x80xi32, #tpu.memory_space<vmem>> -> memref<80xi32, #tpu.memory_space<vmem>>
      %dma_start3A_99 = arith.constant 0 : i32
      %dma_start3A_100 = arith.constant 0 : i32
      %dma_start3A_101 = tpu.memref_slice %arg14[%dma_start3A_99, %dma_start3A_100] : memref<10240x64xf32, #tpu.memory_space<vmem_shared>> -> memref<10240x64xf32, #tpu.memory_space<vmem_shared>>
      tpu.enqueue_indirect_dma source(%arg9 : memref<80x64xf32, #tpu.memory_space<vmem>>) target(%dma_start3A_101 : memref<10240x64xf32, #tpu.memory_space<vmem_shared>>) offsets(%dma_start3A_98 : memref<80xi32, #tpu.memory_space<vmem>>) semaphore(%arg20 : memref<!tpu.dma_semaphore, #tpu.memory_space<semaphore_mem>>) {add = true}
      %ge3A = arith.constant 1 : i32
      %ge3A_102 = arith.cmpi sge, %add3A_89, %ge3A : i32
      %convert_element_type3A = arith.extui %ge3A_102 : i1 to i32
      %cond3A = arith.constant 0 : i32
      %cond3A_103 = arith.cmpi ne, %convert_element_type3A, %cond3A : i32
      scf.if %cond3A_103 {
        %dma_wait3A_222 = arith.constant 0 : i32
        %dma_wait3A_223 = tpu.memref_slice %arg8[%add3A_89, %dma_wait3A_222] : memref<250x80xi32, #tpu.memory_space<vmem>> -> memref<1x80xi32, #tpu.memory_space<vmem>>
        %dma_wait3A_224 = tpu.memref_squeeze %dma_wait3A_223 : memref<1x80xi32, #tpu.memory_space<vmem>> -> memref<80xi32, #tpu.memory_space<vmem>>
        %dma_wait3A_225 = arith.constant 0 : i32
        %dma_wait3A_226 = arith.constant 0 : i32
        %dma_wait3A_227 = tpu.memref_slice %arg14[%dma_wait3A_225, %dma_wait3A_226] : memref<10240x64xf32, #tpu.memory_space<vmem_shared>> -> memref<10240x64xf32, #tpu.memory_space<vmem_shared>>
        tpu.wait_indirect_dma semaphore(%arg24 : memref<!tpu.dma_semaphore, #tpu.memory_space<semaphore_mem>>) src(%arg13 : memref<80x64xf32, #tpu.memory_space<vmem>>) dst(%dma_wait3A_227 : memref<10240x64xf32, #tpu.memory_space<vmem_shared>>)
      } else {
      }
      %add3A_104 = arith.constant 4 : i32
      %add3A_105 = arith.addi %add3A_89, %add3A_104 : i32
      %lt3A = arith.constant 250 : i32
      %lt3A_106 = arith.cmpi slt, %add3A_105, %lt3A : i32
      %convert_element_type3A_107 = arith.extui %lt3A_106 : i1 to i32
      %cond3A_108 = arith.constant 0 : i32
      %cond3A_109 = arith.cmpi ne, %convert_element_type3A_107, %cond3A_108 : i32
      scf.if %cond3A_109 {
        %add3A_222 = arith.constant 4 : i32
        %add3A_223 = arith.addi %add3A_89, %add3A_222 : i32
        %dma_start3A_224 = arith.constant 0 : i32
        %dma_start3A_225 = tpu.memref_slice %arg7[%add3A_223, %dma_start3A_224] : memref<250x80xi32, #tpu.memory_space<vmem>> -> memref<1x80xi32, #tpu.memory_space<vmem>>
        %dma_start3A_226 = tpu.memref_squeeze %dma_start3A_225 : memref<1x80xi32, #tpu.memory_space<vmem>> -> memref<80xi32, #tpu.memory_space<vmem>>
        %dma_start3A_227 = arith.constant 0 : i32
        %dma_start3A_228 = arith.constant 0 : i32
        %dma_start3A_229 = tpu.memref_slice %arg2[%dma_start3A_227, %dma_start3A_228] : memref<40960x64xf32, #tpu.memory_space<hbm>> -> memref<40960x64xf32, #tpu.memory_space<hbm>>
        tpu.enqueue_indirect_dma source(%dma_start3A_229 : memref<40960x64xf32, #tpu.memory_space<hbm>>) target(%arg13 : memref<80x64xf32, #tpu.memory_space<vmem>>) offsets(%dma_start3A_226 : memref<80xi32, #tpu.memory_space<vmem>>) semaphore(%arg19 : memref<!tpu.dma_semaphore, #tpu.memory_space<semaphore_mem>>)
      } else {
      }
      %mul3A_110 = arith.constant 5 : i32
      %mul3A_111 = arith.muli %scan3A_85, %mul3A_110 : i32
      %add3A_112 = arith.constant 1 : i32
      %add3A_113 = arith.addi %mul3A_111, %add3A_112 : i32
      %dma_wait3A_114 = arith.constant 0 : i32
      %dma_wait3A_115 = tpu.memref_slice %arg7[%add3A_113, %dma_wait3A_114] : memref<250x80xi32, #tpu.memory_space<vmem>> -> memref<1x80xi32, #tpu.memory_space<vmem>>
      %dma_wait3A_116 = tpu.memref_squeeze %dma_wait3A_115 : memref<1x80xi32, #tpu.memory_space<vmem>> -> memref<80xi32, #tpu.memory_space<vmem>>
      %dma_wait3A_117 = arith.constant 0 : i32
      %dma_wait3A_118 = arith.constant 0 : i32
      %dma_wait3A_119 = tpu.memref_slice %arg2[%dma_wait3A_117, %dma_wait3A_118] : memref<40960x64xf32, #tpu.memory_space<hbm>> -> memref<40960x64xf32, #tpu.memory_space<hbm>>
      tpu.wait_indirect_dma semaphore(%arg16 : memref<!tpu.dma_semaphore, #tpu.memory_space<semaphore_mem>>) src(%dma_wait3A_119 : memref<40960x64xf32, #tpu.memory_space<hbm>>) dst(%arg10 : memref<80x64xf32, #tpu.memory_space<vmem>>)
      %dma_start3A_120 = arith.constant 0 : i32
      %dma_start3A_121 = tpu.memref_slice %arg8[%add3A_113, %dma_start3A_120] : memref<250x80xi32, #tpu.memory_space<vmem>> -> memref<1x80xi32, #tpu.memory_space<vmem>>
      %dma_start3A_122 = tpu.memref_squeeze %dma_start3A_121 : memref<1x80xi32, #tpu.memory_space<vmem>> -> memref<80xi32, #tpu.memory_space<vmem>>
      %dma_start3A_123 = arith.constant 0 : i32
      %dma_start3A_124 = arith.constant 0 : i32
      %dma_start3A_125 = tpu.memref_slice %arg14[%dma_start3A_123, %dma_start3A_124] : memref<10240x64xf32, #tpu.memory_space<vmem_shared>> -> memref<10240x64xf32, #tpu.memory_space<vmem_shared>>
      tpu.enqueue_indirect_dma source(%arg10 : memref<80x64xf32, #tpu.memory_space<vmem>>) target(%dma_start3A_125 : memref<10240x64xf32, #tpu.memory_space<vmem_shared>>) offsets(%dma_start3A_122 : memref<80xi32, #tpu.memory_space<vmem>>) semaphore(%arg21 : memref<!tpu.dma_semaphore, #tpu.memory_space<semaphore_mem>>) {add = true}
      %ge3A_126 = arith.constant 1 : i32
      %ge3A_127 = arith.cmpi sge, %add3A_113, %ge3A_126 : i32
      %convert_element_type3A_128 = arith.extui %ge3A_127 : i1 to i32
      %cond3A_129 = arith.constant 0 : i32
      %cond3A_130 = arith.cmpi ne, %convert_element_type3A_128, %cond3A_129 : i32
      scf.if %cond3A_130 {
        %dma_wait3A_222 = arith.constant 0 : i32
        %dma_wait3A_223 = tpu.memref_slice %arg8[%add3A_113, %dma_wait3A_222] : memref<250x80xi32, #tpu.memory_space<vmem>> -> memref<1x80xi32, #tpu.memory_space<vmem>>
        %dma_wait3A_224 = tpu.memref_squeeze %dma_wait3A_223 : memref<1x80xi32, #tpu.memory_space<vmem>> -> memref<80xi32, #tpu.memory_space<vmem>>
        %dma_wait3A_225 = arith.constant 0 : i32
        %dma_wait3A_226 = arith.constant 0 : i32
        %dma_wait3A_227 = tpu.memref_slice %arg14[%dma_wait3A_225, %dma_wait3A_226] : memref<10240x64xf32, #tpu.memory_space<vmem_shared>> -> memref<10240x64xf32, #tpu.memory_space<vmem_shared>>
        tpu.wait_indirect_dma semaphore(%arg20 : memref<!tpu.dma_semaphore, #tpu.memory_space<semaphore_mem>>) src(%arg9 : memref<80x64xf32, #tpu.memory_space<vmem>>) dst(%dma_wait3A_227 : memref<10240x64xf32, #tpu.memory_space<vmem_shared>>)
      } else {
      }
      %add3A_131 = arith.constant 4 : i32
      %add3A_132 = arith.addi %add3A_113, %add3A_131 : i32
      %lt3A_133 = arith.constant 250 : i32
      %lt3A_134 = arith.cmpi slt, %add3A_132, %lt3A_133 : i32
      %convert_element_type3A_135 = arith.extui %lt3A_134 : i1 to i32
      %cond3A_136 = arith.constant 0 : i32
      %cond3A_137 = arith.cmpi ne, %convert_element_type3A_135, %cond3A_136 : i32
      scf.if %cond3A_137 {
        %add3A_222 = arith.constant 4 : i32
        %add3A_223 = arith.addi %add3A_113, %add3A_222 : i32
        %dma_start3A_224 = arith.constant 0 : i32
        %dma_start3A_225 = tpu.memref_slice %arg7[%add3A_223, %dma_start3A_224] : memref<250x80xi32, #tpu.memory_space<vmem>> -> memref<1x80xi32, #tpu.memory_space<vmem>>
        %dma_start3A_226 = tpu.memref_squeeze %dma_start3A_225 : memref<1x80xi32, #tpu.memory_space<vmem>> -> memref<80xi32, #tpu.memory_space<vmem>>
        %dma_start3A_227 = arith.constant 0 : i32
        %dma_start3A_228 = arith.constant 0 : i32
        %dma_start3A_229 = tpu.memref_slice %arg2[%dma_start3A_227, %dma_start3A_228] : memref<40960x64xf32, #tpu.memory_space<hbm>> -> memref<40960x64xf32, #tpu.memory_space<hbm>>
        tpu.enqueue_indirect_dma source(%dma_start3A_229 : memref<40960x64xf32, #tpu.memory_space<hbm>>) target(%arg9 : memref<80x64xf32, #tpu.memory_space<vmem>>) offsets(%dma_start3A_226 : memref<80xi32, #tpu.memory_space<vmem>>) semaphore(%arg15 : memref<!tpu.dma_semaphore, #tpu.memory_space<semaphore_mem>>)
      } else {
      }
      %mul3A_138 = arith.constant 5 : i32
      %mul3A_139 = arith.muli %scan3A_85, %mul3A_138 : i32
      %add3A_140 = arith.constant 2 : i32
      %add3A_141 = arith.addi %mul3A_139, %add3A_140 : i32
      %dma_wait3A_142 = arith.constant 0 : i32
      %dma_wait3A_143 = tpu.memref_slice %arg7[%add3A_141, %dma_wait3A_142] : memref<250x80xi32, #tpu.memory_space<vmem>> -> memref<1x80xi32, #tpu.memory_space<vmem>>
      %dma_wait3A_144 = tpu.memref_squeeze %dma_wait3A_143 : memref<1x80xi32, #tpu.memory_space<vmem>> -> memref<80xi32, #tpu.memory_space<vmem>>
      %dma_wait3A_145 = arith.constant 0 : i32
      %dma_wait3A_146 = arith.constant 0 : i32
      %dma_wait3A_147 = tpu.memref_slice %arg2[%dma_wait3A_145, %dma_wait3A_146] : memref<40960x64xf32, #tpu.memory_space<hbm>> -> memref<40960x64xf32, #tpu.memory_space<hbm>>
      tpu.wait_indirect_dma semaphore(%arg17 : memref<!tpu.dma_semaphore, #tpu.memory_space<semaphore_mem>>) src(%dma_wait3A_147 : memref<40960x64xf32, #tpu.memory_space<hbm>>) dst(%arg11 : memref<80x64xf32, #tpu.memory_space<vmem>>)
      %dma_start3A_148 = arith.constant 0 : i32
      %dma_start3A_149 = tpu.memref_slice %arg8[%add3A_141, %dma_start3A_148] : memref<250x80xi32, #tpu.memory_space<vmem>> -> memref<1x80xi32, #tpu.memory_space<vmem>>
      %dma_start3A_150 = tpu.memref_squeeze %dma_start3A_149 : memref<1x80xi32, #tpu.memory_space<vmem>> -> memref<80xi32, #tpu.memory_space<vmem>>
      %dma_start3A_151 = arith.constant 0 : i32
      %dma_start3A_152 = arith.constant 0 : i32
      %dma_start3A_153 = tpu.memref_slice %arg14[%dma_start3A_151, %dma_start3A_152] : memref<10240x64xf32, #tpu.memory_space<vmem_shared>> -> memref<10240x64xf32, #tpu.memory_space<vmem_shared>>
      tpu.enqueue_indirect_dma source(%arg11 : memref<80x64xf32, #tpu.memory_space<vmem>>) target(%dma_start3A_153 : memref<10240x64xf32, #tpu.memory_space<vmem_shared>>) offsets(%dma_start3A_150 : memref<80xi32, #tpu.memory_space<vmem>>) semaphore(%arg22 : memref<!tpu.dma_semaphore, #tpu.memory_space<semaphore_mem>>) {add = true}
      %ge3A_154 = arith.constant 1 : i32
      %ge3A_155 = arith.cmpi sge, %add3A_141, %ge3A_154 : i32
      %convert_element_type3A_156 = arith.extui %ge3A_155 : i1 to i32
      %cond3A_157 = arith.constant 0 : i32
      %cond3A_158 = arith.cmpi ne, %convert_element_type3A_156, %cond3A_157 : i32
      scf.if %cond3A_158 {
        %dma_wait3A_222 = arith.constant 0 : i32
        %dma_wait3A_223 = tpu.memref_slice %arg8[%add3A_141, %dma_wait3A_222] : memref<250x80xi32, #tpu.memory_space<vmem>> -> memref<1x80xi32, #tpu.memory_space<vmem>>
        %dma_wait3A_224 = tpu.memref_squeeze %dma_wait3A_223 : memref<1x80xi32, #tpu.memory_space<vmem>> -> memref<80xi32, #tpu.memory_space<vmem>>
        %dma_wait3A_225 = arith.constant 0 : i32
        %dma_wait3A_226 = arith.constant 0 : i32
        %dma_wait3A_227 = tpu.memref_slice %arg14[%dma_wait3A_225, %dma_wait3A_226] : memref<10240x64xf32, #tpu.memory_space<vmem_shared>> -> memref<10240x64xf32, #tpu.memory_space<vmem_shared>>
        tpu.wait_indirect_dma semaphore(%arg21 : memref<!tpu.dma_semaphore, #tpu.memory_space<semaphore_mem>>) src(%arg10 : memref<80x64xf32, #tpu.memory_space<vmem>>) dst(%dma_wait3A_227 : memref<10240x64xf32, #tpu.memory_space<vmem_shared>>)
      } else {
      }
      %add3A_159 = arith.constant 4 : i32
      %add3A_160 = arith.addi %add3A_141, %add3A_159 : i32
      %lt3A_161 = arith.constant 250 : i32
      %lt3A_162 = arith.cmpi slt, %add3A_160, %lt3A_161 : i32
      %convert_element_type3A_163 = arith.extui %lt3A_162 : i1 to i32
      %cond3A_164 = arith.constant 0 : i32
      %cond3A_165 = arith.cmpi ne, %convert_element_type3A_163, %cond3A_164 : i32
      scf.if %cond3A_165 {
        %add3A_222 = arith.constant 4 : i32
        %add3A_223 = arith.addi %add3A_141, %add3A_222 : i32
        %dma_start3A_224 = arith.constant 0 : i32
        %dma_start3A_225 = tpu.memref_slice %arg7[%add3A_223, %dma_start3A_224] : memref<250x80xi32, #tpu.memory_space<vmem>> -> memref<1x80xi32, #tpu.memory_space<vmem>>
        %dma_start3A_226 = tpu.memref_squeeze %dma_start3A_225 : memref<1x80xi32, #tpu.memory_space<vmem>> -> memref<80xi32, #tpu.memory_space<vmem>>
        %dma_start3A_227 = arith.constant 0 : i32
        %dma_start3A_228 = arith.constant 0 : i32
        %dma_start3A_229 = tpu.memref_slice %arg2[%dma_start3A_227, %dma_start3A_228] : memref<40960x64xf32, #tpu.memory_space<hbm>> -> memref<40960x64xf32, #tpu.memory_space<hbm>>
        tpu.enqueue_indirect_dma source(%dma_start3A_229 : memref<40960x64xf32, #tpu.memory_space<hbm>>) target(%arg10 : memref<80x64xf32, #tpu.memory_space<vmem>>) offsets(%dma_start3A_226 : memref<80xi32, #tpu.memory_space<vmem>>) semaphore(%arg16 : memref<!tpu.dma_semaphore, #tpu.memory_space<semaphore_mem>>)
      } else {
      }
      %mul3A_166 = arith.constant 5 : i32
      %mul3A_167 = arith.muli %scan3A_85, %mul3A_166 : i32
      %add3A_168 = arith.constant 3 : i32
      %add3A_169 = arith.addi %mul3A_167, %add3A_168 : i32
      %dma_wait3A_170 = arith.constant 0 : i32
      %dma_wait3A_171 = tpu.memref_slice %arg7[%add3A_169, %dma_wait3A_170] : memref<250x80xi32, #tpu.memory_space<vmem>> -> memref<1x80xi32, #tpu.memory_space<vmem>>
      %dma_wait3A_172 = tpu.memref_squeeze %dma_wait3A_171 : memref<1x80xi32, #tpu.memory_space<vmem>> -> memref<80xi32, #tpu.memory_space<vmem>>
      %dma_wait3A_173 = arith.constant 0 : i32
      %dma_wait3A_174 = arith.constant 0 : i32
      %dma_wait3A_175 = tpu.memref_slice %arg2[%dma_wait3A_173, %dma_wait3A_174] : memref<40960x64xf32, #tpu.memory_space<hbm>> -> memref<40960x64xf32, #tpu.memory_space<hbm>>
      tpu.wait_indirect_dma semaphore(%arg18 : memref<!tpu.dma_semaphore, #tpu.memory_space<semaphore_mem>>) src(%dma_wait3A_175 : memref<40960x64xf32, #tpu.memory_space<hbm>>) dst(%arg12 : memref<80x64xf32, #tpu.memory_space<vmem>>)
      %dma_start3A_176 = arith.constant 0 : i32
      %dma_start3A_177 = tpu.memref_slice %arg8[%add3A_169, %dma_start3A_176] : memref<250x80xi32, #tpu.memory_space<vmem>> -> memref<1x80xi32, #tpu.memory_space<vmem>>
      %dma_start3A_178 = tpu.memref_squeeze %dma_start3A_177 : memref<1x80xi32, #tpu.memory_space<vmem>> -> memref<80xi32, #tpu.memory_space<vmem>>
      %dma_start3A_179 = arith.constant 0 : i32
      %dma_start3A_180 = arith.constant 0 : i32
      %dma_start3A_181 = tpu.memref_slice %arg14[%dma_start3A_179, %dma_start3A_180] : memref<10240x64xf32, #tpu.memory_space<vmem_shared>> -> memref<10240x64xf32, #tpu.memory_space<vmem_shared>>
      tpu.enqueue_indirect_dma source(%arg12 : memref<80x64xf32, #tpu.memory_space<vmem>>) target(%dma_start3A_181 : memref<10240x64xf32, #tpu.memory_space<vmem_shared>>) offsets(%dma_start3A_178 : memref<80xi32, #tpu.memory_space<vmem>>) semaphore(%arg23 : memref<!tpu.dma_semaphore, #tpu.memory_space<semaphore_mem>>) {add = true}
      %ge3A_182 = arith.constant 1 : i32
      %ge3A_183 = arith.cmpi sge, %add3A_169, %ge3A_182 : i32
      %convert_element_type3A_184 = arith.extui %ge3A_183 : i1 to i32
      %cond3A_185 = arith.constant 0 : i32
      %cond3A_186 = arith.cmpi ne, %convert_element_type3A_184, %cond3A_185 : i32
      scf.if %cond3A_186 {
        %dma_wait3A_222 = arith.constant 0 : i32
        %dma_wait3A_223 = tpu.memref_slice %arg8[%add3A_169, %dma_wait3A_222] : memref<250x80xi32, #tpu.memory_space<vmem>> -> memref<1x80xi32, #tpu.memory_space<vmem>>
        %dma_wait3A_224 = tpu.memref_squeeze %dma_wait3A_223 : memref<1x80xi32, #tpu.memory_space<vmem>> -> memref<80xi32, #tpu.memory_space<vmem>>
        %dma_wait3A_225 = arith.constant 0 : i32
        %dma_wait3A_226 = arith.constant 0 : i32
        %dma_wait3A_227 = tpu.memref_slice %arg14[%dma_wait3A_225, %dma_wait3A_226] : memref<10240x64xf32, #tpu.memory_space<vmem_shared>> -> memref<10240x64xf32, #tpu.memory_space<vmem_shared>>
        tpu.wait_indirect_dma semaphore(%arg22 : memref<!tpu.dma_semaphore, #tpu.memory_space<semaphore_mem>>) src(%arg11 : memref<80x64xf32, #tpu.memory_space<vmem>>) dst(%dma_wait3A_227 : memref<10240x64xf32, #tpu.memory_space<vmem_shared>>)
      } else {
      }
      %add3A_187 = arith.constant 4 : i32
      %add3A_188 = arith.addi %add3A_169, %add3A_187 : i32
      %lt3A_189 = arith.constant 250 : i32
      %lt3A_190 = arith.cmpi slt, %add3A_188, %lt3A_189 : i32
      %convert_element_type3A_191 = arith.extui %lt3A_190 : i1 to i32
      %cond3A_192 = arith.constant 0 : i32
      %cond3A_193 = arith.cmpi ne, %convert_element_type3A_191, %cond3A_192 : i32
      scf.if %cond3A_193 {
        %add3A_222 = arith.constant 4 : i32
        %add3A_223 = arith.addi %add3A_169, %add3A_222 : i32
        %dma_start3A_224 = arith.constant 0 : i32
        %dma_start3A_225 = tpu.memref_slice %arg7[%add3A_223, %dma_start3A_224] : memref<250x80xi32, #tpu.memory_space<vmem>> -> memref<1x80xi32, #tpu.memory_space<vmem>>
        %dma_start3A_226 = tpu.memref_squeeze %dma_start3A_225 : memref<1x80xi32, #tpu.memory_space<vmem>> -> memref<80xi32, #tpu.memory_space<vmem>>
        %dma_start3A_227 = arith.constant 0 : i32
        %dma_start3A_228 = arith.constant 0 : i32
        %dma_start3A_229 = tpu.memref_slice %arg2[%dma_start3A_227, %dma_start3A_228] : memref<40960x64xf32, #tpu.memory_space<hbm>> -> memref<40960x64xf32, #tpu.memory_space<hbm>>
        tpu.enqueue_indirect_dma source(%dma_start3A_229 : memref<40960x64xf32, #tpu.memory_space<hbm>>) target(%arg11 : memref<80x64xf32, #tpu.memory_space<vmem>>) offsets(%dma_start3A_226 : memref<80xi32, #tpu.memory_space<vmem>>) semaphore(%arg17 : memref<!tpu.dma_semaphore, #tpu.memory_space<semaphore_mem>>)
      } else {
      }
      %mul3A_194 = arith.constant 5 : i32
      %mul3A_195 = arith.muli %scan3A_85, %mul3A_194 : i32
      %add3A_196 = arith.constant 4 : i32
      %add3A_197 = arith.addi %mul3A_195, %add3A_196 : i32
      %dma_wait3A_198 = arith.constant 0 : i32
      %dma_wait3A_199 = tpu.memref_slice %arg7[%add3A_197, %dma_wait3A_198] : memref<250x80xi32, #tpu.memory_space<vmem>> -> memref<1x80xi32, #tpu.memory_space<vmem>>
      %dma_wait3A_200 = tpu.memref_squeeze %dma_wait3A_199 : memref<1x80xi32, #tpu.memory_space<vmem>> -> memref<80xi32, #tpu.memory_space<vmem>>
      %dma_wait3A_201 = arith.constant 0 : i32
      %dma_wait3A_202 = arith.constant 0 : i32
      %dma_wait3A_203 = tpu.memref_slice %arg2[%dma_wait3A_201, %dma_wait3A_202] : memref<40960x64xf32, #tpu.memory_space<hbm>> -> memref<40960x64xf32, #tpu.memory_space<hbm>>
      tpu.wait_indirect_dma semaphore(%arg19 : memref<!tpu.dma_semaphore, #tpu.memory_space<semaphore_mem>>) src(%dma_wait3A_203 : memref<40960x64xf32, #tpu.memory_space<hbm>>) dst(%arg13 : memref<80x64xf32, #tpu.memory_space<vmem>>)
      %dma_start3A_204 = arith.constant 0 : i32
      %dma_start3A_205 = tpu.memref_slice %arg8[%add3A_197, %dma_start3A_204] : memref<250x80xi32, #tpu.memory_space<vmem>> -> memref<1x80xi32, #tpu.memory_space<vmem>>
      %dma_start3A_206 = tpu.memref_squeeze %dma_start3A_205 : memref<1x80xi32, #tpu.memory_space<vmem>> -> memref<80xi32, #tpu.memory_space<vmem>>
      %dma_start3A_207 = arith.constant 0 : i32
      %dma_start3A_208 = arith.constant 0 : i32
      %dma_start3A_209 = tpu.memref_slice %arg14[%dma_start3A_207, %dma_start3A_208] : memref<10240x64xf32, #tpu.memory_space<vmem_shared>> -> memref<10240x64xf32, #tpu.memory_space<vmem_shared>>
      tpu.enqueue_indirect_dma source(%arg13 : memref<80x64xf32, #tpu.memory_space<vmem>>) target(%dma_start3A_209 : memref<10240x64xf32, #tpu.memory_space<vmem_shared>>) offsets(%dma_start3A_206 : memref<80xi32, #tpu.memory_space<vmem>>) semaphore(%arg24 : memref<!tpu.dma_semaphore, #tpu.memory_space<semaphore_mem>>) {add = true}
      %ge3A_210 = arith.constant 1 : i32
      %ge3A_211 = arith.cmpi sge, %add3A_197, %ge3A_210 : i32
      %convert_element_type3A_212 = arith.extui %ge3A_211 : i1 to i32
      %cond3A_213 = arith.constant 0 : i32
      %cond3A_214 = arith.cmpi ne, %convert_element_type3A_212, %cond3A_213 : i32
      scf.if %cond3A_214 {
        %dma_wait3A_222 = arith.constant 0 : i32
        %dma_wait3A_223 = tpu.memref_slice %arg8[%add3A_197, %dma_wait3A_222] : memref<250x80xi32, #tpu.memory_space<vmem>> -> memref<1x80xi32, #tpu.memory_space<vmem>>
        %dma_wait3A_224 = tpu.memref_squeeze %dma_wait3A_223 : memref<1x80xi32, #tpu.memory_space<vmem>> -> memref<80xi32, #tpu.memory_space<vmem>>
        %dma_wait3A_225 = arith.constant 0 : i32
        %dma_wait3A_226 = arith.constant 0 : i32
        %dma_wait3A_227 = tpu.memref_slice %arg14[%dma_wait3A_225, %dma_wait3A_226] : memref<10240x64xf32, #tpu.memory_space<vmem_shared>> -> memref<10240x64xf32, #tpu.memory_space<vmem_shared>>
        tpu.wait_indirect_dma semaphore(%arg23 : memref<!tpu.dma_semaphore, #tpu.memory_space<semaphore_mem>>) src(%arg12 : memref<80x64xf32, #tpu.memory_space<vmem>>) dst(%dma_wait3A_227 : memref<10240x64xf32, #tpu.memory_space<vmem_shared>>)
      } else {
      }
      %add3A_215 = arith.constant 4 : i32
      %add3A_216 = arith.addi %add3A_197, %add3A_215 : i32
      %lt3A_217 = arith.constant 250 : i32
      %lt3A_218 = arith.cmpi slt, %add3A_216, %lt3A_217 : i32
      %convert_element_type3A_219 = arith.extui %lt3A_218 : i1 to i32
      %cond3A_220 = arith.constant 0 : i32
      %cond3A_221 = arith.cmpi ne, %convert_element_type3A_219, %cond3A_220 : i32
      scf.if %cond3A_221 {
        %add3A_222 = arith.constant 4 : i32
        %add3A_223 = arith.addi %add3A_197, %add3A_222 : i32
        %dma_start3A_224 = arith.constant 0 : i32
        %dma_start3A_225 = tpu.memref_slice %arg7[%add3A_223, %dma_start3A_224] : memref<250x80xi32, #tpu.memory_space<vmem>> -> memref<1x80xi32, #tpu.memory_space<vmem>>
        %dma_start3A_226 = tpu.memref_squeeze %dma_start3A_225 : memref<1x80xi32, #tpu.memory_space<vmem>> -> memref<80xi32, #tpu.memory_space<vmem>>
        %dma_start3A_227 = arith.constant 0 : i32
        %dma_start3A_228 = arith.constant 0 : i32
        %dma_start3A_229 = tpu.memref_slice %arg2[%dma_start3A_227, %dma_start3A_228] : memref<40960x64xf32, #tpu.memory_space<hbm>> -> memref<40960x64xf32, #tpu.memory_space<hbm>>
        tpu.enqueue_indirect_dma source(%dma_start3A_229 : memref<40960x64xf32, #tpu.memory_space<hbm>>) target(%arg12 : memref<80x64xf32, #tpu.memory_space<vmem>>) offsets(%dma_start3A_226 : memref<80xi32, #tpu.memory_space<vmem>>) semaphore(%arg18 : memref<!tpu.dma_semaphore, #tpu.memory_space<semaphore_mem>>)
      } else {
      }
    }
    %scan3A_73 = arith.constant 50 : i32
    %dma_wait3A_74 = arith.constant 0 : i32
    %dma_wait3A_75 = arith.constant 0 : i32
    %dma_wait3A_76 = tpu.memref_slice %arg8[%dma_wait3A_74, %dma_wait3A_75] : memref<250x80xi32, #tpu.memory_space<vmem>> -> memref<1x80xi32, #tpu.memory_space<vmem>>
    %dma_wait3A_77 = tpu.memref_squeeze %dma_wait3A_76 : memref<1x80xi32, #tpu.memory_space<vmem>> -> memref<80xi32, #tpu.memory_space<vmem>>
    %dma_wait3A_78 = arith.constant 0 : i32
    %dma_wait3A_79 = arith.constant 0 : i32
    %dma_wait3A_80 = tpu.memref_slice %arg14[%dma_wait3A_78, %dma_wait3A_79] : memref<10240x64xf32, #tpu.memory_space<vmem_shared>> -> memref<10240x64xf32, #tpu.memory_space<vmem_shared>>
    tpu.wait_indirect_dma semaphore(%arg24 : memref<!tpu.dma_semaphore, #tpu.memory_space<semaphore_mem>>) src(%arg13 : memref<80x64xf32, #tpu.memory_space<vmem>>) dst(%dma_wait3A_80 : memref<10240x64xf32, #tpu.memory_space<vmem_shared>>)
    %barrier3A_81 = arith.constant 0 : index
    tpu.barrier barrier_id(%barrier3A_81)
    %mul3A_82 = arith.constant 10240 : i32
    %mul3A_83 = arith.muli %arg0, %mul3A_82 : i32
    %add3A_84 = arith.addi %mul3A_83, %mul3A_2 : i32
    "tpu.region"() ({
      %run_scoped3A = tpu.sem_alloc : memref<!tpu.dma_semaphore, #tpu.memory_space<semaphore_mem>>
      %dma_start3A_85 = arith.constant 0 : i32
      %dma_start3A_86 = tpu.memref_slice %arg6[%add3A_84, %dma_start3A_85] : memref<20480x64xf32, #tpu.memory_space<hbm>> -> memref<640x64xf32, #tpu.memory_space<hbm>>
      %dma_start3A_87 = arith.constant 0 : i32
      %dma_start3A_88 = tpu.memref_slice %arg14[%mul3A_2, %dma_start3A_87] : memref<10240x64xf32, #tpu.memory_space<vmem_shared>> -> memref<640x64xf32, #tpu.memory_space<vmem_shared>>
      tpu.enqueue_dma source(%dma_start3A_88 : memref<640x64xf32, #tpu.memory_space<vmem_shared>>) target(%dma_start3A_86 : memref<640x64xf32, #tpu.memory_space<hbm>>) target_semaphore(%run_scoped3A : memref<!tpu.dma_semaphore, #tpu.memory_space<semaphore_mem>>)
      %dma_wait3A_89 = arith.constant 0 : i32
      %dma_wait3A_90 = tpu.memref_slice %arg6[%add3A_84, %dma_wait3A_89] : memref<20480x64xf32, #tpu.memory_space<hbm>> -> memref<640x64xf32, #tpu.memory_space<hbm>>
      %dma_wait3A_91 = arith.constant 0 : i32
      %dma_wait3A_92 = tpu.memref_slice %arg14[%mul3A_2, %dma_wait3A_91] : memref<10240x64xf32, #tpu.memory_space<vmem_shared>> -> memref<640x64xf32, #tpu.memory_space<vmem_shared>>
      tpu.wait_dma2 semaphore(%run_scoped3A : memref<!tpu.dma_semaphore, #tpu.memory_space<semaphore_mem>>) src(%dma_wait3A_92 : memref<640x64xf32, #tpu.memory_space<vmem_shared>>) dst(%dma_wait3A_90 : memref<640x64xf32, #tpu.memory_space<hbm>>)
      tpu.yield
    }) : () -> ()
    return
  }
}

#map = affine_map<(d0, d1) -> (0, 0)>
#map1 = affine_map<(d0, d1) -> (0, 0, 0)>
module attributes {stable_mosaic.version = 14 : i64} {
  func.func @_scatter_body(%arg0: i32, %arg1: i32, %arg2: memref<40960x64xf32, #tpu.memory_space<hbm>>, %arg3: memref<32x250x80xi32, #tpu.memory_space<hbm>>, %arg4: memref<16x250x80xi32, #tpu.memory_space<hbm>>, %arg5: memref<10240x64xf32, #tpu.memory_space<hbm>>, %arg6: memref<20480x64xf32, #tpu.memory_space<hbm>>, %arg7: memref<250x80xi32, #tpu.memory_space<vmem>>, %arg8: memref<250x80xi32, #tpu.memory_space<vmem>>, %arg9: memref<80x64xf32, #tpu.memory_space<vmem>>, %arg10: memref<80x64xf32, #tpu.memory_space<vmem>>, %arg11: memref<80x64xf32, #tpu.memory_space<vmem>>, %arg12: memref<80x64xf32, #tpu.memory_space<vmem>>, %arg13: memref<80x64xf32, #tpu.memory_space<vmem>>, %arg14: memref<10240x64xf32, #tpu.memory_space<vmem_shared>>, %arg15: memref<!tpu.dma_semaphore, #tpu.memory_space<semaphore_mem>>, %arg16: memref<!tpu.dma_semaphore, #tpu.memory_space<semaphore_mem>>, %arg17: memref<!tpu.dma_semaphore, #tpu.memory_space<semaphore_mem>>, %arg18: memref<!tpu.dma_semaphore, #tpu.memory_space<semaphore_mem>>, %arg19: memref<!tpu.dma_semaphore, #tpu.memory_space<semaphore_mem>>, %arg20: memref<!tpu.dma_semaphore, #tpu.memory_space<semaphore_mem>>, %arg21: memref<!tpu.dma_semaphore, #tpu.memory_space<semaphore_mem>>, %arg22: memref<!tpu.dma_semaphore, #tpu.memory_space<semaphore_mem>>, %arg23: memref<!tpu.dma_semaphore, #tpu.memory_space<semaphore_mem>>, %arg24: memref<!tpu.dma_semaphore, #tpu.memory_space<semaphore_mem>>) attributes {dimension_semantics = [#tpu.dimension_semantics<core_parallel>, #tpu.dimension_semantics<subcore_parallel>], iteration_bounds = array<i64: 2, 16>, scalar_prefetch = 0 : i64, scratch_operands = 18 : i64, tpu.core_type = #tpu.core_type<sc_vector_subcore>, window_params = [{transform_indices = #map}, {transform_indices = #map1}, {transform_indices = #map1}, {transform_indices = #map}, {transform_indices = #map}]} {
    %mul3A = arith.constant 16 : i32
    %mul3A_0 = arith.muli %arg0, %mul3A : i32
    %add3A = arith.addi %mul3A_0, %arg1 : i32
    %mul3A_1 = arith.constant 640 : i32
    %mul3A_2 = arith.muli %arg1, %mul3A_1 : i32
    %dma_start3A = arith.constant 0 : i32
    %dma_start3A_3 = arith.constant 0 : i32
    %dma_start3A_4 = tpu.memref_slice %arg4[%arg1, %dma_start3A, %dma_start3A_3] : memref<16x250x80xi32, #tpu.memory_space<hbm>> -> memref<1x250x80xi32, #tpu.memory_space<hbm>>
    %dma_start3A_5 = tpu.memref_squeeze %dma_start3A_4 : memref<1x250x80xi32, #tpu.memory_space<hbm>> -> memref<250x80xi32, #tpu.memory_space<hbm>>
    %dma_start3A_6 = arith.constant 0 : i32
    %dma_start3A_7 = arith.constant 0 : i32
    %dma_start3A_8 = tpu.memref_slice %arg4[%arg1, %dma_start3A_6, %dma_start3A_7] : memref<16x250x80xi32, #tpu.memory_space<hbm>> -> memref<1x250x80xi32, #tpu.memory_space<hbm>>
    %dma_start3A_9 = tpu.memref_squeeze %dma_start3A_8 : memref<1x250x80xi32, #tpu.memory_space<hbm>> -> memref<250x80xi32, #tpu.memory_space<hbm>>
    tpu.enqueue_dma source(%dma_start3A_9 : memref<250x80xi32, #tpu.memory_space<hbm>>) target(%arg8 : memref<250x80xi32, #tpu.memory_space<vmem>>) target_semaphore(%arg15 : memref<!tpu.dma_semaphore, #tpu.memory_space<semaphore_mem>>)
    %dma_start3A_10 = arith.constant 0 : i32
    %dma_start3A_11 = tpu.memref_slice %arg14[%mul3A_2, %dma_start3A_10] : memref<10240x64xf32, #tpu.memory_space<vmem_shared>> -> memref<640x64xf32, #tpu.memory_space<vmem_shared>>
    %dma_start3A_12 = arith.constant 0 : i32
    %dma_start3A_13 = tpu.memref_slice %arg5[%mul3A_2, %dma_start3A_12] : memref<10240x64xf32, #tpu.memory_space<hbm>> -> memref<640x64xf32, #tpu.memory_space<hbm>>
    tpu.enqueue_dma source(%dma_start3A_13 : memref<640x64xf32, #tpu.memory_space<hbm>>) target(%dma_start3A_11 : memref<640x64xf32, #tpu.memory_space<vmem_shared>>) target_semaphore(%arg16 : memref<!tpu.dma_semaphore, #tpu.memory_space<semaphore_mem>>)
    %dma_start3A_14 = arith.constant 0 : i32
    %dma_start3A_15 = arith.constant 0 : i32
    %dma_start3A_16 = tpu.memref_slice %arg3[%add3A, %dma_start3A_14, %dma_start3A_15] : memref<32x250x80xi32, #tpu.memory_space<hbm>> -> memref<1x250x80xi32, #tpu.memory_space<hbm>>
    %dma_start3A_17 = tpu.memref_squeeze %dma_start3A_16 : memref<1x250x80xi32, #tpu.memory_space<hbm>> -> memref<250x80xi32, #tpu.memory_space<hbm>>
    %dma_start3A_18 = arith.constant 0 : i32
    %dma_start3A_19 = arith.constant 0 : i32
    %dma_start3A_20 = tpu.memref_slice %arg3[%add3A, %dma_start3A_18, %dma_start3A_19] : memref<32x250x80xi32, #tpu.memory_space<hbm>> -> memref<1x250x80xi32, #tpu.memory_space<hbm>>
    %dma_start3A_21 = tpu.memref_squeeze %dma_start3A_20 : memref<1x250x80xi32, #tpu.memory_space<hbm>> -> memref<250x80xi32, #tpu.memory_space<hbm>>
    tpu.enqueue_dma source(%dma_start3A_21 : memref<250x80xi32, #tpu.memory_space<hbm>>) target(%arg7 : memref<250x80xi32, #tpu.memory_space<vmem>>) target_semaphore(%arg17 : memref<!tpu.dma_semaphore, #tpu.memory_space<semaphore_mem>>)
    %dma_wait3A = arith.constant 0 : i32
    %dma_wait3A_22 = arith.constant 0 : i32
    %dma_wait3A_23 = tpu.memref_slice %arg4[%arg1, %dma_wait3A, %dma_wait3A_22] : memref<16x250x80xi32, #tpu.memory_space<hbm>> -> memref<1x250x80xi32, #tpu.memory_space<hbm>>
    %dma_wait3A_24 = tpu.memref_squeeze %dma_wait3A_23 : memref<1x250x80xi32, #tpu.memory_space<hbm>> -> memref<250x80xi32, #tpu.memory_space<hbm>>
    %dma_wait3A_25 = arith.constant 0 : i32
    %dma_wait3A_26 = arith.constant 0 : i32
    %dma_wait3A_27 = tpu.memref_slice %arg4[%arg1, %dma_wait3A_25, %dma_wait3A_26] : memref<16x250x80xi32, #tpu.memory_space<hbm>> -> memref<1x250x80xi32, #tpu.memory_space<hbm>>
    %dma_wait3A_28 = tpu.memref_squeeze %dma_wait3A_27 : memref<1x250x80xi32, #tpu.memory_space<hbm>> -> memref<250x80xi32, #tpu.memory_space<hbm>>
    tpu.wait_dma2 semaphore(%arg15 : memref<!tpu.dma_semaphore, #tpu.memory_space<semaphore_mem>>) src(%dma_wait3A_28 : memref<250x80xi32, #tpu.memory_space<hbm>>) dst(%arg8 : memref<250x80xi32, #tpu.memory_space<vmem>>)
    %dma_wait3A_29 = arith.constant 0 : i32
    %dma_wait3A_30 = tpu.memref_slice %arg14[%mul3A_2, %dma_wait3A_29] : memref<10240x64xf32, #tpu.memory_space<vmem_shared>> -> memref<640x64xf32, #tpu.memory_space<vmem_shared>>
    %dma_wait3A_31 = arith.constant 0 : i32
    %dma_wait3A_32 = tpu.memref_slice %arg5[%mul3A_2, %dma_wait3A_31] : memref<10240x64xf32, #tpu.memory_space<hbm>> -> memref<640x64xf32, #tpu.memory_space<hbm>>
    tpu.wait_dma2 semaphore(%arg16 : memref<!tpu.dma_semaphore, #tpu.memory_space<semaphore_mem>>) src(%dma_wait3A_32 : memref<640x64xf32, #tpu.memory_space<hbm>>) dst(%dma_wait3A_30 : memref<640x64xf32, #tpu.memory_space<vmem_shared>>)
    %dma_wait3A_33 = arith.constant 0 : i32
    %dma_wait3A_34 = arith.constant 0 : i32
    %dma_wait3A_35 = tpu.memref_slice %arg3[%add3A, %dma_wait3A_33, %dma_wait3A_34] : memref<32x250x80xi32, #tpu.memory_space<hbm>> -> memref<1x250x80xi32, #tpu.memory_space<hbm>>
    %dma_wait3A_36 = tpu.memref_squeeze %dma_wait3A_35 : memref<1x250x80xi32, #tpu.memory_space<hbm>> -> memref<250x80xi32, #tpu.memory_space<hbm>>
    %dma_wait3A_37 = arith.constant 0 : i32
    %dma_wait3A_38 = arith.constant 0 : i32
    %dma_wait3A_39 = tpu.memref_slice %arg3[%add3A, %dma_wait3A_37, %dma_wait3A_38] : memref<32x250x80xi32, #tpu.memory_space<hbm>> -> memref<1x250x80xi32, #tpu.memory_space<hbm>>
    %dma_wait3A_40 = tpu.memref_squeeze %dma_wait3A_39 : memref<1x250x80xi32, #tpu.memory_space<hbm>> -> memref<250x80xi32, #tpu.memory_space<hbm>>
    tpu.wait_dma2 semaphore(%arg17 : memref<!tpu.dma_semaphore, #tpu.memory_space<semaphore_mem>>) src(%dma_wait3A_40 : memref<250x80xi32, #tpu.memory_space<hbm>>) dst(%arg7 : memref<250x80xi32, #tpu.memory_space<vmem>>)
    %barrier3A = arith.constant 0 : index
    tpu.barrier barrier_id(%barrier3A)
    %dma_start3A_41 = arith.constant 0 : i32
    %dma_start3A_42 = arith.constant 0 : i32
    %dma_start3A_43 = tpu.memref_slice %arg7[%dma_start3A_41, %dma_start3A_42] : memref<250x80xi32, #tpu.memory_space<vmem>> -> memref<1x80xi32, #tpu.memory_space<vmem>>
    %dma_start3A_44 = tpu.memref_squeeze %dma_start3A_43 : memref<1x80xi32, #tpu.memory_space<vmem>> -> memref<80xi32, #tpu.memory_space<vmem>>
    %dma_start3A_45 = arith.constant 0 : i32
    %dma_start3A_46 = arith.constant 0 : i32
    %dma_start3A_47 = tpu.memref_slice %arg2[%dma_start3A_45, %dma_start3A_46] : memref<40960x64xf32, #tpu.memory_space<hbm>> -> memref<40960x64xf32, #tpu.memory_space<hbm>>
    tpu.enqueue_indirect_dma source(%dma_start3A_47 : memref<40960x64xf32, #tpu.memory_space<hbm>>) target(%arg9 : memref<80x64xf32, #tpu.memory_space<vmem>>) offsets(%dma_start3A_44 : memref<80xi32, #tpu.memory_space<vmem>>) semaphore(%arg15 : memref<!tpu.dma_semaphore, #tpu.memory_space<semaphore_mem>>)
    %dma_start3A_48 = arith.constant 1 : i32
    %dma_start3A_49 = arith.constant 0 : i32
    %dma_start3A_50 = tpu.memref_slice %arg7[%dma_start3A_48, %dma_start3A_49] : memref<250x80xi32, #tpu.memory_space<vmem>> -> memref<1x80xi32, #tpu.memory_space<vmem>>
    %dma_start3A_51 = tpu.memref_squeeze %dma_start3A_50 : memref<1x80xi32, #tpu.memory_space<vmem>> -> memref<80xi32, #tpu.memory_space<vmem>>
    %dma_start3A_52 = arith.constant 0 : i32
    %dma_start3A_53 = arith.constant 0 : i32
    %dma_start3A_54 = tpu.memref_slice %arg2[%dma_start3A_52, %dma_start3A_53] : memref<40960x64xf32, #tpu.memory_space<hbm>> -> memref<40960x64xf32, #tpu.memory_space<hbm>>
    tpu.enqueue_indirect_dma source(%dma_start3A_54 : memref<40960x64xf32, #tpu.memory_space<hbm>>) target(%arg10 : memref<80x64xf32, #tpu.memory_space<vmem>>) offsets(%dma_start3A_51 : memref<80xi32, #tpu.memory_space<vmem>>) semaphore(%arg16 : memref<!tpu.dma_semaphore, #tpu.memory_space<semaphore_mem>>)
    %dma_start3A_55 = arith.constant 2 : i32
    %dma_start3A_56 = arith.constant 0 : i32
    %dma_start3A_57 = tpu.memref_slice %arg7[%dma_start3A_55, %dma_start3A_56] : memref<250x80xi32, #tpu.memory_space<vmem>> -> memref<1x80xi32, #tpu.memory_space<vmem>>
    %dma_start3A_58 = tpu.memref_squeeze %dma_start3A_57 : memref<1x80xi32, #tpu.memory_space<vmem>> -> memref<80xi32, #tpu.memory_space<vmem>>
    %dma_start3A_59 = arith.constant 0 : i32
    %dma_start3A_60 = arith.constant 0 : i32
    %dma_start3A_61 = tpu.memref_slice %arg2[%dma_start3A_59, %dma_start3A_60] : memref<40960x64xf32, #tpu.memory_space<hbm>> -> memref<40960x64xf32, #tpu.memory_space<hbm>>
    tpu.enqueue_indirect_dma source(%dma_start3A_61 : memref<40960x64xf32, #tpu.memory_space<hbm>>) target(%arg11 : memref<80x64xf32, #tpu.memory_space<vmem>>) offsets(%dma_start3A_58 : memref<80xi32, #tpu.memory_space<vmem>>) semaphore(%arg17 : memref<!tpu.dma_semaphore, #tpu.memory_space<semaphore_mem>>)
    %dma_start3A_62 = arith.constant 3 : i32
    %dma_start3A_63 = arith.constant 0 : i32
    %dma_start3A_64 = tpu.memref_slice %arg7[%dma_start3A_62, %dma_start3A_63] : memref<250x80xi32, #tpu.memory_space<vmem>> -> memref<1x80xi32, #tpu.memory_space<vmem>>
    %dma_start3A_65 = tpu.memref_squeeze %dma_start3A_64 : memref<1x80xi32, #tpu.memory_space<vmem>> -> memref<80xi32, #tpu.memory_space<vmem>>
    %dma_start3A_66 = arith.constant 0 : i32
    %dma_start3A_67 = arith.constant 0 : i32
    %dma_start3A_68 = tpu.memref_slice %arg2[%dma_start3A_66, %dma_start3A_67] : memref<40960x64xf32, #tpu.memory_space<hbm>> -> memref<40960x64xf32, #tpu.memory_space<hbm>>
    tpu.enqueue_indirect_dma source(%dma_start3A_68 : memref<40960x64xf32, #tpu.memory_space<hbm>>) target(%arg12 : memref<80x64xf32, #tpu.memory_space<vmem>>) offsets(%dma_start3A_65 : memref<80xi32, #tpu.memory_space<vmem>>) semaphore(%arg18 : memref<!tpu.dma_semaphore, #tpu.memory_space<semaphore_mem>>)
    %scan3A = arith.constant 0 : i32
    %scan3A_69 = arith.constant 0 : i32
    %scan3A_70 = arith.constant 50 : i32
    %scan3A_71 = arith.addi %scan3A_69, %scan3A_70 : i32
    %scan3A_72 = arith.constant 1 : i32
    scf.for %scan3A_85 = %scan3A_69 to %scan3A_71 step %scan3A_72  : i32 {
      %mul3A_86 = arith.constant 5 : i32
      %mul3A_87 = arith.muli %scan3A_85, %mul3A_86 : i32
      %add3A_88 = arith.constant 0 : i32
      %add3A_89 = arith.addi %mul3A_87, %add3A_88 : i32
      %dma_wait3A_90 = arith.constant 0 : i32
      %dma_wait3A_91 = tpu.memref_slice %arg7[%add3A_89, %dma_wait3A_90] : memref<250x80xi32, #tpu.memory_space<vmem>> -> memref<1x80xi32, #tpu.memory_space<vmem>>
      %dma_wait3A_92 = tpu.memref_squeeze %dma_wait3A_91 : memref<1x80xi32, #tpu.memory_space<vmem>> -> memref<80xi32, #tpu.memory_space<vmem>>
      %dma_wait3A_93 = arith.constant 0 : i32
      %dma_wait3A_94 = arith.constant 0 : i32
      %dma_wait3A_95 = tpu.memref_slice %arg2[%dma_wait3A_93, %dma_wait3A_94] : memref<40960x64xf32, #tpu.memory_space<hbm>> -> memref<40960x64xf32, #tpu.memory_space<hbm>>
      tpu.wait_indirect_dma semaphore(%arg15 : memref<!tpu.dma_semaphore, #tpu.memory_space<semaphore_mem>>) src(%dma_wait3A_95 : memref<40960x64xf32, #tpu.memory_space<hbm>>) dst(%arg9 : memref<80x64xf32, #tpu.memory_space<vmem>>)
      %dma_start3A_96 = arith.constant 0 : i32
      %dma_start3A_97 = tpu.memref_slice %arg8[%add3A_89, %dma_start3A_96] : memref<250x80xi32, #tpu.memory_space<vmem>> -> memref<1x80xi32, #tpu.memory_space<vmem>>
      %dma_start3A_98 = tpu.memref_squeeze %dma_start3A_97 : memref<1x80xi32, #tpu.memory_space<vmem>> -> memref<80xi32, #tpu.memory_space<vmem>>
      %dma_start3A_99 = arith.constant 0 : i32
      %dma_start3A_100 = arith.constant 0 : i32
      %dma_start3A_101 = tpu.memref_slice %arg14[%dma_start3A_99, %dma_start3A_100] : memref<10240x64xf32, #tpu.memory_space<vmem_shared>> -> memref<10240x64xf32, #tpu.memory_space<vmem_shared>>
      tpu.enqueue_indirect_dma source(%arg9 : memref<80x64xf32, #tpu.memory_space<vmem>>) target(%dma_start3A_101 : memref<10240x64xf32, #tpu.memory_space<vmem_shared>>) offsets(%dma_start3A_98 : memref<80xi32, #tpu.memory_space<vmem>>) semaphore(%arg20 : memref<!tpu.dma_semaphore, #tpu.memory_space<semaphore_mem>>) {add = true}
      %ge3A = arith.constant 1 : i32
      %ge3A_102 = arith.cmpi sge, %add3A_89, %ge3A : i32
      %convert_element_type3A = arith.extui %ge3A_102 : i1 to i32
      %cond3A = arith.constant 0 : i32
      %cond3A_103 = arith.cmpi ne, %convert_element_type3A, %cond3A : i32
      scf.if %cond3A_103 {
        %dma_wait3A_222 = arith.constant 0 : i32
        %dma_wait3A_223 = tpu.memref_slice %arg8[%add3A_89, %dma_wait3A_222] : memref<250x80xi32, #tpu.memory_space<vmem>> -> memref<1x80xi32, #tpu.memory_space<vmem>>
        %dma_wait3A_224 = tpu.memref_squeeze %dma_wait3A_223 : memref<1x80xi32, #tpu.memory_space<vmem>> -> memref<80xi32, #tpu.memory_space<vmem>>
        %dma_wait3A_225 = arith.constant 0 : i32
        %dma_wait3A_226 = arith.constant 0 : i32
        %dma_wait3A_227 = tpu.memref_slice %arg14[%dma_wait3A_225, %dma_wait3A_226] : memref<10240x64xf32, #tpu.memory_space<vmem_shared>> -> memref<10240x64xf32, #tpu.memory_space<vmem_shared>>
        tpu.wait_indirect_dma semaphore(%arg24 : memref<!tpu.dma_semaphore, #tpu.memory_space<semaphore_mem>>) src(%arg13 : memref<80x64xf32, #tpu.memory_space<vmem>>) dst(%dma_wait3A_227 : memref<10240x64xf32, #tpu.memory_space<vmem_shared>>)
      } else {
      }
      %add3A_104 = arith.constant 4 : i32
      %add3A_105 = arith.addi %add3A_89, %add3A_104 : i32
      %lt3A = arith.constant 250 : i32
      %lt3A_106 = arith.cmpi slt, %add3A_105, %lt3A : i32
      %convert_element_type3A_107 = arith.extui %lt3A_106 : i1 to i32
      %cond3A_108 = arith.constant 0 : i32
      %cond3A_109 = arith.cmpi ne, %convert_element_type3A_107, %cond3A_108 : i32
      scf.if %cond3A_109 {
        %add3A_222 = arith.constant 4 : i32
        %add3A_223 = arith.addi %add3A_89, %add3A_222 : i32
        %dma_start3A_224 = arith.constant 0 : i32
        %dma_start3A_225 = tpu.memref_slice %arg7[%add3A_223, %dma_start3A_224] : memref<250x80xi32, #tpu.memory_space<vmem>> -> memref<1x80xi32, #tpu.memory_space<vmem>>
        %dma_start3A_226 = tpu.memref_squeeze %dma_start3A_225 : memref<1x80xi32, #tpu.memory_space<vmem>> -> memref<80xi32, #tpu.memory_space<vmem>>
        %dma_start3A_227 = arith.constant 0 : i32
        %dma_start3A_228 = arith.constant 0 : i32
        %dma_start3A_229 = tpu.memref_slice %arg2[%dma_start3A_227, %dma_start3A_228] : memref<40960x64xf32, #tpu.memory_space<hbm>> -> memref<40960x64xf32, #tpu.memory_space<hbm>>
        tpu.enqueue_indirect_dma source(%dma_start3A_229 : memref<40960x64xf32, #tpu.memory_space<hbm>>) target(%arg13 : memref<80x64xf32, #tpu.memory_space<vmem>>) offsets(%dma_start3A_226 : memref<80xi32, #tpu.memory_space<vmem>>) semaphore(%arg19 : memref<!tpu.dma_semaphore, #tpu.memory_space<semaphore_mem>>)
      } else {
      }
      %mul3A_110 = arith.constant 5 : i32
      %mul3A_111 = arith.muli %scan3A_85, %mul3A_110 : i32
      %add3A_112 = arith.constant 1 : i32
      %add3A_113 = arith.addi %mul3A_111, %add3A_112 : i32
      %dma_wait3A_114 = arith.constant 0 : i32
      %dma_wait3A_115 = tpu.memref_slice %arg7[%add3A_113, %dma_wait3A_114] : memref<250x80xi32, #tpu.memory_space<vmem>> -> memref<1x80xi32, #tpu.memory_space<vmem>>
      %dma_wait3A_116 = tpu.memref_squeeze %dma_wait3A_115 : memref<1x80xi32, #tpu.memory_space<vmem>> -> memref<80xi32, #tpu.memory_space<vmem>>
      %dma_wait3A_117 = arith.constant 0 : i32
      %dma_wait3A_118 = arith.constant 0 : i32
      %dma_wait3A_119 = tpu.memref_slice %arg2[%dma_wait3A_117, %dma_wait3A_118] : memref<40960x64xf32, #tpu.memory_space<hbm>> -> memref<40960x64xf32, #tpu.memory_space<hbm>>
      tpu.wait_indirect_dma semaphore(%arg16 : memref<!tpu.dma_semaphore, #tpu.memory_space<semaphore_mem>>) src(%dma_wait3A_119 : memref<40960x64xf32, #tpu.memory_space<hbm>>) dst(%arg10 : memref<80x64xf32, #tpu.memory_space<vmem>>)
      %dma_start3A_120 = arith.constant 0 : i32
      %dma_start3A_121 = tpu.memref_slice %arg8[%add3A_113, %dma_start3A_120] : memref<250x80xi32, #tpu.memory_space<vmem>> -> memref<1x80xi32, #tpu.memory_space<vmem>>
      %dma_start3A_122 = tpu.memref_squeeze %dma_start3A_121 : memref<1x80xi32, #tpu.memory_space<vmem>> -> memref<80xi32, #tpu.memory_space<vmem>>
      %dma_start3A_123 = arith.constant 0 : i32
      %dma_start3A_124 = arith.constant 0 : i32
      %dma_start3A_125 = tpu.memref_slice %arg14[%dma_start3A_123, %dma_start3A_124] : memref<10240x64xf32, #tpu.memory_space<vmem_shared>> -> memref<10240x64xf32, #tpu.memory_space<vmem_shared>>
      tpu.enqueue_indirect_dma source(%arg10 : memref<80x64xf32, #tpu.memory_space<vmem>>) target(%dma_start3A_125 : memref<10240x64xf32, #tpu.memory_space<vmem_shared>>) offsets(%dma_start3A_122 : memref<80xi32, #tpu.memory_space<vmem>>) semaphore(%arg21 : memref<!tpu.dma_semaphore, #tpu.memory_space<semaphore_mem>>) {add = true}
      %ge3A_126 = arith.constant 1 : i32
      %ge3A_127 = arith.cmpi sge, %add3A_113, %ge3A_126 : i32
      %convert_element_type3A_128 = arith.extui %ge3A_127 : i1 to i32
      %cond3A_129 = arith.constant 0 : i32
      %cond3A_130 = arith.cmpi ne, %convert_element_type3A_128, %cond3A_129 : i32
      scf.if %cond3A_130 {
        %dma_wait3A_222 = arith.constant 0 : i32
        %dma_wait3A_223 = tpu.memref_slice %arg8[%add3A_113, %dma_wait3A_222] : memref<250x80xi32, #tpu.memory_space<vmem>> -> memref<1x80xi32, #tpu.memory_space<vmem>>
        %dma_wait3A_224 = tpu.memref_squeeze %dma_wait3A_223 : memref<1x80xi32, #tpu.memory_space<vmem>> -> memref<80xi32, #tpu.memory_space<vmem>>
        %dma_wait3A_225 = arith.constant 0 : i32
        %dma_wait3A_226 = arith.constant 0 : i32
        %dma_wait3A_227 = tpu.memref_slice %arg14[%dma_wait3A_225, %dma_wait3A_226] : memref<10240x64xf32, #tpu.memory_space<vmem_shared>> -> memref<10240x64xf32, #tpu.memory_space<vmem_shared>>
        tpu.wait_indirect_dma semaphore(%arg20 : memref<!tpu.dma_semaphore, #tpu.memory_space<semaphore_mem>>) src(%arg9 : memref<80x64xf32, #tpu.memory_space<vmem>>) dst(%dma_wait3A_227 : memref<10240x64xf32, #tpu.memory_space<vmem_shared>>)
      } else {
      }
      %add3A_131 = arith.constant 4 : i32
      %add3A_132 = arith.addi %add3A_113, %add3A_131 : i32
      %lt3A_133 = arith.constant 250 : i32
      %lt3A_134 = arith.cmpi slt, %add3A_132, %lt3A_133 : i32
      %convert_element_type3A_135 = arith.extui %lt3A_134 : i1 to i32
      %cond3A_136 = arith.constant 0 : i32
      %cond3A_137 = arith.cmpi ne, %convert_element_type3A_135, %cond3A_136 : i32
      scf.if %cond3A_137 {
        %add3A_222 = arith.constant 4 : i32
        %add3A_223 = arith.addi %add3A_113, %add3A_222 : i32
        %dma_start3A_224 = arith.constant 0 : i32
        %dma_start3A_225 = tpu.memref_slice %arg7[%add3A_223, %dma_start3A_224] : memref<250x80xi32, #tpu.memory_space<vmem>> -> memref<1x80xi32, #tpu.memory_space<vmem>>
        %dma_start3A_226 = tpu.memref_squeeze %dma_start3A_225 : memref<1x80xi32, #tpu.memory_space<vmem>> -> memref<80xi32, #tpu.memory_space<vmem>>
        %dma_start3A_227 = arith.constant 0 : i32
        %dma_start3A_228 = arith.constant 0 : i32
        %dma_start3A_229 = tpu.memref_slice %arg2[%dma_start3A_227, %dma_start3A_228] : memref<40960x64xf32, #tpu.memory_space<hbm>> -> memref<40960x64xf32, #tpu.memory_space<hbm>>
        tpu.enqueue_indirect_dma source(%dma_start3A_229 : memref<40960x64xf32, #tpu.memory_space<hbm>>) target(%arg9 : memref<80x64xf32, #tpu.memory_space<vmem>>) offsets(%dma_start3A_226 : memref<80xi32, #tpu.memory_space<vmem>>) semaphore(%arg15 : memref<!tpu.dma_semaphore, #tpu.memory_space<semaphore_mem>>)
      } else {
      }
      %mul3A_138 = arith.constant 5 : i32
      %mul3A_139 = arith.muli %scan3A_85, %mul3A_138 : i32
      %add3A_140 = arith.constant 2 : i32
      %add3A_141 = arith.addi %mul3A_139, %add3A_140 : i32
      %dma_wait3A_142 = arith.constant 0 : i32
      %dma_wait3A_143 = tpu.memref_slice %arg7[%add3A_141, %dma_wait3A_142] : memref<250x80xi32, #tpu.memory_space<vmem>> -> memref<1x80xi32, #tpu.memory_space<vmem>>
      %dma_wait3A_144 = tpu.memref_squeeze %dma_wait3A_143 : memref<1x80xi32, #tpu.memory_space<vmem>> -> memref<80xi32, #tpu.memory_space<vmem>>
      %dma_wait3A_145 = arith.constant 0 : i32
      %dma_wait3A_146 = arith.constant 0 : i32
      %dma_wait3A_147 = tpu.memref_slice %arg2[%dma_wait3A_145, %dma_wait3A_146] : memref<40960x64xf32, #tpu.memory_space<hbm>> -> memref<40960x64xf32, #tpu.memory_space<hbm>>
      tpu.wait_indirect_dma semaphore(%arg17 : memref<!tpu.dma_semaphore, #tpu.memory_space<semaphore_mem>>) src(%dma_wait3A_147 : memref<40960x64xf32, #tpu.memory_space<hbm>>) dst(%arg11 : memref<80x64xf32, #tpu.memory_space<vmem>>)
      %dma_start3A_148 = arith.constant 0 : i32
      %dma_start3A_149 = tpu.memref_slice %arg8[%add3A_141, %dma_start3A_148] : memref<250x80xi32, #tpu.memory_space<vmem>> -> memref<1x80xi32, #tpu.memory_space<vmem>>
      %dma_start3A_150 = tpu.memref_squeeze %dma_start3A_149 : memref<1x80xi32, #tpu.memory_space<vmem>> -> memref<80xi32, #tpu.memory_space<vmem>>
      %dma_start3A_151 = arith.constant 0 : i32
      %dma_start3A_152 = arith.constant 0 : i32
      %dma_start3A_153 = tpu.memref_slice %arg14[%dma_start3A_151, %dma_start3A_152] : memref<10240x64xf32, #tpu.memory_space<vmem_shared>> -> memref<10240x64xf32, #tpu.memory_space<vmem_shared>>
      tpu.enqueue_indirect_dma source(%arg11 : memref<80x64xf32, #tpu.memory_space<vmem>>) target(%dma_start3A_153 : memref<10240x64xf32, #tpu.memory_space<vmem_shared>>) offsets(%dma_start3A_150 : memref<80xi32, #tpu.memory_space<vmem>>) semaphore(%arg22 : memref<!tpu.dma_semaphore, #tpu.memory_space<semaphore_mem>>) {add = true}
      %ge3A_154 = arith.constant 1 : i32
      %ge3A_155 = arith.cmpi sge, %add3A_141, %ge3A_154 : i32
      %convert_element_type3A_156 = arith.extui %ge3A_155 : i1 to i32
      %cond3A_157 = arith.constant 0 : i32
      %cond3A_158 = arith.cmpi ne, %convert_element_type3A_156, %cond3A_157 : i32
      scf.if %cond3A_158 {
        %dma_wait3A_222 = arith.constant 0 : i32
        %dma_wait3A_223 = tpu.memref_slice %arg8[%add3A_141, %dma_wait3A_222] : memref<250x80xi32, #tpu.memory_space<vmem>> -> memref<1x80xi32, #tpu.memory_space<vmem>>
        %dma_wait3A_224 = tpu.memref_squeeze %dma_wait3A_223 : memref<1x80xi32, #tpu.memory_space<vmem>> -> memref<80xi32, #tpu.memory_space<vmem>>
        %dma_wait3A_225 = arith.constant 0 : i32
        %dma_wait3A_226 = arith.constant 0 : i32
        %dma_wait3A_227 = tpu.memref_slice %arg14[%dma_wait3A_225, %dma_wait3A_226] : memref<10240x64xf32, #tpu.memory_space<vmem_shared>> -> memref<10240x64xf32, #tpu.memory_space<vmem_shared>>
        tpu.wait_indirect_dma semaphore(%arg21 : memref<!tpu.dma_semaphore, #tpu.memory_space<semaphore_mem>>) src(%arg10 : memref<80x64xf32, #tpu.memory_space<vmem>>) dst(%dma_wait3A_227 : memref<10240x64xf32, #tpu.memory_space<vmem_shared>>)
      } else {
      }
      %add3A_159 = arith.constant 4 : i32
      %add3A_160 = arith.addi %add3A_141, %add3A_159 : i32
      %lt3A_161 = arith.constant 250 : i32
      %lt3A_162 = arith.cmpi slt, %add3A_160, %lt3A_161 : i32
      %convert_element_type3A_163 = arith.extui %lt3A_162 : i1 to i32
      %cond3A_164 = arith.constant 0 : i32
      %cond3A_165 = arith.cmpi ne, %convert_element_type3A_163, %cond3A_164 : i32
      scf.if %cond3A_165 {
        %add3A_222 = arith.constant 4 : i32
        %add3A_223 = arith.addi %add3A_141, %add3A_222 : i32
        %dma_start3A_224 = arith.constant 0 : i32
        %dma_start3A_225 = tpu.memref_slice %arg7[%add3A_223, %dma_start3A_224] : memref<250x80xi32, #tpu.memory_space<vmem>> -> memref<1x80xi32, #tpu.memory_space<vmem>>
        %dma_start3A_226 = tpu.memref_squeeze %dma_start3A_225 : memref<1x80xi32, #tpu.memory_space<vmem>> -> memref<80xi32, #tpu.memory_space<vmem>>
        %dma_start3A_227 = arith.constant 0 : i32
        %dma_start3A_228 = arith.constant 0 : i32
        %dma_start3A_229 = tpu.memref_slice %arg2[%dma_start3A_227, %dma_start3A_228] : memref<40960x64xf32, #tpu.memory_space<hbm>> -> memref<40960x64xf32, #tpu.memory_space<hbm>>
        tpu.enqueue_indirect_dma source(%dma_start3A_229 : memref<40960x64xf32, #tpu.memory_space<hbm>>) target(%arg10 : memref<80x64xf32, #tpu.memory_space<vmem>>) offsets(%dma_start3A_226 : memref<80xi32, #tpu.memory_space<vmem>>) semaphore(%arg16 : memref<!tpu.dma_semaphore, #tpu.memory_space<semaphore_mem>>)
      } else {
      }
      %mul3A_166 = arith.constant 5 : i32
      %mul3A_167 = arith.muli %scan3A_85, %mul3A_166 : i32
      %add3A_168 = arith.constant 3 : i32
      %add3A_169 = arith.addi %mul3A_167, %add3A_168 : i32
      %dma_wait3A_170 = arith.constant 0 : i32
      %dma_wait3A_171 = tpu.memref_slice %arg7[%add3A_169, %dma_wait3A_170] : memref<250x80xi32, #tpu.memory_space<vmem>> -> memref<1x80xi32, #tpu.memory_space<vmem>>
      %dma_wait3A_172 = tpu.memref_squeeze %dma_wait3A_171 : memref<1x80xi32, #tpu.memory_space<vmem>> -> memref<80xi32, #tpu.memory_space<vmem>>
      %dma_wait3A_173 = arith.constant 0 : i32
      %dma_wait3A_174 = arith.constant 0 : i32
      %dma_wait3A_175 = tpu.memref_slice %arg2[%dma_wait3A_173, %dma_wait3A_174] : memref<40960x64xf32, #tpu.memory_space<hbm>> -> memref<40960x64xf32, #tpu.memory_space<hbm>>
      tpu.wait_indirect_dma semaphore(%arg18 : memref<!tpu.dma_semaphore, #tpu.memory_space<semaphore_mem>>) src(%dma_wait3A_175 : memref<40960x64xf32, #tpu.memory_space<hbm>>) dst(%arg12 : memref<80x64xf32, #tpu.memory_space<vmem>>)
      %dma_start3A_176 = arith.constant 0 : i32
      %dma_start3A_177 = tpu.memref_slice %arg8[%add3A_169, %dma_start3A_176] : memref<250x80xi32, #tpu.memory_space<vmem>> -> memref<1x80xi32, #tpu.memory_space<vmem>>
      %dma_start3A_178 = tpu.memref_squeeze %dma_start3A_177 : memref<1x80xi32, #tpu.memory_space<vmem>> -> memref<80xi32, #tpu.memory_space<vmem>>
      %dma_start3A_179 = arith.constant 0 : i32
      %dma_start3A_180 = arith.constant 0 : i32
      %dma_start3A_181 = tpu.memref_slice %arg14[%dma_start3A_179, %dma_start3A_180] : memref<10240x64xf32, #tpu.memory_space<vmem_shared>> -> memref<10240x64xf32, #tpu.memory_space<vmem_shared>>
      tpu.enqueue_indirect_dma source(%arg12 : memref<80x64xf32, #tpu.memory_space<vmem>>) target(%dma_start3A_181 : memref<10240x64xf32, #tpu.memory_space<vmem_shared>>) offsets(%dma_start3A_178 : memref<80xi32, #tpu.memory_space<vmem>>) semaphore(%arg23 : memref<!tpu.dma_semaphore, #tpu.memory_space<semaphore_mem>>) {add = true}
      %ge3A_182 = arith.constant 1 : i32
      %ge3A_183 = arith.cmpi sge, %add3A_169, %ge3A_182 : i32
      %convert_element_type3A_184 = arith.extui %ge3A_183 : i1 to i32
      %cond3A_185 = arith.constant 0 : i32
      %cond3A_186 = arith.cmpi ne, %convert_element_type3A_184, %cond3A_185 : i32
      scf.if %cond3A_186 {
        %dma_wait3A_222 = arith.constant 0 : i32
        %dma_wait3A_223 = tpu.memref_slice %arg8[%add3A_169, %dma_wait3A_222] : memref<250x80xi32, #tpu.memory_space<vmem>> -> memref<1x80xi32, #tpu.memory_space<vmem>>
        %dma_wait3A_224 = tpu.memref_squeeze %dma_wait3A_223 : memref<1x80xi32, #tpu.memory_space<vmem>> -> memref<80xi32, #tpu.memory_space<vmem>>
        %dma_wait3A_225 = arith.constant 0 : i32
        %dma_wait3A_226 = arith.constant 0 : i32
        %dma_wait3A_227 = tpu.memref_slice %arg14[%dma_wait3A_225, %dma_wait3A_226] : memref<10240x64xf32, #tpu.memory_space<vmem_shared>> -> memref<10240x64xf32, #tpu.memory_space<vmem_shared>>
        tpu.wait_indirect_dma semaphore(%arg22 : memref<!tpu.dma_semaphore, #tpu.memory_space<semaphore_mem>>) src(%arg11 : memref<80x64xf32, #tpu.memory_space<vmem>>) dst(%dma_wait3A_227 : memref<10240x64xf32, #tpu.memory_space<vmem_shared>>)
      } else {
      }
      %add3A_187 = arith.constant 4 : i32
      %add3A_188 = arith.addi %add3A_169, %add3A_187 : i32
      %lt3A_189 = arith.constant 250 : i32
      %lt3A_190 = arith.cmpi slt, %add3A_188, %lt3A_189 : i32
      %convert_element_type3A_191 = arith.extui %lt3A_190 : i1 to i32
      %cond3A_192 = arith.constant 0 : i32
      %cond3A_193 = arith.cmpi ne, %convert_element_type3A_191, %cond3A_192 : i32
      scf.if %cond3A_193 {
        %add3A_222 = arith.constant 4 : i32
        %add3A_223 = arith.addi %add3A_169, %add3A_222 : i32
        %dma_start3A_224 = arith.constant 0 : i32
        %dma_start3A_225 = tpu.memref_slice %arg7[%add3A_223, %dma_start3A_224] : memref<250x80xi32, #tpu.memory_space<vmem>> -> memref<1x80xi32, #tpu.memory_space<vmem>>
        %dma_start3A_226 = tpu.memref_squeeze %dma_start3A_225 : memref<1x80xi32, #tpu.memory_space<vmem>> -> memref<80xi32, #tpu.memory_space<vmem>>
        %dma_start3A_227 = arith.constant 0 : i32
        %dma_start3A_228 = arith.constant 0 : i32
        %dma_start3A_229 = tpu.memref_slice %arg2[%dma_start3A_227, %dma_start3A_228] : memref<40960x64xf32, #tpu.memory_space<hbm>> -> memref<40960x64xf32, #tpu.memory_space<hbm>>
        tpu.enqueue_indirect_dma source(%dma_start3A_229 : memref<40960x64xf32, #tpu.memory_space<hbm>>) target(%arg11 : memref<80x64xf32, #tpu.memory_space<vmem>>) offsets(%dma_start3A_226 : memref<80xi32, #tpu.memory_space<vmem>>) semaphore(%arg17 : memref<!tpu.dma_semaphore, #tpu.memory_space<semaphore_mem>>)
      } else {
      }
      %mul3A_194 = arith.constant 5 : i32
      %mul3A_195 = arith.muli %scan3A_85, %mul3A_194 : i32
      %add3A_196 = arith.constant 4 : i32
      %add3A_197 = arith.addi %mul3A_195, %add3A_196 : i32
      %dma_wait3A_198 = arith.constant 0 : i32
      %dma_wait3A_199 = tpu.memref_slice %arg7[%add3A_197, %dma_wait3A_198] : memref<250x80xi32, #tpu.memory_space<vmem>> -> memref<1x80xi32, #tpu.memory_space<vmem>>
      %dma_wait3A_200 = tpu.memref_squeeze %dma_wait3A_199 : memref<1x80xi32, #tpu.memory_space<vmem>> -> memref<80xi32, #tpu.memory_space<vmem>>
      %dma_wait3A_201 = arith.constant 0 : i32
      %dma_wait3A_202 = arith.constant 0 : i32
      %dma_wait3A_203 = tpu.memref_slice %arg2[%dma_wait3A_201, %dma_wait3A_202] : memref<40960x64xf32, #tpu.memory_space<hbm>> -> memref<40960x64xf32, #tpu.memory_space<hbm>>
      tpu.wait_indirect_dma semaphore(%arg19 : memref<!tpu.dma_semaphore, #tpu.memory_space<semaphore_mem>>) src(%dma_wait3A_203 : memref<40960x64xf32, #tpu.memory_space<hbm>>) dst(%arg13 : memref<80x64xf32, #tpu.memory_space<vmem>>)
      %dma_start3A_204 = arith.constant 0 : i32
      %dma_start3A_205 = tpu.memref_slice %arg8[%add3A_197, %dma_start3A_204] : memref<250x80xi32, #tpu.memory_space<vmem>> -> memref<1x80xi32, #tpu.memory_space<vmem>>
      %dma_start3A_206 = tpu.memref_squeeze %dma_start3A_205 : memref<1x80xi32, #tpu.memory_space<vmem>> -> memref<80xi32, #tpu.memory_space<vmem>>
      %dma_start3A_207 = arith.constant 0 : i32
      %dma_start3A_208 = arith.constant 0 : i32
      %dma_start3A_209 = tpu.memref_slice %arg14[%dma_start3A_207, %dma_start3A_208] : memref<10240x64xf32, #tpu.memory_space<vmem_shared>> -> memref<10240x64xf32, #tpu.memory_space<vmem_shared>>
      tpu.enqueue_indirect_dma source(%arg13 : memref<80x64xf32, #tpu.memory_space<vmem>>) target(%dma_start3A_209 : memref<10240x64xf32, #tpu.memory_space<vmem_shared>>) offsets(%dma_start3A_206 : memref<80xi32, #tpu.memory_space<vmem>>) semaphore(%arg24 : memref<!tpu.dma_semaphore, #tpu.memory_space<semaphore_mem>>) {add = true}
      %ge3A_210 = arith.constant 1 : i32
      %ge3A_211 = arith.cmpi sge, %add3A_197, %ge3A_210 : i32
      %convert_element_type3A_212 = arith.extui %ge3A_211 : i1 to i32
      %cond3A_213 = arith.constant 0 : i32
      %cond3A_214 = arith.cmpi ne, %convert_element_type3A_212, %cond3A_213 : i32
      scf.if %cond3A_214 {
        %dma_wait3A_222 = arith.constant 0 : i32
        %dma_wait3A_223 = tpu.memref_slice %arg8[%add3A_197, %dma_wait3A_222] : memref<250x80xi32, #tpu.memory_space<vmem>> -> memref<1x80xi32, #tpu.memory_space<vmem>>
        %dma_wait3A_224 = tpu.memref_squeeze %dma_wait3A_223 : memref<1x80xi32, #tpu.memory_space<vmem>> -> memref<80xi32, #tpu.memory_space<vmem>>
        %dma_wait3A_225 = arith.constant 0 : i32
        %dma_wait3A_226 = arith.constant 0 : i32
        %dma_wait3A_227 = tpu.memref_slice %arg14[%dma_wait3A_225, %dma_wait3A_226] : memref<10240x64xf32, #tpu.memory_space<vmem_shared>> -> memref<10240x64xf32, #tpu.memory_space<vmem_shared>>
        tpu.wait_indirect_dma semaphore(%arg23 : memref<!tpu.dma_semaphore, #tpu.memory_space<semaphore_mem>>) src(%arg12 : memref<80x64xf32, #tpu.memory_space<vmem>>) dst(%dma_wait3A_227 : memref<10240x64xf32, #tpu.memory_space<vmem_shared>>)
      } else {
      }
      %add3A_215 = arith.constant 4 : i32
      %add3A_216 = arith.addi %add3A_197, %add3A_215 : i32
      %lt3A_217 = arith.constant 250 : i32
      %lt3A_218 = arith.cmpi slt, %add3A_216, %lt3A_217 : i32
      %convert_element_type3A_219 = arith.extui %lt3A_218 : i1 to i32
      %cond3A_220 = arith.constant 0 : i32
      %cond3A_221 = arith.cmpi ne, %convert_element_type3A_219, %cond3A_220 : i32
      scf.if %cond3A_221 {
        %add3A_222 = arith.constant 4 : i32
        %add3A_223 = arith.addi %add3A_197, %add3A_222 : i32
        %dma_start3A_224 = arith.constant 0 : i32
        %dma_start3A_225 = tpu.memref_slice %arg7[%add3A_223, %dma_start3A_224] : memref<250x80xi32, #tpu.memory_space<vmem>> -> memref<1x80xi32, #tpu.memory_space<vmem>>
        %dma_start3A_226 = tpu.memref_squeeze %dma_start3A_225 : memref<1x80xi32, #tpu.memory_space<vmem>> -> memref<80xi32, #tpu.memory_space<vmem>>
        %dma_start3A_227 = arith.constant 0 : i32
        %dma_start3A_228 = arith.constant 0 : i32
        %dma_start3A_229 = tpu.memref_slice %arg2[%dma_start3A_227, %dma_start3A_228] : memref<40960x64xf32, #tpu.memory_space<hbm>> -> memref<40960x64xf32, #tpu.memory_space<hbm>>
        tpu.enqueue_indirect_dma source(%dma_start3A_229 : memref<40960x64xf32, #tpu.memory_space<hbm>>) target(%arg12 : memref<80x64xf32, #tpu.memory_space<vmem>>) offsets(%dma_start3A_226 : memref<80xi32, #tpu.memory_space<vmem>>) semaphore(%arg18 : memref<!tpu.dma_semaphore, #tpu.memory_space<semaphore_mem>>)
      } else {
      }
    }
    %scan3A_73 = arith.constant 50 : i32
    %dma_wait3A_74 = arith.constant 0 : i32
    %dma_wait3A_75 = arith.constant 0 : i32
    %dma_wait3A_76 = tpu.memref_slice %arg8[%dma_wait3A_74, %dma_wait3A_75] : memref<250x80xi32, #tpu.memory_space<vmem>> -> memref<1x80xi32, #tpu.memory_space<vmem>>
    %dma_wait3A_77 = tpu.memref_squeeze %dma_wait3A_76 : memref<1x80xi32, #tpu.memory_space<vmem>> -> memref<80xi32, #tpu.memory_space<vmem>>
    %dma_wait3A_78 = arith.constant 0 : i32
    %dma_wait3A_79 = arith.constant 0 : i32
    %dma_wait3A_80 = tpu.memref_slice %arg14[%dma_wait3A_78, %dma_wait3A_79] : memref<10240x64xf32, #tpu.memory_space<vmem_shared>> -> memref<10240x64xf32, #tpu.memory_space<vmem_shared>>
    tpu.wait_indirect_dma semaphore(%arg24 : memref<!tpu.dma_semaphore, #tpu.memory_space<semaphore_mem>>) src(%arg13 : memref<80x64xf32, #tpu.memory_space<vmem>>) dst(%dma_wait3A_80 : memref<10240x64xf32, #tpu.memory_space<vmem_shared>>)
    %barrier3A_81 = arith.constant 0 : index
    tpu.barrier barrier_id(%barrier3A_81)
    %mul3A_82 = arith.constant 10240 : i32
    %mul3A_83 = arith.muli %arg0, %mul3A_82 : i32
    %add3A_84 = arith.addi %mul3A_83, %mul3A_2 : i32
    "tpu.region"() ({
      %run_scoped3A = tpu.sem_alloc : memref<!tpu.dma_semaphore, #tpu.memory_space<semaphore_mem>>
      %dma_start3A_85 = arith.constant 0 : i32
      %dma_start3A_86 = tpu.memref_slice %arg6[%add3A_84, %dma_start3A_85] : memref<20480x64xf32, #tpu.memory_space<hbm>> -> memref<640x64xf32, #tpu.memory_space<hbm>>
      %dma_start3A_87 = arith.constant 0 : i32
      %dma_start3A_88 = tpu.memref_slice %arg14[%mul3A_2, %dma_start3A_87] : memref<10240x64xf32, #tpu.memory_space<vmem_shared>> -> memref<640x64xf32, #tpu.memory_space<vmem_shared>>
      tpu.enqueue_dma source(%dma_start3A_88 : memref<640x64xf32, #tpu.memory_space<vmem_shared>>) target(%dma_start3A_86 : memref<640x64xf32, #tpu.memory_space<hbm>>) target_semaphore(%run_scoped3A : memref<!tpu.dma_semaphore, #tpu.memory_space<semaphore_mem>>)
      %dma_wait3A_89 = arith.constant 0 : i32
      %dma_wait3A_90 = tpu.memref_slice %arg6[%add3A_84, %dma_wait3A_89] : memref<20480x64xf32, #tpu.memory_space<hbm>> -> memref<640x64xf32, #tpu.memory_space<hbm>>
      %dma_wait3A_91 = arith.constant 0 : i32
      %dma_wait3A_92 = tpu.memref_slice %arg14[%mul3A_2, %dma_wait3A_91] : memref<10240x64xf32, #tpu.memory_space<vmem_shared>> -> memref<640x64xf32, #tpu.memory_space<vmem_shared>>
      tpu.wait_dma2 semaphore(%run_scoped3A : memref<!tpu.dma_semaphore, #tpu.memory_space<semaphore_mem>>) src(%dma_wait3A_92 : memref<640x64xf32, #tpu.memory_space<vmem_shared>>) dst(%dma_wait3A_90 : memref<640x64xf32, #tpu.memory_space<hbm>>)
      tpu.yield
    }) : () -> ()
    return
  }
}

#map = affine_map<(d0, d1) -> (0, 0)>
#map1 = affine_map<(d0, d1) -> (0, 0, 0)>
module attributes {stable_mosaic.version = 14 : i64} {
  func.func @_scatter_body(%arg0: i32, %arg1: i32, %arg2: memref<40960x64xf32, #tpu.memory_space<hbm>>, %arg3: memref<32x250x80xi32, #tpu.memory_space<hbm>>, %arg4: memref<16x250x80xi32, #tpu.memory_space<hbm>>, %arg5: memref<10240x64xf32, #tpu.memory_space<hbm>>, %arg6: memref<20480x64xf32, #tpu.memory_space<hbm>>, %arg7: memref<250x80xi32, #tpu.memory_space<vmem>>, %arg8: memref<250x80xi32, #tpu.memory_space<vmem>>, %arg9: memref<80x64xf32, #tpu.memory_space<vmem>>, %arg10: memref<80x64xf32, #tpu.memory_space<vmem>>, %arg11: memref<80x64xf32, #tpu.memory_space<vmem>>, %arg12: memref<80x64xf32, #tpu.memory_space<vmem>>, %arg13: memref<80x64xf32, #tpu.memory_space<vmem>>, %arg14: memref<10240x64xf32, #tpu.memory_space<vmem_shared>>, %arg15: memref<!tpu.dma_semaphore, #tpu.memory_space<semaphore_mem>>, %arg16: memref<!tpu.dma_semaphore, #tpu.memory_space<semaphore_mem>>, %arg17: memref<!tpu.dma_semaphore, #tpu.memory_space<semaphore_mem>>, %arg18: memref<!tpu.dma_semaphore, #tpu.memory_space<semaphore_mem>>, %arg19: memref<!tpu.dma_semaphore, #tpu.memory_space<semaphore_mem>>, %arg20: memref<!tpu.dma_semaphore, #tpu.memory_space<semaphore_mem>>, %arg21: memref<!tpu.dma_semaphore, #tpu.memory_space<semaphore_mem>>, %arg22: memref<!tpu.dma_semaphore, #tpu.memory_space<semaphore_mem>>, %arg23: memref<!tpu.dma_semaphore, #tpu.memory_space<semaphore_mem>>, %arg24: memref<!tpu.dma_semaphore, #tpu.memory_space<semaphore_mem>>) attributes {dimension_semantics = [#tpu.dimension_semantics<core_parallel>, #tpu.dimension_semantics<subcore_parallel>], iteration_bounds = array<i64: 2, 16>, scalar_prefetch = 0 : i64, scratch_operands = 18 : i64, tpu.core_type = #tpu.core_type<sc_vector_subcore>, window_params = [{transform_indices = #map}, {transform_indices = #map1}, {transform_indices = #map1}, {transform_indices = #map}, {transform_indices = #map}]} {
    %mul3A = arith.constant 16 : i32
    %mul3A_0 = arith.muli %arg0, %mul3A : i32
    %add3A = arith.addi %mul3A_0, %arg1 : i32
    %mul3A_1 = arith.constant 640 : i32
    %mul3A_2 = arith.muli %arg1, %mul3A_1 : i32
    %dma_start3A = arith.constant 0 : i32
    %dma_start3A_3 = arith.constant 0 : i32
    %dma_start3A_4 = tpu.memref_slice %arg4[%arg1, %dma_start3A, %dma_start3A_3] : memref<16x250x80xi32, #tpu.memory_space<hbm>> -> memref<1x250x80xi32, #tpu.memory_space<hbm>>
    %dma_start3A_5 = tpu.memref_squeeze %dma_start3A_4 : memref<1x250x80xi32, #tpu.memory_space<hbm>> -> memref<250x80xi32, #tpu.memory_space<hbm>>
    %dma_start3A_6 = arith.constant 0 : i32
    %dma_start3A_7 = arith.constant 0 : i32
    %dma_start3A_8 = tpu.memref_slice %arg4[%arg1, %dma_start3A_6, %dma_start3A_7] : memref<16x250x80xi32, #tpu.memory_space<hbm>> -> memref<1x250x80xi32, #tpu.memory_space<hbm>>
    %dma_start3A_9 = tpu.memref_squeeze %dma_start3A_8 : memref<1x250x80xi32, #tpu.memory_space<hbm>> -> memref<250x80xi32, #tpu.memory_space<hbm>>
    tpu.enqueue_dma source(%dma_start3A_9 : memref<250x80xi32, #tpu.memory_space<hbm>>) target(%arg8 : memref<250x80xi32, #tpu.memory_space<vmem>>) target_semaphore(%arg15 : memref<!tpu.dma_semaphore, #tpu.memory_space<semaphore_mem>>)
    %dma_start3A_10 = arith.constant 0 : i32
    %dma_start3A_11 = tpu.memref_slice %arg14[%mul3A_2, %dma_start3A_10] : memref<10240x64xf32, #tpu.memory_space<vmem_shared>> -> memref<640x64xf32, #tpu.memory_space<vmem_shared>>
    %dma_start3A_12 = arith.constant 0 : i32
    %dma_start3A_13 = tpu.memref_slice %arg5[%mul3A_2, %dma_start3A_12] : memref<10240x64xf32, #tpu.memory_space<hbm>> -> memref<640x64xf32, #tpu.memory_space<hbm>>
    tpu.enqueue_dma source(%dma_start3A_13 : memref<640x64xf32, #tpu.memory_space<hbm>>) target(%dma_start3A_11 : memref<640x64xf32, #tpu.memory_space<vmem_shared>>) target_semaphore(%arg16 : memref<!tpu.dma_semaphore, #tpu.memory_space<semaphore_mem>>)
    %dma_start3A_14 = arith.constant 0 : i32
    %dma_start3A_15 = arith.constant 0 : i32
    %dma_start3A_16 = tpu.memref_slice %arg3[%add3A, %dma_start3A_14, %dma_start3A_15] : memref<32x250x80xi32, #tpu.memory_space<hbm>> -> memref<1x250x80xi32, #tpu.memory_space<hbm>>
    %dma_start3A_17 = tpu.memref_squeeze %dma_start3A_16 : memref<1x250x80xi32, #tpu.memory_space<hbm>> -> memref<250x80xi32, #tpu.memory_space<hbm>>
    %dma_start3A_18 = arith.constant 0 : i32
    %dma_start3A_19 = arith.constant 0 : i32
    %dma_start3A_20 = tpu.memref_slice %arg3[%add3A, %dma_start3A_18, %dma_start3A_19] : memref<32x250x80xi32, #tpu.memory_space<hbm>> -> memref<1x250x80xi32, #tpu.memory_space<hbm>>
    %dma_start3A_21 = tpu.memref_squeeze %dma_start3A_20 : memref<1x250x80xi32, #tpu.memory_space<hbm>> -> memref<250x80xi32, #tpu.memory_space<hbm>>
    tpu.enqueue_dma source(%dma_start3A_21 : memref<250x80xi32, #tpu.memory_space<hbm>>) target(%arg7 : memref<250x80xi32, #tpu.memory_space<vmem>>) target_semaphore(%arg17 : memref<!tpu.dma_semaphore, #tpu.memory_space<semaphore_mem>>)
    %dma_wait3A = arith.constant 0 : i32
    %dma_wait3A_22 = arith.constant 0 : i32
    %dma_wait3A_23 = tpu.memref_slice %arg4[%arg1, %dma_wait3A, %dma_wait3A_22] : memref<16x250x80xi32, #tpu.memory_space<hbm>> -> memref<1x250x80xi32, #tpu.memory_space<hbm>>
    %dma_wait3A_24 = tpu.memref_squeeze %dma_wait3A_23 : memref<1x250x80xi32, #tpu.memory_space<hbm>> -> memref<250x80xi32, #tpu.memory_space<hbm>>
    %dma_wait3A_25 = arith.constant 0 : i32
    %dma_wait3A_26 = arith.constant 0 : i32
    %dma_wait3A_27 = tpu.memref_slice %arg4[%arg1, %dma_wait3A_25, %dma_wait3A_26] : memref<16x250x80xi32, #tpu.memory_space<hbm>> -> memref<1x250x80xi32, #tpu.memory_space<hbm>>
    %dma_wait3A_28 = tpu.memref_squeeze %dma_wait3A_27 : memref<1x250x80xi32, #tpu.memory_space<hbm>> -> memref<250x80xi32, #tpu.memory_space<hbm>>
    tpu.wait_dma2 semaphore(%arg15 : memref<!tpu.dma_semaphore, #tpu.memory_space<semaphore_mem>>) src(%dma_wait3A_28 : memref<250x80xi32, #tpu.memory_space<hbm>>) dst(%arg8 : memref<250x80xi32, #tpu.memory_space<vmem>>)
    %dma_wait3A_29 = arith.constant 0 : i32
    %dma_wait3A_30 = tpu.memref_slice %arg14[%mul3A_2, %dma_wait3A_29] : memref<10240x64xf32, #tpu.memory_space<vmem_shared>> -> memref<640x64xf32, #tpu.memory_space<vmem_shared>>
    %dma_wait3A_31 = arith.constant 0 : i32
    %dma_wait3A_32 = tpu.memref_slice %arg5[%mul3A_2, %dma_wait3A_31] : memref<10240x64xf32, #tpu.memory_space<hbm>> -> memref<640x64xf32, #tpu.memory_space<hbm>>
    tpu.wait_dma2 semaphore(%arg16 : memref<!tpu.dma_semaphore, #tpu.memory_space<semaphore_mem>>) src(%dma_wait3A_32 : memref<640x64xf32, #tpu.memory_space<hbm>>) dst(%dma_wait3A_30 : memref<640x64xf32, #tpu.memory_space<vmem_shared>>)
    %dma_wait3A_33 = arith.constant 0 : i32
    %dma_wait3A_34 = arith.constant 0 : i32
    %dma_wait3A_35 = tpu.memref_slice %arg3[%add3A, %dma_wait3A_33, %dma_wait3A_34] : memref<32x250x80xi32, #tpu.memory_space<hbm>> -> memref<1x250x80xi32, #tpu.memory_space<hbm>>
    %dma_wait3A_36 = tpu.memref_squeeze %dma_wait3A_35 : memref<1x250x80xi32, #tpu.memory_space<hbm>> -> memref<250x80xi32, #tpu.memory_space<hbm>>
    %dma_wait3A_37 = arith.constant 0 : i32
    %dma_wait3A_38 = arith.constant 0 : i32
    %dma_wait3A_39 = tpu.memref_slice %arg3[%add3A, %dma_wait3A_37, %dma_wait3A_38] : memref<32x250x80xi32, #tpu.memory_space<hbm>> -> memref<1x250x80xi32, #tpu.memory_space<hbm>>
    %dma_wait3A_40 = tpu.memref_squeeze %dma_wait3A_39 : memref<1x250x80xi32, #tpu.memory_space<hbm>> -> memref<250x80xi32, #tpu.memory_space<hbm>>
    tpu.wait_dma2 semaphore(%arg17 : memref<!tpu.dma_semaphore, #tpu.memory_space<semaphore_mem>>) src(%dma_wait3A_40 : memref<250x80xi32, #tpu.memory_space<hbm>>) dst(%arg7 : memref<250x80xi32, #tpu.memory_space<vmem>>)
    %barrier3A = arith.constant 0 : index
    tpu.barrier barrier_id(%barrier3A)
    %dma_start3A_41 = arith.constant 0 : i32
    %dma_start3A_42 = arith.constant 0 : i32
    %dma_start3A_43 = tpu.memref_slice %arg7[%dma_start3A_41, %dma_start3A_42] : memref<250x80xi32, #tpu.memory_space<vmem>> -> memref<1x80xi32, #tpu.memory_space<vmem>>
    %dma_start3A_44 = tpu.memref_squeeze %dma_start3A_43 : memref<1x80xi32, #tpu.memory_space<vmem>> -> memref<80xi32, #tpu.memory_space<vmem>>
    %dma_start3A_45 = arith.constant 0 : i32
    %dma_start3A_46 = arith.constant 0 : i32
    %dma_start3A_47 = tpu.memref_slice %arg2[%dma_start3A_45, %dma_start3A_46] : memref<40960x64xf32, #tpu.memory_space<hbm>> -> memref<40960x64xf32, #tpu.memory_space<hbm>>
    tpu.enqueue_indirect_dma source(%dma_start3A_47 : memref<40960x64xf32, #tpu.memory_space<hbm>>) target(%arg9 : memref<80x64xf32, #tpu.memory_space<vmem>>) offsets(%dma_start3A_44 : memref<80xi32, #tpu.memory_space<vmem>>) semaphore(%arg15 : memref<!tpu.dma_semaphore, #tpu.memory_space<semaphore_mem>>)
    %dma_start3A_48 = arith.constant 1 : i32
    %dma_start3A_49 = arith.constant 0 : i32
    %dma_start3A_50 = tpu.memref_slice %arg7[%dma_start3A_48, %dma_start3A_49] : memref<250x80xi32, #tpu.memory_space<vmem>> -> memref<1x80xi32, #tpu.memory_space<vmem>>
    %dma_start3A_51 = tpu.memref_squeeze %dma_start3A_50 : memref<1x80xi32, #tpu.memory_space<vmem>> -> memref<80xi32, #tpu.memory_space<vmem>>
    %dma_start3A_52 = arith.constant 0 : i32
    %dma_start3A_53 = arith.constant 0 : i32
    %dma_start3A_54 = tpu.memref_slice %arg2[%dma_start3A_52, %dma_start3A_53] : memref<40960x64xf32, #tpu.memory_space<hbm>> -> memref<40960x64xf32, #tpu.memory_space<hbm>>
    tpu.enqueue_indirect_dma source(%dma_start3A_54 : memref<40960x64xf32, #tpu.memory_space<hbm>>) target(%arg10 : memref<80x64xf32, #tpu.memory_space<vmem>>) offsets(%dma_start3A_51 : memref<80xi32, #tpu.memory_space<vmem>>) semaphore(%arg16 : memref<!tpu.dma_semaphore, #tpu.memory_space<semaphore_mem>>)
    %dma_start3A_55 = arith.constant 2 : i32
    %dma_start3A_56 = arith.constant 0 : i32
    %dma_start3A_57 = tpu.memref_slice %arg7[%dma_start3A_55, %dma_start3A_56] : memref<250x80xi32, #tpu.memory_space<vmem>> -> memref<1x80xi32, #tpu.memory_space<vmem>>
    %dma_start3A_58 = tpu.memref_squeeze %dma_start3A_57 : memref<1x80xi32, #tpu.memory_space<vmem>> -> memref<80xi32, #tpu.memory_space<vmem>>
    %dma_start3A_59 = arith.constant 0 : i32
    %dma_start3A_60 = arith.constant 0 : i32
    %dma_start3A_61 = tpu.memref_slice %arg2[%dma_start3A_59, %dma_start3A_60] : memref<40960x64xf32, #tpu.memory_space<hbm>> -> memref<40960x64xf32, #tpu.memory_space<hbm>>
    tpu.enqueue_indirect_dma source(%dma_start3A_61 : memref<40960x64xf32, #tpu.memory_space<hbm>>) target(%arg11 : memref<80x64xf32, #tpu.memory_space<vmem>>) offsets(%dma_start3A_58 : memref<80xi32, #tpu.memory_space<vmem>>) semaphore(%arg17 : memref<!tpu.dma_semaphore, #tpu.memory_space<semaphore_mem>>)
    %dma_start3A_62 = arith.constant 3 : i32
    %dma_start3A_63 = arith.constant 0 : i32
    %dma_start3A_64 = tpu.memref_slice %arg7[%dma_start3A_62, %dma_start3A_63] : memref<250x80xi32, #tpu.memory_space<vmem>> -> memref<1x80xi32, #tpu.memory_space<vmem>>
    %dma_start3A_65 = tpu.memref_squeeze %dma_start3A_64 : memref<1x80xi32, #tpu.memory_space<vmem>> -> memref<80xi32, #tpu.memory_space<vmem>>
    %dma_start3A_66 = arith.constant 0 : i32
    %dma_start3A_67 = arith.constant 0 : i32
    %dma_start3A_68 = tpu.memref_slice %arg2[%dma_start3A_66, %dma_start3A_67] : memref<40960x64xf32, #tpu.memory_space<hbm>> -> memref<40960x64xf32, #tpu.memory_space<hbm>>
    tpu.enqueue_indirect_dma source(%dma_start3A_68 : memref<40960x64xf32, #tpu.memory_space<hbm>>) target(%arg12 : memref<80x64xf32, #tpu.memory_space<vmem>>) offsets(%dma_start3A_65 : memref<80xi32, #tpu.memory_space<vmem>>) semaphore(%arg18 : memref<!tpu.dma_semaphore, #tpu.memory_space<semaphore_mem>>)
    %scan3A = arith.constant 0 : i32
    %scan3A_69 = arith.constant 0 : i32
    %scan3A_70 = arith.constant 50 : i32
    %scan3A_71 = arith.addi %scan3A_69, %scan3A_70 : i32
    %scan3A_72 = arith.constant 1 : i32
    scf.for %scan3A_85 = %scan3A_69 to %scan3A_71 step %scan3A_72  : i32 {
      %mul3A_86 = arith.constant 5 : i32
      %mul3A_87 = arith.muli %scan3A_85, %mul3A_86 : i32
      %add3A_88 = arith.constant 0 : i32
      %add3A_89 = arith.addi %mul3A_87, %add3A_88 : i32
      %dma_wait3A_90 = arith.constant 0 : i32
      %dma_wait3A_91 = tpu.memref_slice %arg7[%add3A_89, %dma_wait3A_90] : memref<250x80xi32, #tpu.memory_space<vmem>> -> memref<1x80xi32, #tpu.memory_space<vmem>>
      %dma_wait3A_92 = tpu.memref_squeeze %dma_wait3A_91 : memref<1x80xi32, #tpu.memory_space<vmem>> -> memref<80xi32, #tpu.memory_space<vmem>>
      %dma_wait3A_93 = arith.constant 0 : i32
      %dma_wait3A_94 = arith.constant 0 : i32
      %dma_wait3A_95 = tpu.memref_slice %arg2[%dma_wait3A_93, %dma_wait3A_94] : memref<40960x64xf32, #tpu.memory_space<hbm>> -> memref<40960x64xf32, #tpu.memory_space<hbm>>
      tpu.wait_indirect_dma semaphore(%arg15 : memref<!tpu.dma_semaphore, #tpu.memory_space<semaphore_mem>>) src(%dma_wait3A_95 : memref<40960x64xf32, #tpu.memory_space<hbm>>) dst(%arg9 : memref<80x64xf32, #tpu.memory_space<vmem>>)
      %dma_start3A_96 = arith.constant 0 : i32
      %dma_start3A_97 = tpu.memref_slice %arg8[%add3A_89, %dma_start3A_96] : memref<250x80xi32, #tpu.memory_space<vmem>> -> memref<1x80xi32, #tpu.memory_space<vmem>>
      %dma_start3A_98 = tpu.memref_squeeze %dma_start3A_97 : memref<1x80xi32, #tpu.memory_space<vmem>> -> memref<80xi32, #tpu.memory_space<vmem>>
      %dma_start3A_99 = arith.constant 0 : i32
      %dma_start3A_100 = arith.constant 0 : i32
      %dma_start3A_101 = tpu.memref_slice %arg14[%dma_start3A_99, %dma_start3A_100] : memref<10240x64xf32, #tpu.memory_space<vmem_shared>> -> memref<10240x64xf32, #tpu.memory_space<vmem_shared>>
      tpu.enqueue_indirect_dma source(%arg9 : memref<80x64xf32, #tpu.memory_space<vmem>>) target(%dma_start3A_101 : memref<10240x64xf32, #tpu.memory_space<vmem_shared>>) offsets(%dma_start3A_98 : memref<80xi32, #tpu.memory_space<vmem>>) semaphore(%arg20 : memref<!tpu.dma_semaphore, #tpu.memory_space<semaphore_mem>>) {add = true}
      %ge3A = arith.constant 1 : i32
      %ge3A_102 = arith.cmpi sge, %add3A_89, %ge3A : i32
      %convert_element_type3A = arith.extui %ge3A_102 : i1 to i32
      %cond3A = arith.constant 0 : i32
      %cond3A_103 = arith.cmpi ne, %convert_element_type3A, %cond3A : i32
      scf.if %cond3A_103 {
        %dma_wait3A_222 = arith.constant 0 : i32
        %dma_wait3A_223 = tpu.memref_slice %arg8[%add3A_89, %dma_wait3A_222] : memref<250x80xi32, #tpu.memory_space<vmem>> -> memref<1x80xi32, #tpu.memory_space<vmem>>
        %dma_wait3A_224 = tpu.memref_squeeze %dma_wait3A_223 : memref<1x80xi32, #tpu.memory_space<vmem>> -> memref<80xi32, #tpu.memory_space<vmem>>
        %dma_wait3A_225 = arith.constant 0 : i32
        %dma_wait3A_226 = arith.constant 0 : i32
        %dma_wait3A_227 = tpu.memref_slice %arg14[%dma_wait3A_225, %dma_wait3A_226] : memref<10240x64xf32, #tpu.memory_space<vmem_shared>> -> memref<10240x64xf32, #tpu.memory_space<vmem_shared>>
        tpu.wait_indirect_dma semaphore(%arg24 : memref<!tpu.dma_semaphore, #tpu.memory_space<semaphore_mem>>) src(%arg13 : memref<80x64xf32, #tpu.memory_space<vmem>>) dst(%dma_wait3A_227 : memref<10240x64xf32, #tpu.memory_space<vmem_shared>>)
      } else {
      }
      %add3A_104 = arith.constant 4 : i32
      %add3A_105 = arith.addi %add3A_89, %add3A_104 : i32
      %lt3A = arith.constant 250 : i32
      %lt3A_106 = arith.cmpi slt, %add3A_105, %lt3A : i32
      %convert_element_type3A_107 = arith.extui %lt3A_106 : i1 to i32
      %cond3A_108 = arith.constant 0 : i32
      %cond3A_109 = arith.cmpi ne, %convert_element_type3A_107, %cond3A_108 : i32
      scf.if %cond3A_109 {
        %add3A_222 = arith.constant 4 : i32
        %add3A_223 = arith.addi %add3A_89, %add3A_222 : i32
        %dma_start3A_224 = arith.constant 0 : i32
        %dma_start3A_225 = tpu.memref_slice %arg7[%add3A_223, %dma_start3A_224] : memref<250x80xi32, #tpu.memory_space<vmem>> -> memref<1x80xi32, #tpu.memory_space<vmem>>
        %dma_start3A_226 = tpu.memref_squeeze %dma_start3A_225 : memref<1x80xi32, #tpu.memory_space<vmem>> -> memref<80xi32, #tpu.memory_space<vmem>>
        %dma_start3A_227 = arith.constant 0 : i32
        %dma_start3A_228 = arith.constant 0 : i32
        %dma_start3A_229 = tpu.memref_slice %arg2[%dma_start3A_227, %dma_start3A_228] : memref<40960x64xf32, #tpu.memory_space<hbm>> -> memref<40960x64xf32, #tpu.memory_space<hbm>>
        tpu.enqueue_indirect_dma source(%dma_start3A_229 : memref<40960x64xf32, #tpu.memory_space<hbm>>) target(%arg13 : memref<80x64xf32, #tpu.memory_space<vmem>>) offsets(%dma_start3A_226 : memref<80xi32, #tpu.memory_space<vmem>>) semaphore(%arg19 : memref<!tpu.dma_semaphore, #tpu.memory_space<semaphore_mem>>)
      } else {
      }
      %mul3A_110 = arith.constant 5 : i32
      %mul3A_111 = arith.muli %scan3A_85, %mul3A_110 : i32
      %add3A_112 = arith.constant 1 : i32
      %add3A_113 = arith.addi %mul3A_111, %add3A_112 : i32
      %dma_wait3A_114 = arith.constant 0 : i32
      %dma_wait3A_115 = tpu.memref_slice %arg7[%add3A_113, %dma_wait3A_114] : memref<250x80xi32, #tpu.memory_space<vmem>> -> memref<1x80xi32, #tpu.memory_space<vmem>>
      %dma_wait3A_116 = tpu.memref_squeeze %dma_wait3A_115 : memref<1x80xi32, #tpu.memory_space<vmem>> -> memref<80xi32, #tpu.memory_space<vmem>>
      %dma_wait3A_117 = arith.constant 0 : i32
      %dma_wait3A_118 = arith.constant 0 : i32
      %dma_wait3A_119 = tpu.memref_slice %arg2[%dma_wait3A_117, %dma_wait3A_118] : memref<40960x64xf32, #tpu.memory_space<hbm>> -> memref<40960x64xf32, #tpu.memory_space<hbm>>
      tpu.wait_indirect_dma semaphore(%arg16 : memref<!tpu.dma_semaphore, #tpu.memory_space<semaphore_mem>>) src(%dma_wait3A_119 : memref<40960x64xf32, #tpu.memory_space<hbm>>) dst(%arg10 : memref<80x64xf32, #tpu.memory_space<vmem>>)
      %dma_start3A_120 = arith.constant 0 : i32
      %dma_start3A_121 = tpu.memref_slice %arg8[%add3A_113, %dma_start3A_120] : memref<250x80xi32, #tpu.memory_space<vmem>> -> memref<1x80xi32, #tpu.memory_space<vmem>>
      %dma_start3A_122 = tpu.memref_squeeze %dma_start3A_121 : memref<1x80xi32, #tpu.memory_space<vmem>> -> memref<80xi32, #tpu.memory_space<vmem>>
      %dma_start3A_123 = arith.constant 0 : i32
      %dma_start3A_124 = arith.constant 0 : i32
      %dma_start3A_125 = tpu.memref_slice %arg14[%dma_start3A_123, %dma_start3A_124] : memref<10240x64xf32, #tpu.memory_space<vmem_shared>> -> memref<10240x64xf32, #tpu.memory_space<vmem_shared>>
      tpu.enqueue_indirect_dma source(%arg10 : memref<80x64xf32, #tpu.memory_space<vmem>>) target(%dma_start3A_125 : memref<10240x64xf32, #tpu.memory_space<vmem_shared>>) offsets(%dma_start3A_122 : memref<80xi32, #tpu.memory_space<vmem>>) semaphore(%arg21 : memref<!tpu.dma_semaphore, #tpu.memory_space<semaphore_mem>>) {add = true}
      %ge3A_126 = arith.constant 1 : i32
      %ge3A_127 = arith.cmpi sge, %add3A_113, %ge3A_126 : i32
      %convert_element_type3A_128 = arith.extui %ge3A_127 : i1 to i32
      %cond3A_129 = arith.constant 0 : i32
      %cond3A_130 = arith.cmpi ne, %convert_element_type3A_128, %cond3A_129 : i32
      scf.if %cond3A_130 {
        %dma_wait3A_222 = arith.constant 0 : i32
        %dma_wait3A_223 = tpu.memref_slice %arg8[%add3A_113, %dma_wait3A_222] : memref<250x80xi32, #tpu.memory_space<vmem>> -> memref<1x80xi32, #tpu.memory_space<vmem>>
        %dma_wait3A_224 = tpu.memref_squeeze %dma_wait3A_223 : memref<1x80xi32, #tpu.memory_space<vmem>> -> memref<80xi32, #tpu.memory_space<vmem>>
        %dma_wait3A_225 = arith.constant 0 : i32
        %dma_wait3A_226 = arith.constant 0 : i32
        %dma_wait3A_227 = tpu.memref_slice %arg14[%dma_wait3A_225, %dma_wait3A_226] : memref<10240x64xf32, #tpu.memory_space<vmem_shared>> -> memref<10240x64xf32, #tpu.memory_space<vmem_shared>>
        tpu.wait_indirect_dma semaphore(%arg20 : memref<!tpu.dma_semaphore, #tpu.memory_space<semaphore_mem>>) src(%arg9 : memref<80x64xf32, #tpu.memory_space<vmem>>) dst(%dma_wait3A_227 : memref<10240x64xf32, #tpu.memory_space<vmem_shared>>)
      } else {
      }
      %add3A_131 = arith.constant 4 : i32
      %add3A_132 = arith.addi %add3A_113, %add3A_131 : i32
      %lt3A_133 = arith.constant 250 : i32
      %lt3A_134 = arith.cmpi slt, %add3A_132, %lt3A_133 : i32
      %convert_element_type3A_135 = arith.extui %lt3A_134 : i1 to i32
      %cond3A_136 = arith.constant 0 : i32
      %cond3A_137 = arith.cmpi ne, %convert_element_type3A_135, %cond3A_136 : i32
      scf.if %cond3A_137 {
        %add3A_222 = arith.constant 4 : i32
        %add3A_223 = arith.addi %add3A_113, %add3A_222 : i32
        %dma_start3A_224 = arith.constant 0 : i32
        %dma_start3A_225 = tpu.memref_slice %arg7[%add3A_223, %dma_start3A_224] : memref<250x80xi32, #tpu.memory_space<vmem>> -> memref<1x80xi32, #tpu.memory_space<vmem>>
        %dma_start3A_226 = tpu.memref_squeeze %dma_start3A_225 : memref<1x80xi32, #tpu.memory_space<vmem>> -> memref<80xi32, #tpu.memory_space<vmem>>
        %dma_start3A_227 = arith.constant 0 : i32
        %dma_start3A_228 = arith.constant 0 : i32
        %dma_start3A_229 = tpu.memref_slice %arg2[%dma_start3A_227, %dma_start3A_228] : memref<40960x64xf32, #tpu.memory_space<hbm>> -> memref<40960x64xf32, #tpu.memory_space<hbm>>
        tpu.enqueue_indirect_dma source(%dma_start3A_229 : memref<40960x64xf32, #tpu.memory_space<hbm>>) target(%arg9 : memref<80x64xf32, #tpu.memory_space<vmem>>) offsets(%dma_start3A_226 : memref<80xi32, #tpu.memory_space<vmem>>) semaphore(%arg15 : memref<!tpu.dma_semaphore, #tpu.memory_space<semaphore_mem>>)
      } else {
      }
      %mul3A_138 = arith.constant 5 : i32
      %mul3A_139 = arith.muli %scan3A_85, %mul3A_138 : i32
      %add3A_140 = arith.constant 2 : i32
      %add3A_141 = arith.addi %mul3A_139, %add3A_140 : i32
      %dma_wait3A_142 = arith.constant 0 : i32
      %dma_wait3A_143 = tpu.memref_slice %arg7[%add3A_141, %dma_wait3A_142] : memref<250x80xi32, #tpu.memory_space<vmem>> -> memref<1x80xi32, #tpu.memory_space<vmem>>
      %dma_wait3A_144 = tpu.memref_squeeze %dma_wait3A_143 : memref<1x80xi32, #tpu.memory_space<vmem>> -> memref<80xi32, #tpu.memory_space<vmem>>
      %dma_wait3A_145 = arith.constant 0 : i32
      %dma_wait3A_146 = arith.constant 0 : i32
      %dma_wait3A_147 = tpu.memref_slice %arg2[%dma_wait3A_145, %dma_wait3A_146] : memref<40960x64xf32, #tpu.memory_space<hbm>> -> memref<40960x64xf32, #tpu.memory_space<hbm>>
      tpu.wait_indirect_dma semaphore(%arg17 : memref<!tpu.dma_semaphore, #tpu.memory_space<semaphore_mem>>) src(%dma_wait3A_147 : memref<40960x64xf32, #tpu.memory_space<hbm>>) dst(%arg11 : memref<80x64xf32, #tpu.memory_space<vmem>>)
      %dma_start3A_148 = arith.constant 0 : i32
      %dma_start3A_149 = tpu.memref_slice %arg8[%add3A_141, %dma_start3A_148] : memref<250x80xi32, #tpu.memory_space<vmem>> -> memref<1x80xi32, #tpu.memory_space<vmem>>
      %dma_start3A_150 = tpu.memref_squeeze %dma_start3A_149 : memref<1x80xi32, #tpu.memory_space<vmem>> -> memref<80xi32, #tpu.memory_space<vmem>>
      %dma_start3A_151 = arith.constant 0 : i32
      %dma_start3A_152 = arith.constant 0 : i32
      %dma_start3A_153 = tpu.memref_slice %arg14[%dma_start3A_151, %dma_start3A_152] : memref<10240x64xf32, #tpu.memory_space<vmem_shared>> -> memref<10240x64xf32, #tpu.memory_space<vmem_shared>>
      tpu.enqueue_indirect_dma source(%arg11 : memref<80x64xf32, #tpu.memory_space<vmem>>) target(%dma_start3A_153 : memref<10240x64xf32, #tpu.memory_space<vmem_shared>>) offsets(%dma_start3A_150 : memref<80xi32, #tpu.memory_space<vmem>>) semaphore(%arg22 : memref<!tpu.dma_semaphore, #tpu.memory_space<semaphore_mem>>) {add = true}
      %ge3A_154 = arith.constant 1 : i32
      %ge3A_155 = arith.cmpi sge, %add3A_141, %ge3A_154 : i32
      %convert_element_type3A_156 = arith.extui %ge3A_155 : i1 to i32
      %cond3A_157 = arith.constant 0 : i32
      %cond3A_158 = arith.cmpi ne, %convert_element_type3A_156, %cond3A_157 : i32
      scf.if %cond3A_158 {
        %dma_wait3A_222 = arith.constant 0 : i32
        %dma_wait3A_223 = tpu.memref_slice %arg8[%add3A_141, %dma_wait3A_222] : memref<250x80xi32, #tpu.memory_space<vmem>> -> memref<1x80xi32, #tpu.memory_space<vmem>>
        %dma_wait3A_224 = tpu.memref_squeeze %dma_wait3A_223 : memref<1x80xi32, #tpu.memory_space<vmem>> -> memref<80xi32, #tpu.memory_space<vmem>>
        %dma_wait3A_225 = arith.constant 0 : i32
        %dma_wait3A_226 = arith.constant 0 : i32
        %dma_wait3A_227 = tpu.memref_slice %arg14[%dma_wait3A_225, %dma_wait3A_226] : memref<10240x64xf32, #tpu.memory_space<vmem_shared>> -> memref<10240x64xf32, #tpu.memory_space<vmem_shared>>
        tpu.wait_indirect_dma semaphore(%arg21 : memref<!tpu.dma_semaphore, #tpu.memory_space<semaphore_mem>>) src(%arg10 : memref<80x64xf32, #tpu.memory_space<vmem>>) dst(%dma_wait3A_227 : memref<10240x64xf32, #tpu.memory_space<vmem_shared>>)
      } else {
      }
      %add3A_159 = arith.constant 4 : i32
      %add3A_160 = arith.addi %add3A_141, %add3A_159 : i32
      %lt3A_161 = arith.constant 250 : i32
      %lt3A_162 = arith.cmpi slt, %add3A_160, %lt3A_161 : i32
      %convert_element_type3A_163 = arith.extui %lt3A_162 : i1 to i32
      %cond3A_164 = arith.constant 0 : i32
      %cond3A_165 = arith.cmpi ne, %convert_element_type3A_163, %cond3A_164 : i32
      scf.if %cond3A_165 {
        %add3A_222 = arith.constant 4 : i32
        %add3A_223 = arith.addi %add3A_141, %add3A_222 : i32
        %dma_start3A_224 = arith.constant 0 : i32
        %dma_start3A_225 = tpu.memref_slice %arg7[%add3A_223, %dma_start3A_224] : memref<250x80xi32, #tpu.memory_space<vmem>> -> memref<1x80xi32, #tpu.memory_space<vmem>>
        %dma_start3A_226 = tpu.memref_squeeze %dma_start3A_225 : memref<1x80xi32, #tpu.memory_space<vmem>> -> memref<80xi32, #tpu.memory_space<vmem>>
        %dma_start3A_227 = arith.constant 0 : i32
        %dma_start3A_228 = arith.constant 0 : i32
        %dma_start3A_229 = tpu.memref_slice %arg2[%dma_start3A_227, %dma_start3A_228] : memref<40960x64xf32, #tpu.memory_space<hbm>> -> memref<40960x64xf32, #tpu.memory_space<hbm>>
        tpu.enqueue_indirect_dma source(%dma_start3A_229 : memref<40960x64xf32, #tpu.memory_space<hbm>>) target(%arg10 : memref<80x64xf32, #tpu.memory_space<vmem>>) offsets(%dma_start3A_226 : memref<80xi32, #tpu.memory_space<vmem>>) semaphore(%arg16 : memref<!tpu.dma_semaphore, #tpu.memory_space<semaphore_mem>>)
      } else {
      }
      %mul3A_166 = arith.constant 5 : i32
      %mul3A_167 = arith.muli %scan3A_85, %mul3A_166 : i32
      %add3A_168 = arith.constant 3 : i32
      %add3A_169 = arith.addi %mul3A_167, %add3A_168 : i32
      %dma_wait3A_170 = arith.constant 0 : i32
      %dma_wait3A_171 = tpu.memref_slice %arg7[%add3A_169, %dma_wait3A_170] : memref<250x80xi32, #tpu.memory_space<vmem>> -> memref<1x80xi32, #tpu.memory_space<vmem>>
      %dma_wait3A_172 = tpu.memref_squeeze %dma_wait3A_171 : memref<1x80xi32, #tpu.memory_space<vmem>> -> memref<80xi32, #tpu.memory_space<vmem>>
      %dma_wait3A_173 = arith.constant 0 : i32
      %dma_wait3A_174 = arith.constant 0 : i32
      %dma_wait3A_175 = tpu.memref_slice %arg2[%dma_wait3A_173, %dma_wait3A_174] : memref<40960x64xf32, #tpu.memory_space<hbm>> -> memref<40960x64xf32, #tpu.memory_space<hbm>>
      tpu.wait_indirect_dma semaphore(%arg18 : memref<!tpu.dma_semaphore, #tpu.memory_space<semaphore_mem>>) src(%dma_wait3A_175 : memref<40960x64xf32, #tpu.memory_space<hbm>>) dst(%arg12 : memref<80x64xf32, #tpu.memory_space<vmem>>)
      %dma_start3A_176 = arith.constant 0 : i32
      %dma_start3A_177 = tpu.memref_slice %arg8[%add3A_169, %dma_start3A_176] : memref<250x80xi32, #tpu.memory_space<vmem>> -> memref<1x80xi32, #tpu.memory_space<vmem>>
      %dma_start3A_178 = tpu.memref_squeeze %dma_start3A_177 : memref<1x80xi32, #tpu.memory_space<vmem>> -> memref<80xi32, #tpu.memory_space<vmem>>
      %dma_start3A_179 = arith.constant 0 : i32
      %dma_start3A_180 = arith.constant 0 : i32
      %dma_start3A_181 = tpu.memref_slice %arg14[%dma_start3A_179, %dma_start3A_180] : memref<10240x64xf32, #tpu.memory_space<vmem_shared>> -> memref<10240x64xf32, #tpu.memory_space<vmem_shared>>
      tpu.enqueue_indirect_dma source(%arg12 : memref<80x64xf32, #tpu.memory_space<vmem>>) target(%dma_start3A_181 : memref<10240x64xf32, #tpu.memory_space<vmem_shared>>) offsets(%dma_start3A_178 : memref<80xi32, #tpu.memory_space<vmem>>) semaphore(%arg23 : memref<!tpu.dma_semaphore, #tpu.memory_space<semaphore_mem>>) {add = true}
      %ge3A_182 = arith.constant 1 : i32
      %ge3A_183 = arith.cmpi sge, %add3A_169, %ge3A_182 : i32
      %convert_element_type3A_184 = arith.extui %ge3A_183 : i1 to i32
      %cond3A_185 = arith.constant 0 : i32
      %cond3A_186 = arith.cmpi ne, %convert_element_type3A_184, %cond3A_185 : i32
      scf.if %cond3A_186 {
        %dma_wait3A_222 = arith.constant 0 : i32
        %dma_wait3A_223 = tpu.memref_slice %arg8[%add3A_169, %dma_wait3A_222] : memref<250x80xi32, #tpu.memory_space<vmem>> -> memref<1x80xi32, #tpu.memory_space<vmem>>
        %dma_wait3A_224 = tpu.memref_squeeze %dma_wait3A_223 : memref<1x80xi32, #tpu.memory_space<vmem>> -> memref<80xi32, #tpu.memory_space<vmem>>
        %dma_wait3A_225 = arith.constant 0 : i32
        %dma_wait3A_226 = arith.constant 0 : i32
        %dma_wait3A_227 = tpu.memref_slice %arg14[%dma_wait3A_225, %dma_wait3A_226] : memref<10240x64xf32, #tpu.memory_space<vmem_shared>> -> memref<10240x64xf32, #tpu.memory_space<vmem_shared>>
        tpu.wait_indirect_dma semaphore(%arg22 : memref<!tpu.dma_semaphore, #tpu.memory_space<semaphore_mem>>) src(%arg11 : memref<80x64xf32, #tpu.memory_space<vmem>>) dst(%dma_wait3A_227 : memref<10240x64xf32, #tpu.memory_space<vmem_shared>>)
      } else {
      }
      %add3A_187 = arith.constant 4 : i32
      %add3A_188 = arith.addi %add3A_169, %add3A_187 : i32
      %lt3A_189 = arith.constant 250 : i32
      %lt3A_190 = arith.cmpi slt, %add3A_188, %lt3A_189 : i32
      %convert_element_type3A_191 = arith.extui %lt3A_190 : i1 to i32
      %cond3A_192 = arith.constant 0 : i32
      %cond3A_193 = arith.cmpi ne, %convert_element_type3A_191, %cond3A_192 : i32
      scf.if %cond3A_193 {
        %add3A_222 = arith.constant 4 : i32
        %add3A_223 = arith.addi %add3A_169, %add3A_222 : i32
        %dma_start3A_224 = arith.constant 0 : i32
        %dma_start3A_225 = tpu.memref_slice %arg7[%add3A_223, %dma_start3A_224] : memref<250x80xi32, #tpu.memory_space<vmem>> -> memref<1x80xi32, #tpu.memory_space<vmem>>
        %dma_start3A_226 = tpu.memref_squeeze %dma_start3A_225 : memref<1x80xi32, #tpu.memory_space<vmem>> -> memref<80xi32, #tpu.memory_space<vmem>>
        %dma_start3A_227 = arith.constant 0 : i32
        %dma_start3A_228 = arith.constant 0 : i32
        %dma_start3A_229 = tpu.memref_slice %arg2[%dma_start3A_227, %dma_start3A_228] : memref<40960x64xf32, #tpu.memory_space<hbm>> -> memref<40960x64xf32, #tpu.memory_space<hbm>>
        tpu.enqueue_indirect_dma source(%dma_start3A_229 : memref<40960x64xf32, #tpu.memory_space<hbm>>) target(%arg11 : memref<80x64xf32, #tpu.memory_space<vmem>>) offsets(%dma_start3A_226 : memref<80xi32, #tpu.memory_space<vmem>>) semaphore(%arg17 : memref<!tpu.dma_semaphore, #tpu.memory_space<semaphore_mem>>)
      } else {
      }
      %mul3A_194 = arith.constant 5 : i32
      %mul3A_195 = arith.muli %scan3A_85, %mul3A_194 : i32
      %add3A_196 = arith.constant 4 : i32
      %add3A_197 = arith.addi %mul3A_195, %add3A_196 : i32
      %dma_wait3A_198 = arith.constant 0 : i32
      %dma_wait3A_199 = tpu.memref_slice %arg7[%add3A_197, %dma_wait3A_198] : memref<250x80xi32, #tpu.memory_space<vmem>> -> memref<1x80xi32, #tpu.memory_space<vmem>>
      %dma_wait3A_200 = tpu.memref_squeeze %dma_wait3A_199 : memref<1x80xi32, #tpu.memory_space<vmem>> -> memref<80xi32, #tpu.memory_space<vmem>>
      %dma_wait3A_201 = arith.constant 0 : i32
      %dma_wait3A_202 = arith.constant 0 : i32
      %dma_wait3A_203 = tpu.memref_slice %arg2[%dma_wait3A_201, %dma_wait3A_202] : memref<40960x64xf32, #tpu.memory_space<hbm>> -> memref<40960x64xf32, #tpu.memory_space<hbm>>
      tpu.wait_indirect_dma semaphore(%arg19 : memref<!tpu.dma_semaphore, #tpu.memory_space<semaphore_mem>>) src(%dma_wait3A_203 : memref<40960x64xf32, #tpu.memory_space<hbm>>) dst(%arg13 : memref<80x64xf32, #tpu.memory_space<vmem>>)
      %dma_start3A_204 = arith.constant 0 : i32
      %dma_start3A_205 = tpu.memref_slice %arg8[%add3A_197, %dma_start3A_204] : memref<250x80xi32, #tpu.memory_space<vmem>> -> memref<1x80xi32, #tpu.memory_space<vmem>>
      %dma_start3A_206 = tpu.memref_squeeze %dma_start3A_205 : memref<1x80xi32, #tpu.memory_space<vmem>> -> memref<80xi32, #tpu.memory_space<vmem>>
      %dma_start3A_207 = arith.constant 0 : i32
      %dma_start3A_208 = arith.constant 0 : i32
      %dma_start3A_209 = tpu.memref_slice %arg14[%dma_start3A_207, %dma_start3A_208] : memref<10240x64xf32, #tpu.memory_space<vmem_shared>> -> memref<10240x64xf32, #tpu.memory_space<vmem_shared>>
      tpu.enqueue_indirect_dma source(%arg13 : memref<80x64xf32, #tpu.memory_space<vmem>>) target(%dma_start3A_209 : memref<10240x64xf32, #tpu.memory_space<vmem_shared>>) offsets(%dma_start3A_206 : memref<80xi32, #tpu.memory_space<vmem>>) semaphore(%arg24 : memref<!tpu.dma_semaphore, #tpu.memory_space<semaphore_mem>>) {add = true}
      %ge3A_210 = arith.constant 1 : i32
      %ge3A_211 = arith.cmpi sge, %add3A_197, %ge3A_210 : i32
      %convert_element_type3A_212 = arith.extui %ge3A_211 : i1 to i32
      %cond3A_213 = arith.constant 0 : i32
      %cond3A_214 = arith.cmpi ne, %convert_element_type3A_212, %cond3A_213 : i32
      scf.if %cond3A_214 {
        %dma_wait3A_222 = arith.constant 0 : i32
        %dma_wait3A_223 = tpu.memref_slice %arg8[%add3A_197, %dma_wait3A_222] : memref<250x80xi32, #tpu.memory_space<vmem>> -> memref<1x80xi32, #tpu.memory_space<vmem>>
        %dma_wait3A_224 = tpu.memref_squeeze %dma_wait3A_223 : memref<1x80xi32, #tpu.memory_space<vmem>> -> memref<80xi32, #tpu.memory_space<vmem>>
        %dma_wait3A_225 = arith.constant 0 : i32
        %dma_wait3A_226 = arith.constant 0 : i32
        %dma_wait3A_227 = tpu.memref_slice %arg14[%dma_wait3A_225, %dma_wait3A_226] : memref<10240x64xf32, #tpu.memory_space<vmem_shared>> -> memref<10240x64xf32, #tpu.memory_space<vmem_shared>>
        tpu.wait_indirect_dma semaphore(%arg23 : memref<!tpu.dma_semaphore, #tpu.memory_space<semaphore_mem>>) src(%arg12 : memref<80x64xf32, #tpu.memory_space<vmem>>) dst(%dma_wait3A_227 : memref<10240x64xf32, #tpu.memory_space<vmem_shared>>)
      } else {
      }
      %add3A_215 = arith.constant 4 : i32
      %add3A_216 = arith.addi %add3A_197, %add3A_215 : i32
      %lt3A_217 = arith.constant 250 : i32
      %lt3A_218 = arith.cmpi slt, %add3A_216, %lt3A_217 : i32
      %convert_element_type3A_219 = arith.extui %lt3A_218 : i1 to i32
      %cond3A_220 = arith.constant 0 : i32
      %cond3A_221 = arith.cmpi ne, %convert_element_type3A_219, %cond3A_220 : i32
      scf.if %cond3A_221 {
        %add3A_222 = arith.constant 4 : i32
        %add3A_223 = arith.addi %add3A_197, %add3A_222 : i32
        %dma_start3A_224 = arith.constant 0 : i32
        %dma_start3A_225 = tpu.memref_slice %arg7[%add3A_223, %dma_start3A_224] : memref<250x80xi32, #tpu.memory_space<vmem>> -> memref<1x80xi32, #tpu.memory_space<vmem>>
        %dma_start3A_226 = tpu.memref_squeeze %dma_start3A_225 : memref<1x80xi32, #tpu.memory_space<vmem>> -> memref<80xi32, #tpu.memory_space<vmem>>
        %dma_start3A_227 = arith.constant 0 : i32
        %dma_start3A_228 = arith.constant 0 : i32
        %dma_start3A_229 = tpu.memref_slice %arg2[%dma_start3A_227, %dma_start3A_228] : memref<40960x64xf32, #tpu.memory_space<hbm>> -> memref<40960x64xf32, #tpu.memory_space<hbm>>
        tpu.enqueue_indirect_dma source(%dma_start3A_229 : memref<40960x64xf32, #tpu.memory_space<hbm>>) target(%arg12 : memref<80x64xf32, #tpu.memory_space<vmem>>) offsets(%dma_start3A_226 : memref<80xi32, #tpu.memory_space<vmem>>) semaphore(%arg18 : memref<!tpu.dma_semaphore, #tpu.memory_space<semaphore_mem>>)
      } else {
      }
    }
    %scan3A_73 = arith.constant 50 : i32
    %dma_wait3A_74 = arith.constant 0 : i32
    %dma_wait3A_75 = arith.constant 0 : i32
    %dma_wait3A_76 = tpu.memref_slice %arg8[%dma_wait3A_74, %dma_wait3A_75] : memref<250x80xi32, #tpu.memory_space<vmem>> -> memref<1x80xi32, #tpu.memory_space<vmem>>
    %dma_wait3A_77 = tpu.memref_squeeze %dma_wait3A_76 : memref<1x80xi32, #tpu.memory_space<vmem>> -> memref<80xi32, #tpu.memory_space<vmem>>
    %dma_wait3A_78 = arith.constant 0 : i32
    %dma_wait3A_79 = arith.constant 0 : i32
    %dma_wait3A_80 = tpu.memref_slice %arg14[%dma_wait3A_78, %dma_wait3A_79] : memref<10240x64xf32, #tpu.memory_space<vmem_shared>> -> memref<10240x64xf32, #tpu.memory_space<vmem_shared>>
    tpu.wait_indirect_dma semaphore(%arg24 : memref<!tpu.dma_semaphore, #tpu.memory_space<semaphore_mem>>) src(%arg13 : memref<80x64xf32, #tpu.memory_space<vmem>>) dst(%dma_wait3A_80 : memref<10240x64xf32, #tpu.memory_space<vmem_shared>>)
    %barrier3A_81 = arith.constant 0 : index
    tpu.barrier barrier_id(%barrier3A_81)
    %mul3A_82 = arith.constant 10240 : i32
    %mul3A_83 = arith.muli %arg0, %mul3A_82 : i32
    %add3A_84 = arith.addi %mul3A_83, %mul3A_2 : i32
    "tpu.region"() ({
      %run_scoped3A = tpu.sem_alloc : memref<!tpu.dma_semaphore, #tpu.memory_space<semaphore_mem>>
      %dma_start3A_85 = arith.constant 0 : i32
      %dma_start3A_86 = tpu.memref_slice %arg6[%add3A_84, %dma_start3A_85] : memref<20480x64xf32, #tpu.memory_space<hbm>> -> memref<640x64xf32, #tpu.memory_space<hbm>>
      %dma_start3A_87 = arith.constant 0 : i32
      %dma_start3A_88 = tpu.memref_slice %arg14[%mul3A_2, %dma_start3A_87] : memref<10240x64xf32, #tpu.memory_space<vmem_shared>> -> memref<640x64xf32, #tpu.memory_space<vmem_shared>>
      tpu.enqueue_dma source(%dma_start3A_88 : memref<640x64xf32, #tpu.memory_space<vmem_shared>>) target(%dma_start3A_86 : memref<640x64xf32, #tpu.memory_space<hbm>>) target_semaphore(%run_scoped3A : memref<!tpu.dma_semaphore, #tpu.memory_space<semaphore_mem>>)
      %dma_wait3A_89 = arith.constant 0 : i32
      %dma_wait3A_90 = tpu.memref_slice %arg6[%add3A_84, %dma_wait3A_89] : memref<20480x64xf32, #tpu.memory_space<hbm>> -> memref<640x64xf32, #tpu.memory_space<hbm>>
      %dma_wait3A_91 = arith.constant 0 : i32
      %dma_wait3A_92 = tpu.memref_slice %arg14[%mul3A_2, %dma_wait3A_91] : memref<10240x64xf32, #tpu.memory_space<vmem_shared>> -> memref<640x64xf32, #tpu.memory_space<vmem_shared>>
      tpu.wait_dma2 semaphore(%run_scoped3A : memref<!tpu.dma_semaphore, #tpu.memory_space<semaphore_mem>>) src(%dma_wait3A_92 : memref<640x64xf32, #tpu.memory_space<vmem_shared>>) dst(%dma_wait3A_90 : memref<640x64xf32, #tpu.memory_space<hbm>>)
      tpu.yield
    }) : () -> ()
    return
  }
}

#map = affine_map<(d0, d1) -> (0, 0)>
#map1 = affine_map<(d0, d1) -> (0, 0, 0)>
module attributes {stable_mosaic.version = 14 : i64} {
  func.func @_scatter_body(%arg0: i32, %arg1: i32, %arg2: memref<40960x64xf32, #tpu.memory_space<hbm>>, %arg3: memref<32x250x80xi32, #tpu.memory_space<hbm>>, %arg4: memref<16x250x80xi32, #tpu.memory_space<hbm>>, %arg5: memref<10240x64xf32, #tpu.memory_space<hbm>>, %arg6: memref<20480x64xf32, #tpu.memory_space<hbm>>, %arg7: memref<250x80xi32, #tpu.memory_space<vmem>>, %arg8: memref<250x80xi32, #tpu.memory_space<vmem>>, %arg9: memref<80x64xf32, #tpu.memory_space<vmem>>, %arg10: memref<80x64xf32, #tpu.memory_space<vmem>>, %arg11: memref<80x64xf32, #tpu.memory_space<vmem>>, %arg12: memref<80x64xf32, #tpu.memory_space<vmem>>, %arg13: memref<80x64xf32, #tpu.memory_space<vmem>>, %arg14: memref<10240x64xf32, #tpu.memory_space<vmem_shared>>, %arg15: memref<!tpu.dma_semaphore, #tpu.memory_space<semaphore_mem>>, %arg16: memref<!tpu.dma_semaphore, #tpu.memory_space<semaphore_mem>>, %arg17: memref<!tpu.dma_semaphore, #tpu.memory_space<semaphore_mem>>, %arg18: memref<!tpu.dma_semaphore, #tpu.memory_space<semaphore_mem>>, %arg19: memref<!tpu.dma_semaphore, #tpu.memory_space<semaphore_mem>>, %arg20: memref<!tpu.dma_semaphore, #tpu.memory_space<semaphore_mem>>, %arg21: memref<!tpu.dma_semaphore, #tpu.memory_space<semaphore_mem>>, %arg22: memref<!tpu.dma_semaphore, #tpu.memory_space<semaphore_mem>>, %arg23: memref<!tpu.dma_semaphore, #tpu.memory_space<semaphore_mem>>, %arg24: memref<!tpu.dma_semaphore, #tpu.memory_space<semaphore_mem>>) attributes {dimension_semantics = [#tpu.dimension_semantics<core_parallel>, #tpu.dimension_semantics<subcore_parallel>], iteration_bounds = array<i64: 2, 16>, scalar_prefetch = 0 : i64, scratch_operands = 18 : i64, tpu.core_type = #tpu.core_type<sc_vector_subcore>, window_params = [{transform_indices = #map}, {transform_indices = #map1}, {transform_indices = #map1}, {transform_indices = #map}, {transform_indices = #map}]} {
    %mul3A = arith.constant 16 : i32
    %mul3A_0 = arith.muli %arg0, %mul3A : i32
    %add3A = arith.addi %mul3A_0, %arg1 : i32
    %mul3A_1 = arith.constant 640 : i32
    %mul3A_2 = arith.muli %arg1, %mul3A_1 : i32
    %dma_start3A = arith.constant 0 : i32
    %dma_start3A_3 = arith.constant 0 : i32
    %dma_start3A_4 = tpu.memref_slice %arg4[%arg1, %dma_start3A, %dma_start3A_3] : memref<16x250x80xi32, #tpu.memory_space<hbm>> -> memref<1x250x80xi32, #tpu.memory_space<hbm>>
    %dma_start3A_5 = tpu.memref_squeeze %dma_start3A_4 : memref<1x250x80xi32, #tpu.memory_space<hbm>> -> memref<250x80xi32, #tpu.memory_space<hbm>>
    %dma_start3A_6 = arith.constant 0 : i32
    %dma_start3A_7 = arith.constant 0 : i32
    %dma_start3A_8 = tpu.memref_slice %arg4[%arg1, %dma_start3A_6, %dma_start3A_7] : memref<16x250x80xi32, #tpu.memory_space<hbm>> -> memref<1x250x80xi32, #tpu.memory_space<hbm>>
    %dma_start3A_9 = tpu.memref_squeeze %dma_start3A_8 : memref<1x250x80xi32, #tpu.memory_space<hbm>> -> memref<250x80xi32, #tpu.memory_space<hbm>>
    tpu.enqueue_dma source(%dma_start3A_9 : memref<250x80xi32, #tpu.memory_space<hbm>>) target(%arg8 : memref<250x80xi32, #tpu.memory_space<vmem>>) target_semaphore(%arg15 : memref<!tpu.dma_semaphore, #tpu.memory_space<semaphore_mem>>)
    %dma_start3A_10 = arith.constant 0 : i32
    %dma_start3A_11 = tpu.memref_slice %arg14[%mul3A_2, %dma_start3A_10] : memref<10240x64xf32, #tpu.memory_space<vmem_shared>> -> memref<640x64xf32, #tpu.memory_space<vmem_shared>>
    %dma_start3A_12 = arith.constant 0 : i32
    %dma_start3A_13 = tpu.memref_slice %arg5[%mul3A_2, %dma_start3A_12] : memref<10240x64xf32, #tpu.memory_space<hbm>> -> memref<640x64xf32, #tpu.memory_space<hbm>>
    tpu.enqueue_dma source(%dma_start3A_13 : memref<640x64xf32, #tpu.memory_space<hbm>>) target(%dma_start3A_11 : memref<640x64xf32, #tpu.memory_space<vmem_shared>>) target_semaphore(%arg16 : memref<!tpu.dma_semaphore, #tpu.memory_space<semaphore_mem>>)
    %dma_start3A_14 = arith.constant 0 : i32
    %dma_start3A_15 = arith.constant 0 : i32
    %dma_start3A_16 = tpu.memref_slice %arg3[%add3A, %dma_start3A_14, %dma_start3A_15] : memref<32x250x80xi32, #tpu.memory_space<hbm>> -> memref<1x250x80xi32, #tpu.memory_space<hbm>>
    %dma_start3A_17 = tpu.memref_squeeze %dma_start3A_16 : memref<1x250x80xi32, #tpu.memory_space<hbm>> -> memref<250x80xi32, #tpu.memory_space<hbm>>
    %dma_start3A_18 = arith.constant 0 : i32
    %dma_start3A_19 = arith.constant 0 : i32
    %dma_start3A_20 = tpu.memref_slice %arg3[%add3A, %dma_start3A_18, %dma_start3A_19] : memref<32x250x80xi32, #tpu.memory_space<hbm>> -> memref<1x250x80xi32, #tpu.memory_space<hbm>>
    %dma_start3A_21 = tpu.memref_squeeze %dma_start3A_20 : memref<1x250x80xi32, #tpu.memory_space<hbm>> -> memref<250x80xi32, #tpu.memory_space<hbm>>
    tpu.enqueue_dma source(%dma_start3A_21 : memref<250x80xi32, #tpu.memory_space<hbm>>) target(%arg7 : memref<250x80xi32, #tpu.memory_space<vmem>>) target_semaphore(%arg17 : memref<!tpu.dma_semaphore, #tpu.memory_space<semaphore_mem>>)
    %dma_wait3A = arith.constant 0 : i32
    %dma_wait3A_22 = arith.constant 0 : i32
    %dma_wait3A_23 = tpu.memref_slice %arg4[%arg1, %dma_wait3A, %dma_wait3A_22] : memref<16x250x80xi32, #tpu.memory_space<hbm>> -> memref<1x250x80xi32, #tpu.memory_space<hbm>>
    %dma_wait3A_24 = tpu.memref_squeeze %dma_wait3A_23 : memref<1x250x80xi32, #tpu.memory_space<hbm>> -> memref<250x80xi32, #tpu.memory_space<hbm>>
    %dma_wait3A_25 = arith.constant 0 : i32
    %dma_wait3A_26 = arith.constant 0 : i32
    %dma_wait3A_27 = tpu.memref_slice %arg4[%arg1, %dma_wait3A_25, %dma_wait3A_26] : memref<16x250x80xi32, #tpu.memory_space<hbm>> -> memref<1x250x80xi32, #tpu.memory_space<hbm>>
    %dma_wait3A_28 = tpu.memref_squeeze %dma_wait3A_27 : memref<1x250x80xi32, #tpu.memory_space<hbm>> -> memref<250x80xi32, #tpu.memory_space<hbm>>
    tpu.wait_dma2 semaphore(%arg15 : memref<!tpu.dma_semaphore, #tpu.memory_space<semaphore_mem>>) src(%dma_wait3A_28 : memref<250x80xi32, #tpu.memory_space<hbm>>) dst(%arg8 : memref<250x80xi32, #tpu.memory_space<vmem>>)
    %dma_wait3A_29 = arith.constant 0 : i32
    %dma_wait3A_30 = tpu.memref_slice %arg14[%mul3A_2, %dma_wait3A_29] : memref<10240x64xf32, #tpu.memory_space<vmem_shared>> -> memref<640x64xf32, #tpu.memory_space<vmem_shared>>
    %dma_wait3A_31 = arith.constant 0 : i32
    %dma_wait3A_32 = tpu.memref_slice %arg5[%mul3A_2, %dma_wait3A_31] : memref<10240x64xf32, #tpu.memory_space<hbm>> -> memref<640x64xf32, #tpu.memory_space<hbm>>
    tpu.wait_dma2 semaphore(%arg16 : memref<!tpu.dma_semaphore, #tpu.memory_space<semaphore_mem>>) src(%dma_wait3A_32 : memref<640x64xf32, #tpu.memory_space<hbm>>) dst(%dma_wait3A_30 : memref<640x64xf32, #tpu.memory_space<vmem_shared>>)
    %dma_wait3A_33 = arith.constant 0 : i32
    %dma_wait3A_34 = arith.constant 0 : i32
    %dma_wait3A_35 = tpu.memref_slice %arg3[%add3A, %dma_wait3A_33, %dma_wait3A_34] : memref<32x250x80xi32, #tpu.memory_space<hbm>> -> memref<1x250x80xi32, #tpu.memory_space<hbm>>
    %dma_wait3A_36 = tpu.memref_squeeze %dma_wait3A_35 : memref<1x250x80xi32, #tpu.memory_space<hbm>> -> memref<250x80xi32, #tpu.memory_space<hbm>>
    %dma_wait3A_37 = arith.constant 0 : i32
    %dma_wait3A_38 = arith.constant 0 : i32
    %dma_wait3A_39 = tpu.memref_slice %arg3[%add3A, %dma_wait3A_37, %dma_wait3A_38] : memref<32x250x80xi32, #tpu.memory_space<hbm>> -> memref<1x250x80xi32, #tpu.memory_space<hbm>>
    %dma_wait3A_40 = tpu.memref_squeeze %dma_wait3A_39 : memref<1x250x80xi32, #tpu.memory_space<hbm>> -> memref<250x80xi32, #tpu.memory_space<hbm>>
    tpu.wait_dma2 semaphore(%arg17 : memref<!tpu.dma_semaphore, #tpu.memory_space<semaphore_mem>>) src(%dma_wait3A_40 : memref<250x80xi32, #tpu.memory_space<hbm>>) dst(%arg7 : memref<250x80xi32, #tpu.memory_space<vmem>>)
    %barrier3A = arith.constant 0 : index
    tpu.barrier barrier_id(%barrier3A)
    %dma_start3A_41 = arith.constant 0 : i32
    %dma_start3A_42 = arith.constant 0 : i32
    %dma_start3A_43 = tpu.memref_slice %arg7[%dma_start3A_41, %dma_start3A_42] : memref<250x80xi32, #tpu.memory_space<vmem>> -> memref<1x80xi32, #tpu.memory_space<vmem>>
    %dma_start3A_44 = tpu.memref_squeeze %dma_start3A_43 : memref<1x80xi32, #tpu.memory_space<vmem>> -> memref<80xi32, #tpu.memory_space<vmem>>
    %dma_start3A_45 = arith.constant 0 : i32
    %dma_start3A_46 = arith.constant 0 : i32
    %dma_start3A_47 = tpu.memref_slice %arg2[%dma_start3A_45, %dma_start3A_46] : memref<40960x64xf32, #tpu.memory_space<hbm>> -> memref<40960x64xf32, #tpu.memory_space<hbm>>
    tpu.enqueue_indirect_dma source(%dma_start3A_47 : memref<40960x64xf32, #tpu.memory_space<hbm>>) target(%arg9 : memref<80x64xf32, #tpu.memory_space<vmem>>) offsets(%dma_start3A_44 : memref<80xi32, #tpu.memory_space<vmem>>) semaphore(%arg15 : memref<!tpu.dma_semaphore, #tpu.memory_space<semaphore_mem>>)
    %dma_start3A_48 = arith.constant 1 : i32
    %dma_start3A_49 = arith.constant 0 : i32
    %dma_start3A_50 = tpu.memref_slice %arg7[%dma_start3A_48, %dma_start3A_49] : memref<250x80xi32, #tpu.memory_space<vmem>> -> memref<1x80xi32, #tpu.memory_space<vmem>>
    %dma_start3A_51 = tpu.memref_squeeze %dma_start3A_50 : memref<1x80xi32, #tpu.memory_space<vmem>> -> memref<80xi32, #tpu.memory_space<vmem>>
    %dma_start3A_52 = arith.constant 0 : i32
    %dma_start3A_53 = arith.constant 0 : i32
    %dma_start3A_54 = tpu.memref_slice %arg2[%dma_start3A_52, %dma_start3A_53] : memref<40960x64xf32, #tpu.memory_space<hbm>> -> memref<40960x64xf32, #tpu.memory_space<hbm>>
    tpu.enqueue_indirect_dma source(%dma_start3A_54 : memref<40960x64xf32, #tpu.memory_space<hbm>>) target(%arg10 : memref<80x64xf32, #tpu.memory_space<vmem>>) offsets(%dma_start3A_51 : memref<80xi32, #tpu.memory_space<vmem>>) semaphore(%arg16 : memref<!tpu.dma_semaphore, #tpu.memory_space<semaphore_mem>>)
    %dma_start3A_55 = arith.constant 2 : i32
    %dma_start3A_56 = arith.constant 0 : i32
    %dma_start3A_57 = tpu.memref_slice %arg7[%dma_start3A_55, %dma_start3A_56] : memref<250x80xi32, #tpu.memory_space<vmem>> -> memref<1x80xi32, #tpu.memory_space<vmem>>
    %dma_start3A_58 = tpu.memref_squeeze %dma_start3A_57 : memref<1x80xi32, #tpu.memory_space<vmem>> -> memref<80xi32, #tpu.memory_space<vmem>>
    %dma_start3A_59 = arith.constant 0 : i32
    %dma_start3A_60 = arith.constant 0 : i32
    %dma_start3A_61 = tpu.memref_slice %arg2[%dma_start3A_59, %dma_start3A_60] : memref<40960x64xf32, #tpu.memory_space<hbm>> -> memref<40960x64xf32, #tpu.memory_space<hbm>>
    tpu.enqueue_indirect_dma source(%dma_start3A_61 : memref<40960x64xf32, #tpu.memory_space<hbm>>) target(%arg11 : memref<80x64xf32, #tpu.memory_space<vmem>>) offsets(%dma_start3A_58 : memref<80xi32, #tpu.memory_space<vmem>>) semaphore(%arg17 : memref<!tpu.dma_semaphore, #tpu.memory_space<semaphore_mem>>)
    %dma_start3A_62 = arith.constant 3 : i32
    %dma_start3A_63 = arith.constant 0 : i32
    %dma_start3A_64 = tpu.memref_slice %arg7[%dma_start3A_62, %dma_start3A_63] : memref<250x80xi32, #tpu.memory_space<vmem>> -> memref<1x80xi32, #tpu.memory_space<vmem>>
    %dma_start3A_65 = tpu.memref_squeeze %dma_start3A_64 : memref<1x80xi32, #tpu.memory_space<vmem>> -> memref<80xi32, #tpu.memory_space<vmem>>
    %dma_start3A_66 = arith.constant 0 : i32
    %dma_start3A_67 = arith.constant 0 : i32
    %dma_start3A_68 = tpu.memref_slice %arg2[%dma_start3A_66, %dma_start3A_67] : memref<40960x64xf32, #tpu.memory_space<hbm>> -> memref<40960x64xf32, #tpu.memory_space<hbm>>
    tpu.enqueue_indirect_dma source(%dma_start3A_68 : memref<40960x64xf32, #tpu.memory_space<hbm>>) target(%arg12 : memref<80x64xf32, #tpu.memory_space<vmem>>) offsets(%dma_start3A_65 : memref<80xi32, #tpu.memory_space<vmem>>) semaphore(%arg18 : memref<!tpu.dma_semaphore, #tpu.memory_space<semaphore_mem>>)
    %scan3A = arith.constant 0 : i32
    %scan3A_69 = arith.constant 0 : i32
    %scan3A_70 = arith.constant 50 : i32
    %scan3A_71 = arith.addi %scan3A_69, %scan3A_70 : i32
    %scan3A_72 = arith.constant 1 : i32
    scf.for %scan3A_85 = %scan3A_69 to %scan3A_71 step %scan3A_72  : i32 {
      %mul3A_86 = arith.constant 5 : i32
      %mul3A_87 = arith.muli %scan3A_85, %mul3A_86 : i32
      %add3A_88 = arith.constant 0 : i32
      %add3A_89 = arith.addi %mul3A_87, %add3A_88 : i32
      %dma_wait3A_90 = arith.constant 0 : i32
      %dma_wait3A_91 = tpu.memref_slice %arg7[%add3A_89, %dma_wait3A_90] : memref<250x80xi32, #tpu.memory_space<vmem>> -> memref<1x80xi32, #tpu.memory_space<vmem>>
      %dma_wait3A_92 = tpu.memref_squeeze %dma_wait3A_91 : memref<1x80xi32, #tpu.memory_space<vmem>> -> memref<80xi32, #tpu.memory_space<vmem>>
      %dma_wait3A_93 = arith.constant 0 : i32
      %dma_wait3A_94 = arith.constant 0 : i32
      %dma_wait3A_95 = tpu.memref_slice %arg2[%dma_wait3A_93, %dma_wait3A_94] : memref<40960x64xf32, #tpu.memory_space<hbm>> -> memref<40960x64xf32, #tpu.memory_space<hbm>>
      tpu.wait_indirect_dma semaphore(%arg15 : memref<!tpu.dma_semaphore, #tpu.memory_space<semaphore_mem>>) src(%dma_wait3A_95 : memref<40960x64xf32, #tpu.memory_space<hbm>>) dst(%arg9 : memref<80x64xf32, #tpu.memory_space<vmem>>)
      %dma_start3A_96 = arith.constant 0 : i32
      %dma_start3A_97 = tpu.memref_slice %arg8[%add3A_89, %dma_start3A_96] : memref<250x80xi32, #tpu.memory_space<vmem>> -> memref<1x80xi32, #tpu.memory_space<vmem>>
      %dma_start3A_98 = tpu.memref_squeeze %dma_start3A_97 : memref<1x80xi32, #tpu.memory_space<vmem>> -> memref<80xi32, #tpu.memory_space<vmem>>
      %dma_start3A_99 = arith.constant 0 : i32
      %dma_start3A_100 = arith.constant 0 : i32
      %dma_start3A_101 = tpu.memref_slice %arg14[%dma_start3A_99, %dma_start3A_100] : memref<10240x64xf32, #tpu.memory_space<vmem_shared>> -> memref<10240x64xf32, #tpu.memory_space<vmem_shared>>
      tpu.enqueue_indirect_dma source(%arg9 : memref<80x64xf32, #tpu.memory_space<vmem>>) target(%dma_start3A_101 : memref<10240x64xf32, #tpu.memory_space<vmem_shared>>) offsets(%dma_start3A_98 : memref<80xi32, #tpu.memory_space<vmem>>) semaphore(%arg20 : memref<!tpu.dma_semaphore, #tpu.memory_space<semaphore_mem>>) {add = true}
      %ge3A = arith.constant 1 : i32
      %ge3A_102 = arith.cmpi sge, %add3A_89, %ge3A : i32
      %convert_element_type3A = arith.extui %ge3A_102 : i1 to i32
      %cond3A = arith.constant 0 : i32
      %cond3A_103 = arith.cmpi ne, %convert_element_type3A, %cond3A : i32
      scf.if %cond3A_103 {
        %dma_wait3A_222 = arith.constant 0 : i32
        %dma_wait3A_223 = tpu.memref_slice %arg8[%add3A_89, %dma_wait3A_222] : memref<250x80xi32, #tpu.memory_space<vmem>> -> memref<1x80xi32, #tpu.memory_space<vmem>>
        %dma_wait3A_224 = tpu.memref_squeeze %dma_wait3A_223 : memref<1x80xi32, #tpu.memory_space<vmem>> -> memref<80xi32, #tpu.memory_space<vmem>>
        %dma_wait3A_225 = arith.constant 0 : i32
        %dma_wait3A_226 = arith.constant 0 : i32
        %dma_wait3A_227 = tpu.memref_slice %arg14[%dma_wait3A_225, %dma_wait3A_226] : memref<10240x64xf32, #tpu.memory_space<vmem_shared>> -> memref<10240x64xf32, #tpu.memory_space<vmem_shared>>
        tpu.wait_indirect_dma semaphore(%arg24 : memref<!tpu.dma_semaphore, #tpu.memory_space<semaphore_mem>>) src(%arg13 : memref<80x64xf32, #tpu.memory_space<vmem>>) dst(%dma_wait3A_227 : memref<10240x64xf32, #tpu.memory_space<vmem_shared>>)
      } else {
      }
      %add3A_104 = arith.constant 4 : i32
      %add3A_105 = arith.addi %add3A_89, %add3A_104 : i32
      %lt3A = arith.constant 250 : i32
      %lt3A_106 = arith.cmpi slt, %add3A_105, %lt3A : i32
      %convert_element_type3A_107 = arith.extui %lt3A_106 : i1 to i32
      %cond3A_108 = arith.constant 0 : i32
      %cond3A_109 = arith.cmpi ne, %convert_element_type3A_107, %cond3A_108 : i32
      scf.if %cond3A_109 {
        %add3A_222 = arith.constant 4 : i32
        %add3A_223 = arith.addi %add3A_89, %add3A_222 : i32
        %dma_start3A_224 = arith.constant 0 : i32
        %dma_start3A_225 = tpu.memref_slice %arg7[%add3A_223, %dma_start3A_224] : memref<250x80xi32, #tpu.memory_space<vmem>> -> memref<1x80xi32, #tpu.memory_space<vmem>>
        %dma_start3A_226 = tpu.memref_squeeze %dma_start3A_225 : memref<1x80xi32, #tpu.memory_space<vmem>> -> memref<80xi32, #tpu.memory_space<vmem>>
        %dma_start3A_227 = arith.constant 0 : i32
        %dma_start3A_228 = arith.constant 0 : i32
        %dma_start3A_229 = tpu.memref_slice %arg2[%dma_start3A_227, %dma_start3A_228] : memref<40960x64xf32, #tpu.memory_space<hbm>> -> memref<40960x64xf32, #tpu.memory_space<hbm>>
        tpu.enqueue_indirect_dma source(%dma_start3A_229 : memref<40960x64xf32, #tpu.memory_space<hbm>>) target(%arg13 : memref<80x64xf32, #tpu.memory_space<vmem>>) offsets(%dma_start3A_226 : memref<80xi32, #tpu.memory_space<vmem>>) semaphore(%arg19 : memref<!tpu.dma_semaphore, #tpu.memory_space<semaphore_mem>>)
      } else {
      }
      %mul3A_110 = arith.constant 5 : i32
      %mul3A_111 = arith.muli %scan3A_85, %mul3A_110 : i32
      %add3A_112 = arith.constant 1 : i32
      %add3A_113 = arith.addi %mul3A_111, %add3A_112 : i32
      %dma_wait3A_114 = arith.constant 0 : i32
      %dma_wait3A_115 = tpu.memref_slice %arg7[%add3A_113, %dma_wait3A_114] : memref<250x80xi32, #tpu.memory_space<vmem>> -> memref<1x80xi32, #tpu.memory_space<vmem>>
      %dma_wait3A_116 = tpu.memref_squeeze %dma_wait3A_115 : memref<1x80xi32, #tpu.memory_space<vmem>> -> memref<80xi32, #tpu.memory_space<vmem>>
      %dma_wait3A_117 = arith.constant 0 : i32
      %dma_wait3A_118 = arith.constant 0 : i32
      %dma_wait3A_119 = tpu.memref_slice %arg2[%dma_wait3A_117, %dma_wait3A_118] : memref<40960x64xf32, #tpu.memory_space<hbm>> -> memref<40960x64xf32, #tpu.memory_space<hbm>>
      tpu.wait_indirect_dma semaphore(%arg16 : memref<!tpu.dma_semaphore, #tpu.memory_space<semaphore_mem>>) src(%dma_wait3A_119 : memref<40960x64xf32, #tpu.memory_space<hbm>>) dst(%arg10 : memref<80x64xf32, #tpu.memory_space<vmem>>)
      %dma_start3A_120 = arith.constant 0 : i32
      %dma_start3A_121 = tpu.memref_slice %arg8[%add3A_113, %dma_start3A_120] : memref<250x80xi32, #tpu.memory_space<vmem>> -> memref<1x80xi32, #tpu.memory_space<vmem>>
      %dma_start3A_122 = tpu.memref_squeeze %dma_start3A_121 : memref<1x80xi32, #tpu.memory_space<vmem>> -> memref<80xi32, #tpu.memory_space<vmem>>
      %dma_start3A_123 = arith.constant 0 : i32
      %dma_start3A_124 = arith.constant 0 : i32
      %dma_start3A_125 = tpu.memref_slice %arg14[%dma_start3A_123, %dma_start3A_124] : memref<10240x64xf32, #tpu.memory_space<vmem_shared>> -> memref<10240x64xf32, #tpu.memory_space<vmem_shared>>
      tpu.enqueue_indirect_dma source(%arg10 : memref<80x64xf32, #tpu.memory_space<vmem>>) target(%dma_start3A_125 : memref<10240x64xf32, #tpu.memory_space<vmem_shared>>) offsets(%dma_start3A_122 : memref<80xi32, #tpu.memory_space<vmem>>) semaphore(%arg21 : memref<!tpu.dma_semaphore, #tpu.memory_space<semaphore_mem>>) {add = true}
      %ge3A_126 = arith.constant 1 : i32
      %ge3A_127 = arith.cmpi sge, %add3A_113, %ge3A_126 : i32
      %convert_element_type3A_128 = arith.extui %ge3A_127 : i1 to i32
      %cond3A_129 = arith.constant 0 : i32
      %cond3A_130 = arith.cmpi ne, %convert_element_type3A_128, %cond3A_129 : i32
      scf.if %cond3A_130 {
        %dma_wait3A_222 = arith.constant 0 : i32
        %dma_wait3A_223 = tpu.memref_slice %arg8[%add3A_113, %dma_wait3A_222] : memref<250x80xi32, #tpu.memory_space<vmem>> -> memref<1x80xi32, #tpu.memory_space<vmem>>
        %dma_wait3A_224 = tpu.memref_squeeze %dma_wait3A_223 : memref<1x80xi32, #tpu.memory_space<vmem>> -> memref<80xi32, #tpu.memory_space<vmem>>
        %dma_wait3A_225 = arith.constant 0 : i32
        %dma_wait3A_226 = arith.constant 0 : i32
        %dma_wait3A_227 = tpu.memref_slice %arg14[%dma_wait3A_225, %dma_wait3A_226] : memref<10240x64xf32, #tpu.memory_space<vmem_shared>> -> memref<10240x64xf32, #tpu.memory_space<vmem_shared>>
        tpu.wait_indirect_dma semaphore(%arg20 : memref<!tpu.dma_semaphore, #tpu.memory_space<semaphore_mem>>) src(%arg9 : memref<80x64xf32, #tpu.memory_space<vmem>>) dst(%dma_wait3A_227 : memref<10240x64xf32, #tpu.memory_space<vmem_shared>>)
      } else {
      }
      %add3A_131 = arith.constant 4 : i32
      %add3A_132 = arith.addi %add3A_113, %add3A_131 : i32
      %lt3A_133 = arith.constant 250 : i32
      %lt3A_134 = arith.cmpi slt, %add3A_132, %lt3A_133 : i32
      %convert_element_type3A_135 = arith.extui %lt3A_134 : i1 to i32
      %cond3A_136 = arith.constant 0 : i32
      %cond3A_137 = arith.cmpi ne, %convert_element_type3A_135, %cond3A_136 : i32
      scf.if %cond3A_137 {
        %add3A_222 = arith.constant 4 : i32
        %add3A_223 = arith.addi %add3A_113, %add3A_222 : i32
        %dma_start3A_224 = arith.constant 0 : i32
        %dma_start3A_225 = tpu.memref_slice %arg7[%add3A_223, %dma_start3A_224] : memref<250x80xi32, #tpu.memory_space<vmem>> -> memref<1x80xi32, #tpu.memory_space<vmem>>
        %dma_start3A_226 = tpu.memref_squeeze %dma_start3A_225 : memref<1x80xi32, #tpu.memory_space<vmem>> -> memref<80xi32, #tpu.memory_space<vmem>>
        %dma_start3A_227 = arith.constant 0 : i32
        %dma_start3A_228 = arith.constant 0 : i32
        %dma_start3A_229 = tpu.memref_slice %arg2[%dma_start3A_227, %dma_start3A_228] : memref<40960x64xf32, #tpu.memory_space<hbm>> -> memref<40960x64xf32, #tpu.memory_space<hbm>>
        tpu.enqueue_indirect_dma source(%dma_start3A_229 : memref<40960x64xf32, #tpu.memory_space<hbm>>) target(%arg9 : memref<80x64xf32, #tpu.memory_space<vmem>>) offsets(%dma_start3A_226 : memref<80xi32, #tpu.memory_space<vmem>>) semaphore(%arg15 : memref<!tpu.dma_semaphore, #tpu.memory_space<semaphore_mem>>)
      } else {
      }
      %mul3A_138 = arith.constant 5 : i32
      %mul3A_139 = arith.muli %scan3A_85, %mul3A_138 : i32
      %add3A_140 = arith.constant 2 : i32
      %add3A_141 = arith.addi %mul3A_139, %add3A_140 : i32
      %dma_wait3A_142 = arith.constant 0 : i32
      %dma_wait3A_143 = tpu.memref_slice %arg7[%add3A_141, %dma_wait3A_142] : memref<250x80xi32, #tpu.memory_space<vmem>> -> memref<1x80xi32, #tpu.memory_space<vmem>>
      %dma_wait3A_144 = tpu.memref_squeeze %dma_wait3A_143 : memref<1x80xi32, #tpu.memory_space<vmem>> -> memref<80xi32, #tpu.memory_space<vmem>>
      %dma_wait3A_145 = arith.constant 0 : i32
      %dma_wait3A_146 = arith.constant 0 : i32
      %dma_wait3A_147 = tpu.memref_slice %arg2[%dma_wait3A_145, %dma_wait3A_146] : memref<40960x64xf32, #tpu.memory_space<hbm>> -> memref<40960x64xf32, #tpu.memory_space<hbm>>
      tpu.wait_indirect_dma semaphore(%arg17 : memref<!tpu.dma_semaphore, #tpu.memory_space<semaphore_mem>>) src(%dma_wait3A_147 : memref<40960x64xf32, #tpu.memory_space<hbm>>) dst(%arg11 : memref<80x64xf32, #tpu.memory_space<vmem>>)
      %dma_start3A_148 = arith.constant 0 : i32
      %dma_start3A_149 = tpu.memref_slice %arg8[%add3A_141, %dma_start3A_148] : memref<250x80xi32, #tpu.memory_space<vmem>> -> memref<1x80xi32, #tpu.memory_space<vmem>>
      %dma_start3A_150 = tpu.memref_squeeze %dma_start3A_149 : memref<1x80xi32, #tpu.memory_space<vmem>> -> memref<80xi32, #tpu.memory_space<vmem>>
      %dma_start3A_151 = arith.constant 0 : i32
      %dma_start3A_152 = arith.constant 0 : i32
      %dma_start3A_153 = tpu.memref_slice %arg14[%dma_start3A_151, %dma_start3A_152] : memref<10240x64xf32, #tpu.memory_space<vmem_shared>> -> memref<10240x64xf32, #tpu.memory_space<vmem_shared>>
      tpu.enqueue_indirect_dma source(%arg11 : memref<80x64xf32, #tpu.memory_space<vmem>>) target(%dma_start3A_153 : memref<10240x64xf32, #tpu.memory_space<vmem_shared>>) offsets(%dma_start3A_150 : memref<80xi32, #tpu.memory_space<vmem>>) semaphore(%arg22 : memref<!tpu.dma_semaphore, #tpu.memory_space<semaphore_mem>>) {add = true}
      %ge3A_154 = arith.constant 1 : i32
      %ge3A_155 = arith.cmpi sge, %add3A_141, %ge3A_154 : i32
      %convert_element_type3A_156 = arith.extui %ge3A_155 : i1 to i32
      %cond3A_157 = arith.constant 0 : i32
      %cond3A_158 = arith.cmpi ne, %convert_element_type3A_156, %cond3A_157 : i32
      scf.if %cond3A_158 {
        %dma_wait3A_222 = arith.constant 0 : i32
        %dma_wait3A_223 = tpu.memref_slice %arg8[%add3A_141, %dma_wait3A_222] : memref<250x80xi32, #tpu.memory_space<vmem>> -> memref<1x80xi32, #tpu.memory_space<vmem>>
        %dma_wait3A_224 = tpu.memref_squeeze %dma_wait3A_223 : memref<1x80xi32, #tpu.memory_space<vmem>> -> memref<80xi32, #tpu.memory_space<vmem>>
        %dma_wait3A_225 = arith.constant 0 : i32
        %dma_wait3A_226 = arith.constant 0 : i32
        %dma_wait3A_227 = tpu.memref_slice %arg14[%dma_wait3A_225, %dma_wait3A_226] : memref<10240x64xf32, #tpu.memory_space<vmem_shared>> -> memref<10240x64xf32, #tpu.memory_space<vmem_shared>>
        tpu.wait_indirect_dma semaphore(%arg21 : memref<!tpu.dma_semaphore, #tpu.memory_space<semaphore_mem>>) src(%arg10 : memref<80x64xf32, #tpu.memory_space<vmem>>) dst(%dma_wait3A_227 : memref<10240x64xf32, #tpu.memory_space<vmem_shared>>)
      } else {
      }
      %add3A_159 = arith.constant 4 : i32
      %add3A_160 = arith.addi %add3A_141, %add3A_159 : i32
      %lt3A_161 = arith.constant 250 : i32
      %lt3A_162 = arith.cmpi slt, %add3A_160, %lt3A_161 : i32
      %convert_element_type3A_163 = arith.extui %lt3A_162 : i1 to i32
      %cond3A_164 = arith.constant 0 : i32
      %cond3A_165 = arith.cmpi ne, %convert_element_type3A_163, %cond3A_164 : i32
      scf.if %cond3A_165 {
        %add3A_222 = arith.constant 4 : i32
        %add3A_223 = arith.addi %add3A_141, %add3A_222 : i32
        %dma_start3A_224 = arith.constant 0 : i32
        %dma_start3A_225 = tpu.memref_slice %arg7[%add3A_223, %dma_start3A_224] : memref<250x80xi32, #tpu.memory_space<vmem>> -> memref<1x80xi32, #tpu.memory_space<vmem>>
        %dma_start3A_226 = tpu.memref_squeeze %dma_start3A_225 : memref<1x80xi32, #tpu.memory_space<vmem>> -> memref<80xi32, #tpu.memory_space<vmem>>
        %dma_start3A_227 = arith.constant 0 : i32
        %dma_start3A_228 = arith.constant 0 : i32
        %dma_start3A_229 = tpu.memref_slice %arg2[%dma_start3A_227, %dma_start3A_228] : memref<40960x64xf32, #tpu.memory_space<hbm>> -> memref<40960x64xf32, #tpu.memory_space<hbm>>
        tpu.enqueue_indirect_dma source(%dma_start3A_229 : memref<40960x64xf32, #tpu.memory_space<hbm>>) target(%arg10 : memref<80x64xf32, #tpu.memory_space<vmem>>) offsets(%dma_start3A_226 : memref<80xi32, #tpu.memory_space<vmem>>) semaphore(%arg16 : memref<!tpu.dma_semaphore, #tpu.memory_space<semaphore_mem>>)
      } else {
      }
      %mul3A_166 = arith.constant 5 : i32
      %mul3A_167 = arith.muli %scan3A_85, %mul3A_166 : i32
      %add3A_168 = arith.constant 3 : i32
      %add3A_169 = arith.addi %mul3A_167, %add3A_168 : i32
      %dma_wait3A_170 = arith.constant 0 : i32
      %dma_wait3A_171 = tpu.memref_slice %arg7[%add3A_169, %dma_wait3A_170] : memref<250x80xi32, #tpu.memory_space<vmem>> -> memref<1x80xi32, #tpu.memory_space<vmem>>
      %dma_wait3A_172 = tpu.memref_squeeze %dma_wait3A_171 : memref<1x80xi32, #tpu.memory_space<vmem>> -> memref<80xi32, #tpu.memory_space<vmem>>
      %dma_wait3A_173 = arith.constant 0 : i32
      %dma_wait3A_174 = arith.constant 0 : i32
      %dma_wait3A_175 = tpu.memref_slice %arg2[%dma_wait3A_173, %dma_wait3A_174] : memref<40960x64xf32, #tpu.memory_space<hbm>> -> memref<40960x64xf32, #tpu.memory_space<hbm>>
      tpu.wait_indirect_dma semaphore(%arg18 : memref<!tpu.dma_semaphore, #tpu.memory_space<semaphore_mem>>) src(%dma_wait3A_175 : memref<40960x64xf32, #tpu.memory_space<hbm>>) dst(%arg12 : memref<80x64xf32, #tpu.memory_space<vmem>>)
      %dma_start3A_176 = arith.constant 0 : i32
      %dma_start3A_177 = tpu.memref_slice %arg8[%add3A_169, %dma_start3A_176] : memref<250x80xi32, #tpu.memory_space<vmem>> -> memref<1x80xi32, #tpu.memory_space<vmem>>
      %dma_start3A_178 = tpu.memref_squeeze %dma_start3A_177 : memref<1x80xi32, #tpu.memory_space<vmem>> -> memref<80xi32, #tpu.memory_space<vmem>>
      %dma_start3A_179 = arith.constant 0 : i32
      %dma_start3A_180 = arith.constant 0 : i32
      %dma_start3A_181 = tpu.memref_slice %arg14[%dma_start3A_179, %dma_start3A_180] : memref<10240x64xf32, #tpu.memory_space<vmem_shared>> -> memref<10240x64xf32, #tpu.memory_space<vmem_shared>>
      tpu.enqueue_indirect_dma source(%arg12 : memref<80x64xf32, #tpu.memory_space<vmem>>) target(%dma_start3A_181 : memref<10240x64xf32, #tpu.memory_space<vmem_shared>>) offsets(%dma_start3A_178 : memref<80xi32, #tpu.memory_space<vmem>>) semaphore(%arg23 : memref<!tpu.dma_semaphore, #tpu.memory_space<semaphore_mem>>) {add = true}
      %ge3A_182 = arith.constant 1 : i32
      %ge3A_183 = arith.cmpi sge, %add3A_169, %ge3A_182 : i32
      %convert_element_type3A_184 = arith.extui %ge3A_183 : i1 to i32
      %cond3A_185 = arith.constant 0 : i32
      %cond3A_186 = arith.cmpi ne, %convert_element_type3A_184, %cond3A_185 : i32
      scf.if %cond3A_186 {
        %dma_wait3A_222 = arith.constant 0 : i32
        %dma_wait3A_223 = tpu.memref_slice %arg8[%add3A_169, %dma_wait3A_222] : memref<250x80xi32, #tpu.memory_space<vmem>> -> memref<1x80xi32, #tpu.memory_space<vmem>>
        %dma_wait3A_224 = tpu.memref_squeeze %dma_wait3A_223 : memref<1x80xi32, #tpu.memory_space<vmem>> -> memref<80xi32, #tpu.memory_space<vmem>>
        %dma_wait3A_225 = arith.constant 0 : i32
        %dma_wait3A_226 = arith.constant 0 : i32
        %dma_wait3A_227 = tpu.memref_slice %arg14[%dma_wait3A_225, %dma_wait3A_226] : memref<10240x64xf32, #tpu.memory_space<vmem_shared>> -> memref<10240x64xf32, #tpu.memory_space<vmem_shared>>
        tpu.wait_indirect_dma semaphore(%arg22 : memref<!tpu.dma_semaphore, #tpu.memory_space<semaphore_mem>>) src(%arg11 : memref<80x64xf32, #tpu.memory_space<vmem>>) dst(%dma_wait3A_227 : memref<10240x64xf32, #tpu.memory_space<vmem_shared>>)
      } else {
      }
      %add3A_187 = arith.constant 4 : i32
      %add3A_188 = arith.addi %add3A_169, %add3A_187 : i32
      %lt3A_189 = arith.constant 250 : i32
      %lt3A_190 = arith.cmpi slt, %add3A_188, %lt3A_189 : i32
      %convert_element_type3A_191 = arith.extui %lt3A_190 : i1 to i32
      %cond3A_192 = arith.constant 0 : i32
      %cond3A_193 = arith.cmpi ne, %convert_element_type3A_191, %cond3A_192 : i32
      scf.if %cond3A_193 {
        %add3A_222 = arith.constant 4 : i32
        %add3A_223 = arith.addi %add3A_169, %add3A_222 : i32
        %dma_start3A_224 = arith.constant 0 : i32
        %dma_start3A_225 = tpu.memref_slice %arg7[%add3A_223, %dma_start3A_224] : memref<250x80xi32, #tpu.memory_space<vmem>> -> memref<1x80xi32, #tpu.memory_space<vmem>>
        %dma_start3A_226 = tpu.memref_squeeze %dma_start3A_225 : memref<1x80xi32, #tpu.memory_space<vmem>> -> memref<80xi32, #tpu.memory_space<vmem>>
        %dma_start3A_227 = arith.constant 0 : i32
        %dma_start3A_228 = arith.constant 0 : i32
        %dma_start3A_229 = tpu.memref_slice %arg2[%dma_start3A_227, %dma_start3A_228] : memref<40960x64xf32, #tpu.memory_space<hbm>> -> memref<40960x64xf32, #tpu.memory_space<hbm>>
        tpu.enqueue_indirect_dma source(%dma_start3A_229 : memref<40960x64xf32, #tpu.memory_space<hbm>>) target(%arg11 : memref<80x64xf32, #tpu.memory_space<vmem>>) offsets(%dma_start3A_226 : memref<80xi32, #tpu.memory_space<vmem>>) semaphore(%arg17 : memref<!tpu.dma_semaphore, #tpu.memory_space<semaphore_mem>>)
      } else {
      }
      %mul3A_194 = arith.constant 5 : i32
      %mul3A_195 = arith.muli %scan3A_85, %mul3A_194 : i32
      %add3A_196 = arith.constant 4 : i32
      %add3A_197 = arith.addi %mul3A_195, %add3A_196 : i32
      %dma_wait3A_198 = arith.constant 0 : i32
      %dma_wait3A_199 = tpu.memref_slice %arg7[%add3A_197, %dma_wait3A_198] : memref<250x80xi32, #tpu.memory_space<vmem>> -> memref<1x80xi32, #tpu.memory_space<vmem>>
      %dma_wait3A_200 = tpu.memref_squeeze %dma_wait3A_199 : memref<1x80xi32, #tpu.memory_space<vmem>> -> memref<80xi32, #tpu.memory_space<vmem>>
      %dma_wait3A_201 = arith.constant 0 : i32
      %dma_wait3A_202 = arith.constant 0 : i32
      %dma_wait3A_203 = tpu.memref_slice %arg2[%dma_wait3A_201, %dma_wait3A_202] : memref<40960x64xf32, #tpu.memory_space<hbm>> -> memref<40960x64xf32, #tpu.memory_space<hbm>>
      tpu.wait_indirect_dma semaphore(%arg19 : memref<!tpu.dma_semaphore, #tpu.memory_space<semaphore_mem>>) src(%dma_wait3A_203 : memref<40960x64xf32, #tpu.memory_space<hbm>>) dst(%arg13 : memref<80x64xf32, #tpu.memory_space<vmem>>)
      %dma_start3A_204 = arith.constant 0 : i32
      %dma_start3A_205 = tpu.memref_slice %arg8[%add3A_197, %dma_start3A_204] : memref<250x80xi32, #tpu.memory_space<vmem>> -> memref<1x80xi32, #tpu.memory_space<vmem>>
      %dma_start3A_206 = tpu.memref_squeeze %dma_start3A_205 : memref<1x80xi32, #tpu.memory_space<vmem>> -> memref<80xi32, #tpu.memory_space<vmem>>
      %dma_start3A_207 = arith.constant 0 : i32
      %dma_start3A_208 = arith.constant 0 : i32
      %dma_start3A_209 = tpu.memref_slice %arg14[%dma_start3A_207, %dma_start3A_208] : memref<10240x64xf32, #tpu.memory_space<vmem_shared>> -> memref<10240x64xf32, #tpu.memory_space<vmem_shared>>
      tpu.enqueue_indirect_dma source(%arg13 : memref<80x64xf32, #tpu.memory_space<vmem>>) target(%dma_start3A_209 : memref<10240x64xf32, #tpu.memory_space<vmem_shared>>) offsets(%dma_start3A_206 : memref<80xi32, #tpu.memory_space<vmem>>) semaphore(%arg24 : memref<!tpu.dma_semaphore, #tpu.memory_space<semaphore_mem>>) {add = true}
      %ge3A_210 = arith.constant 1 : i32
      %ge3A_211 = arith.cmpi sge, %add3A_197, %ge3A_210 : i32
      %convert_element_type3A_212 = arith.extui %ge3A_211 : i1 to i32
      %cond3A_213 = arith.constant 0 : i32
      %cond3A_214 = arith.cmpi ne, %convert_element_type3A_212, %cond3A_213 : i32
      scf.if %cond3A_214 {
        %dma_wait3A_222 = arith.constant 0 : i32
        %dma_wait3A_223 = tpu.memref_slice %arg8[%add3A_197, %dma_wait3A_222] : memref<250x80xi32, #tpu.memory_space<vmem>> -> memref<1x80xi32, #tpu.memory_space<vmem>>
        %dma_wait3A_224 = tpu.memref_squeeze %dma_wait3A_223 : memref<1x80xi32, #tpu.memory_space<vmem>> -> memref<80xi32, #tpu.memory_space<vmem>>
        %dma_wait3A_225 = arith.constant 0 : i32
        %dma_wait3A_226 = arith.constant 0 : i32
        %dma_wait3A_227 = tpu.memref_slice %arg14[%dma_wait3A_225, %dma_wait3A_226] : memref<10240x64xf32, #tpu.memory_space<vmem_shared>> -> memref<10240x64xf32, #tpu.memory_space<vmem_shared>>
        tpu.wait_indirect_dma semaphore(%arg23 : memref<!tpu.dma_semaphore, #tpu.memory_space<semaphore_mem>>) src(%arg12 : memref<80x64xf32, #tpu.memory_space<vmem>>) dst(%dma_wait3A_227 : memref<10240x64xf32, #tpu.memory_space<vmem_shared>>)
      } else {
      }
      %add3A_215 = arith.constant 4 : i32
      %add3A_216 = arith.addi %add3A_197, %add3A_215 : i32
      %lt3A_217 = arith.constant 250 : i32
      %lt3A_218 = arith.cmpi slt, %add3A_216, %lt3A_217 : i32
      %convert_element_type3A_219 = arith.extui %lt3A_218 : i1 to i32
      %cond3A_220 = arith.constant 0 : i32
      %cond3A_221 = arith.cmpi ne, %convert_element_type3A_219, %cond3A_220 : i32
      scf.if %cond3A_221 {
        %add3A_222 = arith.constant 4 : i32
        %add3A_223 = arith.addi %add3A_197, %add3A_222 : i32
        %dma_start3A_224 = arith.constant 0 : i32
        %dma_start3A_225 = tpu.memref_slice %arg7[%add3A_223, %dma_start3A_224] : memref<250x80xi32, #tpu.memory_space<vmem>> -> memref<1x80xi32, #tpu.memory_space<vmem>>
        %dma_start3A_226 = tpu.memref_squeeze %dma_start3A_225 : memref<1x80xi32, #tpu.memory_space<vmem>> -> memref<80xi32, #tpu.memory_space<vmem>>
        %dma_start3A_227 = arith.constant 0 : i32
        %dma_start3A_228 = arith.constant 0 : i32
        %dma_start3A_229 = tpu.memref_slice %arg2[%dma_start3A_227, %dma_start3A_228] : memref<40960x64xf32, #tpu.memory_space<hbm>> -> memref<40960x64xf32, #tpu.memory_space<hbm>>
        tpu.enqueue_indirect_dma source(%dma_start3A_229 : memref<40960x64xf32, #tpu.memory_space<hbm>>) target(%arg12 : memref<80x64xf32, #tpu.memory_space<vmem>>) offsets(%dma_start3A_226 : memref<80xi32, #tpu.memory_space<vmem>>) semaphore(%arg18 : memref<!tpu.dma_semaphore, #tpu.memory_space<semaphore_mem>>)
      } else {
      }
    }
    %scan3A_73 = arith.constant 50 : i32
    %dma_wait3A_74 = arith.constant 0 : i32
    %dma_wait3A_75 = arith.constant 0 : i32
    %dma_wait3A_76 = tpu.memref_slice %arg8[%dma_wait3A_74, %dma_wait3A_75] : memref<250x80xi32, #tpu.memory_space<vmem>> -> memref<1x80xi32, #tpu.memory_space<vmem>>
    %dma_wait3A_77 = tpu.memref_squeeze %dma_wait3A_76 : memref<1x80xi32, #tpu.memory_space<vmem>> -> memref<80xi32, #tpu.memory_space<vmem>>
    %dma_wait3A_78 = arith.constant 0 : i32
    %dma_wait3A_79 = arith.constant 0 : i32
    %dma_wait3A_80 = tpu.memref_slice %arg14[%dma_wait3A_78, %dma_wait3A_79] : memref<10240x64xf32, #tpu.memory_space<vmem_shared>> -> memref<10240x64xf32, #tpu.memory_space<vmem_shared>>
    tpu.wait_indirect_dma semaphore(%arg24 : memref<!tpu.dma_semaphore, #tpu.memory_space<semaphore_mem>>) src(%arg13 : memref<80x64xf32, #tpu.memory_space<vmem>>) dst(%dma_wait3A_80 : memref<10240x64xf32, #tpu.memory_space<vmem_shared>>)
    %barrier3A_81 = arith.constant 0 : index
    tpu.barrier barrier_id(%barrier3A_81)
    %mul3A_82 = arith.constant 10240 : i32
    %mul3A_83 = arith.muli %arg0, %mul3A_82 : i32
    %add3A_84 = arith.addi %mul3A_83, %mul3A_2 : i32
    "tpu.region"() ({
      %run_scoped3A = tpu.sem_alloc : memref<!tpu.dma_semaphore, #tpu.memory_space<semaphore_mem>>
      %dma_start3A_85 = arith.constant 0 : i32
      %dma_start3A_86 = tpu.memref_slice %arg6[%add3A_84, %dma_start3A_85] : memref<20480x64xf32, #tpu.memory_space<hbm>> -> memref<640x64xf32, #tpu.memory_space<hbm>>
      %dma_start3A_87 = arith.constant 0 : i32
      %dma_start3A_88 = tpu.memref_slice %arg14[%mul3A_2, %dma_start3A_87] : memref<10240x64xf32, #tpu.memory_space<vmem_shared>> -> memref<640x64xf32, #tpu.memory_space<vmem_shared>>
      tpu.enqueue_dma source(%dma_start3A_88 : memref<640x64xf32, #tpu.memory_space<vmem_shared>>) target(%dma_start3A_86 : memref<640x64xf32, #tpu.memory_space<hbm>>) target_semaphore(%run_scoped3A : memref<!tpu.dma_semaphore, #tpu.memory_space<semaphore_mem>>)
      %dma_wait3A_89 = arith.constant 0 : i32
      %dma_wait3A_90 = tpu.memref_slice %arg6[%add3A_84, %dma_wait3A_89] : memref<20480x64xf32, #tpu.memory_space<hbm>> -> memref<640x64xf32, #tpu.memory_space<hbm>>
      %dma_wait3A_91 = arith.constant 0 : i32
      %dma_wait3A_92 = tpu.memref_slice %arg14[%mul3A_2, %dma_wait3A_91] : memref<10240x64xf32, #tpu.memory_space<vmem_shared>> -> memref<640x64xf32, #tpu.memory_space<vmem_shared>>
      tpu.wait_dma2 semaphore(%run_scoped3A : memref<!tpu.dma_semaphore, #tpu.memory_space<semaphore_mem>>) src(%dma_wait3A_92 : memref<640x64xf32, #tpu.memory_space<vmem_shared>>) dst(%dma_wait3A_90 : memref<640x64xf32, #tpu.memory_space<hbm>>)
      tpu.yield
    }) : () -> ()
    return
  }
}

module attributes {stable_mosaic.version = 14 : i64} {
  func.func @_tc1_body(%arg0: i32, %arg1: memref<2x2000x8xf32, #tpu.memory_space<vmem>>, %arg2: memref<2000x128xf32, #tpu.memory_space<vmem>>, %arg3: memref<128x256xf32, #tpu.memory_space<vmem>>, %arg4: memref<2000x8xf32, #tpu.memory_space<vmem>>, %arg5: memref<4x2000x64xf32, #tpu.memory_space<vmem>>) attributes {dimension_semantics = [#tpu.dimension_semantics<arbitrary>], iteration_bounds = array<i64: 5>, scalar_prefetch = 0 : i64, scratch_operands = 0 : i64, tpu.core_type = #tpu.core_type<tc>, window_params = [{transform_indices = @transform_0, window_bounds = array<i64: 2, 2000, 8>}, {transform_indices = @transform_1, window_bounds = array<i64: 2000, 128>}, {pipeline_mode = #tpu.pipeline_mode<synchronous>, transform_indices = @transform_2, window_bounds = array<i64: 128, 256>}, {transform_indices = @transform_3, window_bounds = array<i64: 2000, 8>}, {transform_indices = @transform_4, window_bounds = array<i64: 4, 2000, 64>}]} {
    %get3A = arith.constant 0 : index
    %get3A_0 = arith.constant 0 : index
    %get3A_1 = arith.constant 0 : index
    %get3A_2 = vector.load %arg1[%get3A, %get3A_0, %get3A_1] : memref<2x2000x8xf32, #tpu.memory_space<vmem>>, vector<1x2000x8xf32>
    %get3A_3 = vector.shape_cast %get3A_2 : vector<1x2000x8xf32> to vector<2000x8xf32>
    %add3A = arith.constant 1.000000e+00 : f32
    %add3A_4 = vector.broadcast %add3A : f32 to vector<2000x8xf32>
    %add3A_5 = arith.addf %get3A_3, %add3A_4 : vector<2000x8xf32>
    %rsqrt3A = math.rsqrt %add3A_5 : vector<2000x8xf32>
    %swap3A = arith.constant 0 : index
    %swap3A_6 = arith.constant 0 : index
    %swap3A_7 = vector.load %arg4[%swap3A, %swap3A_6] : memref<2000x8xf32, #tpu.memory_space<vmem>>, vector<2000x8xf32>
    tpu.vector_store %arg4[%swap3A, %swap3A_6], %rsqrt3A {strides = array<i32>} : memref<2000x8xf32, #tpu.memory_space<vmem>>, vector<2000x8xf32>,
    %get3A_8 = arith.constant 0 : index
    %get3A_9 = arith.constant 0 : index
    %get3A_10 = vector.load %arg2[%get3A_8, %get3A_9] : memref<2000x128xf32, #tpu.memory_space<vmem>>, vector<2000x128xf32>
    %get3A_11 = arith.constant 0 : index
    %get3A_12 = arith.constant 0 : index
    %get3A_13 = vector.load %arg3[%get3A_11, %get3A_12] : memref<128x256xf32, #tpu.memory_space<vmem>>, vector<128x256xf32>
    %dot_general3A = arith.constant dense<0.000000e+00> : vector<2000x256xf32>
    %dot_general3A_14 = tpu.matmul %get3A_10, %get3A_13, %dot_general3A {dimension_numbers = #tpu.dot_dimension_numbers<[1], [0], [0], [1], [0, 0, 1, 1], [], []>, transpose_lhs_hint = false} : vector<2000x128xf32>, vector<128x256xf32>, vector<2000x256xf32> -> vector<2000x256xf32>
    %slice3A = vector.extract_strided_slice %rsqrt3A {offsets = [0, 0], sizes = [2000, 1], strides = [1, 1]} : vector<2000x8xf32> to vector<2000x1xf32>
    %mul3A = vector.broadcast %slice3A : vector<2000x1xf32> to vector<2000x256xf32>
    %mul3A_15 = arith.mulf %mul3A, %dot_general3A_14 : vector<2000x256xf32>
    %slice3A_16 = vector.extract_strided_slice %mul3A_15 {offsets = [0, 0], sizes = [2000, 64], strides = [1, 1]} : vector<2000x256xf32> to vector<2000x64xf32>
    %swap3A_17 = arith.constant 0 : index
    %swap3A_18 = arith.constant 0 : index
    %swap3A_19 = arith.constant 0 : index
    %swap3A_20 = vector.load %arg5[%swap3A_17, %swap3A_18, %swap3A_19] : memref<4x2000x64xf32, #tpu.memory_space<vmem>>, vector<1x2000x64xf32>
    %swap3A_21 = vector.shape_cast %swap3A_20 : vector<1x2000x64xf32> to vector<2000x64xf32>
    %swap3A_22 = vector.shape_cast %slice3A_16 : vector<2000x64xf32> to vector<1x2000x64xf32>
    tpu.vector_store %arg5[%swap3A_17, %swap3A_18, %swap3A_19], %swap3A_22 {strides = array<i32>} : memref<4x2000x64xf32, #tpu.memory_space<vmem>>, vector<1x2000x64xf32>,
    %slice3A_23 = vector.extract_strided_slice %mul3A_15 {offsets = [0, 64], sizes = [2000, 64], strides = [1, 1]} : vector<2000x256xf32> to vector<2000x64xf32>
    %swap3A_24 = arith.constant 1 : index
    %swap3A_25 = arith.constant 0 : index
    %swap3A_26 = arith.constant 0 : index
    %swap3A_27 = vector.load %arg5[%swap3A_24, %swap3A_25, %swap3A_26] : memref<4x2000x64xf32, #tpu.memory_space<vmem>>, vector<1x2000x64xf32>
    %swap3A_28 = vector.shape_cast %swap3A_27 : vector<1x2000x64xf32> to vector<2000x64xf32>
    %swap3A_29 = vector.shape_cast %slice3A_23 : vector<2000x64xf32> to vector<1x2000x64xf32>
    tpu.vector_store %arg5[%swap3A_24, %swap3A_25, %swap3A_26], %swap3A_29 {strides = array<i32>} : memref<4x2000x64xf32, #tpu.memory_space<vmem>>, vector<1x2000x64xf32>,
    %slice3A_30 = vector.extract_strided_slice %mul3A_15 {offsets = [0, 128], sizes = [2000, 64], strides = [1, 1]} : vector<2000x256xf32> to vector<2000x64xf32>
    %swap3A_31 = arith.constant 2 : index
    %swap3A_32 = arith.constant 0 : index
    %swap3A_33 = arith.constant 0 : index
    %swap3A_34 = vector.load %arg5[%swap3A_31, %swap3A_32, %swap3A_33] : memref<4x2000x64xf32, #tpu.memory_space<vmem>>, vector<1x2000x64xf32>
    %swap3A_35 = vector.shape_cast %swap3A_34 : vector<1x2000x64xf32> to vector<2000x64xf32>
    %swap3A_36 = vector.shape_cast %slice3A_30 : vector<2000x64xf32> to vector<1x2000x64xf32>
    tpu.vector_store %arg5[%swap3A_31, %swap3A_32, %swap3A_33], %swap3A_36 {strides = array<i32>} : memref<4x2000x64xf32, #tpu.memory_space<vmem>>, vector<1x2000x64xf32>,
    %slice3A_37 = vector.extract_strided_slice %mul3A_15 {offsets = [0, 192], sizes = [2000, 64], strides = [1, 1]} : vector<2000x256xf32> to vector<2000x64xf32>
    %swap3A_38 = arith.constant 3 : index
    %swap3A_39 = arith.constant 0 : index
    %swap3A_40 = arith.constant 0 : index
    %swap3A_41 = vector.load %arg5[%swap3A_38, %swap3A_39, %swap3A_40] : memref<4x2000x64xf32, #tpu.memory_space<vmem>>, vector<1x2000x64xf32>
    %swap3A_42 = vector.shape_cast %swap3A_41 : vector<1x2000x64xf32> to vector<2000x64xf32>
    %swap3A_43 = vector.shape_cast %slice3A_37 : vector<2000x64xf32> to vector<1x2000x64xf32>
    tpu.vector_store %arg5[%swap3A_38, %swap3A_39, %swap3A_40], %swap3A_43 {strides = array<i32>} : memref<4x2000x64xf32, #tpu.memory_space<vmem>>, vector<1x2000x64xf32>,
    return
  }
  func.func @transform_0(%arg0: i32) -> (i32, i32, i32) {
    %c0_i32 = arith.constant 0 : i32
    %c0_i32_0 = arith.constant 0 : i32
    %c0_i32_1 = arith.constant 0 : i32
    return %c0_i32, %arg0, %c0_i32_0 : i32, i32, i32
  }
  func.func @transform_1(%arg0: i32) -> (i32, i32) {
    %c0_i32 = arith.constant 0 : i32
    %c0_i32_0 = arith.constant 0 : i32
    return %arg0, %c0_i32 : i32, i32
  }
  func.func @transform_2(%arg0: i32) -> (i32, i32) {
    %c0_i32 = arith.constant 0 : i32
    %c0_i32_0 = arith.constant 0 : i32
    %c0_i32_1 = arith.constant 0 : i32
    return %c0_i32, %c0_i32_0 : i32, i32
  }
  func.func @transform_3(%arg0: i32) -> (i32, i32) {
    %c0_i32 = arith.constant 0 : i32
    %c0_i32_0 = arith.constant 0 : i32
    return %arg0, %c0_i32 : i32, i32
  }
  func.func @transform_4(%arg0: i32) -> (i32, i32, i32) {
    %c0_i32 = arith.constant 0 : i32
    %c0_i32_0 = arith.constant 0 : i32
    %c0_i32_1 = arith.constant 0 : i32
    return %c0_i32, %arg0, %c0_i32_0 : i32, i32, i32
  }
}

module attributes {stable_mosaic.version = 14 : i64} {
  func.func @body(%arg0: i32, %arg1: memref<4x2000x64xf32, #tpu.memory_space<vmem>>, %arg2: memref<2x2000x64xf32, #tpu.memory_space<vmem>>, %arg3: memref<2x2000x64xf32, #tpu.memory_space<vmem>>, %arg4: memref<2000x8xf32, #tpu.memory_space<vmem>>, %arg5: memref<1x256xf32, #tpu.memory_space<vmem>>, %arg6: memref<1x256xf32, #tpu.memory_space<vmem>>, %arg7: memref<1x256xf32, #tpu.memory_space<vmem>>, %arg8: memref<256x256xf32, #tpu.memory_space<vmem>>, %arg9: memref<4x2000x64xf32, #tpu.memory_space<vmem>>) attributes {dimension_semantics = [#tpu.dimension_semantics<arbitrary>], iteration_bounds = array<i64: 5>, scalar_prefetch = 0 : i64, scratch_operands = 0 : i64, tpu.core_type = #tpu.core_type<tc>, window_params = [{transform_indices = @transform_0, window_bounds = array<i64: 4, 2000, 64>}, {transform_indices = @transform_1, window_bounds = array<i64: 2, 2000, 64>}, {transform_indices = @transform_2, window_bounds = array<i64: 2, 2000, 64>}, {transform_indices = @transform_3, window_bounds = array<i64: 2000, 8>}, {pipeline_mode = #tpu.pipeline_mode<synchronous>, transform_indices = @transform_4, window_bounds = array<i64: 1, 256>}, {pipeline_mode = #tpu.pipeline_mode<synchronous>, transform_indices = @transform_5, window_bounds = array<i64: 1, 256>}, {pipeline_mode = #tpu.pipeline_mode<synchronous>, transform_indices = @transform_6, window_bounds = array<i64: 1, 256>}, {pipeline_mode = #tpu.pipeline_mode<synchronous>, transform_indices = @transform_7, window_bounds = array<i64: 256, 256>}, {transform_indices = @transform_8, window_bounds = array<i64: 4, 2000, 64>}]} {
    %get3A = arith.constant 0 : index
    %get3A_0 = arith.constant 0 : index
    %get3A_1 = arith.constant 0 : index
    %get3A_2 = vector.load %arg1[%get3A, %get3A_0, %get3A_1] : memref<4x2000x64xf32, #tpu.memory_space<vmem>>, vector<1x2000x64xf32>
    %get3A_3 = vector.shape_cast %get3A_2 : vector<1x2000x64xf32> to vector<2000x64xf32>
    %get3A_4 = arith.constant 0 : index
    %get3A_5 = arith.constant 0 : index
    %get3A_6 = arith.constant 0 : index
    %get3A_7 = vector.load %arg2[%get3A_4, %get3A_5, %get3A_6] : memref<2x2000x64xf32, #tpu.memory_space<vmem>>, vector<1x2000x64xf32>
    %get3A_8 = vector.shape_cast %get3A_7 : vector<1x2000x64xf32> to vector<2000x64xf32>
    %add3A = arith.addf %get3A_3, %get3A_8 : vector<2000x64xf32>
    %get3A_9 = arith.constant 1 : index
    %get3A_10 = arith.constant 0 : index
    %get3A_11 = arith.constant 0 : index
    %get3A_12 = vector.load %arg1[%get3A_9, %get3A_10, %get3A_11] : memref<4x2000x64xf32, #tpu.memory_space<vmem>>, vector<1x2000x64xf32>
    %get3A_13 = vector.shape_cast %get3A_12 : vector<1x2000x64xf32> to vector<2000x64xf32>
    %get3A_14 = arith.constant 1 : index
    %get3A_15 = arith.constant 0 : index
    %get3A_16 = arith.constant 0 : index
    %get3A_17 = vector.load %arg2[%get3A_14, %get3A_15, %get3A_16] : memref<2x2000x64xf32, #tpu.memory_space<vmem>>, vector<1x2000x64xf32>
    %get3A_18 = vector.shape_cast %get3A_17 : vector<1x2000x64xf32> to vector<2000x64xf32>
    %add3A_19 = arith.addf %get3A_13, %get3A_18 : vector<2000x64xf32>
    %get3A_20 = arith.constant 2 : index
    %get3A_21 = arith.constant 0 : index
    %get3A_22 = arith.constant 0 : index
    %get3A_23 = vector.load %arg1[%get3A_20, %get3A_21, %get3A_22] : memref<4x2000x64xf32, #tpu.memory_space<vmem>>, vector<1x2000x64xf32>
    %get3A_24 = vector.shape_cast %get3A_23 : vector<1x2000x64xf32> to vector<2000x64xf32>
    %get3A_25 = arith.constant 0 : index
    %get3A_26 = arith.constant 0 : index
    %get3A_27 = arith.constant 0 : index
    %get3A_28 = vector.load %arg3[%get3A_25, %get3A_26, %get3A_27] : memref<2x2000x64xf32, #tpu.memory_space<vmem>>, vector<1x2000x64xf32>
    %get3A_29 = vector.shape_cast %get3A_28 : vector<1x2000x64xf32> to vector<2000x64xf32>
    %add3A_30 = arith.addf %get3A_24, %get3A_29 : vector<2000x64xf32>
    %get3A_31 = arith.constant 3 : index
    %get3A_32 = arith.constant 0 : index
    %get3A_33 = arith.constant 0 : index
    %get3A_34 = vector.load %arg1[%get3A_31, %get3A_32, %get3A_33] : memref<4x2000x64xf32, #tpu.memory_space<vmem>>, vector<1x2000x64xf32>
    %get3A_35 = vector.shape_cast %get3A_34 : vector<1x2000x64xf32> to vector<2000x64xf32>
    %get3A_36 = arith.constant 1 : index
    %get3A_37 = arith.constant 0 : index
    %get3A_38 = arith.constant 0 : index
    %get3A_39 = vector.load %arg3[%get3A_36, %get3A_37, %get3A_38] : memref<2x2000x64xf32, #tpu.memory_space<vmem>>, vector<1x2000x64xf32>
    %get3A_40 = vector.shape_cast %get3A_39 : vector<1x2000x64xf32> to vector<2000x64xf32>
    %add3A_41 = arith.addf %get3A_35, %get3A_40 : vector<2000x64xf32>
    %concatenate3A = tpu.concatenate %add3A, %add3A_19, %add3A_30, %add3A_41 in 1 : vector<2000x64xf32>, vector<2000x64xf32>, vector<2000x64xf32>, vector<2000x64xf32> -> vector<2000x256xf32>
    %get3A_42 = arith.constant 0 : index
    %get3A_43 = arith.constant 0 : index
    %get3A_44 = vector.load %arg4[%get3A_42, %get3A_43] : memref<2000x8xf32, #tpu.memory_space<vmem>>, vector<2000x8xf32>
    %slice3A = vector.extract_strided_slice %get3A_44 {offsets = [0, 0], sizes = [2000, 1], strides = [1, 1]} : vector<2000x8xf32> to vector<2000x1xf32>
    %mul3A = vector.broadcast %slice3A : vector<2000x1xf32> to vector<2000x256xf32>
    %mul3A_45 = arith.mulf %mul3A, %concatenate3A : vector<2000x256xf32>
    %get3A_46 = arith.constant 0 : index
    %get3A_47 = arith.constant 0 : index
    %get3A_48 = vector.load %arg5[%get3A_46, %get3A_47] : memref<1x256xf32, #tpu.memory_space<vmem>>, vector<1x256xf32>
    %add3A_49 = vector.broadcast %get3A_48 : vector<1x256xf32> to vector<2000x256xf32>
    %add3A_50 = arith.addf %mul3A_45, %add3A_49 : vector<2000x256xf32>
    %get3A_51 = arith.constant 0 : index
    %get3A_52 = arith.constant 0 : index
    %get3A_53 = vector.load %arg6[%get3A_51, %get3A_52] : memref<1x256xf32, #tpu.memory_space<vmem>>, vector<1x256xf32>
    %mul3A_54 = arith.constant 0.999994993 : f32
    %mul3A_55 = vector.broadcast %mul3A_54 : f32 to vector<1x256xf32>
    %mul3A_56 = arith.mulf %get3A_53, %mul3A_55 : vector<1x256xf32>
    %mul3A_57 = vector.broadcast %mul3A_56 : vector<1x256xf32> to vector<2000x256xf32>
    %mul3A_58 = arith.mulf %add3A_50, %mul3A_57 : vector<2000x256xf32>
    %get3A_59 = arith.constant 0 : index
    %get3A_60 = arith.constant 0 : index
    %get3A_61 = vector.load %arg7[%get3A_59, %get3A_60] : memref<1x256xf32, #tpu.memory_space<vmem>>, vector<1x256xf32>
    %add3A_62 = vector.broadcast %get3A_61 : vector<1x256xf32> to vector<2000x256xf32>
    %add3A_63 = arith.addf %mul3A_58, %add3A_62 : vector<2000x256xf32>
    %max3A = arith.constant 0.000000e+00 : f32
    %max3A_64 = vector.broadcast %max3A : f32 to vector<2000x256xf32>
    %max3A_65 = arith.maximumf %add3A_63, %max3A_64 : vector<2000x256xf32>
    %get3A_66 = arith.constant 0 : index
    %get3A_67 = arith.constant 0 : index
    %get3A_68 = vector.load %arg8[%get3A_66, %get3A_67] : memref<256x256xf32, #tpu.memory_space<vmem>>, vector<256x256xf32>
    %dot_general3A = arith.constant dense<0.000000e+00> : vector<2000x256xf32>
    %dot_general3A_69 = tpu.matmul %max3A_65, %get3A_68, %dot_general3A {dimension_numbers = #tpu.dot_dimension_numbers<[1], [0], [0], [1], [0, 0, 1, 1], [], []>, transpose_lhs_hint = false} : vector<2000x256xf32>, vector<256x256xf32>, vector<2000x256xf32> -> vector<2000x256xf32>
    %mul3A_70 = vector.broadcast %slice3A : vector<2000x1xf32> to vector<2000x256xf32>
    %mul3A_71 = arith.mulf %mul3A_70, %dot_general3A_69 : vector<2000x256xf32>
    %slice3A_72 = vector.extract_strided_slice %mul3A_71 {offsets = [0, 0], sizes = [2000, 64], strides = [1, 1]} : vector<2000x256xf32> to vector<2000x64xf32>
    %swap3A = arith.constant 0 : index
    %swap3A_73 = arith.constant 0 : index
    %swap3A_74 = arith.constant 0 : index
    %swap3A_75 = vector.load %arg9[%swap3A, %swap3A_73, %swap3A_74] : memref<4x2000x64xf32, #tpu.memory_space<vmem>>, vector<1x2000x64xf32>
    %swap3A_76 = vector.shape_cast %swap3A_75 : vector<1x2000x64xf32> to vector<2000x64xf32>
    %swap3A_77 = vector.shape_cast %slice3A_72 : vector<2000x64xf32> to vector<1x2000x64xf32>
    tpu.vector_store %arg9[%swap3A, %swap3A_73, %swap3A_74], %swap3A_77 {strides = array<i32>} : memref<4x2000x64xf32, #tpu.memory_space<vmem>>, vector<1x2000x64xf32>,
    %slice3A_78 = vector.extract_strided_slice %mul3A_71 {offsets = [0, 64], sizes = [2000, 64], strides = [1, 1]} : vector<2000x256xf32> to vector<2000x64xf32>
    %swap3A_79 = arith.constant 1 : index
    %swap3A_80 = arith.constant 0 : index
    %swap3A_81 = arith.constant 0 : index
    %swap3A_82 = vector.load %arg9[%swap3A_79, %swap3A_80, %swap3A_81] : memref<4x2000x64xf32, #tpu.memory_space<vmem>>, vector<1x2000x64xf32>
    %swap3A_83 = vector.shape_cast %swap3A_82 : vector<1x2000x64xf32> to vector<2000x64xf32>
    %swap3A_84 = vector.shape_cast %slice3A_78 : vector<2000x64xf32> to vector<1x2000x64xf32>
    tpu.vector_store %arg9[%swap3A_79, %swap3A_80, %swap3A_81], %swap3A_84 {strides = array<i32>} : memref<4x2000x64xf32, #tpu.memory_space<vmem>>, vector<1x2000x64xf32>,
    %slice3A_85 = vector.extract_strided_slice %mul3A_71 {offsets = [0, 128], sizes = [2000, 64], strides = [1, 1]} : vector<2000x256xf32> to vector<2000x64xf32>
    %swap3A_86 = arith.constant 2 : index
    %swap3A_87 = arith.constant 0 : index
    %swap3A_88 = arith.constant 0 : index
    %swap3A_89 = vector.load %arg9[%swap3A_86, %swap3A_87, %swap3A_88] : memref<4x2000x64xf32, #tpu.memory_space<vmem>>, vector<1x2000x64xf32>
    %swap3A_90 = vector.shape_cast %swap3A_89 : vector<1x2000x64xf32> to vector<2000x64xf32>
    %swap3A_91 = vector.shape_cast %slice3A_85 : vector<2000x64xf32> to vector<1x2000x64xf32>
    tpu.vector_store %arg9[%swap3A_86, %swap3A_87, %swap3A_88], %swap3A_91 {strides = array<i32>} : memref<4x2000x64xf32, #tpu.memory_space<vmem>>, vector<1x2000x64xf32>,
    %slice3A_92 = vector.extract_strided_slice %mul3A_71 {offsets = [0, 192], sizes = [2000, 64], strides = [1, 1]} : vector<2000x256xf32> to vector<2000x64xf32>
    %swap3A_93 = arith.constant 3 : index
    %swap3A_94 = arith.constant 0 : index
    %swap3A_95 = arith.constant 0 : index
    %swap3A_96 = vector.load %arg9[%swap3A_93, %swap3A_94, %swap3A_95] : memref<4x2000x64xf32, #tpu.memory_space<vmem>>, vector<1x2000x64xf32>
    %swap3A_97 = vector.shape_cast %swap3A_96 : vector<1x2000x64xf32> to vector<2000x64xf32>
    %swap3A_98 = vector.shape_cast %slice3A_92 : vector<2000x64xf32> to vector<1x2000x64xf32>
    tpu.vector_store %arg9[%swap3A_93, %swap3A_94, %swap3A_95], %swap3A_98 {strides = array<i32>} : memref<4x2000x64xf32, #tpu.memory_space<vmem>>, vector<1x2000x64xf32>,
    return
  }
  func.func @transform_0(%arg0: i32) -> (i32, i32, i32) {
    %c0_i32 = arith.constant 0 : i32
    %c0_i32_0 = arith.constant 0 : i32
    %c0_i32_1 = arith.constant 0 : i32
    return %c0_i32, %arg0, %c0_i32_0 : i32, i32, i32
  }
  func.func @transform_1(%arg0: i32) -> (i32, i32, i32) {
    %c0_i32 = arith.constant 0 : i32
    %c0_i32_0 = arith.constant 0 : i32
    %c0_i32_1 = arith.constant 0 : i32
    return %c0_i32, %arg0, %c0_i32_0 : i32, i32, i32
  }
  func.func @transform_2(%arg0: i32) -> (i32, i32, i32) {
    %c0_i32 = arith.constant 0 : i32
    %c0_i32_0 = arith.constant 0 : i32
    %c0_i32_1 = arith.constant 0 : i32
    return %c0_i32, %arg0, %c0_i32_0 : i32, i32, i32
  }
  func.func @transform_3(%arg0: i32) -> (i32, i32) {
    %c0_i32 = arith.constant 0 : i32
    %c0_i32_0 = arith.constant 0 : i32
    return %arg0, %c0_i32 : i32, i32
  }
  func.func @transform_4(%arg0: i32) -> (i32, i32) {
    %c0_i32 = arith.constant 0 : i32
    %c0_i32_0 = arith.constant 0 : i32
    %c0_i32_1 = arith.constant 0 : i32
    return %c0_i32, %c0_i32_0 : i32, i32
  }
  func.func @transform_5(%arg0: i32) -> (i32, i32) {
    %c0_i32 = arith.constant 0 : i32
    %c0_i32_0 = arith.constant 0 : i32
    %c0_i32_1 = arith.constant 0 : i32
    return %c0_i32, %c0_i32_0 : i32, i32
  }
  func.func @transform_6(%arg0: i32) -> (i32, i32) {
    %c0_i32 = arith.constant 0 : i32
    %c0_i32_0 = arith.constant 0 : i32
    %c0_i32_1 = arith.constant 0 : i32
    return %c0_i32, %c0_i32_0 : i32, i32
  }
  func.func @transform_7(%arg0: i32) -> (i32, i32) {
    %c0_i32 = arith.constant 0 : i32
    %c0_i32_0 = arith.constant 0 : i32
    %c0_i32_1 = arith.constant 0 : i32
    return %c0_i32, %c0_i32_0 : i32, i32
  }
  func.func @transform_8(%arg0: i32) -> (i32, i32, i32) {
    %c0_i32 = arith.constant 0 : i32
    %c0_i32_0 = arith.constant 0 : i32
    %c0_i32_1 = arith.constant 0 : i32
    return %c0_i32, %arg0, %c0_i32_0 : i32, i32, i32
  }
}

module attributes {stable_mosaic.version = 14 : i64} {
  func.func @body(%arg0: i32, %arg1: memref<4x2000x64xf32, #tpu.memory_space<vmem>>, %arg2: memref<2x2000x64xf32, #tpu.memory_space<vmem>>, %arg3: memref<2x2000x64xf32, #tpu.memory_space<vmem>>, %arg4: memref<2000x8xf32, #tpu.memory_space<vmem>>, %arg5: memref<1x256xf32, #tpu.memory_space<vmem>>, %arg6: memref<1x256xf32, #tpu.memory_space<vmem>>, %arg7: memref<1x256xf32, #tpu.memory_space<vmem>>, %arg8: memref<256x128xf32, #tpu.memory_space<vmem>>, %arg9: memref<4x2000x64xf32, #tpu.memory_space<vmem>>) attributes {dimension_semantics = [#tpu.dimension_semantics<arbitrary>], iteration_bounds = array<i64: 5>, scalar_prefetch = 0 : i64, scratch_operands = 0 : i64, tpu.core_type = #tpu.core_type<tc>, window_params = [{transform_indices = @transform_0, window_bounds = array<i64: 4, 2000, 64>}, {transform_indices = @transform_1, window_bounds = array<i64: 2, 2000, 64>}, {transform_indices = @transform_2, window_bounds = array<i64: 2, 2000, 64>}, {transform_indices = @transform_3, window_bounds = array<i64: 2000, 8>}, {pipeline_mode = #tpu.pipeline_mode<synchronous>, transform_indices = @transform_4, window_bounds = array<i64: 1, 256>}, {pipeline_mode = #tpu.pipeline_mode<synchronous>, transform_indices = @transform_5, window_bounds = array<i64: 1, 256>}, {pipeline_mode = #tpu.pipeline_mode<synchronous>, transform_indices = @transform_6, window_bounds = array<i64: 1, 256>}, {pipeline_mode = #tpu.pipeline_mode<synchronous>, transform_indices = @transform_7, window_bounds = array<i64: 256, 128>}, {transform_indices = @transform_8, window_bounds = array<i64: 4, 2000, 64>}]} {
    %get3A = arith.constant 0 : index
    %get3A_0 = arith.constant 0 : index
    %get3A_1 = arith.constant 0 : index
    %get3A_2 = vector.load %arg1[%get3A, %get3A_0, %get3A_1] : memref<4x2000x64xf32, #tpu.memory_space<vmem>>, vector<1x2000x64xf32>
    %get3A_3 = vector.shape_cast %get3A_2 : vector<1x2000x64xf32> to vector<2000x64xf32>
    %get3A_4 = arith.constant 0 : index
    %get3A_5 = arith.constant 0 : index
    %get3A_6 = arith.constant 0 : index
    %get3A_7 = vector.load %arg2[%get3A_4, %get3A_5, %get3A_6] : memref<2x2000x64xf32, #tpu.memory_space<vmem>>, vector<1x2000x64xf32>
    %get3A_8 = vector.shape_cast %get3A_7 : vector<1x2000x64xf32> to vector<2000x64xf32>
    %add3A = arith.addf %get3A_3, %get3A_8 : vector<2000x64xf32>
    %get3A_9 = arith.constant 1 : index
    %get3A_10 = arith.constant 0 : index
    %get3A_11 = arith.constant 0 : index
    %get3A_12 = vector.load %arg1[%get3A_9, %get3A_10, %get3A_11] : memref<4x2000x64xf32, #tpu.memory_space<vmem>>, vector<1x2000x64xf32>
    %get3A_13 = vector.shape_cast %get3A_12 : vector<1x2000x64xf32> to vector<2000x64xf32>
    %get3A_14 = arith.constant 1 : index
    %get3A_15 = arith.constant 0 : index
    %get3A_16 = arith.constant 0 : index
    %get3A_17 = vector.load %arg2[%get3A_14, %get3A_15, %get3A_16] : memref<2x2000x64xf32, #tpu.memory_space<vmem>>, vector<1x2000x64xf32>
    %get3A_18 = vector.shape_cast %get3A_17 : vector<1x2000x64xf32> to vector<2000x64xf32>
    %add3A_19 = arith.addf %get3A_13, %get3A_18 : vector<2000x64xf32>
    %get3A_20 = arith.constant 2 : index
    %get3A_21 = arith.constant 0 : index
    %get3A_22 = arith.constant 0 : index
    %get3A_23 = vector.load %arg1[%get3A_20, %get3A_21, %get3A_22] : memref<4x2000x64xf32, #tpu.memory_space<vmem>>, vector<1x2000x64xf32>
    %get3A_24 = vector.shape_cast %get3A_23 : vector<1x2000x64xf32> to vector<2000x64xf32>
    %get3A_25 = arith.constant 0 : index
    %get3A_26 = arith.constant 0 : index
    %get3A_27 = arith.constant 0 : index
    %get3A_28 = vector.load %arg3[%get3A_25, %get3A_26, %get3A_27] : memref<2x2000x64xf32, #tpu.memory_space<vmem>>, vector<1x2000x64xf32>
    %get3A_29 = vector.shape_cast %get3A_28 : vector<1x2000x64xf32> to vector<2000x64xf32>
    %add3A_30 = arith.addf %get3A_24, %get3A_29 : vector<2000x64xf32>
    %get3A_31 = arith.constant 3 : index
    %get3A_32 = arith.constant 0 : index
    %get3A_33 = arith.constant 0 : index
    %get3A_34 = vector.load %arg1[%get3A_31, %get3A_32, %get3A_33] : memref<4x2000x64xf32, #tpu.memory_space<vmem>>, vector<1x2000x64xf32>
    %get3A_35 = vector.shape_cast %get3A_34 : vector<1x2000x64xf32> to vector<2000x64xf32>
    %get3A_36 = arith.constant 1 : index
    %get3A_37 = arith.constant 0 : index
    %get3A_38 = arith.constant 0 : index
    %get3A_39 = vector.load %arg3[%get3A_36, %get3A_37, %get3A_38] : memref<2x2000x64xf32, #tpu.memory_space<vmem>>, vector<1x2000x64xf32>
    %get3A_40 = vector.shape_cast %get3A_39 : vector<1x2000x64xf32> to vector<2000x64xf32>
    %add3A_41 = arith.addf %get3A_35, %get3A_40 : vector<2000x64xf32>
    %concatenate3A = tpu.concatenate %add3A, %add3A_19, %add3A_30, %add3A_41 in 1 : vector<2000x64xf32>, vector<2000x64xf32>, vector<2000x64xf32>, vector<2000x64xf32> -> vector<2000x256xf32>
    %get3A_42 = arith.constant 0 : index
    %get3A_43 = arith.constant 0 : index
    %get3A_44 = vector.load %arg4[%get3A_42, %get3A_43] : memref<2000x8xf32, #tpu.memory_space<vmem>>, vector<2000x8xf32>
    %slice3A = vector.extract_strided_slice %get3A_44 {offsets = [0, 0], sizes = [2000, 1], strides = [1, 1]} : vector<2000x8xf32> to vector<2000x1xf32>
    %mul3A = vector.broadcast %slice3A : vector<2000x1xf32> to vector<2000x256xf32>
    %mul3A_45 = arith.mulf %mul3A, %concatenate3A : vector<2000x256xf32>
    %get3A_46 = arith.constant 0 : index
    %get3A_47 = arith.constant 0 : index
    %get3A_48 = vector.load %arg5[%get3A_46, %get3A_47] : memref<1x256xf32, #tpu.memory_space<vmem>>, vector<1x256xf32>
    %add3A_49 = vector.broadcast %get3A_48 : vector<1x256xf32> to vector<2000x256xf32>
    %add3A_50 = arith.addf %mul3A_45, %add3A_49 : vector<2000x256xf32>
    %get3A_51 = arith.constant 0 : index
    %get3A_52 = arith.constant 0 : index
    %get3A_53 = vector.load %arg6[%get3A_51, %get3A_52] : memref<1x256xf32, #tpu.memory_space<vmem>>, vector<1x256xf32>
    %mul3A_54 = arith.constant 0.999994993 : f32
    %mul3A_55 = vector.broadcast %mul3A_54 : f32 to vector<1x256xf32>
    %mul3A_56 = arith.mulf %get3A_53, %mul3A_55 : vector<1x256xf32>
    %mul3A_57 = vector.broadcast %mul3A_56 : vector<1x256xf32> to vector<2000x256xf32>
    %mul3A_58 = arith.mulf %add3A_50, %mul3A_57 : vector<2000x256xf32>
    %get3A_59 = arith.constant 0 : index
    %get3A_60 = arith.constant 0 : index
    %get3A_61 = vector.load %arg7[%get3A_59, %get3A_60] : memref<1x256xf32, #tpu.memory_space<vmem>>, vector<1x256xf32>
    %add3A_62 = vector.broadcast %get3A_61 : vector<1x256xf32> to vector<2000x256xf32>
    %add3A_63 = arith.addf %mul3A_58, %add3A_62 : vector<2000x256xf32>
    %max3A = arith.constant 0.000000e+00 : f32
    %max3A_64 = vector.broadcast %max3A : f32 to vector<2000x256xf32>
    %max3A_65 = arith.maximumf %add3A_63, %max3A_64 : vector<2000x256xf32>
    %get3A_66 = arith.constant 0 : index
    %get3A_67 = arith.constant 0 : index
    %get3A_68 = vector.load %arg8[%get3A_66, %get3A_67] : memref<256x128xf32, #tpu.memory_space<vmem>>, vector<256x128xf32>
    %dot_general3A = arith.constant dense<0.000000e+00> : vector<2000x128xf32>
    %dot_general3A_69 = tpu.matmul %max3A_65, %get3A_68, %dot_general3A {dimension_numbers = #tpu.dot_dimension_numbers<[1], [0], [0], [1], [0, 0, 1, 1], [], []>, transpose_lhs_hint = false} : vector<2000x256xf32>, vector<256x128xf32>, vector<2000x128xf32> -> vector<2000x128xf32>
    %mul3A_70 = vector.broadcast %slice3A : vector<2000x1xf32> to vector<2000x128xf32>
    %mul3A_71 = arith.mulf %mul3A_70, %dot_general3A_69 : vector<2000x128xf32>
    %slice3A_72 = vector.extract_strided_slice %mul3A_71 {offsets = [0, 0], sizes = [2000, 64], strides = [1, 1]} : vector<2000x128xf32> to vector<2000x64xf32>
    %swap3A = arith.constant 0 : index
    %swap3A_73 = arith.constant 0 : index
    %swap3A_74 = arith.constant 0 : index
    %swap3A_75 = vector.load %arg9[%swap3A, %swap3A_73, %swap3A_74] : memref<4x2000x64xf32, #tpu.memory_space<vmem>>, vector<1x2000x64xf32>
    %swap3A_76 = vector.shape_cast %swap3A_75 : vector<1x2000x64xf32> to vector<2000x64xf32>
    %swap3A_77 = vector.shape_cast %slice3A_72 : vector<2000x64xf32> to vector<1x2000x64xf32>
    tpu.vector_store %arg9[%swap3A, %swap3A_73, %swap3A_74], %swap3A_77 {strides = array<i32>} : memref<4x2000x64xf32, #tpu.memory_space<vmem>>, vector<1x2000x64xf32>,
    %slice3A_78 = vector.extract_strided_slice %mul3A_71 {offsets = [0, 64], sizes = [2000, 64], strides = [1, 1]} : vector<2000x128xf32> to vector<2000x64xf32>
    %swap3A_79 = arith.constant 1 : index
    %swap3A_80 = arith.constant 0 : index
    %swap3A_81 = arith.constant 0 : index
    %swap3A_82 = vector.load %arg9[%swap3A_79, %swap3A_80, %swap3A_81] : memref<4x2000x64xf32, #tpu.memory_space<vmem>>, vector<1x2000x64xf32>
    %swap3A_83 = vector.shape_cast %swap3A_82 : vector<1x2000x64xf32> to vector<2000x64xf32>
    %swap3A_84 = vector.shape_cast %slice3A_78 : vector<2000x64xf32> to vector<1x2000x64xf32>
    tpu.vector_store %arg9[%swap3A_79, %swap3A_80, %swap3A_81], %swap3A_84 {strides = array<i32>} : memref<4x2000x64xf32, #tpu.memory_space<vmem>>, vector<1x2000x64xf32>,
    return
  }
  func.func @transform_0(%arg0: i32) -> (i32, i32, i32) {
    %c0_i32 = arith.constant 0 : i32
    %c0_i32_0 = arith.constant 0 : i32
    %c0_i32_1 = arith.constant 0 : i32
    return %c0_i32, %arg0, %c0_i32_0 : i32, i32, i32
  }
  func.func @transform_1(%arg0: i32) -> (i32, i32, i32) {
    %c0_i32 = arith.constant 0 : i32
    %c0_i32_0 = arith.constant 0 : i32
    %c0_i32_1 = arith.constant 0 : i32
    return %c0_i32, %arg0, %c0_i32_0 : i32, i32, i32
  }
  func.func @transform_2(%arg0: i32) -> (i32, i32, i32) {
    %c0_i32 = arith.constant 0 : i32
    %c0_i32_0 = arith.constant 0 : i32
    %c0_i32_1 = arith.constant 0 : i32
    return %c0_i32, %arg0, %c0_i32_0 : i32, i32, i32
  }
  func.func @transform_3(%arg0: i32) -> (i32, i32) {
    %c0_i32 = arith.constant 0 : i32
    %c0_i32_0 = arith.constant 0 : i32
    return %arg0, %c0_i32 : i32, i32
  }
  func.func @transform_4(%arg0: i32) -> (i32, i32) {
    %c0_i32 = arith.constant 0 : i32
    %c0_i32_0 = arith.constant 0 : i32
    %c0_i32_1 = arith.constant 0 : i32
    return %c0_i32, %c0_i32_0 : i32, i32
  }
  func.func @transform_5(%arg0: i32) -> (i32, i32) {
    %c0_i32 = arith.constant 0 : i32
    %c0_i32_0 = arith.constant 0 : i32
    %c0_i32_1 = arith.constant 0 : i32
    return %c0_i32, %c0_i32_0 : i32, i32
  }
  func.func @transform_6(%arg0: i32) -> (i32, i32) {
    %c0_i32 = arith.constant 0 : i32
    %c0_i32_0 = arith.constant 0 : i32
    %c0_i32_1 = arith.constant 0 : i32
    return %c0_i32, %c0_i32_0 : i32, i32
  }
  func.func @transform_7(%arg0: i32) -> (i32, i32) {
    %c0_i32 = arith.constant 0 : i32
    %c0_i32_0 = arith.constant 0 : i32
    %c0_i32_1 = arith.constant 0 : i32
    return %c0_i32, %c0_i32_0 : i32, i32
  }
  func.func @transform_8(%arg0: i32) -> (i32, i32, i32) {
    %c0_i32 = arith.constant 0 : i32
    %c0_i32_0 = arith.constant 0 : i32
    %c0_i32_1 = arith.constant 0 : i32
    return %c0_i32, %arg0, %c0_i32_0 : i32, i32, i32
  }
}

module attributes {stable_mosaic.version = 14 : i64} {
  func.func @_fin_body(%arg0: i32, %arg1: memref<4x2000x64xf32, #tpu.memory_space<vmem>>, %arg2: memref<2x2000x64xf32, #tpu.memory_space<vmem>>, %arg3: memref<2000x8xf32, #tpu.memory_space<vmem>>, %arg4: memref<1x128xf32, #tpu.memory_space<vmem>>, %arg5: memref<2000x128xf32, #tpu.memory_space<vmem>>) attributes {dimension_semantics = [#tpu.dimension_semantics<arbitrary>], iteration_bounds = array<i64: 5>, scalar_prefetch = 0 : i64, scratch_operands = 0 : i64, tpu.core_type = #tpu.core_type<tc>, window_params = [{transform_indices = @transform_0, window_bounds = array<i64: 4, 2000, 64>}, {transform_indices = @transform_1, window_bounds = array<i64: 2, 2000, 64>}, {transform_indices = @transform_2, window_bounds = array<i64: 2000, 8>}, {pipeline_mode = #tpu.pipeline_mode<synchronous>, transform_indices = @transform_3, window_bounds = array<i64: 1, 128>}, {transform_indices = @transform_4, window_bounds = array<i64: 2000, 128>}]} {
    %get3A = arith.constant 0 : index
    %get3A_0 = arith.constant 0 : index
    %get3A_1 = arith.constant 0 : index
    %get3A_2 = vector.load %arg1[%get3A, %get3A_0, %get3A_1] : memref<4x2000x64xf32, #tpu.memory_space<vmem>>, vector<1x2000x64xf32>
    %get3A_3 = vector.shape_cast %get3A_2 : vector<1x2000x64xf32> to vector<2000x64xf32>
    %get3A_4 = arith.constant 0 : index
    %get3A_5 = arith.constant 0 : index
    %get3A_6 = arith.constant 0 : index
    %get3A_7 = vector.load %arg2[%get3A_4, %get3A_5, %get3A_6] : memref<2x2000x64xf32, #tpu.memory_space<vmem>>, vector<1x2000x64xf32>
    %get3A_8 = vector.shape_cast %get3A_7 : vector<1x2000x64xf32> to vector<2000x64xf32>
    %add3A = arith.addf %get3A_3, %get3A_8 : vector<2000x64xf32>
    %get3A_9 = arith.constant 1 : index
    %get3A_10 = arith.constant 0 : index
    %get3A_11 = arith.constant 0 : index
    %get3A_12 = vector.load %arg1[%get3A_9, %get3A_10, %get3A_11] : memref<4x2000x64xf32, #tpu.memory_space<vmem>>, vector<1x2000x64xf32>
    %get3A_13 = vector.shape_cast %get3A_12 : vector<1x2000x64xf32> to vector<2000x64xf32>
    %get3A_14 = arith.constant 1 : index
    %get3A_15 = arith.constant 0 : index
    %get3A_16 = arith.constant 0 : index
    %get3A_17 = vector.load %arg2[%get3A_14, %get3A_15, %get3A_16] : memref<2x2000x64xf32, #tpu.memory_space<vmem>>, vector<1x2000x64xf32>
    %get3A_18 = vector.shape_cast %get3A_17 : vector<1x2000x64xf32> to vector<2000x64xf32>
    %add3A_19 = arith.addf %get3A_13, %get3A_18 : vector<2000x64xf32>
    %concatenate3A = tpu.concatenate %add3A, %add3A_19 in 1 : vector<2000x64xf32>, vector<2000x64xf32> -> vector<2000x128xf32>
    %get3A_20 = arith.constant 0 : index
    %get3A_21 = arith.constant 0 : index
    %get3A_22 = vector.load %arg3[%get3A_20, %get3A_21] : memref<2000x8xf32, #tpu.memory_space<vmem>>, vector<2000x8xf32>
    %slice3A = vector.extract_strided_slice %get3A_22 {offsets = [0, 0], sizes = [2000, 1], strides = [1, 1]} : vector<2000x8xf32> to vector<2000x1xf32>
    %mul3A = vector.broadcast %slice3A : vector<2000x1xf32> to vector<2000x128xf32>
    %mul3A_23 = arith.mulf %mul3A, %concatenate3A : vector<2000x128xf32>
    %get3A_24 = arith.constant 0 : index
    %get3A_25 = arith.constant 0 : index
    %get3A_26 = vector.load %arg4[%get3A_24, %get3A_25] : memref<1x128xf32, #tpu.memory_space<vmem>>, vector<1x128xf32>
    %add3A_27 = vector.broadcast %get3A_26 : vector<1x128xf32> to vector<2000x128xf32>
    %add3A_28 = arith.addf %mul3A_23, %add3A_27 : vector<2000x128xf32>
    %swap3A = arith.constant 0 : index
    %swap3A_29 = arith.constant 0 : index
    %swap3A_30 = vector.load %arg5[%swap3A, %swap3A_29] : memref<2000x128xf32, #tpu.memory_space<vmem>>, vector<2000x128xf32>
    tpu.vector_store %arg5[%swap3A, %swap3A_29], %add3A_28 {strides = array<i32>} : memref<2000x128xf32, #tpu.memory_space<vmem>>, vector<2000x128xf32>,
    return
  }
  func.func @transform_0(%arg0: i32) -> (i32, i32, i32) {
    %c0_i32 = arith.constant 0 : i32
    %c0_i32_0 = arith.constant 0 : i32
    %c0_i32_1 = arith.constant 0 : i32
    return %c0_i32, %arg0, %c0_i32_0 : i32, i32, i32
  }
  func.func @transform_1(%arg0: i32) -> (i32, i32, i32) {
    %c0_i32 = arith.constant 0 : i32
    %c0_i32_0 = arith.constant 0 : i32
    %c0_i32_1 = arith.constant 0 : i32
    return %c0_i32, %arg0, %c0_i32_0 : i32, i32, i32
  }
  func.func @transform_2(%arg0: i32) -> (i32, i32) {
    %c0_i32 = arith.constant 0 : i32
    %c0_i32_0 = arith.constant 0 : i32
    return %arg0, %c0_i32 : i32, i32
  }
  func.func @transform_3(%arg0: i32) -> (i32, i32) {
    %c0_i32 = arith.constant 0 : i32
    %c0_i32_0 = arith.constant 0 : i32
    %c0_i32_1 = arith.constant 0 : i32
    return %c0_i32, %c0_i32_0 : i32, i32
  }
  func.func @transform_4(%arg0: i32) -> (i32, i32) {
    %c0_i32 = arith.constant 0 : i32
    %c0_i32_0 = arith.constant 0 : i32
    return %arg0, %c0_i32 : i32, i32
  }
}

</mosaic_0001>

<sc_bundles>
// kernel: kernel.12.cloned.1.call-start
scs
__scs_entry_jumppad:
0x0: {  	(pc) =	sbr.rel $0x88, $3  }
0x1: {  	(tag) =	ssettag $0x0;
	lr =	simm.s32 $0x1  }
0x2: {  	[smem:$0x3F95] =	sst lr;
	_ =	strace $0xD0000000  }
0x3: {  	_ = 	snop  }
0x4: {  	_ = 	snop  }
0x5: {  	_ = 	snop  }
0x6: {  	_ = 	snop  }
0x7: {  	_ = 	snop  }
__scs_overlays_trampoline_lowered:
0x8: {  	[smem:$0x3FA4] =	sst s0  }
0x9: {  	[smem:$0x3FA5] =	sst s1  }
0xa: {  	[smem:$0x3FA6] =	sst s2  }
0xb: {  	[smem:$0x3FA7] =	sst s3  }
0xc: {  	[smem:$0x3FA8] =	sst s4  }
0xd: {  	[smem:$0x3FA9] =	sst s5  }
0xe: {  	[smem:$0x3FAA] =	sst s6  }
0xf: {  	[smem:$0x3FAB] =	sst s7  }
0x10: {  	[smem:$0x3FAC] =	sst s8  }
0x11: {  	[smem:$0x3FAD] =	sst s9;
	s0 =	simm.s32 @!p0 $0x0  }
0x12: {  	s1 =	sld [smem:$0x3F93];
	s0 =	simm.s32 @p0 $0x1  }
0x13: {  	[smem:$0x3FAE] =	sst s0;
	s0 =	simm.s32 @!p1 $0x0  }
0x14: {  	s2 =	sld [smem:$0x3F92];
	s0 =	simm.s32 @p1 $0x1  }
0x15: {  	[smem:$0x3FAF] =	sst s0;
	s0 =	simm.s32 @!p2 $0x0  }
0x16: {  	s3 =	sld [smem:$0x3FDB];
	s0 =	simm.s32 @p2 $0x1  }
0x17: {  	s4 =	simm.s32 $0x1BF5;
	[smem:$0x3FB1] =	sst s0  }
0x18: {  	s0 =	sld [smem:$0x3F94];
	_ =	swait.ge [sflag:s4], $0x0  }
0x19: {  	s7 =	sld [smem:$0x3F95]  }
0x1a: {  	s8 =	sadd.s32 $0xFFFFE003, lr  }
0x1b: {  	s9 =	sadd.s32 $0xFFFFFEF7, lr;
	s5 =	simm.s32 $0xFFFFFFFF;
	p2 =	slt.u32 s8, $0xFFFFF086  }
0x1c: {  	p1 =	slt.u32 s9, $0xF7A;
	s5 =	simm.s32 @!p2 $0x0  }
0x1d: {  	s5 =	simm.s32 @p1 $0x1;
	p0 =	seq.s32 s7, s2  }
0x1e: {  	s7 =	smul.u32 @!p0 $0xF7A, s2;
	p2 =	seq.s32 @!p0 s5, $0x0  }
0x1f: {  	s9 =	smul.u32 $0xF7A, s1;
	s8 =	simm.s32 @!p0 $0x1BF5;
	p2 =	por !p2, p0  }
0x20: {  	[sflag:s8] =	ssyncset.s32 @!p0 $0xFFFFF086;
	s6 =	sadd.s32 @!p0 s3, s7;
	s7 =	simm.s32 @!p0 $0x108  }
0x21: {  	s3 =	sadd.s32 s3, s9;
	s6 =	sadd.s32 @!p0 $0x88, s6;
	s7 =	simm.s32 @p2 $0x1082  }
0x22: {  	[simem:s7], [sflag:s8] =	dma.local @!p0 [hbm:s6], $0xF7A  }
0x23: {  	s9 =	sor.u32 $0xD0000000, s2;
	s6 =	simm.s32 $0x108;
	_ =	swait.ge @!p0 [sflag:s8], $0x0  }
0x24: {  	s3 =	sadd.s32 $0x88, s3;
	s6 =	simm.s32 @!p1 $0x1082;
	[sflag:s4] =	ssyncset.s32 $0xFFFFF086  }
0x25: {  	[simem:s6], [sflag:s4] =	dma.local [hbm:s3], $0xF7A  }
0x26: {  	[smem:$0x3F95] =	sst s1;
	(tag) =	ssettag s2;
	_ =	strace s9  }
0x27: {  	s1 =	sld [smem:$0x3FA5]  }
0x28: {  	s2 =	sld [smem:$0x3FA6]  }
0x29: {  	s4 =	sld [smem:$0x3FA8]  }
0x2a: {  	p0 =	seq.s32 s5, $0x0;
	s5 =	sld [smem:$0x3FA9]  }
0x2b: {  	s6 =	sld [smem:$0x3FAA]  }
0x2c: {  	s7 =	sld [smem:$0x3FAB]  }
0x2d: {  	s3 =	simm.s32 $0x108;
	s8 =	sld [smem:$0x3FAC]  }
0x2e: {  	s3 =	simm.s32 @!p0 $0x1082;
	s9 =	sld [smem:$0x3FAD]  }
0x2f: {  	lr =	sadd.s32 s0, s3;
	s0 =	sld [smem:$0x3FA4]  }
0x30: {  	s3 =	sld [smem:$0x3FA7]  }
0x31: {  	[smem:$0x3FB0] =	sst s10  }
0x32: {  	s10 =	sld [smem:$0x3FAE];
	_ =	sdelay $0x3  }
0x33: {  	p0 =	seq.s32 s10, $0x1;
	s10 =	sld [smem:$0x3FB0];
	_ =	sdelay $0x3  }
0x34: {  	[smem:$0x3FB0] =	sst s10  }
0x35: {  	s10 =	sld [smem:$0x3FAF];
	_ =	sdelay $0x3  }
0x36: {  	p1 =	seq.s32 s10, $0x1;
	s10 =	sld [smem:$0x3FB0];
	_ =	sdelay $0x3  }
0x37: {  	[smem:$0x3FB0] =	sst s10  }
0x38: {  	s10 =	sld [smem:$0x3FB1]  }
0x39: {  	_ = 	snop;
	(pc) =	sbr.ind lr, $3  }
0x3a: {  	_ = 	snop  }
0x3b: {  	_ = 	snop  }
0x3c: {  	p2 =	seq.s32 s10, $0x1;
	s10 =	sld [smem:$0x3FB0]  }
0x3d: {  	_ =	shalt  }
0x3e: {  	_ =	shalt  }
0x3f: {  	_ =	shalt  }
0x40: {  	_ =	shalt  }
0x41: {  	_ =	shalt  }
0x42: {  	_ =	shalt  }
0x43: {  	_ =	shalt  }
0x44: {  	_ =	shalt  }
0x45: {  	_ =	shalt  }
0x46: {  	_ =	shalt  }
0x47: {  	_ =	shalt  }
0x48: {  	_ =	shalt  }
0x49: {  	_ =	shalt  }
0x4a: {  	_ =	shalt  }
0x4b: {  	_ =	shalt  }
0x4c: {  	_ =	shalt  }
0x4d: {  	_ =	shalt  }
0x4e: {  	_ =	shalt  }
0x4f: {  	_ =	shalt  }
0x50: {  	_ =	shalt  }
0x51: {  	_ =	shalt  }
0x52: {  	_ =	shalt  }
0x53: {  	_ =	shalt  }
0x54: {  	_ =	shalt  }
0x55: {  	_ =	shalt  }
0x56: {  	_ =	shalt  }
0x57: {  	_ =	shalt  }
0x58: {  	_ =	shalt  }
0x59: {  	_ =	shalt  }
0x5a: {  	_ =	shalt  }
0x5b: {  	_ =	shalt  }
0x5c: {  	_ =	shalt  }
0x5d: {  	_ =	shalt  }
0x5e: {  	_ =	shalt  }
0x5f: {  	_ =	shalt  }
0x60: {  	_ =	shalt  }
0x61: {  	_ =	shalt  }
0x62: {  	_ =	shalt  }
0x63: {  	_ =	shalt  }
0x64: {  	_ =	shalt  }
0x65: {  	_ =	shalt  }
0x66: {  	_ =	shalt  }
0x67: {  	_ =	shalt  }
0x68: {  	_ =	shalt  }
0x69: {  	_ =	shalt  }
0x6a: {  	_ =	shalt  }
0x6b: {  	_ =	shalt  }
0x6c: {  	_ =	shalt  }
0x6d: {  	_ =	shalt  }
0x6e: {  	_ =	shalt  }
0x6f: {  	_ =	shalt  }
0x70: {  	_ =	shalt  }
0x71: {  	_ =	shalt  }
0x72: {  	_ =	shalt  }
0x73: {  	_ =	shalt  }
0x74: {  	_ =	shalt  }
0x75: {  	_ =	shalt  }
0x76: {  	_ =	shalt  }
0x77: {  	_ =	shalt  }
0x78: {  	_ =	shalt  }
0x79: {  	_ =	shalt  }
0x7a: {  	_ =	shalt  }
0x7b: {  	_ =	shalt  }
0x7c: {  	_ =	shalt  }
0x7d: {  	_ =	shalt  }
0x7e: {  	_ =	shalt  }
0x7f: {  	_ =	shalt  }
0x80: {  	_ =	shalt  }
0x81: {  	_ =	shalt  }
0x82: {  	_ =	shalt  }
0x83: {  	_ =	shalt  }
0x84: {  	_ =	shalt  }
0x85: {  	_ =	shalt  }
0x86: {  	_ =	shalt  }
0x87: {  	_ =	shalt  }
.Lfunc_end0:
.L_simem_size_0:
called_computation_lowered:
.L_overlay_start_0:
0x88: {  	s2 =	sld [smem:$0x3FD9]  }
0x89: {  	s3 =	sld [smem:$0x3FFE];
	_ =	sdelay $0x1  }
0x8a: {  	s1 =	srdreg.scid  }
0x8b: {  	s0 =	sand.u32 $0x1, s1  }
0x8c: {  	s17 =	sshll.u32 s0, $0xA;
	s2 =	sadd.s32 s3, s2  }
0x8d: {  	s2 =	sadd.s32 s2, s17  }
0x8e: {  	[smem:$0x3FBC] =	sst s2  }
0x8f: {  	_ = 	snop  }
0x90: {  	s2 =	sld [smem:$0x3FD0];
	(tm) =	ssettm $0x1  }
0x91: {  	s18 =	sld [smem:$0x3FFB];
	_ =	sdelay $0x3  }
0x92: {  	_ =	strace s18  }
0x93: {  	s3 =	sld [smem:$0x3FFC];
	_ =	sdelay $0x3  }
0x94: {  	_ =	strace s3  }
0x95: {  	s3 =	sld [smem:$0x3FFD];
	_ =	sdelay $0x3  }
0x96: {  	_ =	strace s3  }
0x97: {  	_ =	strace $0x8FFFFFFF  }
0x98: {  	s19 =	sld [smem:$0x3FDB];
	_ =	sdelay $0x1  }
0x99: {  	s4 =	simm.s32 $_scs_section_size  }
0x9a: {  	s5 =	simm.s32 $_size__tile_overlayer_lowered;
	s6 =	simm.s32 $_tile_overlayer_lowered  }
0x9b: {  	s22 =	simm.s32 $0x1BFF;
	s21 =	sshll.u32 s6, $0x1;
	s3 =	sadd.s32 s4, s19  }
0x9c: {  	s7 =	simm.s32 $0x0;
	s20 =	sshll.u32 s5, $0x1;
	s5 =	sadd.s32 s21, s3  }
0x9d: {  	[timem:s7], [sflag:s22] =	dma.local [hbm:s5], s20  }
0x9e: {  	_ =	swait.ge [sflag:s22], s20  }
0x9f: {  	s4 =	ssub.s32 $0x0, s20;
	[sflag:s22] =	ssyncset.done $0x0  }
0xa0: {  	[sflag:s22] =	ssyncadd.s32 s4;
	_ =	sdelay $0x1  }
0xa1: {  	s23 =	simm.s32 $0x1B8B  }
0xa2: {  	_ =	swait.ge [sflag:s23], $0x1  }
0xa3: {  	[sflag:s23] =	ssyncset.done $0x0  }
0xa4: {  	s25 =	simm.s32 $0x1B8E;
	s24 =	sld [smem:$0x3FFE];
	[sflag:s23] =	ssyncadd.s32 $0xFFFFFFFF  }
0xa5: {  	s26 =	simm.s32 $execute0_lowered;
	[smem:$0x3FD2] =	sst s25  }
0xa6: {  	s5 =	sshll.u32 s26, $0x1;
	_ =	strace $0x80000046;
	[dreg:$0x1] =	wrdreg $0xFFFFFFFF  }
0xa7: {  	s28 =	simm.s32 $_size_execute0_lowered;
	s3 =	sadd.s32 s3, s5;
	[dreg:$0x0] =	wrdreg $0x0  }
0xa8: {  	s5 =	sshll.u32 s28, $0x1;
	[dreg:$0x2] =	wrdreg s3  }
0xa9: {  	[dreg:$0x3] =	wrdreg s5  }
0xaa: {  	[dreg:$0x4] =	wrdreg $0xC0  }
0xab: {  	_ =	task [dreg:s7], $0x5FFFF  }
0xac: {  	[dreg:$0x1] =	wrdreg $0xFFFFFFFF  }
0xad: {  	[dreg:$0x0] =	wrdreg $0x60  }
0xae: {  	[dreg:$0x2] =	wrdreg s24  }
0xaf: {  	[dreg:$0x3] =	wrdreg s2  }
0xb0: {  	[dreg:$0x4] =	wrdreg $0x50A00  }
0xb1: {  	[dreg:$0x5] =	wrdreg $0x9  }
0xb2: {  	_ =	task.clear_ibuf [dreg:s7], $0x6FFFF;
	_ =	strace $0x90000046  }
0xb3: {  	s29 =	simm.s32 $0x9;
	_ =	strace $0x80000048  }
0xb4: {  	_ =	swait.ge [sflag:s29], $0x1  }
0xb5: {  	[sflag:s29] =	ssyncadd.s32 $0xFFFFFFFF  }
0xb6: {  	_ =	strace $0x90000048  }
0xb7: {  	_ =	sfence  }
0xb8: {  	s30 =	sld [smem:$0x0];
	_ =	sdelay $0x2  }
0xb9: {  	s31 =	sshll.u32 s1, $0xD;
	s1 =	sshrl.u32 s1, $0x2  }
0xba: {  	s3 =	sand.u32 $0x4000, s31;
	s1 =	sadd.s32 s1, s30  }
0xbb: {  	s0 =	sor.u32 s3, s0;
	s1 =	sshll.u32 s1, $0x11  }
0xbc: {  	s0 =	sor.u32 s1, s0  }
0xbd: {  	s0 =	sadd.s32 $0x8F2B, s0  }
0xbe: {  	[sflag:s0] =	ssyncadd.remote.s32 $0x1  }
0xbf: {  	_ =	sfence.sel $0xFFFF  }
0xc0: {  	[dreg:$0x0] =	wrdreg $0xFFFFFFFF;
	(pc) =	sbr.abs _section_cstart, $3  }
0xc1: {  	[dreg:$0x1] =	wrdreg $0xFFFFFFFF  }
0xc2: {  	_ =	task.clear_ibuf [dreg:s7], $0x2FFFF;
	_ =	strace $0x9FFFFFFF  }
0xc3: {  	(tm) =	ssettm $0x7FFFFFFF  }
tec
execute0_lowered:
.L_overlay_start_1:
0x0: {  	(tag) =	ssettag $0x1  }
0x1: {  	s4 =	rddreg [dreg:$0x0]  }
0x2: {  	s6 =	rddreg [dreg:$0x1]  }
0x3: {  	s2 =	rddreg [dreg:$0x2]  }
0x4: {  	s0 =	rddreg [dreg:$0x3]  }
0x5: {  	s3 =	simm.s32 $0x0;
	s1 =	stileid.u32;
	s8 =	srdreg.scid  }
0x6: {  	s13 =	simm.s32 $0x50;
	s14 =	simm.s32 $0x1;
	s5 =	smul.u32 $0x1400, s1  }
0x7: {  	s16 =	simm.s32 $0x3;
	s17 =	simm.s32 $0x0;
	s7 =	smul.u32 $0x9C4, s1  }
0x8: {  	[smem:$0x7FF] =	sst s3;
	s8 =	sand.u32 $0x1, s8;
	s12 =	smul.u32 $0x280, s1  }
0x9: {  	s15 =	sshll.u32 s1, $0x6;
	_ =	strace $0x80000047;
	s10 =	ssub.s32 $0x2, s8  }
0xa: {  	s8 =	smul.u32 $0x2800, s8;
	s9 =	sshrl.u32 s5, $0x3;
	s7 =	sadd.s32 s7, s4  }
0xb: {  	s11 =	sshrl.u32 s10, $0x1;
	s30 =	sadd.s32 s5, s2;
	s31 =	sadd.s32 s6, s12  }
0xc: {  	s6 =	sor.u32 $0x1C02, s15;
	s12 =	simm.s32 $0x2;
	s15 =	sor.u32 $0x1C03, s15  }
0xd: {  	s9 =	sadd.s32 s9, s4;
	s4 =	sadd.s32 $0xCE00, s4;
	s10 =	ssub.s32 s10, s11  }
0xe: {  	s7 =	sadd.s32 $0x3000, s7;
	s8 =	sadd.s32 s8, s31;
	s11 =	simm.s32 $0x4E20  }
0xf: {  	s5 =	sadd.s32 $0xD000, s9;
	s9 =	smax.u32 s10, $0x1;
	s10 =	sshrl.u32 s30, $0x3  }
.LBB2_1:
0x10: {  	[spmem:s10], [sflag:s6] =	dma.local [hbm:s5], $0x280  }
0x11: {  	[tilespmem:s11], [sflag:$0x2] =	stream.linear.gather [hbm4b:s4+s3], $0x280, $0x38;
	[tilespmem:$0x64A0] =	vst v63  }
0x12: {  	_ = 	snop  }
0x13: {  	[tilespmem:s3], [sflag:$0x2] =	stream.linear.gather [hbm4b:s7+s3], $0x4E20, $0x38;
	[tilespmem:$0x64A0] =	vst v63  }
0x14: {  	_ =	swait.ge [sflag:s12], $0x280  }
0x15: {  	[sflag:s12] =	ssyncset.done $0x0  }
0x16: {  	[sflag:s12] =	ssyncadd.s32 $0xFFFFFD80  }
0x17: {  	_ =	swait.ge [sflag:s12], $0x280  }
0x18: {  	[sflag:s12] =	ssyncset.done $0x0  }
0x19: {  	[sflag:s12] =	ssyncadd.s32 $0xFFFFFD80  }
0x1a: {  	_ =	swait.ge [sflag:s12], $0x4E20  }
0x1b: {  	[sflag:s12] =	ssyncset.done $0x0  }
0x1c: {  	[sflag:s12] =	ssyncadd.s32 $0xFFFFB1E0  }
0x1d: {  	s18 =	simm.s32 $0x0;
	[bflag:$0x0] =	sbarrier.arrive $0xFFFF  }
.LBB2_2:
0x1e: {  	p0 =	sne.s32 s18, $0x13740  }
.Ltmp0:
0x1f: {  	_ = 	snop;
	(pc) =	sbr.rel @p0 .LBB2_2-.Ltmp0, $3  }
0x20: {  	_ =	sdelay $0x1  }
0x21: {  	s19 =	sshra.s32 s18, $0x2;
	s18 =	sadd.s32 $0x140, s18  }
0x22: {  	[spmem:s2] =	stream.indirect.scatter.add.f32 [tilespmem:s11], [sflag:$0x1], $0x8, s19, s13, $0xb8;
	[tilespmem:$0x64A0] =	vst v63  }
0x23: {  	_ =	swait.ge [sflag:s14], $0x280  }
0x24: {  	s18 =	simm.s32 $0xF9;
	[sflag:s14] =	ssyncset.done $0x0  }
.LBB2_4:
0x25: {  	p0 =	sne.s32 s18, $0x1;
	s18 =	sadd.s32 $0xFFFFFFFF, s18;
	[sflag:s14] =	ssyncadd.s32 $0xFFFFFD80  }
.Ltmp1:
0x26: {  	(pc) =	sbr.rel @p0 .LBB2_4-.Ltmp1, $3  }
0x27: {  	_ =	sdelay $0x1  }
0x28: {  	_ =	swait.ge [sflag:s14], $0x280  }
0x29: {  	[sflag:s14] =	ssyncset.done $0x0  }
0x2a: {  	s17 =	sadd.s32 $0x1, s17  }
0x2b: {  	[sflag:s14] =	ssyncadd.s32 $0xFFFFFD80;
	p0 =	sne.s32 s17, s9  }
.Ltmp2:
0x2c: {  	[bflag:$0x0] =	sbarrier.arrive $0xFFFF;
	(pc) =	sbr.rel @p0 .LBB2_1-.Ltmp2, $4  }
0x2d: {  	[hbm:s8], [sflag:s15] =	dma.local [spmem:s10], $0x280  }
0x2e: {  	_ =	swait.ge [sflag:s16], $0x280  }
0x2f: {  	[sflag:s16] =	ssyncset.done $0x0  }
0x30: {  	[sflag:s16] =	ssyncadd.s32 $0xFFFFFD80  }
0x31: {  	_ =	sfence.sel $0x180000  }
0x32: {  	[bflag:$0x0] =	sbarrier.arrive $0xFFFF  }
0x33: {  	p0 =	sne.s32 s1, $0x0;
	_ =	strace $0x90000047  }
0x34: {  	s0 =	sadd.s32 @!p0 $0x100000, s0;
	[bflag:$0x2] =	sbarrier.arrive $0xFFFF  }
0x35: {  	[sflag:s0] =	ssyncadd.tile.s32 @!p0 $0x1;
	_ =	shalt  }
.Lfunc_end2:
_tile_overlayer_lowered:
.L_overlay_start_2:
0x36: {  	(tag) =	ssettag $0x2  }
0x37: {  	s0 =	rddreg [dreg:$0x0];
	s2 =	stileid.u32  }
0x38: {  	s1 =	rddreg [dreg:$0x1];
	p0 =	sne.s32 s2, $0x0  }
0x39: {  	s3 =	rddreg [dreg:$0x2];
	[bflag:$0x3] =	sbarrier.arrive $0xFFFF;
	s2 =	simm.s32 @!p0 $0x1C03  }
0x3a: {  	[timem:s3], [sflag:s2] =	dma.local @!p0 [hbm:s0], s1  }
0x3b: {  	s0 =	simm.s32 @!p0 $0x3  }
0x3c: {  	_ =	swait.ge @!p0 [sflag:s0], s1  }
0x3d: {  	s1 =	ssub.s32 @!p0 $0x0, s1;
	[sflag:s0] =	ssyncset.done @!p0 $0x0  }
0x3e: {  	[sflag:s0] =	ssyncadd.s32 @!p0 s1  }
0x3f: {  	[bflag:$0x3] =	sbarrier.arrive $0xFFFF  }
0x40: {  	_ =	shalt  }

// kernel: kernel.15.cloned.1.call-start
scs
__scs_entry_jumppad:
0x0: {  	(pc) =	sbr.rel $0x88, $3  }
0x1: {  	(tag) =	ssettag $0x0;
	lr =	simm.s32 $0x1  }
0x2: {  	[smem:$0x3F95] =	sst lr;
	_ =	strace $0xD0000000  }
0x3: {  	_ = 	snop  }
0x4: {  	_ = 	snop  }
0x5: {  	_ = 	snop  }
0x6: {  	_ = 	snop  }
0x7: {  	_ = 	snop  }
__scs_overlays_trampoline_lowered:
0x8: {  	[smem:$0x3FA4] =	sst s0  }
0x9: {  	[smem:$0x3FA5] =	sst s1  }
0xa: {  	[smem:$0x3FA6] =	sst s2  }
0xb: {  	[smem:$0x3FA7] =	sst s3  }
0xc: {  	[smem:$0x3FA8] =	sst s4  }
0xd: {  	[smem:$0x3FA9] =	sst s5  }
0xe: {  	[smem:$0x3FAA] =	sst s6  }
0xf: {  	[smem:$0x3FAB] =	sst s7  }
0x10: {  	[smem:$0x3FAC] =	sst s8  }
0x11: {  	[smem:$0x3FAD] =	sst s9;
	s0 =	simm.s32 @!p0 $0x0  }
0x12: {  	s1 =	sld [smem:$0x3F93];
	s0 =	simm.s32 @p0 $0x1  }
0x13: {  	[smem:$0x3FAE] =	sst s0;
	s0 =	simm.s32 @!p1 $0x0  }
0x14: {  	s2 =	sld [smem:$0x3F92];
	s0 =	simm.s32 @p1 $0x1  }
0x15: {  	[smem:$0x3FAF] =	sst s0;
	s0 =	simm.s32 @!p2 $0x0  }
0x16: {  	s3 =	sld [smem:$0x3FDB];
	s0 =	simm.s32 @p2 $0x1  }
0x17: {  	s4 =	simm.s32 $0x1BF5;
	[smem:$0x3FB1] =	sst s0  }
0x18: {  	s0 =	sld [smem:$0x3F94];
	_ =	swait.ge [sflag:s4], $0x0  }
0x19: {  	s7 =	sld [smem:$0x3F95]  }
0x1a: {  	s8 =	sadd.s32 $0xFFFFE003, lr  }
0x1b: {  	s9 =	sadd.s32 $0xFFFFFEF7, lr;
	s5 =	simm.s32 $0xFFFFFFFF;
	p2 =	slt.u32 s8, $0xFFFFF086  }
0x1c: {  	p1 =	slt.u32 s9, $0xF7A;
	s5 =	simm.s32 @!p2 $0x0  }
0x1d: {  	s5 =	simm.s32 @p1 $0x1;
	p0 =	seq.s32 s7, s2  }
0x1e: {  	s7 =	smul.u32 @!p0 $0xF7A, s2;
	p2 =	seq.s32 @!p0 s5, $0x0  }
0x1f: {  	s9 =	smul.u32 $0xF7A, s1;
	s8 =	simm.s32 @!p0 $0x1BF5;
	p2 =	por !p2, p0  }
0x20: {  	[sflag:s8] =	ssyncset.s32 @!p0 $0xFFFFF086;
	s6 =	sadd.s32 @!p0 s3, s7;
	s7 =	simm.s32 @!p0 $0x108  }
0x21: {  	s3 =	sadd.s32 s3, s9;
	s6 =	sadd.s32 @!p0 $0x88, s6;
	s7 =	simm.s32 @p2 $0x1082  }
0x22: {  	[simem:s7], [sflag:s8] =	dma.local @!p0 [hbm:s6], $0xF7A  }
0x23: {  	s9 =	sor.u32 $0xD0000000, s2;
	s6 =	simm.s32 $0x108;
	_ =	swait.ge @!p0 [sflag:s8], $0x0  }
0x24: {  	s3 =	sadd.s32 $0x88, s3;
	s6 =	simm.s32 @!p1 $0x1082;
	[sflag:s4] =	ssyncset.s32 $0xFFFFF086  }
0x25: {  	[simem:s6], [sflag:s4] =	dma.local [hbm:s3], $0xF7A  }
0x26: {  	[smem:$0x3F95] =	sst s1;
	(tag) =	ssettag s2;
	_ =	strace s9  }
0x27: {  	s1 =	sld [smem:$0x3FA5]  }
0x28: {  	s2 =	sld [smem:$0x3FA6]  }
0x29: {  	s4 =	sld [smem:$0x3FA8]  }
0x2a: {  	p0 =	seq.s32 s5, $0x0;
	s5 =	sld [smem:$0x3FA9]  }
0x2b: {  	s6 =	sld [smem:$0x3FAA]  }
0x2c: {  	s7 =	sld [smem:$0x3FAB]  }
0x2d: {  	s3 =	simm.s32 $0x108;
	s8 =	sld [smem:$0x3FAC]  }
0x2e: {  	s3 =	simm.s32 @!p0 $0x1082;
	s9 =	sld [smem:$0x3FAD]  }
0x2f: {  	lr =	sadd.s32 s0, s3;
	s0 =	sld [smem:$0x3FA4]  }
0x30: {  	s3 =	sld [smem:$0x3FA7]  }
0x31: {  	[smem:$0x3FB0] =	sst s10  }
0x32: {  	s10 =	sld [smem:$0x3FAE];
	_ =	sdelay $0x3  }
0x33: {  	p0 =	seq.s32 s10, $0x1;
	s10 =	sld [smem:$0x3FB0];
	_ =	sdelay $0x3  }
0x34: {  	[smem:$0x3FB0] =	sst s10  }
0x35: {  	s10 =	sld [smem:$0x3FAF];
	_ =	sdelay $0x3  }
0x36: {  	p1 =	seq.s32 s10, $0x1;
	s10 =	sld [smem:$0x3FB0];
	_ =	sdelay $0x3  }
0x37: {  	[smem:$0x3FB0] =	sst s10  }
0x38: {  	s10 =	sld [smem:$0x3FB1]  }
0x39: {  	_ = 	snop;
	(pc) =	sbr.ind lr, $3  }
0x3a: {  	_ = 	snop  }
0x3b: {  	_ = 	snop  }
0x3c: {  	p2 =	seq.s32 s10, $0x1;
	s10 =	sld [smem:$0x3FB0]  }
0x3d: {  	_ =	shalt  }
0x3e: {  	_ =	shalt  }
0x3f: {  	_ =	shalt  }
0x40: {  	_ =	shalt  }
0x41: {  	_ =	shalt  }
0x42: {  	_ =	shalt  }
0x43: {  	_ =	shalt  }
0x44: {  	_ =	shalt  }
0x45: {  	_ =	shalt  }
0x46: {  	_ =	shalt  }
0x47: {  	_ =	shalt  }
0x48: {  	_ =	shalt  }
0x49: {  	_ =	shalt  }
0x4a: {  	_ =	shalt  }
0x4b: {  	_ =	shalt  }
0x4c: {  	_ =	shalt  }
0x4d: {  	_ =	shalt  }
0x4e: {  	_ =	shalt  }
0x4f: {  	_ =	shalt  }
0x50: {  	_ =	shalt  }
0x51: {  	_ =	shalt  }
0x52: {  	_ =	shalt  }
0x53: {  	_ =	shalt  }
0x54: {  	_ =	shalt  }
0x55: {  	_ =	shalt  }
0x56: {  	_ =	shalt  }
0x57: {  	_ =	shalt  }
0x58: {  	_ =	shalt  }
0x59: {  	_ =	shalt  }
0x5a: {  	_ =	shalt  }
0x5b: {  	_ =	shalt  }
0x5c: {  	_ =	shalt  }
0x5d: {  	_ =	shalt  }
0x5e: {  	_ =	shalt  }
0x5f: {  	_ =	shalt  }
0x60: {  	_ =	shalt  }
0x61: {  	_ =	shalt  }
0x62: {  	_ =	shalt  }
0x63: {  	_ =	shalt  }
0x64: {  	_ =	shalt  }
0x65: {  	_ =	shalt  }
0x66: {  	_ =	shalt  }
0x67: {  	_ =	shalt  }
0x68: {  	_ =	shalt  }
0x69: {  	_ =	shalt  }
0x6a: {  	_ =	shalt  }
0x6b: {  	_ =	shalt  }
0x6c: {  	_ =	shalt  }
0x6d: {  	_ =	shalt  }
0x6e: {  	_ =	shalt  }
0x6f: {  	_ =	shalt  }
0x70: {  	_ =	shalt  }
0x71: {  	_ =	shalt  }
0x72: {  	_ =	shalt  }
0x73: {  	_ =	shalt  }
0x74: {  	_ =	shalt  }
0x75: {  	_ =	shalt  }
0x76: {  	_ =	shalt  }
0x77: {  	_ =	shalt  }
0x78: {  	_ =	shalt  }
0x79: {  	_ =	shalt  }
0x7a: {  	_ =	shalt  }
0x7b: {  	_ =	shalt  }
0x7c: {  	_ =	shalt  }
0x7d: {  	_ =	shalt  }
0x7e: {  	_ =	shalt  }
0x7f: {  	_ =	shalt  }
0x80: {  	_ =	shalt  }
0x81: {  	_ =	shalt  }
0x82: {  	_ =	shalt  }
0x83: {  	_ =	shalt  }
0x84: {  	_ =	shalt  }
0x85: {  	_ =	shalt  }
0x86: {  	_ =	shalt  }
0x87: {  	_ =	shalt  }
.Lfunc_end0:
.L_simem_size_0:
called_computation.1_lowered:
.L_overlay_start_0:
0x88: {  	s2 =	sld [smem:$0x3FD9]  }
0x89: {  	s3 =	sld [smem:$0x3FFE];
	_ =	sdelay $0x1  }
0x8a: {  	s1 =	srdreg.scid  }
0x8b: {  	s0 =	sand.u32 $0x1, s1  }
0x8c: {  	s17 =	sshll.u32 s0, $0xA;
	s2 =	sadd.s32 s3, s2  }
0x8d: {  	s2 =	sadd.s32 s2, s17  }
0x8e: {  	[smem:$0x3FBC] =	sst s2  }
0x8f: {  	_ = 	snop  }
0x90: {  	s18 =	sld [smem:$0x3FD0];
	(tm) =	ssettm $0x1  }
0x91: {  	s19 =	sld [smem:$0x3FFB];
	_ =	sdelay $0x3  }
0x92: {  	_ =	strace s19  }
0x93: {  	s2 =	sld [smem:$0x3FFC];
	_ =	sdelay $0x3  }
0x94: {  	_ =	strace s2  }
0x95: {  	s2 =	sld [smem:$0x3FFD];
	_ =	sdelay $0x3  }
0x96: {  	_ =	strace s2  }
0x97: {  	_ =	strace $0x8FFFFFFF  }
0x98: {  	s20 =	sld [smem:$0x3FDB];
	_ =	sdelay $0x1  }
0x99: {  	s4 =	simm.s32 $_scs_section_size  }
0x9a: {  	s5 =	simm.s32 $_size__tile_overlayer_lowered;
	s6 =	simm.s32 $_tile_overlayer_lowered  }
0x9b: {  	s7 =	simm.s32 $0x1BFF;
	s21 =	sshll.u32 s6, $0x1;
	s4 =	sadd.s32 s4, s20  }
0x9c: {  	s22 =	simm.s32 $0x0;
	s5 =	sshll.u32 s5, $0x1;
	s6 =	sadd.s32 s21, s4  }
0x9d: {  	[timem:s22], [sflag:s7] =	dma.local [hbm:s6], s5  }
0x9e: {  	_ =	swait.ge [sflag:s7], s5  }
0x9f: {  	s5 =	ssub.s32 $0x0, s5;
	[sflag:s7] =	ssyncset.done $0x0  }
0xa0: {  	[sflag:s7] =	ssyncadd.s32 s5;
	_ =	sdelay $0x1  }
0xa1: {  	s23 =	simm.s32 $0x1B8B  }
0xa2: {  	_ =	swait.ge [sflag:s23], $0x1  }
0xa3: {  	[sflag:s23] =	ssyncset.done $0x0  }
0xa4: {  	[sflag:s23] =	ssyncadd.s32 $0xFFFFFFFF  }
0xa5: {  	s5 =	sld [smem:$0x0]  }
0xa6: {  	s6 =	sand.u32 $0xFFFFFFFE, s1  }
0xa7: {  	p0 =	sne.s32 s1, s6  }
0xa8: {  	s6 =	sshll.u32 @p0 s6, $0xE  }
0xa9: {  	s6 =	sadd.s32 @p0 $0x11B8D, s6;
	s7 =	sshll.u32 @p0 s5, $0x11  }
0xaa: {  	s6 =	sor.u32 @p0 s7, s6  }
0xab: {  	[sflag:s6] =	ssyncadd.remote.s32 @p0 $0x1;
	_ =	sdelay $0x1  }
0xac: {  	s6 =	simm.s32 @p0 $0x1B8D  }
0xad: {  	_ =	swait.eq @p0 [sflag:s6], $0x1  }
0xae: {  	[sflag:s6] =	ssyncadd.s32 @p0 $0xFFFFFFFF  }
0xaf: {  	s7 =	sshll.u32 @!p0 s1, $0xE  }
0xb0: {  	s7 =	sor.u32 @!p0 $0x4000, s7;
	s6 =	simm.s32 @!p0 $0x1B8D  }
0xb1: {  	s5 =	sshll.u32 @!p0 s5, $0x11;
	s7 =	sadd.s32 @!p0 $0x11B8D, s7;
	_ =	swait.eq @!p0 [sflag:s6], $0x1  }
0xb2: {  	s5 =	sor.u32 @!p0 s5, s7;
	[sflag:s6] =	ssyncadd.s32 @!p0 $0xFFFFFFFF  }
0xb3: {  	s25 =	simm.s32 $0x1B8E;
	s24 =	sld [smem:$0x3FFE];
	[sflag:s5] =	ssyncadd.remote.s32 @!p0 $0x1  }
0xb4: {  	s26 =	simm.s32 $execute0_lowered;
	[smem:$0x3FD2] =	sst s25  }
0xb5: {  	s6 =	sshll.u32 s26, $0x1;
	_ =	strace $0x8000004C;
	[dreg:$0x1] =	wrdreg $0xFFFFFFFF  }
0xb6: {  	s28 =	simm.s32 $_size_execute0_lowered;
	s4 =	sadd.s32 s4, s6;
	[dreg:$0x0] =	wrdreg $0x0  }
0xb7: {  	s6 =	sshll.u32 s28, $0x1;
	[dreg:$0x2] =	wrdreg s4  }
0xb8: {  	[dreg:$0x3] =	wrdreg s6  }
0xb9: {  	[dreg:$0x4] =	wrdreg $0xC0  }
0xba: {  	_ =	task [dreg:s22], $0x5FFFF  }
0xbb: {  	[dreg:$0x1] =	wrdreg $0xFFFFFFFF  }
0xbc: {  	[dreg:$0x0] =	wrdreg $0x60  }
0xbd: {  	[dreg:$0x2] =	wrdreg s24  }
0xbe: {  	[dreg:$0x3] =	wrdreg s18  }
0xbf: {  	[dreg:$0x4] =	wrdreg $0x100400  }
0xc0: {  	[dreg:$0x5] =	wrdreg $0x9  }
0xc1: {  	_ =	task.clear_ibuf [dreg:s22], $0x6FFFF;
	_ =	strace $0x9000004C  }
0xc2: {  	s29 =	simm.s32 $0x9;
	_ =	strace $0x8000004E  }
0xc3: {  	_ =	swait.ge [sflag:s29], $0x1  }
0xc4: {  	[sflag:s29] =	ssyncadd.s32 $0xFFFFFFFF  }
0xc5: {  	_ =	strace $0x9000004E  }
0xc6: {  	_ =	sfence  }
0xc7: {  	s30 =	sld [smem:$0x0];
	_ =	sdelay $0x2  }
0xc8: {  	s31 =	sshll.u32 s1, $0xD;
	s1 =	sshrl.u32 s1, $0x2  }
0xc9: {  	s4 =	sand.u32 $0x4000, s31;
	s1 =	sadd.s32 s1, s30  }
0xca: {  	s0 =	sor.u32 s4, s0;
	s1 =	sshll.u32 s1, $0x11  }
0xcb: {  	s0 =	sor.u32 s1, s0  }
0xcc: {  	s0 =	sadd.s32 $0x8F2B, s0  }
0xcd: {  	[sflag:s0] =	ssyncadd.remote.s32 $0x1  }
0xce: {  	_ =	sfence.sel $0xFFFF  }
0xcf: {  	[dreg:$0x0] =	wrdreg $0xFFFFFFFF;
	(pc) =	sbr.abs _section_cstart, $3  }
0xd0: {  	[dreg:$0x1] =	wrdreg $0xFFFFFFFF  }
0xd1: {  	_ =	task.clear_ibuf [dreg:s22], $0x2FFFF;
	_ =	strace $0x9FFFFFFF  }
0xd2: {  	(tm) =	ssettm $0x7FFFFFFF  }
0xd3: {  	_ =	shalt  }
tec
execute0_lowered:
.L_overlay_start_1:
0x0: {  	(tag) =	ssettag $0x1  }
0x1: {  	s0 =	srdreg.scid  }
0x2: {  	s1 =	rddreg [dreg:$0x0];
	s11 =	stileid.u32  }
0x3: {  	s5 =	rddreg [dreg:$0x1];
	s14 =	simm.s32 $0x1;
	s15 =	simm.s32 $0x2  }
0x4: {  	s16 =	simm.s32 $0x3;
	s17 =	simm.s32 $0x50;
	s18 =	simm.s32 $0x9C40  }
0x5: {  	s28 =	simm.s32 $0x6;
	s31 =	simm.s32 $0x7;
	s7 =	smul.u32 $0x9C4, s11  }
0x6: {  	s30 =	simm.s32 $0x9;
	s29 =	simm.s32 $0x0;
	s8 =	smul.u32 $0x1400, s11  }
0x7: {  	s0 =	sand.u32 $0x1, s0;
	s4 =	sadd.s32 $0xC3200, s1;
	s22 =	smul.u32 $0xA000, s11  }
0x8: {  	s2 =	sshll.u32 s0, $0x4;
	s9 =	smul.u32 $0x14000, s0;
	s0 =	ssub.s32 $0x2, s0  }
0x9: {  	s3 =	sor.u32 s11, s2;
	s2 =	rddreg [dreg:$0x2];
	s19 =	sadd.s32 s7, s1  }
0xa: {  	s21 =	sshrl.u32 s0, $0x1;
	s24 =	sshrl.u32 s22, $0x3;
	s6 =	smul.u32 $0x9C4, s3  }
0xb: {  	s3 =	simm.s32 $0x0;
	s20 =	sadd.s32 s8, s9;
	s0 =	ssub.s32 s0, s21  }
0xc: {  	s23 =	sadd.s32 s22, s2;
	s5 =	sadd.s32 s5, s24;
	s21 =	simm.s32 $0xC440  }
0xd: {  	s22 =	simm.s32 $0x8;
	s24 =	simm.s32 $0xB;
	[smem:$0x7FF] =	sst s3  }
0xe: {  	s13 =	sshrl.u32 s23, $0x3;
	s23 =	simm.s32 $0xD840;
	_ =	strace $0x8000004D  }
0xf: {  	s10 =	sadd.s32 s6, s1;
	s1 =	sadd.s32 s20, s1;
	s6 =	sadd.s32 $0x3000, s19  }
.Ltmp0:
0x10: {  	[dreg:$0x5] =	wrdreg s5;
	s19 =	simm.s32 $0xB040;
	(pc) =	sbr.rel .LBB2_1-.Ltmp0, $4  }
0x11: {  	s20 =	simm.s32 $0xA;
	[dreg:$0x4] =	wrdreg s6;
	s6 =	sshll.u32 s11, $0x6  }
0x12: {  	s26 =	sadd.s32 $0x13B200, s10;
	s10 =	sadd.s32 $0x14EC00, s1;
	s11 =	smax.u32 s0, $0x1  }
0x13: {  	s0 =	simm.s32 $0x4;
	s25 =	sor.u32 $0x1C02, s6;
	[dreg:$0x7] =	wrdreg s26  }
0x14: {  	s26 =	simm.s32 $0x5;
	[dreg:$0x6] =	wrdreg s25;
	s25 =	simm.s32 $0xEC40  }
.LBB2_4:
0x15: {  	_ =	swait.ge [sflag:s26], $0x1400  }
0x16: {  	[sflag:s26] =	ssyncset.done $0x0  }
0x17: {  	[sflag:s26] =	ssyncadd.s32 $0xFFFFEC00  }
0x18: {  	[spmem:s2] =	stream.indirect.scatter.add.f32 [tilespmem:s25], [sflag:$0xA], $0x40, s7, s17, $0xb8;
	[tilespmem:$0x1A040] =	vst v63  }
0x19: {  	_ =	swait.ge [sflag:s30], $0x1400  }
0x1a: {  	[sflag:s30] =	ssyncset.done $0x0  }
0x1b: {  	[sflag:s30] =	ssyncadd.s32 $0xFFFFEC00  }
0x1c: {  	_ =	swait.ge [sflag:s20], $0x1400  }
0x1d: {  	s29 =	sadd.s32 $0x1, s29;
	[sflag:s20] =	ssyncset.done $0x0  }
0x1e: {  	p0 =	sne.s32 s29, s11;
	[sflag:s20] =	ssyncadd.s32 $0xFFFFEC00  }
.Ltmp1:
0x1f: {  	s1 =	sor.u32 $0x1C0B, s6;
	[bflag:$0x0] =	sbarrier.arrive $0xFFFF;
	(pc) =	sbr.rel @!p0 .LBB2_5-.Ltmp1, $4  }
0x20: {  	[hbm:s10], [sflag:s1] =	dma.local [spmem:s13], $0x1400  }
0x21: {  	_ =	swait.ge [sflag:s24], $0x1400  }
0x22: {  	[sflag:s24] =	ssyncset.done $0x0  }
0x23: {  	[sflag:s24] =	ssyncadd.s32 $0xFFFFEC00  }
.LBB2_1:
0x24: {  	s1 =	rddreg [dreg:$0x4]  }
0x25: {  	s9 =	rddreg [dreg:$0x5]  }
0x26: {  	s7 =	simm.s32 $0x4E20;
	s5 =	rddreg [dreg:$0x6]  }
0x27: {  	[tilespmem:s7], [sflag:$0x1] =	stream.linear.gather [hbm4b:s1+s3], $0x4E20, $0x38;
	[tilespmem:$0x1A040] =	vst v63  }
0x28: {  	[spmem:s13], [sflag:s5] =	dma.local [hbm:s9], $0x1400  }
0x29: {  	s1 =	rddreg [dreg:$0x7]  }
0x2a: {  	[tilespmem:s3], [sflag:$0x3] =	stream.linear.gather [hbm4b:s1+s3], $0x4E20, $0x38;
	[tilespmem:$0x1A040] =	vst v63  }
0x2b: {  	_ =	swait.ge [sflag:s14], $0x4E20  }
0x2c: {  	[sflag:s14] =	ssyncset.done $0x0  }
0x2d: {  	[sflag:s14] =	ssyncadd.s32 $0xFFFFB1E0  }
0x2e: {  	_ =	swait.ge [sflag:s15], $0x1400  }
0x2f: {  	[sflag:s15] =	ssyncset.done $0x0  }
0x30: {  	[sflag:s15] =	ssyncadd.s32 $0xFFFFEC00  }
0x31: {  	_ =	swait.ge [sflag:s16], $0x4E20  }
0x32: {  	[sflag:s16] =	ssyncset.done $0x0  }
0x33: {  	[sflag:s16] =	ssyncadd.s32 $0xFFFFB1E0  }
0x34: {  	[bflag:$0x0] =	sbarrier.arrive $0xFFFF  }
0x35: {  	[tilespmem:s18], [sflag:$0x1] =	stream.indirect.gather [hbm4b:s4+s17], $0x40, s3, s17, $0xb8;
	[tilespmem:$0x1A040] =	vst v63  }
0x36: {  	_ = 	snop  }
0x37: {  	[tilespmem:s19], [sflag:$0x2] =	stream.indirect.gather [hbm4b:s4+s17], $0x40, s17, s17, $0xb8;
	[tilespmem:$0x1A040] =	vst v63  }
0x38: {  	s12 =	simm.s32 $0xA0  }
0x39: {  	[tilespmem:s21], [sflag:$0x3] =	stream.indirect.gather [hbm4b:s4+s17], $0x40, s12, s17, $0xb8;
	[tilespmem:$0x1A040] =	vst v63  }
0x3a: {  	s5 =	simm.s32 $0xF0  }
0x3b: {  	[tilespmem:s23], [sflag:$0x4] =	stream.indirect.gather [hbm4b:s4+s17], $0x40, s5, s17, $0xb8;
	[tilespmem:$0x1A040] =	vst v63  }
0x3c: {  	_ =	swait.ge [sflag:s14], $0x1400  }
0x3d: {  	[sflag:s14] =	ssyncset.done $0x0  }
0x3e: {  	[sflag:s14] =	ssyncadd.s32 $0xFFFFEC00  }
0x3f: {  	[spmem:s2] =	stream.indirect.scatter.add.f32 [tilespmem:s18], [sflag:$0x6], $0x40, s7, s17, $0xb8;
	[tilespmem:$0x1A040] =	vst v63  }
0x40: {  	s7 =	simm.s32 $0x140  }
0x41: {  	[tilespmem:s25], [sflag:$0x5] =	stream.indirect.gather [hbm4b:s4+s17], $0x40, s7, s17, $0xb8;
	[tilespmem:$0x1A040] =	vst v63  }
0x42: {  	_ =	swait.ge [sflag:s15], $0x1400  }
0x43: {  	[sflag:s15] =	ssyncset.done $0x0  }
0x44: {  	s8 =	simm.s32 $0x4E70;
	[sflag:s15] =	ssyncadd.s32 $0xFFFFEC00  }
0x45: {  	[spmem:s2] =	stream.indirect.scatter.add.f32 [tilespmem:s19], [sflag:$0x7], $0x40, s8, s17, $0xb8;
	[tilespmem:$0x1A040] =	vst v63  }
0x46: {  	_ =	swait.ge [sflag:s28], $0x1400  }
0x47: {  	[sflag:s28] =	ssyncset.done $0x0  }
0x48: {  	s9 =	simm.s32 $0x190;
	[sflag:s28] =	ssyncadd.s32 $0xFFFFEC00  }
0x49: {  	[tilespmem:s18], [sflag:$0x1] =	stream.indirect.gather [hbm4b:s4+s17], $0x40, s9, s17, $0xb8;
	[tilespmem:$0x1A040] =	vst v63  }
0x4a: {  	_ =	swait.ge [sflag:s16], $0x1400  }
0x4b: {  	[sflag:s16] =	ssyncset.done $0x0  }
0x4c: {  	s12 =	simm.s32 $0x4EC0;
	[sflag:s16] =	ssyncadd.s32 $0xFFFFEC00  }
0x4d: {  	[spmem:s2] =	stream.indirect.scatter.add.f32 [tilespmem:s21], [sflag:$0x8], $0x40, s12, s17, $0xb8;
	[tilespmem:$0x1A040] =	vst v63  }
0x4e: {  	_ =	swait.ge [sflag:s31], $0x1400  }
0x4f: {  	[sflag:s31] =	ssyncset.done $0x0  }
0x50: {  	s5 =	simm.s32 $0x1E0;
	[sflag:s31] =	ssyncadd.s32 $0xFFFFEC00  }
0x51: {  	[tilespmem:s19], [sflag:$0x2] =	stream.indirect.gather [hbm4b:s4+s17], $0x40, s5, s17, $0xb8;
	[tilespmem:$0x1A040] =	vst v63  }
0x52: {  	_ =	swait.ge [sflag:s0], $0x1400  }
0x53: {  	[sflag:s0] =	ssyncset.done $0x0  }
0x54: {  	s7 =	simm.s32 $0x4F10;
	[sflag:s0] =	ssyncadd.s32 $0xFFFFEC00  }
0x55: {  	[spmem:s2] =	stream.indirect.scatter.add.f32 [tilespmem:s23], [sflag:$0x9], $0x40, s7, s17, $0xb8;
	[tilespmem:$0x1A040] =	vst v63  }
0x56: {  	_ =	swait.ge [sflag:s22], $0x1400  }
0x57: {  	[sflag:s22] =	ssyncset.done $0x0  }
0x58: {  	s8 =	simm.s32 $0x230;
	[sflag:s22] =	ssyncadd.s32 $0xFFFFEC00  }
0x59: {  	[tilespmem:s21], [sflag:$0x3] =	stream.indirect.gather [hbm4b:s4+s17], $0x40, s8, s17, $0xb8;
	[tilespmem:$0x1A040] =	vst v63  }
0x5a: {  	_ =	swait.ge [sflag:s26], $0x1400  }
0x5b: {  	[sflag:s26] =	ssyncset.done $0x0  }
0x5c: {  	s9 =	simm.s32 $0x4F60;
	[sflag:s26] =	ssyncadd.s32 $0xFFFFEC00  }
0x5d: {  	[spmem:s2] =	stream.indirect.scatter.add.f32 [tilespmem:s25], [sflag:$0xA], $0x40, s9, s17, $0xb8;
	[tilespmem:$0x1A040] =	vst v63  }
0x5e: {  	_ =	swait.ge [sflag:s30], $0x1400  }
0x5f: {  	[sflag:s30] =	ssyncset.done $0x0  }
0x60: {  	s1 =	simm.s32 $0x0;
	s12 =	simm.s32 $0x280;
	[sflag:s30] =	ssyncadd.s32 $0xFFFFEC00  }
0x61: {  	[tilespmem:s23], [sflag:$0x4] =	stream.indirect.gather [hbm4b:s4+s17], $0x40, s12, s17, $0xb8;
	[tilespmem:$0x1A040] =	vst v63  }
.LBB2_2:
0x62: {  	_ =	swait.ge [sflag:s14], $0x1400  }
0x63: {  	s5 =	sshra.s32 s1, $0x2;
	[sflag:s14] =	ssyncset.done $0x0  }
0x64: {  	s7 =	sadd.s32 $0x4FB0, s5;
	[sflag:s14] =	ssyncadd.s32 $0xFFFFEC00  }
0x65: {  	[spmem:s2] =	stream.indirect.scatter.add.f32 [tilespmem:s18], [sflag:$0x6], $0x40, s7, s17, $0xb8;
	[tilespmem:$0x1A040] =	vst v63  }
0x66: {  	_ =	swait.ge [sflag:s20], $0x1400  }
0x67: {  	[sflag:s20] =	ssyncset.done $0x0  }
0x68: {  	s8 =	sadd.s32 $0x2D0, s5;
	[sflag:s20] =	ssyncadd.s32 $0xFFFFEC00  }
0x69: {  	[tilespmem:s25], [sflag:$0x5] =	stream.indirect.gather [hbm4b:s4+s17], $0x40, s8, s17, $0xb8;
	[tilespmem:$0x1A040] =	vst v63  }
0x6a: {  	_ =	swait.ge [sflag:s15], $0x1400  }
0x6b: {  	[sflag:s15] =	ssyncset.done $0x0  }
0x6c: {  	s9 =	sadd.s32 $0x5000, s5;
	[sflag:s15] =	ssyncadd.s32 $0xFFFFEC00  }
0x6d: {  	[spmem:s2] =	stream.indirect.scatter.add.f32 [tilespmem:s19], [sflag:$0x7], $0x40, s9, s17, $0xb8;
	[tilespmem:$0x1A040] =	vst v63  }
0x6e: {  	_ =	swait.ge [sflag:s28], $0x1400  }
0x6f: {  	p0 =	seq.s32 s1, $0x12C00;
	[sflag:s28] =	ssyncset.done $0x0  }
0x70: {  	s7 =	simm.s32 @p0 $0x3;
	[sflag:s28] =	ssyncadd.s32 $0xFFFFEC00  }
0x71: {  	_ =	swait.ge @p0 [sflag:s7], $0x1400  }
0x72: {  	[sflag:s7] =	ssyncset.done @p0 $0x0  }
0x73: {  	[sflag:s7] =	ssyncadd.s32 @p0 $0xFFFFEC00;
	s7 =	sshra.s32 @p0 s1, $0x2  }
0x74: {  	s12 =	simm.s32 @p0 $0xC440;
	s8 =	simm.s32 @p0 $0x50;
	s7 =	sadd.s32 @p0 $0x5050, s7  }
0x75: {  	[spmem:s2] =	stream.indirect.scatter.add.f32 @p0 [tilespmem:s12], [sflag:$0x8], $0x40, s7, s8, $0xb8;
	[tilespmem:$0x1A040] =	vst v63  }
0x76: {  	s7 =	simm.s32 @p0 $0x7  }
0x77: {  	_ =	swait.ge @p0 [sflag:s7], $0x1400  }
0x78: {  	[sflag:s7] =	ssyncset.done @p0 $0x0  }
0x79: {  	[sflag:s7] =	ssyncadd.s32 @p0 $0xFFFFEC00;
	s7 =	sshra.s32 @!p0 s1, $0x2  }
0x7a: {  	s9 =	simm.s32 @!p0 $0x9C40;
	s12 =	simm.s32 @!p0 $0x50;
	s8 =	sadd.s32 @!p0 $0x320, s7  }
0x7b: {  	[tilespmem:s9], [sflag:$0x1] =	stream.indirect.gather @!p0 [hbm4b:s4+s12], $0x40, s8, s12, $0xb8;
	[tilespmem:$0x1A040] =	vst v63  }
0x7c: {  	s8 =	simm.s32 @!p0 $0x3  }
0x7d: {  	_ =	swait.ge @!p0 [sflag:s8], $0x1400  }
0x7e: {  	[sflag:s8] =	ssyncset.done @!p0 $0x0  }
0x7f: {  	s9 =	simm.s32 @!p0 $0xC440;
	[sflag:s8] =	ssyncadd.s32 @!p0 $0xFFFFEC00;
	s8 =	sadd.s32 @!p0 $0x5050, s7  }
0x80: {  	[spmem:s2] =	stream.indirect.scatter.add.f32 @!p0 [tilespmem:s9], [sflag:$0x8], $0x40, s8, s12, $0xb8;
	[tilespmem:$0x1A040] =	vst v63  }
0x81: {  	s8 =	simm.s32 @!p0 $0x7  }
0x82: {  	_ =	swait.ge @!p0 [sflag:s8], $0x1400  }
0x83: {  	[sflag:s8] =	ssyncset.done @!p0 $0x0  }
0x84: {  	s7 =	sadd.s32 @!p0 $0x370, s7;
	[sflag:s8] =	ssyncadd.s32 @!p0 $0xFFFFEC00;
	s8 =	simm.s32 @!p0 $0xB040  }
0x85: {  	[tilespmem:s8], [sflag:$0x2] =	stream.indirect.gather @!p0 [hbm4b:s4+s12], $0x40, s7, s12, $0xb8;
	[tilespmem:$0x1A040] =	vst v63  }
0x86: {  	_ =	swait.ge [sflag:s0], $0x1400  }
0x87: {  	[sflag:s0] =	ssyncset.done $0x0  }
.Ltmp2:
0x88: {  	s12 =	sadd.s32 $0x50A0, s5;
	[sflag:s0] =	ssyncadd.s32 $0xFFFFEC00;
	(pc) =	sbr.rel @p0 .LBB2_4-.Ltmp2, $4  }
0x89: {  	[spmem:s2] =	stream.indirect.scatter.add.f32 [tilespmem:s23], [sflag:$0x9], $0x40, s12, s17, $0xb8;
	[tilespmem:$0x1A040] =	vst v63  }
0x8a: {  	_ =	swait.ge [sflag:s22], $0x1400  }
0x8b: {  	[sflag:s22] =	ssyncset.done $0x0  }
0x8c: {  	s7 =	sadd.s32 $0x50F0, s5;
	[sflag:s22] =	ssyncadd.s32 $0xFFFFEC00  }
0x8d: {  	s8 =	sadd.s32 $0x3C0, s5  }
0x8e: {  	[tilespmem:s21], [sflag:$0x3] =	stream.indirect.gather [hbm4b:s4+s17], $0x40, s8, s17, $0xb8;
	[tilespmem:$0x1A040] =	vst v63  }
0x8f: {  	_ =	swait.ge [sflag:s26], $0x1400  }
0x90: {  	[sflag:s26] =	ssyncset.done $0x0  }
0x91: {  	[sflag:s26] =	ssyncadd.s32 $0xFFFFEC00  }
0x92: {  	[spmem:s2] =	stream.indirect.scatter.add.f32 [tilespmem:s25], [sflag:$0xA], $0x40, s7, s17, $0xb8;
	[tilespmem:$0x1A040] =	vst v63  }
.Ltmp3:
0x93: {  	_ = 	snop;
	(pc) =	sbr.rel .LBB2_2-.Ltmp3, $4  }
0x94: {  	_ =	swait.ge [sflag:s30], $0x1400  }
0x95: {  	[sflag:s30] =	ssyncset.done $0x0  }
0x96: {  	s12 =	sadd.s32 $0x410, s5;
	s1 =	sadd.s32 $0x640, s1;
	[sflag:s30] =	ssyncadd.s32 $0xFFFFEC00  }
0x97: {  	[tilespmem:s23], [sflag:$0x4] =	stream.indirect.gather [hbm4b:s4+s17], $0x40, s12, s17, $0xb8;
	[tilespmem:$0x1A040] =	vst v63  }
.LBB2_5:
0x98: {  	_ =	sfence.sel $0x180000  }
0x99: {  	[bflag:$0x0] =	sbarrier.arrive $0xFFFF  }
0x9a: {  	_ =	strace $0x9000004D  }
0x9b: {  	s0 =	stileid.u32;
	[bflag:$0x2] =	sbarrier.arrive $0xFFFF  }
0x9c: {  	p0 =	sne.s32 s0, $0x0;
	s0 =	rddreg [dreg:$0x3]  }
0x9d: {  	s0 =	sadd.s32 @!p0 $0x100000, s0  }
0x9e: {  	[sflag:s0] =	ssyncadd.tile.s32 @!p0 $0x1;
	_ =	shalt  }
.Lfunc_end2:
_tile_overlayer_lowered:
.L_overlay_start_2:
0x9f: {  	(tag) =	ssettag $0x2  }
0xa0: {  	s0 =	rddreg [dreg:$0x0];
	s2 =	stileid.u32  }
0xa1: {  	s1 =	rddreg [dreg:$0x1];
	p0 =	sne.s32 s2, $0x0  }
0xa2: {  	s3 =	rddreg [dreg:$0x2];
	[bflag:$0x3] =	sbarrier.arrive $0xFFFF;
	s2 =	simm.s32 @!p0 $0x1C0B  }
0xa3: {  	[timem:s3], [sflag:s2] =	dma.local @!p0 [hbm:s0], s1  }
0xa4: {  	s0 =	simm.s32 @!p0 $0xB  }
0xa5: {  	_ =	swait.ge @!p0 [sflag:s0], s1  }
0xa6: {  	s1 =	ssub.s32 @!p0 $0x0, s1;
	[sflag:s0] =	ssyncset.done @!p0 $0x0  }
0xa7: {  	[sflag:s0] =	ssyncadd.s32 @!p0 s1  }
0xa8: {  	[bflag:$0x3] =	sbarrier.arrive $0xFFFF  }
0xa9: {  	_ =	shalt  }

// kernel: kernel.18.cloned.1.call-start
scs
__scs_entry_jumppad:
0x0: {  	(pc) =	sbr.rel $0x88, $3  }
0x1: {  	(tag) =	ssettag $0x0;
	lr =	simm.s32 $0x1  }
0x2: {  	[smem:$0x3F95] =	sst lr;
	_ =	strace $0xD0000000  }
0x3: {  	_ = 	snop  }
0x4: {  	_ = 	snop  }
0x5: {  	_ = 	snop  }
0x6: {  	_ = 	snop  }
0x7: {  	_ = 	snop  }
__scs_overlays_trampoline_lowered:
0x8: {  	[smem:$0x3FA4] =	sst s0  }
0x9: {  	[smem:$0x3FA5] =	sst s1  }
0xa: {  	[smem:$0x3FA6] =	sst s2  }
0xb: {  	[smem:$0x3FA7] =	sst s3  }
0xc: {  	[smem:$0x3FA8] =	sst s4  }
0xd: {  	[smem:$0x3FA9] =	sst s5  }
0xe: {  	[smem:$0x3FAA] =	sst s6  }
0xf: {  	[smem:$0x3FAB] =	sst s7  }
0x10: {  	[smem:$0x3FAC] =	sst s8  }
0x11: {  	[smem:$0x3FAD] =	sst s9;
	s0 =	simm.s32 @!p0 $0x0  }
0x12: {  	s1 =	sld [smem:$0x3F93];
	s0 =	simm.s32 @p0 $0x1  }
0x13: {  	[smem:$0x3FAE] =	sst s0;
	s0 =	simm.s32 @!p1 $0x0  }
0x14: {  	s2 =	sld [smem:$0x3F92];
	s0 =	simm.s32 @p1 $0x1  }
0x15: {  	[smem:$0x3FAF] =	sst s0;
	s0 =	simm.s32 @!p2 $0x0  }
0x16: {  	s3 =	sld [smem:$0x3FDB];
	s0 =	simm.s32 @p2 $0x1  }
0x17: {  	s4 =	simm.s32 $0x1BF5;
	[smem:$0x3FB1] =	sst s0  }
0x18: {  	s0 =	sld [smem:$0x3F94];
	_ =	swait.ge [sflag:s4], $0x0  }
0x19: {  	s7 =	sld [smem:$0x3F95]  }
0x1a: {  	s8 =	sadd.s32 $0xFFFFE003, lr  }
0x1b: {  	s9 =	sadd.s32 $0xFFFFFEF7, lr;
	s5 =	simm.s32 $0xFFFFFFFF;
	p2 =	slt.u32 s8, $0xFFFFF086  }
0x1c: {  	p1 =	slt.u32 s9, $0xF7A;
	s5 =	simm.s32 @!p2 $0x0  }
0x1d: {  	s5 =	simm.s32 @p1 $0x1;
	p0 =	seq.s32 s7, s2  }
0x1e: {  	s7 =	smul.u32 @!p0 $0xF7A, s2;
	p2 =	seq.s32 @!p0 s5, $0x0  }
0x1f: {  	s9 =	smul.u32 $0xF7A, s1;
	s8 =	simm.s32 @!p0 $0x1BF5;
	p2 =	por !p2, p0  }
0x20: {  	[sflag:s8] =	ssyncset.s32 @!p0 $0xFFFFF086;
	s6 =	sadd.s32 @!p0 s3, s7;
	s7 =	simm.s32 @!p0 $0x108  }
0x21: {  	s3 =	sadd.s32 s3, s9;
	s6 =	sadd.s32 @!p0 $0x88, s6;
	s7 =	simm.s32 @p2 $0x1082  }
0x22: {  	[simem:s7], [sflag:s8] =	dma.local @!p0 [hbm:s6], $0xF7A  }
0x23: {  	s9 =	sor.u32 $0xD0000000, s2;
	s6 =	simm.s32 $0x108;
	_ =	swait.ge @!p0 [sflag:s8], $0x0  }
0x24: {  	s3 =	sadd.s32 $0x88, s3;
	s6 =	simm.s32 @!p1 $0x1082;
	[sflag:s4] =	ssyncset.s32 $0xFFFFF086  }
0x25: {  	[simem:s6], [sflag:s4] =	dma.local [hbm:s3], $0xF7A  }
0x26: {  	[smem:$0x3F95] =	sst s1;
	(tag) =	ssettag s2;
	_ =	strace s9  }
0x27: {  	s1 =	sld [smem:$0x3FA5]  }
0x28: {  	s2 =	sld [smem:$0x3FA6]  }
0x29: {  	s4 =	sld [smem:$0x3FA8]  }
0x2a: {  	p0 =	seq.s32 s5, $0x0;
	s5 =	sld [smem:$0x3FA9]  }
0x2b: {  	s6 =	sld [smem:$0x3FAA]  }
0x2c: {  	s7 =	sld [smem:$0x3FAB]  }
0x2d: {  	s3 =	simm.s32 $0x108;
	s8 =	sld [smem:$0x3FAC]  }
0x2e: {  	s3 =	simm.s32 @!p0 $0x1082;
	s9 =	sld [smem:$0x3FAD]  }
0x2f: {  	lr =	sadd.s32 s0, s3;
	s0 =	sld [smem:$0x3FA4]  }
0x30: {  	s3 =	sld [smem:$0x3FA7]  }
0x31: {  	[smem:$0x3FB0] =	sst s10  }
0x32: {  	s10 =	sld [smem:$0x3FAE];
	_ =	sdelay $0x3  }
0x33: {  	p0 =	seq.s32 s10, $0x1;
	s10 =	sld [smem:$0x3FB0];
	_ =	sdelay $0x3  }
0x34: {  	[smem:$0x3FB0] =	sst s10  }
0x35: {  	s10 =	sld [smem:$0x3FAF];
	_ =	sdelay $0x3  }
0x36: {  	p1 =	seq.s32 s10, $0x1;
	s10 =	sld [smem:$0x3FB0];
	_ =	sdelay $0x3  }
0x37: {  	[smem:$0x3FB0] =	sst s10  }
0x38: {  	s10 =	sld [smem:$0x3FB1]  }
0x39: {  	_ = 	snop;
	(pc) =	sbr.ind lr, $3  }
0x3a: {  	_ = 	snop  }
0x3b: {  	_ = 	snop  }
0x3c: {  	p2 =	seq.s32 s10, $0x1;
	s10 =	sld [smem:$0x3FB0]  }
0x3d: {  	_ =	shalt  }
0x3e: {  	_ =	shalt  }
0x3f: {  	_ =	shalt  }
0x40: {  	_ =	shalt  }
0x41: {  	_ =	shalt  }
0x42: {  	_ =	shalt  }
0x43: {  	_ =	shalt  }
0x44: {  	_ =	shalt  }
0x45: {  	_ =	shalt  }
0x46: {  	_ =	shalt  }
0x47: {  	_ =	shalt  }
0x48: {  	_ =	shalt  }
0x49: {  	_ =	shalt  }
0x4a: {  	_ =	shalt  }
0x4b: {  	_ =	shalt  }
0x4c: {  	_ =	shalt  }
0x4d: {  	_ =	shalt  }
0x4e: {  	_ =	shalt  }
0x4f: {  	_ =	shalt  }
0x50: {  	_ =	shalt  }
0x51: {  	_ =	shalt  }
0x52: {  	_ =	shalt  }
0x53: {  	_ =	shalt  }
0x54: {  	_ =	shalt  }
0x55: {  	_ =	shalt  }
0x56: {  	_ =	shalt  }
0x57: {  	_ =	shalt  }
0x58: {  	_ =	shalt  }
0x59: {  	_ =	shalt  }
0x5a: {  	_ =	shalt  }
0x5b: {  	_ =	shalt  }
0x5c: {  	_ =	shalt  }
0x5d: {  	_ =	shalt  }
0x5e: {  	_ =	shalt  }
0x5f: {  	_ =	shalt  }
0x60: {  	_ =	shalt  }
0x61: {  	_ =	shalt  }
0x62: {  	_ =	shalt  }
0x63: {  	_ =	shalt  }
0x64: {  	_ =	shalt  }
0x65: {  	_ =	shalt  }
0x66: {  	_ =	shalt  }
0x67: {  	_ =	shalt  }
0x68: {  	_ =	shalt  }
0x69: {  	_ =	shalt  }
0x6a: {  	_ =	shalt  }
0x6b: {  	_ =	shalt  }
0x6c: {  	_ =	shalt  }
0x6d: {  	_ =	shalt  }
0x6e: {  	_ =	shalt  }
0x6f: {  	_ =	shalt  }
0x70: {  	_ =	shalt  }
0x71: {  	_ =	shalt  }
0x72: {  	_ =	shalt  }
0x73: {  	_ =	shalt  }
0x74: {  	_ =	shalt  }
0x75: {  	_ =	shalt  }
0x76: {  	_ =	shalt  }
0x77: {  	_ =	shalt  }
0x78: {  	_ =	shalt  }
0x79: {  	_ =	shalt  }
0x7a: {  	_ =	shalt  }
0x7b: {  	_ =	shalt  }
0x7c: {  	_ =	shalt  }
0x7d: {  	_ =	shalt  }
0x7e: {  	_ =	shalt  }
0x7f: {  	_ =	shalt  }
0x80: {  	_ =	shalt  }
0x81: {  	_ =	shalt  }
0x82: {  	_ =	shalt  }
0x83: {  	_ =	shalt  }
0x84: {  	_ =	shalt  }
0x85: {  	_ =	shalt  }
0x86: {  	_ =	shalt  }
0x87: {  	_ =	shalt  }
.Lfunc_end0:
.L_simem_size_0:
called_computation.2_lowered:
.L_overlay_start_0:
0x88: {  	s2 =	sld [smem:$0x3FD9]  }
0x89: {  	s3 =	sld [smem:$0x3FFE];
	_ =	sdelay $0x1  }
0x8a: {  	s1 =	srdreg.scid  }
0x8b: {  	s0 =	sand.u32 $0x1, s1  }
0x8c: {  	s17 =	sshll.u32 s0, $0xA;
	s2 =	sadd.s32 s3, s2  }
0x8d: {  	s2 =	sadd.s32 s2, s17  }
0x8e: {  	[smem:$0x3FBC] =	sst s2  }
0x8f: {  	_ = 	snop  }
0x90: {  	s2 =	sld [smem:$0x3FD0];
	(tm) =	ssettm $0x1  }
0x91: {  	s18 =	sld [smem:$0x3FFB];
	_ =	sdelay $0x3  }
0x92: {  	_ =	strace s18  }
0x93: {  	s3 =	sld [smem:$0x3FFC];
	_ =	sdelay $0x3  }
0x94: {  	_ =	strace s3  }
0x95: {  	s3 =	sld [smem:$0x3FFD];
	_ =	sdelay $0x3  }
0x96: {  	_ =	strace s3  }
0x97: {  	_ =	strace $0x8FFFFFFF  }
0x98: {  	s19 =	sld [smem:$0x3FDB];
	_ =	sdelay $0x1  }
0x99: {  	s4 =	simm.s32 $_scs_section_size  }
0x9a: {  	s5 =	simm.s32 $_size__tile_overlayer_lowered;
	s6 =	simm.s32 $_tile_overlayer_lowered  }
0x9b: {  	s22 =	simm.s32 $0x1BFF;
	s21 =	sshll.u32 s6, $0x1;
	s3 =	sadd.s32 s4, s19  }
0x9c: {  	s7 =	simm.s32 $0x0;
	s20 =	sshll.u32 s5, $0x1;
	s5 =	sadd.s32 s21, s3  }
0x9d: {  	[timem:s7], [sflag:s22] =	dma.local [hbm:s5], s20  }
0x9e: {  	_ =	swait.ge [sflag:s22], s20  }
0x9f: {  	s4 =	ssub.s32 $0x0, s20;
	[sflag:s22] =	ssyncset.done $0x0  }
0xa0: {  	[sflag:s22] =	ssyncadd.s32 s4;
	_ =	sdelay $0x1  }
0xa1: {  	s23 =	simm.s32 $0x1B8B  }
0xa2: {  	_ =	swait.ge [sflag:s23], $0x1  }
0xa3: {  	[sflag:s23] =	ssyncset.done $0x0  }
0xa4: {  	s25 =	simm.s32 $0x1B8E;
	s24 =	sld [smem:$0x3FFE];
	[sflag:s23] =	ssyncadd.s32 $0xFFFFFFFF  }
0xa5: {  	s26 =	simm.s32 $execute0_lowered;
	[smem:$0x3FD2] =	sst s25  }
0xa6: {  	s5 =	sshll.u32 s26, $0x1;
	_ =	strace $0x80000049;
	[dreg:$0x1] =	wrdreg $0xFFFFFFFF  }
0xa7: {  	s28 =	simm.s32 $_size_execute0_lowered;
	s3 =	sadd.s32 s3, s5;
	[dreg:$0x0] =	wrdreg $0x0  }
0xa8: {  	s5 =	sshll.u32 s28, $0x1;
	[dreg:$0x2] =	wrdreg s3  }
0xa9: {  	[dreg:$0x3] =	wrdreg s5  }
0xaa: {  	[dreg:$0x4] =	wrdreg $0xC0  }
0xab: {  	_ =	task [dreg:s7], $0x5FFFF  }
0xac: {  	[dreg:$0x1] =	wrdreg $0xFFFFFFFF  }
0xad: {  	[dreg:$0x0] =	wrdreg $0x60  }
0xae: {  	[dreg:$0x2] =	wrdreg s24  }
0xaf: {  	[dreg:$0x3] =	wrdreg s2  }
0xb0: {  	[dreg:$0x4] =	wrdreg $0x100400  }
0xb1: {  	[dreg:$0x5] =	wrdreg $0xA  }
0xb2: {  	_ =	task.clear_ibuf [dreg:s7], $0x6FFFF;
	_ =	strace $0x90000049  }
0xb3: {  	s29 =	simm.s32 $0xA;
	_ =	strace $0x8000004B  }
0xb4: {  	_ =	swait.ge [sflag:s29], $0x1  }
0xb5: {  	[sflag:s29] =	ssyncadd.s32 $0xFFFFFFFF  }
0xb6: {  	_ =	strace $0x9000004B  }
0xb7: {  	_ =	sfence  }
0xb8: {  	s30 =	sld [smem:$0x0];
	_ =	sdelay $0x2  }
0xb9: {  	s31 =	sshll.u32 s1, $0xD;
	s1 =	sshrl.u32 s1, $0x2  }
0xba: {  	s3 =	sand.u32 $0x4000, s31;
	s1 =	sadd.s32 s1, s30  }
0xbb: {  	s0 =	sor.u32 s3, s0;
	s1 =	sshll.u32 s1, $0x11  }
0xbc: {  	s0 =	sor.u32 s1, s0  }
0xbd: {  	s0 =	sadd.s32 $0x8F2B, s0  }
0xbe: {  	[sflag:s0] =	ssyncadd.remote.s32 $0x1  }
0xbf: {  	_ =	sfence.sel $0xFFFF  }
0xc0: {  	[dreg:$0x0] =	wrdreg $0xFFFFFFFF;
	(pc) =	sbr.abs _section_cstart, $3  }
0xc1: {  	[dreg:$0x1] =	wrdreg $0xFFFFFFFF  }
0xc2: {  	_ =	task.clear_ibuf [dreg:s7], $0x2FFFF;
	_ =	strace $0x9FFFFFFF  }
0xc3: {  	(tm) =	ssettm $0x7FFFFFFF  }
tec
execute0_lowered:
.L_overlay_start_1:
0x0: {  	(tag) =	ssettag $0x1  }
0x1: {  	s0 =	srdreg.scid  }
0x2: {  	s1 =	rddreg [dreg:$0x0];
	s11 =	stileid.u32  }
0x3: {  	s5 =	rddreg [dreg:$0x1];
	s14 =	simm.s32 $0x1;
	s15 =	simm.s32 $0x2  }
0x4: {  	s16 =	simm.s32 $0x3;
	s17 =	simm.s32 $0x50;
	s18 =	simm.s32 $0x9C40  }
0x5: {  	s28 =	simm.s32 $0x6;
	s31 =	simm.s32 $0x7;
	s7 =	smul.u32 $0x9C4, s11  }
0x6: {  	s30 =	simm.s32 $0x9;
	s29 =	simm.s32 $0x0;
	s8 =	smul.u32 $0x1400, s11  }
0x7: {  	s0 =	sand.u32 $0x1, s0;
	s4 =	sadd.s32 $0xC3200, s1;
	s22 =	smul.u32 $0xA000, s11  }
0x8: {  	s2 =	sshll.u32 s0, $0x4;
	s9 =	smul.u32 $0x14000, s0;
	s0 =	ssub.s32 $0x2, s0  }
0x9: {  	s3 =	sor.u32 s11, s2;
	s2 =	rddreg [dreg:$0x2];
	s19 =	sadd.s32 s7, s1  }
0xa: {  	s21 =	sshrl.u32 s0, $0x1;
	s24 =	sshrl.u32 s22, $0x3;
	s6 =	smul.u32 $0x9C4, s3  }
0xb: {  	s3 =	simm.s32 $0x0;
	s20 =	sadd.s32 s8, s9;
	s0 =	ssub.s32 s0, s21  }
0xc: {  	s23 =	sadd.s32 s22, s2;
	s5 =	sadd.s32 s5, s24;
	s21 =	simm.s32 $0xC440  }
0xd: {  	s22 =	simm.s32 $0x8;
	s24 =	simm.s32 $0xB;
	[smem:$0x7FF] =	sst s3  }
0xe: {  	s13 =	sshrl.u32 s23, $0x3;
	s23 =	simm.s32 $0xD840;
	_ =	strace $0x8000004A  }
0xf: {  	s10 =	sadd.s32 s6, s1;
	s1 =	sadd.s32 s20, s1;
	s6 =	sadd.s32 $0x3000, s19  }
.Ltmp0:
0x10: {  	[dreg:$0x5] =	wrdreg s5;
	s19 =	simm.s32 $0xB040;
	(pc) =	sbr.rel .LBB2_1-.Ltmp0, $4  }
0x11: {  	s20 =	simm.s32 $0xA;
	[dreg:$0x4] =	wrdreg s6;
	s6 =	sshll.u32 s11, $0x6  }
0x12: {  	s26 =	sadd.s32 $0xF800, s10;
	s10 =	sadd.s32 $0x113200, s1;
	s11 =	smax.u32 s0, $0x1  }
0x13: {  	s0 =	simm.s32 $0x4;
	s25 =	sor.u32 $0x1C02, s6;
	[dreg:$0x7] =	wrdreg s26  }
0x14: {  	s26 =	simm.s32 $0x5;
	[dreg:$0x6] =	wrdreg s25;
	s25 =	simm.s32 $0xEC40  }
.LBB2_4:
0x15: {  	_ =	swait.ge [sflag:s26], $0x1400  }
0x16: {  	[sflag:s26] =	ssyncset.done $0x0  }
0x17: {  	[sflag:s26] =	ssyncadd.s32 $0xFFFFEC00  }
0x18: {  	[spmem:s2] =	stream.indirect.scatter.add.f32 [tilespmem:s25], [sflag:$0xA], $0x40, s7, s17, $0xb8;
	[tilespmem:$0x1A040] =	vst v63  }
0x19: {  	_ =	swait.ge [sflag:s30], $0x1400  }
0x1a: {  	[sflag:s30] =	ssyncset.done $0x0  }
0x1b: {  	[sflag:s30] =	ssyncadd.s32 $0xFFFFEC00  }
0x1c: {  	_ =	swait.ge [sflag:s20], $0x1400  }
0x1d: {  	s29 =	sadd.s32 $0x1, s29;
	[sflag:s20] =	ssyncset.done $0x0  }
0x1e: {  	p0 =	sne.s32 s29, s11;
	[sflag:s20] =	ssyncadd.s32 $0xFFFFEC00  }
.Ltmp1:
0x1f: {  	s1 =	sor.u32 $0x1C0B, s6;
	[bflag:$0x0] =	sbarrier.arrive $0xFFFF;
	(pc) =	sbr.rel @!p0 .LBB2_5-.Ltmp1, $4  }
0x20: {  	[hbm:s10], [sflag:s1] =	dma.local [spmem:s13], $0x1400  }
0x21: {  	_ =	swait.ge [sflag:s24], $0x1400  }
0x22: {  	[sflag:s24] =	ssyncset.done $0x0  }
0x23: {  	[sflag:s24] =	ssyncadd.s32 $0xFFFFEC00  }
.LBB2_1:
0x24: {  	s1 =	rddreg [dreg:$0x4]  }
0x25: {  	s9 =	rddreg [dreg:$0x5]  }
0x26: {  	s7 =	simm.s32 $0x4E20;
	s5 =	rddreg [dreg:$0x6]  }
0x27: {  	[tilespmem:s7], [sflag:$0x1] =	stream.linear.gather [hbm4b:s1+s3], $0x4E20, $0x38;
	[tilespmem:$0x1A040] =	vst v63  }
0x28: {  	[spmem:s13], [sflag:s5] =	dma.local [hbm:s9], $0x1400  }
0x29: {  	s1 =	rddreg [dreg:$0x7]  }
0x2a: {  	[tilespmem:s3], [sflag:$0x3] =	stream.linear.gather [hbm4b:s1+s3], $0x4E20, $0x38;
	[tilespmem:$0x1A040] =	vst v63  }
0x2b: {  	_ =	swait.ge [sflag:s14], $0x4E20  }
0x2c: {  	[sflag:s14] =	ssyncset.done $0x0  }
0x2d: {  	[sflag:s14] =	ssyncadd.s32 $0xFFFFB1E0  }
0x2e: {  	_ =	swait.ge [sflag:s15], $0x1400  }
0x2f: {  	[sflag:s15] =	ssyncset.done $0x0  }
0x30: {  	[sflag:s15] =	ssyncadd.s32 $0xFFFFEC00  }
0x31: {  	_ =	swait.ge [sflag:s16], $0x4E20  }
0x32: {  	[sflag:s16] =	ssyncset.done $0x0  }
0x33: {  	[sflag:s16] =	ssyncadd.s32 $0xFFFFB1E0  }
0x34: {  	[bflag:$0x0] =	sbarrier.arrive $0xFFFF  }
0x35: {  	[tilespmem:s18], [sflag:$0x1] =	stream.indirect.gather [hbm4b:s4+s17], $0x40, s3, s17, $0xb8;
	[tilespmem:$0x1A040] =	vst v63  }
0x36: {  	_ = 	snop  }
0x37: {  	[tilespmem:s19], [sflag:$0x2] =	stream.indirect.gather [hbm4b:s4+s17], $0x40, s17, s17, $0xb8;
	[tilespmem:$0x1A040] =	vst v63  }
0x38: {  	s12 =	simm.s32 $0xA0  }
0x39: {  	[tilespmem:s21], [sflag:$0x3] =	stream.indirect.gather [hbm4b:s4+s17], $0x40, s12, s17, $0xb8;
	[tilespmem:$0x1A040] =	vst v63  }
0x3a: {  	s5 =	simm.s32 $0xF0  }
0x3b: {  	[tilespmem:s23], [sflag:$0x4] =	stream.indirect.gather [hbm4b:s4+s17], $0x40, s5, s17, $0xb8;
	[tilespmem:$0x1A040] =	vst v63  }
0x3c: {  	_ =	swait.ge [sflag:s14], $0x1400  }
0x3d: {  	[sflag:s14] =	ssyncset.done $0x0  }
0x3e: {  	[sflag:s14] =	ssyncadd.s32 $0xFFFFEC00  }
0x3f: {  	[spmem:s2] =	stream.indirect.scatter.add.f32 [tilespmem:s18], [sflag:$0x6], $0x40, s7, s17, $0xb8;
	[tilespmem:$0x1A040] =	vst v63  }
0x40: {  	s7 =	simm.s32 $0x140  }
0x41: {  	[tilespmem:s25], [sflag:$0x5] =	stream.indirect.gather [hbm4b:s4+s17], $0x40, s7, s17, $0xb8;
	[tilespmem:$0x1A040] =	vst v63  }
0x42: {  	_ =	swait.ge [sflag:s15], $0x1400  }
0x43: {  	[sflag:s15] =	ssyncset.done $0x0  }
0x44: {  	s8 =	simm.s32 $0x4E70;
	[sflag:s15] =	ssyncadd.s32 $0xFFFFEC00  }
0x45: {  	[spmem:s2] =	stream.indirect.scatter.add.f32 [tilespmem:s19], [sflag:$0x7], $0x40, s8, s17, $0xb8;
	[tilespmem:$0x1A040] =	vst v63  }
0x46: {  	_ =	swait.ge [sflag:s28], $0x1400  }
0x47: {  	[sflag:s28] =	ssyncset.done $0x0  }
0x48: {  	s9 =	simm.s32 $0x190;
	[sflag:s28] =	ssyncadd.s32 $0xFFFFEC00  }
0x49: {  	[tilespmem:s18], [sflag:$0x1] =	stream.indirect.gather [hbm4b:s4+s17], $0x40, s9, s17, $0xb8;
	[tilespmem:$0x1A040] =	vst v63  }
0x4a: {  	_ =	swait.ge [sflag:s16], $0x1400  }
0x4b: {  	[sflag:s16] =	ssyncset.done $0x0  }
0x4c: {  	s12 =	simm.s32 $0x4EC0;
	[sflag:s16] =	ssyncadd.s32 $0xFFFFEC00  }
0x4d: {  	[spmem:s2] =	stream.indirect.scatter.add.f32 [tilespmem:s21], [sflag:$0x8], $0x40, s12, s17, $0xb8;
	[tilespmem:$0x1A040] =	vst v63  }
0x4e: {  	_ =	swait.ge [sflag:s31], $0x1400  }
0x4f: {  	[sflag:s31] =	ssyncset.done $0x0  }
0x50: {  	s5 =	simm.s32 $0x1E0;
	[sflag:s31] =	ssyncadd.s32 $0xFFFFEC00  }
0x51: {  	[tilespmem:s19], [sflag:$0x2] =	stream.indirect.gather [hbm4b:s4+s17], $0x40, s5, s17, $0xb8;
	[tilespmem:$0x1A040] =	vst v63  }
0x52: {  	_ =	swait.ge [sflag:s0], $0x1400  }
0x53: {  	[sflag:s0] =	ssyncset.done $0x0  }
0x54: {  	s7 =	simm.s32 $0x4F10;
	[sflag:s0] =	ssyncadd.s32 $0xFFFFEC00  }
0x55: {  	[spmem:s2] =	stream.indirect.scatter.add.f32 [tilespmem:s23], [sflag:$0x9], $0x40, s7, s17, $0xb8;
	[tilespmem:$0x1A040] =	vst v63  }
0x56: {  	_ =	swait.ge [sflag:s22], $0x1400  }
0x57: {  	[sflag:s22] =	ssyncset.done $0x0  }
0x58: {  	s8 =	simm.s32 $0x230;
	[sflag:s22] =	ssyncadd.s32 $0xFFFFEC00  }
0x59: {  	[tilespmem:s21], [sflag:$0x3] =	stream.indirect.gather [hbm4b:s4+s17], $0x40, s8, s17, $0xb8;
	[tilespmem:$0x1A040] =	vst v63  }
0x5a: {  	_ =	swait.ge [sflag:s26], $0x1400  }
0x5b: {  	[sflag:s26] =	ssyncset.done $0x0  }
0x5c: {  	s9 =	simm.s32 $0x4F60;
	[sflag:s26] =	ssyncadd.s32 $0xFFFFEC00  }
0x5d: {  	[spmem:s2] =	stream.indirect.scatter.add.f32 [tilespmem:s25], [sflag:$0xA], $0x40, s9, s17, $0xb8;
	[tilespmem:$0x1A040] =	vst v63  }
0x5e: {  	_ =	swait.ge [sflag:s30], $0x1400  }
0x5f: {  	[sflag:s30] =	ssyncset.done $0x0  }
0x60: {  	s1 =	simm.s32 $0x0;
	s12 =	simm.s32 $0x280;
	[sflag:s30] =	ssyncadd.s32 $0xFFFFEC00  }
0x61: {  	[tilespmem:s23], [sflag:$0x4] =	stream.indirect.gather [hbm4b:s4+s17], $0x40, s12, s17, $0xb8;
	[tilespmem:$0x1A040] =	vst v63  }
.LBB2_2:
0x62: {  	_ =	swait.ge [sflag:s14], $0x1400  }
0x63: {  	s5 =	sshra.s32 s1, $0x2;
	[sflag:s14] =	ssyncset.done $0x0  }
0x64: {  	s7 =	sadd.s32 $0x4FB0, s5;
	[sflag:s14] =	ssyncadd.s32 $0xFFFFEC00  }
0x65: {  	[spmem:s2] =	stream.indirect.scatter.add.f32 [tilespmem:s18], [sflag:$0x6], $0x40, s7, s17, $0xb8;
	[tilespmem:$0x1A040] =	vst v63  }
0x66: {  	_ =	swait.ge [sflag:s20], $0x1400  }
0x67: {  	[sflag:s20] =	ssyncset.done $0x0  }
0x68: {  	s8 =	sadd.s32 $0x2D0, s5;
	[sflag:s20] =	ssyncadd.s32 $0xFFFFEC00  }
0x69: {  	[tilespmem:s25], [sflag:$0x5] =	stream.indirect.gather [hbm4b:s4+s17], $0x40, s8, s17, $0xb8;
	[tilespmem:$0x1A040] =	vst v63  }
0x6a: {  	_ =	swait.ge [sflag:s15], $0x1400  }
0x6b: {  	[sflag:s15] =	ssyncset.done $0x0  }
0x6c: {  	s9 =	sadd.s32 $0x5000, s5;
	[sflag:s15] =	ssyncadd.s32 $0xFFFFEC00  }
0x6d: {  	[spmem:s2] =	stream.indirect.scatter.add.f32 [tilespmem:s19], [sflag:$0x7], $0x40, s9, s17, $0xb8;
	[tilespmem:$0x1A040] =	vst v63  }
0x6e: {  	_ =	swait.ge [sflag:s28], $0x1400  }
0x6f: {  	p0 =	seq.s32 s1, $0x12C00;
	[sflag:s28] =	ssyncset.done $0x0  }
0x70: {  	s7 =	simm.s32 @p0 $0x3;
	[sflag:s28] =	ssyncadd.s32 $0xFFFFEC00  }
0x71: {  	_ =	swait.ge @p0 [sflag:s7], $0x1400  }
0x72: {  	[sflag:s7] =	ssyncset.done @p0 $0x0  }
0x73: {  	[sflag:s7] =	ssyncadd.s32 @p0 $0xFFFFEC00;
	s7 =	sshra.s32 @p0 s1, $0x2  }
0x74: {  	s12 =	simm.s32 @p0 $0xC440;
	s8 =	simm.s32 @p0 $0x50;
	s7 =	sadd.s32 @p0 $0x5050, s7  }
0x75: {  	[spmem:s2] =	stream.indirect.scatter.add.f32 @p0 [tilespmem:s12], [sflag:$0x8], $0x40, s7, s8, $0xb8;
	[tilespmem:$0x1A040] =	vst v63  }
0x76: {  	s7 =	simm.s32 @p0 $0x7  }
0x77: {  	_ =	swait.ge @p0 [sflag:s7], $0x1400  }
0x78: {  	[sflag:s7] =	ssyncset.done @p0 $0x0  }
0x79: {  	[sflag:s7] =	ssyncadd.s32 @p0 $0xFFFFEC00;
	s7 =	sshra.s32 @!p0 s1, $0x2  }
0x7a: {  	s9 =	simm.s32 @!p0 $0x9C40;
	s12 =	simm.s32 @!p0 $0x50;
	s8 =	sadd.s32 @!p0 $0x320, s7  }
0x7b: {  	[tilespmem:s9], [sflag:$0x1] =	stream.indirect.gather @!p0 [hbm4b:s4+s12], $0x40, s8, s12, $0xb8;
	[tilespmem:$0x1A040] =	vst v63  }
0x7c: {  	s8 =	simm.s32 @!p0 $0x3  }
0x7d: {  	_ =	swait.ge @!p0 [sflag:s8], $0x1400  }
0x7e: {  	[sflag:s8] =	ssyncset.done @!p0 $0x0  }
0x7f: {  	s9 =	simm.s32 @!p0 $0xC440;
	[sflag:s8] =	ssyncadd.s32 @!p0 $0xFFFFEC00;
	s8 =	sadd.s32 @!p0 $0x5050, s7  }
0x80: {  	[spmem:s2] =	stream.indirect.scatter.add.f32 @!p0 [tilespmem:s9], [sflag:$0x8], $0x40, s8, s12, $0xb8;
	[tilespmem:$0x1A040] =	vst v63  }
0x81: {  	s8 =	simm.s32 @!p0 $0x7  }
0x82: {  	_ =	swait.ge @!p0 [sflag:s8], $0x1400  }
0x83: {  	[sflag:s8] =	ssyncset.done @!p0 $0x0  }
0x84: {  	s7 =	sadd.s32 @!p0 $0x370, s7;
	[sflag:s8] =	ssyncadd.s32 @!p0 $0xFFFFEC00;
	s8 =	simm.s32 @!p0 $0xB040  }
0x85: {  	[tilespmem:s8], [sflag:$0x2] =	stream.indirect.gather @!p0 [hbm4b:s4+s12], $0x40, s7, s12, $0xb8;
	[tilespmem:$0x1A040] =	vst v63  }
0x86: {  	_ =	swait.ge [sflag:s0], $0x1400  }
0x87: {  	[sflag:s0] =	ssyncset.done $0x0  }
.Ltmp2:
0x88: {  	s12 =	sadd.s32 $0x50A0, s5;
	[sflag:s0] =	ssyncadd.s32 $0xFFFFEC00;
	(pc) =	sbr.rel @p0 .LBB2_4-.Ltmp2, $4  }
0x89: {  	[spmem:s2] =	stream.indirect.scatter.add.f32 [tilespmem:s23], [sflag:$0x9], $0x40, s12, s17, $0xb8;
	[tilespmem:$0x1A040] =	vst v63  }
0x8a: {  	_ =	swait.ge [sflag:s22], $0x1400  }
0x8b: {  	[sflag:s22] =	ssyncset.done $0x0  }
0x8c: {  	s7 =	sadd.s32 $0x50F0, s5;
	[sflag:s22] =	ssyncadd.s32 $0xFFFFEC00  }
0x8d: {  	s8 =	sadd.s32 $0x3C0, s5  }
0x8e: {  	[tilespmem:s21], [sflag:$0x3] =	stream.indirect.gather [hbm4b:s4+s17], $0x40, s8, s17, $0xb8;
	[tilespmem:$0x1A040] =	vst v63  }
0x8f: {  	_ =	swait.ge [sflag:s26], $0x1400  }
0x90: {  	[sflag:s26] =	ssyncset.done $0x0  }
0x91: {  	[sflag:s26] =	ssyncadd.s32 $0xFFFFEC00  }
0x92: {  	[spmem:s2] =	stream.indirect.scatter.add.f32 [tilespmem:s25], [sflag:$0xA], $0x40, s7, s17, $0xb8;
	[tilespmem:$0x1A040] =	vst v63  }
.Ltmp3:
0x93: {  	_ = 	snop;
	(pc) =	sbr.rel .LBB2_2-.Ltmp3, $4  }
0x94: {  	_ =	swait.ge [sflag:s30], $0x1400  }
0x95: {  	[sflag:s30] =	ssyncset.done $0x0  }
0x96: {  	s12 =	sadd.s32 $0x410, s5;
	s1 =	sadd.s32 $0x640, s1;
	[sflag:s30] =	ssyncadd.s32 $0xFFFFEC00  }
0x97: {  	[tilespmem:s23], [sflag:$0x4] =	stream.indirect.gather [hbm4b:s4+s17], $0x40, s12, s17, $0xb8;
	[tilespmem:$0x1A040] =	vst v63  }
.LBB2_5:
0x98: {  	_ =	sfence.sel $0x180000  }
0x99: {  	[bflag:$0x0] =	sbarrier.arrive $0xFFFF  }
0x9a: {  	_ =	strace $0x9000004A  }
0x9b: {  	s0 =	stileid.u32;
	[bflag:$0x2] =	sbarrier.arrive $0xFFFF  }
0x9c: {  	p0 =	sne.s32 s0, $0x0;
	s0 =	rddreg [dreg:$0x3]  }
0x9d: {  	s0 =	sadd.s32 @!p0 $0x100000, s0  }
0x9e: {  	[sflag:s0] =	ssyncadd.tile.s32 @!p0 $0x1;
	_ =	shalt  }
.Lfunc_end2:
_tile_overlayer_lowered:
.L_overlay_start_2:
0x9f: {  	(tag) =	ssettag $0x2  }
0xa0: {  	s0 =	rddreg [dreg:$0x0];
	s2 =	stileid.u32  }
0xa1: {  	s1 =	rddreg [dreg:$0x1];
	p0 =	sne.s32 s2, $0x0  }
0xa2: {  	s3 =	rddreg [dreg:$0x2];
	[bflag:$0x3] =	sbarrier.arrive $0xFFFF;
	s2 =	simm.s32 @!p0 $0x1C0B  }
0xa3: {  	[timem:s3], [sflag:s2] =	dma.local @!p0 [hbm:s0], s1  }
0xa4: {  	s0 =	simm.s32 @!p0 $0xB  }
0xa5: {  	_ =	swait.ge @!p0 [sflag:s0], s1  }
0xa6: {  	s1 =	ssub.s32 @!p0 $0x0, s1;
	[sflag:s0] =	ssyncset.done @!p0 $0x0  }
0xa7: {  	[sflag:s0] =	ssyncadd.s32 @!p0 s1  }
0xa8: {  	[bflag:$0x3] =	sbarrier.arrive $0xFFFF  }
0xa9: {  	_ =	shalt  }

// kernel: kernel.21.cloned.1.call-start
scs
__scs_entry_jumppad:
0x0: {  	(pc) =	sbr.rel $0x88, $3  }
0x1: {  	(tag) =	ssettag $0x0;
	lr =	simm.s32 $0x1  }
0x2: {  	[smem:$0x3F95] =	sst lr;
	_ =	strace $0xD0000000  }
0x3: {  	_ = 	snop  }
0x4: {  	_ = 	snop  }
0x5: {  	_ = 	snop  }
0x6: {  	_ = 	snop  }
0x7: {  	_ = 	snop  }
__scs_overlays_trampoline_lowered:
0x8: {  	[smem:$0x3FA4] =	sst s0  }
0x9: {  	[smem:$0x3FA5] =	sst s1  }
0xa: {  	[smem:$0x3FA6] =	sst s2  }
0xb: {  	[smem:$0x3FA7] =	sst s3  }
0xc: {  	[smem:$0x3FA8] =	sst s4  }
0xd: {  	[smem:$0x3FA9] =	sst s5  }
0xe: {  	[smem:$0x3FAA] =	sst s6  }
0xf: {  	[smem:$0x3FAB] =	sst s7  }
0x10: {  	[smem:$0x3FAC] =	sst s8  }
0x11: {  	[smem:$0x3FAD] =	sst s9;
	s0 =	simm.s32 @!p0 $0x0  }
0x12: {  	s1 =	sld [smem:$0x3F93];
	s0 =	simm.s32 @p0 $0x1  }
0x13: {  	[smem:$0x3FAE] =	sst s0;
	s0 =	simm.s32 @!p1 $0x0  }
0x14: {  	s2 =	sld [smem:$0x3F92];
	s0 =	simm.s32 @p1 $0x1  }
0x15: {  	[smem:$0x3FAF] =	sst s0;
	s0 =	simm.s32 @!p2 $0x0  }
0x16: {  	s3 =	sld [smem:$0x3FDB];
	s0 =	simm.s32 @p2 $0x1  }
0x17: {  	s4 =	simm.s32 $0x1BF5;
	[smem:$0x3FB1] =	sst s0  }
0x18: {  	s0 =	sld [smem:$0x3F94];
	_ =	swait.ge [sflag:s4], $0x0  }
0x19: {  	s7 =	sld [smem:$0x3F95]  }
0x1a: {  	s8 =	sadd.s32 $0xFFFFE003, lr  }
0x1b: {  	s9 =	sadd.s32 $0xFFFFFEF7, lr;
	s5 =	simm.s32 $0xFFFFFFFF;
	p2 =	slt.u32 s8, $0xFFFFF086  }
0x1c: {  	p1 =	slt.u32 s9, $0xF7A;
	s5 =	simm.s32 @!p2 $0x0  }
0x1d: {  	s5 =	simm.s32 @p1 $0x1;
	p0 =	seq.s32 s7, s2  }
0x1e: {  	s7 =	smul.u32 @!p0 $0xF7A, s2;
	p2 =	seq.s32 @!p0 s5, $0x0  }
0x1f: {  	s9 =	smul.u32 $0xF7A, s1;
	s8 =	simm.s32 @!p0 $0x1BF5;
	p2 =	por !p2, p0  }
0x20: {  	[sflag:s8] =	ssyncset.s32 @!p0 $0xFFFFF086;
	s6 =	sadd.s32 @!p0 s3, s7;
	s7 =	simm.s32 @!p0 $0x108  }
0x21: {  	s3 =	sadd.s32 s3, s9;
	s6 =	sadd.s32 @!p0 $0x88, s6;
	s7 =	simm.s32 @p2 $0x1082  }
0x22: {  	[simem:s7], [sflag:s8] =	dma.local @!p0 [hbm:s6], $0xF7A  }
0x23: {  	s9 =	sor.u32 $0xD0000000, s2;
	s6 =	simm.s32 $0x108;
	_ =	swait.ge @!p0 [sflag:s8], $0x0  }
0x24: {  	s3 =	sadd.s32 $0x88, s3;
	s6 =	simm.s32 @!p1 $0x1082;
	[sflag:s4] =	ssyncset.s32 $0xFFFFF086  }
0x25: {  	[simem:s6], [sflag:s4] =	dma.local [hbm:s3], $0xF7A  }
0x26: {  	[smem:$0x3F95] =	sst s1;
	(tag) =	ssettag s2;
	_ =	strace s9  }
0x27: {  	s1 =	sld [smem:$0x3FA5]  }
0x28: {  	s2 =	sld [smem:$0x3FA6]  }
0x29: {  	s4 =	sld [smem:$0x3FA8]  }
0x2a: {  	p0 =	seq.s32 s5, $0x0;
	s5 =	sld [smem:$0x3FA9]  }
0x2b: {  	s6 =	sld [smem:$0x3FAA]  }
0x2c: {  	s7 =	sld [smem:$0x3FAB]  }
0x2d: {  	s3 =	simm.s32 $0x108;
	s8 =	sld [smem:$0x3FAC]  }
0x2e: {  	s3 =	simm.s32 @!p0 $0x1082;
	s9 =	sld [smem:$0x3FAD]  }
0x2f: {  	lr =	sadd.s32 s0, s3;
	s0 =	sld [smem:$0x3FA4]  }
0x30: {  	s3 =	sld [smem:$0x3FA7]  }
0x31: {  	[smem:$0x3FB0] =	sst s10  }
0x32: {  	s10 =	sld [smem:$0x3FAE];
	_ =	sdelay $0x3  }
0x33: {  	p0 =	seq.s32 s10, $0x1;
	s10 =	sld [smem:$0x3FB0];
	_ =	sdelay $0x3  }
0x34: {  	[smem:$0x3FB0] =	sst s10  }
0x35: {  	s10 =	sld [smem:$0x3FAF];
	_ =	sdelay $0x3  }
0x36: {  	p1 =	seq.s32 s10, $0x1;
	s10 =	sld [smem:$0x3FB0];
	_ =	sdelay $0x3  }
0x37: {  	[smem:$0x3FB0] =	sst s10  }
0x38: {  	s10 =	sld [smem:$0x3FB1]  }
0x39: {  	_ = 	snop;
	(pc) =	sbr.ind lr, $3  }
0x3a: {  	_ = 	snop  }
0x3b: {  	_ = 	snop  }
0x3c: {  	p2 =	seq.s32 s10, $0x1;
	s10 =	sld [smem:$0x3FB0]  }
0x3d: {  	_ =	shalt  }
0x3e: {  	_ =	shalt  }
0x3f: {  	_ =	shalt  }
0x40: {  	_ =	shalt  }
0x41: {  	_ =	shalt  }
0x42: {  	_ =	shalt  }
0x43: {  	_ =	shalt  }
0x44: {  	_ =	shalt  }
0x45: {  	_ =	shalt  }
0x46: {  	_ =	shalt  }
0x47: {  	_ =	shalt  }
0x48: {  	_ =	shalt  }
0x49: {  	_ =	shalt  }
0x4a: {  	_ =	shalt  }
0x4b: {  	_ =	shalt  }
0x4c: {  	_ =	shalt  }
0x4d: {  	_ =	shalt  }
0x4e: {  	_ =	shalt  }
0x4f: {  	_ =	shalt  }
0x50: {  	_ =	shalt  }
0x51: {  	_ =	shalt  }
0x52: {  	_ =	shalt  }
0x53: {  	_ =	shalt  }
0x54: {  	_ =	shalt  }
0x55: {  	_ =	shalt  }
0x56: {  	_ =	shalt  }
0x57: {  	_ =	shalt  }
0x58: {  	_ =	shalt  }
0x59: {  	_ =	shalt  }
0x5a: {  	_ =	shalt  }
0x5b: {  	_ =	shalt  }
0x5c: {  	_ =	shalt  }
0x5d: {  	_ =	shalt  }
0x5e: {  	_ =	shalt  }
0x5f: {  	_ =	shalt  }
0x60: {  	_ =	shalt  }
0x61: {  	_ =	shalt  }
0x62: {  	_ =	shalt  }
0x63: {  	_ =	shalt  }
0x64: {  	_ =	shalt  }
0x65: {  	_ =	shalt  }
0x66: {  	_ =	shalt  }
0x67: {  	_ =	shalt  }
0x68: {  	_ =	shalt  }
0x69: {  	_ =	shalt  }
0x6a: {  	_ =	shalt  }
0x6b: {  	_ =	shalt  }
0x6c: {  	_ =	shalt  }
0x6d: {  	_ =	shalt  }
0x6e: {  	_ =	shalt  }
0x6f: {  	_ =	shalt  }
0x70: {  	_ =	shalt  }
0x71: {  	_ =	shalt  }
0x72: {  	_ =	shalt  }
0x73: {  	_ =	shalt  }
0x74: {  	_ =	shalt  }
0x75: {  	_ =	shalt  }
0x76: {  	_ =	shalt  }
0x77: {  	_ =	shalt  }
0x78: {  	_ =	shalt  }
0x79: {  	_ =	shalt  }
0x7a: {  	_ =	shalt  }
0x7b: {  	_ =	shalt  }
0x7c: {  	_ =	shalt  }
0x7d: {  	_ =	shalt  }
0x7e: {  	_ =	shalt  }
0x7f: {  	_ =	shalt  }
0x80: {  	_ =	shalt  }
0x81: {  	_ =	shalt  }
0x82: {  	_ =	shalt  }
0x83: {  	_ =	shalt  }
0x84: {  	_ =	shalt  }
0x85: {  	_ =	shalt  }
0x86: {  	_ =	shalt  }
0x87: {  	_ =	shalt  }
.Lfunc_end0:
.L_simem_size_0:
called_computation.3_lowered:
.L_overlay_start_0:
0x88: {  	s2 =	sld [smem:$0x3FD9]  }
0x89: {  	s3 =	sld [smem:$0x3FFE];
	_ =	sdelay $0x1  }
0x8a: {  	s1 =	srdreg.scid  }
0x8b: {  	s0 =	sand.u32 $0x1, s1  }
0x8c: {  	s17 =	sshll.u32 s0, $0xA;
	s2 =	sadd.s32 s3, s2  }
0x8d: {  	s2 =	sadd.s32 s2, s17  }
0x8e: {  	[smem:$0x3FBC] =	sst s2  }
0x8f: {  	_ = 	snop  }
0x90: {  	s18 =	sld [smem:$0x3FD0];
	(tm) =	ssettm $0x1  }
0x91: {  	s19 =	sld [smem:$0x3FFB];
	_ =	sdelay $0x3  }
0x92: {  	_ =	strace s19  }
0x93: {  	s2 =	sld [smem:$0x3FFC];
	_ =	sdelay $0x3  }
0x94: {  	_ =	strace s2  }
0x95: {  	s2 =	sld [smem:$0x3FFD];
	_ =	sdelay $0x3  }
0x96: {  	_ =	strace s2  }
0x97: {  	_ =	strace $0x8FFFFFFF  }
0x98: {  	s20 =	sld [smem:$0x3FDB];
	_ =	sdelay $0x1  }
0x99: {  	s4 =	simm.s32 $_scs_section_size  }
0x9a: {  	s5 =	simm.s32 $_size__tile_overlayer_lowered;
	s6 =	simm.s32 $_tile_overlayer_lowered  }
0x9b: {  	s7 =	simm.s32 $0x1BFF;
	s21 =	sshll.u32 s6, $0x1;
	s4 =	sadd.s32 s4, s20  }
0x9c: {  	s22 =	simm.s32 $0x0;
	s5 =	sshll.u32 s5, $0x1;
	s6 =	sadd.s32 s21, s4  }
0x9d: {  	[timem:s22], [sflag:s7] =	dma.local [hbm:s6], s5  }
0x9e: {  	_ =	swait.ge [sflag:s7], s5  }
0x9f: {  	s5 =	ssub.s32 $0x0, s5;
	[sflag:s7] =	ssyncset.done $0x0  }
0xa0: {  	[sflag:s7] =	ssyncadd.s32 s5;
	_ =	sdelay $0x1  }
0xa1: {  	s23 =	simm.s32 $0x1B8B  }
0xa2: {  	_ =	swait.ge [sflag:s23], $0x1  }
0xa3: {  	[sflag:s23] =	ssyncset.done $0x0  }
0xa4: {  	[sflag:s23] =	ssyncadd.s32 $0xFFFFFFFF  }
0xa5: {  	s5 =	sld [smem:$0x0]  }
0xa6: {  	s6 =	sand.u32 $0xFFFFFFFE, s1  }
0xa7: {  	p0 =	sne.s32 s1, s6  }
0xa8: {  	s6 =	sshll.u32 @p0 s6, $0xE  }
0xa9: {  	s6 =	sadd.s32 @p0 $0x11B8D, s6;
	s7 =	sshll.u32 @p0 s5, $0x11  }
0xaa: {  	s6 =	sor.u32 @p0 s7, s6  }
0xab: {  	[sflag:s6] =	ssyncadd.remote.s32 @p0 $0x1;
	_ =	sdelay $0x1  }
0xac: {  	s6 =	simm.s32 @p0 $0x1B8D  }
0xad: {  	_ =	swait.eq @p0 [sflag:s6], $0x1  }
0xae: {  	[sflag:s6] =	ssyncadd.s32 @p0 $0xFFFFFFFF  }
0xaf: {  	s7 =	sshll.u32 @!p0 s1, $0xE  }
0xb0: {  	s7 =	sor.u32 @!p0 $0x4000, s7;
	s6 =	simm.s32 @!p0 $0x1B8D  }
0xb1: {  	s5 =	sshll.u32 @!p0 s5, $0x11;
	s7 =	sadd.s32 @!p0 $0x11B8D, s7;
	_ =	swait.eq @!p0 [sflag:s6], $0x1  }
0xb2: {  	s5 =	sor.u32 @!p0 s5, s7;
	[sflag:s6] =	ssyncadd.s32 @!p0 $0xFFFFFFFF  }
0xb3: {  	s25 =	simm.s32 $0x1B8E;
	s24 =	sld [smem:$0x3FFE];
	[sflag:s5] =	ssyncadd.remote.s32 @!p0 $0x1  }
0xb4: {  	s26 =	simm.s32 $execute0_lowered;
	[smem:$0x3FD2] =	sst s25  }
0xb5: {  	s6 =	sshll.u32 s26, $0x1;
	_ =	strace $0x80000052;
	[dreg:$0x1] =	wrdreg $0xFFFFFFFF  }
0xb6: {  	s28 =	simm.s32 $_size_execute0_lowered;
	s4 =	sadd.s32 s4, s6;
	[dreg:$0x0] =	wrdreg $0x0  }
0xb7: {  	s6 =	sshll.u32 s28, $0x1;
	[dreg:$0x2] =	wrdreg s4  }
0xb8: {  	[dreg:$0x3] =	wrdreg s6  }
0xb9: {  	[dreg:$0x4] =	wrdreg $0xC0  }
0xba: {  	_ =	task [dreg:s22], $0x5FFFF  }
0xbb: {  	[dreg:$0x1] =	wrdreg $0xFFFFFFFF  }
0xbc: {  	[dreg:$0x0] =	wrdreg $0x60  }
0xbd: {  	[dreg:$0x2] =	wrdreg s24  }
0xbe: {  	[dreg:$0x3] =	wrdreg s18  }
0xbf: {  	[dreg:$0x4] =	wrdreg $0x100400  }
0xc0: {  	[dreg:$0x5] =	wrdreg $0x9  }
0xc1: {  	_ =	task.clear_ibuf [dreg:s22], $0x6FFFF;
	_ =	strace $0x90000052  }
0xc2: {  	s29 =	simm.s32 $0x9;
	_ =	strace $0x80000054  }
0xc3: {  	_ =	swait.ge [sflag:s29], $0x1  }
0xc4: {  	[sflag:s29] =	ssyncadd.s32 $0xFFFFFFFF  }
0xc5: {  	_ =	strace $0x90000054  }
0xc6: {  	_ =	sfence  }
0xc7: {  	s30 =	sld [smem:$0x0];
	_ =	sdelay $0x2  }
0xc8: {  	s31 =	sshll.u32 s1, $0xD;
	s1 =	sshrl.u32 s1, $0x2  }
0xc9: {  	s4 =	sand.u32 $0x4000, s31;
	s1 =	sadd.s32 s1, s30  }
0xca: {  	s0 =	sor.u32 s4, s0;
	s1 =	sshll.u32 s1, $0x11  }
0xcb: {  	s0 =	sor.u32 s1, s0  }
0xcc: {  	s0 =	sadd.s32 $0x8F2B, s0  }
0xcd: {  	[sflag:s0] =	ssyncadd.remote.s32 $0x1  }
0xce: {  	_ =	sfence.sel $0xFFFF  }
0xcf: {  	[dreg:$0x0] =	wrdreg $0xFFFFFFFF;
	(pc) =	sbr.abs _section_cstart, $3  }
0xd0: {  	[dreg:$0x1] =	wrdreg $0xFFFFFFFF  }
0xd1: {  	_ =	task.clear_ibuf [dreg:s22], $0x2FFFF;
	_ =	strace $0x9FFFFFFF  }
0xd2: {  	(tm) =	ssettm $0x7FFFFFFF  }
0xd3: {  	_ =	shalt  }
tec
execute0_lowered:
.L_overlay_start_1:
0x0: {  	(tag) =	ssettag $0x1  }
0x1: {  	s1 =	rddreg [dreg:$0x0]  }
0x2: {  	s0 =	srdreg.scid;
	s5 =	rddreg [dreg:$0x1]  }
0x3: {  	s11 =	stileid.u32;
	s2 =	rddreg [dreg:$0x2];
	s14 =	simm.s32 $0x1  }
0x4: {  	s15 =	simm.s32 $0x2;
	s16 =	simm.s32 $0x3;
	s17 =	simm.s32 $0x50  }
0x5: {  	s18 =	simm.s32 $0x9C40;
	s28 =	simm.s32 $0x6;
	s7 =	smul.u32 $0x9C4, s11  }
0x6: {  	s31 =	simm.s32 $0x7;
	s30 =	simm.s32 $0x9;
	s8 =	smul.u32 $0x1400, s11  }
0x7: {  	s29 =	simm.s32 $0x0;
	s0 =	sand.u32 $0x1, s0;
	s22 =	smul.u32 $0xA000, s11  }
0x8: {  	s3 =	sshll.u32 s0, $0x4;
	s9 =	smul.u32 $0x14000, s0;
	s0 =	ssub.s32 $0x2, s0  }
0x9: {  	s4 =	sor.u32 s11, s3;
	s3 =	simm.s32 $0x0;
	s19 =	sadd.s32 s7, s1  }
0xa: {  	s21 =	sshrl.u32 s0, $0x1;
	s23 =	sadd.s32 s22, s2;
	s24 =	sshrl.u32 s22, $0x3  }
0xb: {  	s22 =	simm.s32 $0x8;
	s6 =	smul.u32 $0x9C4, s4;
	[smem:$0x7FF] =	sst s3  }
0xc: {  	s4 =	sadd.s32 $0x14EC00, s1;
	s20 =	sadd.s32 s8, s9;
	s0 =	ssub.s32 s0, s21  }
0xd: {  	s5 =	sadd.s32 s5, s24;
	s13 =	sshrl.u32 s23, $0x3;
	s21 =	simm.s32 $0xC440  }
0xe: {  	s23 =	simm.s32 $0xD840;
	s24 =	simm.s32 $0xB;
	_ =	strace $0x80000053  }
0xf: {  	[dreg:$0x5] =	wrdreg s5;
	s10 =	sadd.s32 s6, s1;
	s1 =	sadd.s32 s20, s1  }
.Ltmp0:
0x10: {  	s6 =	sadd.s32 $0x3000, s19;
	s19 =	simm.s32 $0xB040;
	(pc) =	sbr.rel .LBB2_1-.Ltmp0, $4  }
0x11: {  	s20 =	simm.s32 $0xA;
	[dreg:$0x4] =	wrdreg s6;
	s6 =	sshll.u32 s11, $0x6  }
0x12: {  	s26 =	sadd.s32 $0x13B200, s10;
	s10 =	sadd.s32 $0x23200, s1;
	s11 =	smax.u32 s0, $0x1  }
0x13: {  	s0 =	simm.s32 $0x4;
	s25 =	sor.u32 $0x1C02, s6;
	[dreg:$0x7] =	wrdreg s26  }
0x14: {  	s26 =	simm.s32 $0x5;
	[dreg:$0x6] =	wrdreg s25;
	s25 =	simm.s32 $0xEC40  }
.LBB2_4:
0x15: {  	_ =	swait.ge [sflag:s26], $0x1400  }
0x16: {  	[sflag:s26] =	ssyncset.done $0x0  }
0x17: {  	[sflag:s26] =	ssyncadd.s32 $0xFFFFEC00  }
0x18: {  	[spmem:s2] =	stream.indirect.scatter.add.f32 [tilespmem:s25], [sflag:$0xA], $0x40, s7, s17, $0xb8;
	[tilespmem:$0x1A040] =	vst v63  }
0x19: {  	_ =	swait.ge [sflag:s30], $0x1400  }
0x1a: {  	[sflag:s30] =	ssyncset.done $0x0  }
0x1b: {  	[sflag:s30] =	ssyncadd.s32 $0xFFFFEC00  }
0x1c: {  	_ =	swait.ge [sflag:s20], $0x1400  }
0x1d: {  	s29 =	sadd.s32 $0x1, s29;
	[sflag:s20] =	ssyncset.done $0x0  }
0x1e: {  	p0 =	sne.s32 s29, s11;
	[sflag:s20] =	ssyncadd.s32 $0xFFFFEC00  }
.Ltmp1:
0x1f: {  	s1 =	sor.u32 $0x1C0B, s6;
	[bflag:$0x0] =	sbarrier.arrive $0xFFFF;
	(pc) =	sbr.rel @!p0 .LBB2_5-.Ltmp1, $4  }
0x20: {  	[hbm:s10], [sflag:s1] =	dma.local [spmem:s13], $0x1400  }
0x21: {  	_ =	swait.ge [sflag:s24], $0x1400  }
0x22: {  	[sflag:s24] =	ssyncset.done $0x0  }
0x23: {  	[sflag:s24] =	ssyncadd.s32 $0xFFFFEC00  }
.LBB2_1:
0x24: {  	s1 =	rddreg [dreg:$0x4]  }
0x25: {  	s9 =	rddreg [dreg:$0x5]  }
0x26: {  	s7 =	simm.s32 $0x4E20;
	s5 =	rddreg [dreg:$0x6]  }
0x27: {  	[tilespmem:s7], [sflag:$0x1] =	stream.linear.gather [hbm4b:s1+s3], $0x4E20, $0x38;
	[tilespmem:$0x1A040] =	vst v63  }
0x28: {  	[spmem:s13], [sflag:s5] =	dma.local [hbm:s9], $0x1400  }
0x29: {  	s1 =	rddreg [dreg:$0x7]  }
0x2a: {  	[tilespmem:s3], [sflag:$0x3] =	stream.linear.gather [hbm4b:s1+s3], $0x4E20, $0x38;
	[tilespmem:$0x1A040] =	vst v63  }
0x2b: {  	_ =	swait.ge [sflag:s14], $0x4E20  }
0x2c: {  	[sflag:s14] =	ssyncset.done $0x0  }
0x2d: {  	[sflag:s14] =	ssyncadd.s32 $0xFFFFB1E0  }
0x2e: {  	_ =	swait.ge [sflag:s15], $0x1400  }
0x2f: {  	[sflag:s15] =	ssyncset.done $0x0  }
0x30: {  	[sflag:s15] =	ssyncadd.s32 $0xFFFFEC00  }
0x31: {  	_ =	swait.ge [sflag:s16], $0x4E20  }
0x32: {  	[sflag:s16] =	ssyncset.done $0x0  }
0x33: {  	[sflag:s16] =	ssyncadd.s32 $0xFFFFB1E0  }
0x34: {  	[bflag:$0x0] =	sbarrier.arrive $0xFFFF  }
0x35: {  	[tilespmem:s18], [sflag:$0x1] =	stream.indirect.gather [hbm4b:s4+s17], $0x40, s3, s17, $0xb8;
	[tilespmem:$0x1A040] =	vst v63  }
0x36: {  	_ = 	snop  }
0x37: {  	[tilespmem:s19], [sflag:$0x2] =	stream.indirect.gather [hbm4b:s4+s17], $0x40, s17, s17, $0xb8;
	[tilespmem:$0x1A040] =	vst v63  }
0x38: {  	s12 =	simm.s32 $0xA0  }
0x39: {  	[tilespmem:s21], [sflag:$0x3] =	stream.indirect.gather [hbm4b:s4+s17], $0x40, s12, s17, $0xb8;
	[tilespmem:$0x1A040] =	vst v63  }
0x3a: {  	s5 =	simm.s32 $0xF0  }
0x3b: {  	[tilespmem:s23], [sflag:$0x4] =	stream.indirect.gather [hbm4b:s4+s17], $0x40, s5, s17, $0xb8;
	[tilespmem:$0x1A040] =	vst v63  }
0x3c: {  	_ =	swait.ge [sflag:s14], $0x1400  }
0x3d: {  	[sflag:s14] =	ssyncset.done $0x0  }
0x3e: {  	[sflag:s14] =	ssyncadd.s32 $0xFFFFEC00  }
0x3f: {  	[spmem:s2] =	stream.indirect.scatter.add.f32 [tilespmem:s18], [sflag:$0x6], $0x40, s7, s17, $0xb8;
	[tilespmem:$0x1A040] =	vst v63  }
0x40: {  	s7 =	simm.s32 $0x140  }
0x41: {  	[tilespmem:s25], [sflag:$0x5] =	stream.indirect.gather [hbm4b:s4+s17], $0x40, s7, s17, $0xb8;
	[tilespmem:$0x1A040] =	vst v63  }
0x42: {  	_ =	swait.ge [sflag:s15], $0x1400  }
0x43: {  	[sflag:s15] =	ssyncset.done $0x0  }
0x44: {  	s8 =	simm.s32 $0x4E70;
	[sflag:s15] =	ssyncadd.s32 $0xFFFFEC00  }
0x45: {  	[spmem:s2] =	stream.indirect.scatter.add.f32 [tilespmem:s19], [sflag:$0x7], $0x40, s8, s17, $0xb8;
	[tilespmem:$0x1A040] =	vst v63  }
0x46: {  	_ =	swait.ge [sflag:s28], $0x1400  }
0x47: {  	[sflag:s28] =	ssyncset.done $0x0  }
0x48: {  	s9 =	simm.s32 $0x190;
	[sflag:s28] =	ssyncadd.s32 $0xFFFFEC00  }
0x49: {  	[tilespmem:s18], [sflag:$0x1] =	stream.indirect.gather [hbm4b:s4+s17], $0x40, s9, s17, $0xb8;
	[tilespmem:$0x1A040] =	vst v63  }
0x4a: {  	_ =	swait.ge [sflag:s16], $0x1400  }
0x4b: {  	[sflag:s16] =	ssyncset.done $0x0  }
0x4c: {  	s12 =	simm.s32 $0x4EC0;
	[sflag:s16] =	ssyncadd.s32 $0xFFFFEC00  }
0x4d: {  	[spmem:s2] =	stream.indirect.scatter.add.f32 [tilespmem:s21], [sflag:$0x8], $0x40, s12, s17, $0xb8;
	[tilespmem:$0x1A040] =	vst v63  }
0x4e: {  	_ =	swait.ge [sflag:s31], $0x1400  }
0x4f: {  	[sflag:s31] =	ssyncset.done $0x0  }
0x50: {  	s5 =	simm.s32 $0x1E0;
	[sflag:s31] =	ssyncadd.s32 $0xFFFFEC00  }
0x51: {  	[tilespmem:s19], [sflag:$0x2] =	stream.indirect.gather [hbm4b:s4+s17], $0x40, s5, s17, $0xb8;
	[tilespmem:$0x1A040] =	vst v63  }
0x52: {  	_ =	swait.ge [sflag:s0], $0x1400  }
0x53: {  	[sflag:s0] =	ssyncset.done $0x0  }
0x54: {  	s7 =	simm.s32 $0x4F10;
	[sflag:s0] =	ssyncadd.s32 $0xFFFFEC00  }
0x55: {  	[spmem:s2] =	stream.indirect.scatter.add.f32 [tilespmem:s23], [sflag:$0x9], $0x40, s7, s17, $0xb8;
	[tilespmem:$0x1A040] =	vst v63  }
0x56: {  	_ =	swait.ge [sflag:s22], $0x1400  }
0x57: {  	[sflag:s22] =	ssyncset.done $0x0  }
0x58: {  	s8 =	simm.s32 $0x230;
	[sflag:s22] =	ssyncadd.s32 $0xFFFFEC00  }
0x59: {  	[tilespmem:s21], [sflag:$0x3] =	stream.indirect.gather [hbm4b:s4+s17], $0x40, s8, s17, $0xb8;
	[tilespmem:$0x1A040] =	vst v63  }
0x5a: {  	_ =	swait.ge [sflag:s26], $0x1400  }
0x5b: {  	[sflag:s26] =	ssyncset.done $0x0  }
0x5c: {  	s9 =	simm.s32 $0x4F60;
	[sflag:s26] =	ssyncadd.s32 $0xFFFFEC00  }
0x5d: {  	[spmem:s2] =	stream.indirect.scatter.add.f32 [tilespmem:s25], [sflag:$0xA], $0x40, s9, s17, $0xb8;
	[tilespmem:$0x1A040] =	vst v63  }
0x5e: {  	_ =	swait.ge [sflag:s30], $0x1400  }
0x5f: {  	[sflag:s30] =	ssyncset.done $0x0  }
0x60: {  	s1 =	simm.s32 $0x0;
	s12 =	simm.s32 $0x280;
	[sflag:s30] =	ssyncadd.s32 $0xFFFFEC00  }
0x61: {  	[tilespmem:s23], [sflag:$0x4] =	stream.indirect.gather [hbm4b:s4+s17], $0x40, s12, s17, $0xb8;
	[tilespmem:$0x1A040] =	vst v63  }
.LBB2_2:
0x62: {  	_ =	swait.ge [sflag:s14], $0x1400  }
0x63: {  	s5 =	sshra.s32 s1, $0x2;
	[sflag:s14] =	ssyncset.done $0x0  }
0x64: {  	s7 =	sadd.s32 $0x4FB0, s5;
	[sflag:s14] =	ssyncadd.s32 $0xFFFFEC00  }
0x65: {  	[spmem:s2] =	stream.indirect.scatter.add.f32 [tilespmem:s18], [sflag:$0x6], $0x40, s7, s17, $0xb8;
	[tilespmem:$0x1A040] =	vst v63  }
0x66: {  	_ =	swait.ge [sflag:s20], $0x1400  }
0x67: {  	[sflag:s20] =	ssyncset.done $0x0  }
0x68: {  	s8 =	sadd.s32 $0x2D0, s5;
	[sflag:s20] =	ssyncadd.s32 $0xFFFFEC00  }
0x69: {  	[tilespmem:s25], [sflag:$0x5] =	stream.indirect.gather [hbm4b:s4+s17], $0x40, s8, s17, $0xb8;
	[tilespmem:$0x1A040] =	vst v63  }
0x6a: {  	_ =	swait.ge [sflag:s15], $0x1400  }
0x6b: {  	[sflag:s15] =	ssyncset.done $0x0  }
0x6c: {  	s9 =	sadd.s32 $0x5000, s5;
	[sflag:s15] =	ssyncadd.s32 $0xFFFFEC00  }
0x6d: {  	[spmem:s2] =	stream.indirect.scatter.add.f32 [tilespmem:s19], [sflag:$0x7], $0x40, s9, s17, $0xb8;
	[tilespmem:$0x1A040] =	vst v63  }
0x6e: {  	_ =	swait.ge [sflag:s28], $0x1400  }
0x6f: {  	p0 =	seq.s32 s1, $0x12C00;
	[sflag:s28] =	ssyncset.done $0x0  }
0x70: {  	s7 =	simm.s32 @p0 $0x3;
	[sflag:s28] =	ssyncadd.s32 $0xFFFFEC00  }
0x71: {  	_ =	swait.ge @p0 [sflag:s7], $0x1400  }
0x72: {  	[sflag:s7] =	ssyncset.done @p0 $0x0  }
0x73: {  	[sflag:s7] =	ssyncadd.s32 @p0 $0xFFFFEC00;
	s7 =	sshra.s32 @p0 s1, $0x2  }
0x74: {  	s12 =	simm.s32 @p0 $0xC440;
	s8 =	simm.s32 @p0 $0x50;
	s7 =	sadd.s32 @p0 $0x5050, s7  }
0x75: {  	[spmem:s2] =	stream.indirect.scatter.add.f32 @p0 [tilespmem:s12], [sflag:$0x8], $0x40, s7, s8, $0xb8;
	[tilespmem:$0x1A040] =	vst v63  }
0x76: {  	s7 =	simm.s32 @p0 $0x7  }
0x77: {  	_ =	swait.ge @p0 [sflag:s7], $0x1400  }
0x78: {  	[sflag:s7] =	ssyncset.done @p0 $0x0  }
0x79: {  	[sflag:s7] =	ssyncadd.s32 @p0 $0xFFFFEC00;
	s7 =	sshra.s32 @!p0 s1, $0x2  }
0x7a: {  	s9 =	simm.s32 @!p0 $0x9C40;
	s12 =	simm.s32 @!p0 $0x50;
	s8 =	sadd.s32 @!p0 $0x320, s7  }
0x7b: {  	[tilespmem:s9], [sflag:$0x1] =	stream.indirect.gather @!p0 [hbm4b:s4+s12], $0x40, s8, s12, $0xb8;
	[tilespmem:$0x1A040] =	vst v63  }
0x7c: {  	s8 =	simm.s32 @!p0 $0x3  }
0x7d: {  	_ =	swait.ge @!p0 [sflag:s8], $0x1400  }
0x7e: {  	[sflag:s8] =	ssyncset.done @!p0 $0x0  }
0x7f: {  	s9 =	simm.s32 @!p0 $0xC440;
	[sflag:s8] =	ssyncadd.s32 @!p0 $0xFFFFEC00;
	s8 =	sadd.s32 @!p0 $0x5050, s7  }
0x80: {  	[spmem:s2] =	stream.indirect.scatter.add.f32 @!p0 [tilespmem:s9], [sflag:$0x8], $0x40, s8, s12, $0xb8;
	[tilespmem:$0x1A040] =	vst v63  }
0x81: {  	s8 =	simm.s32 @!p0 $0x7  }
0x82: {  	_ =	swait.ge @!p0 [sflag:s8], $0x1400  }
0x83: {  	[sflag:s8] =	ssyncset.done @!p0 $0x0  }
0x84: {  	s7 =	sadd.s32 @!p0 $0x370, s7;
	[sflag:s8] =	ssyncadd.s32 @!p0 $0xFFFFEC00;
	s8 =	simm.s32 @!p0 $0xB040  }
0x85: {  	[tilespmem:s8], [sflag:$0x2] =	stream.indirect.gather @!p0 [hbm4b:s4+s12], $0x40, s7, s12, $0xb8;
	[tilespmem:$0x1A040] =	vst v63  }
0x86: {  	_ =	swait.ge [sflag:s0], $0x1400  }
0x87: {  	[sflag:s0] =	ssyncset.done $0x0  }
.Ltmp2:
0x88: {  	s12 =	sadd.s32 $0x50A0, s5;
	[sflag:s0] =	ssyncadd.s32 $0xFFFFEC00;
	(pc) =	sbr.rel @p0 .LBB2_4-.Ltmp2, $4  }
0x89: {  	[spmem:s2] =	stream.indirect.scatter.add.f32 [tilespmem:s23], [sflag:$0x9], $0x40, s12, s17, $0xb8;
	[tilespmem:$0x1A040] =	vst v63  }
0x8a: {  	_ =	swait.ge [sflag:s22], $0x1400  }
0x8b: {  	[sflag:s22] =	ssyncset.done $0x0  }
0x8c: {  	s7 =	sadd.s32 $0x50F0, s5;
	[sflag:s22] =	ssyncadd.s32 $0xFFFFEC00  }
0x8d: {  	s8 =	sadd.s32 $0x3C0, s5  }
0x8e: {  	[tilespmem:s21], [sflag:$0x3] =	stream.indirect.gather [hbm4b:s4+s17], $0x40, s8, s17, $0xb8;
	[tilespmem:$0x1A040] =	vst v63  }
0x8f: {  	_ =	swait.ge [sflag:s26], $0x1400  }
0x90: {  	[sflag:s26] =	ssyncset.done $0x0  }
0x91: {  	[sflag:s26] =	ssyncadd.s32 $0xFFFFEC00  }
0x92: {  	[spmem:s2] =	stream.indirect.scatter.add.f32 [tilespmem:s25], [sflag:$0xA], $0x40, s7, s17, $0xb8;
	[tilespmem:$0x1A040] =	vst v63  }
.Ltmp3:
0x93: {  	_ = 	snop;
	(pc) =	sbr.rel .LBB2_2-.Ltmp3, $4  }
0x94: {  	_ =	swait.ge [sflag:s30], $0x1400  }
0x95: {  	[sflag:s30] =	ssyncset.done $0x0  }
0x96: {  	s12 =	sadd.s32 $0x410, s5;
	s1 =	sadd.s32 $0x640, s1;
	[sflag:s30] =	ssyncadd.s32 $0xFFFFEC00  }
0x97: {  	[tilespmem:s23], [sflag:$0x4] =	stream.indirect.gather [hbm4b:s4+s17], $0x40, s12, s17, $0xb8;
	[tilespmem:$0x1A040] =	vst v63  }
.LBB2_5:
0x98: {  	_ =	sfence.sel $0x180000  }
0x99: {  	[bflag:$0x0] =	sbarrier.arrive $0xFFFF  }
0x9a: {  	_ =	strace $0x90000053  }
0x9b: {  	s0 =	stileid.u32;
	[bflag:$0x2] =	sbarrier.arrive $0xFFFF  }
0x9c: {  	p0 =	sne.s32 s0, $0x0;
	s0 =	rddreg [dreg:$0x3]  }
0x9d: {  	s0 =	sadd.s32 @!p0 $0x100000, s0  }
0x9e: {  	[sflag:s0] =	ssyncadd.tile.s32 @!p0 $0x1;
	_ =	shalt  }
.Lfunc_end2:
_tile_overlayer_lowered:
.L_overlay_start_2:
0x9f: {  	(tag) =	ssettag $0x2  }
0xa0: {  	s0 =	rddreg [dreg:$0x0];
	s2 =	stileid.u32  }
0xa1: {  	s1 =	rddreg [dreg:$0x1];
	p0 =	sne.s32 s2, $0x0  }
0xa2: {  	s3 =	rddreg [dreg:$0x2];
	[bflag:$0x3] =	sbarrier.arrive $0xFFFF;
	s2 =	simm.s32 @!p0 $0x1C0B  }
0xa3: {  	[timem:s3], [sflag:s2] =	dma.local @!p0 [hbm:s0], s1  }
0xa4: {  	s0 =	simm.s32 @!p0 $0xB  }
0xa5: {  	_ =	swait.ge @!p0 [sflag:s0], s1  }
0xa6: {  	s1 =	ssub.s32 @!p0 $0x0, s1;
	[sflag:s0] =	ssyncset.done @!p0 $0x0  }
0xa7: {  	[sflag:s0] =	ssyncadd.s32 @!p0 s1  }
0xa8: {  	[bflag:$0x3] =	sbarrier.arrive $0xFFFF  }
0xa9: {  	_ =	shalt  }

// kernel: kernel.24.cloned.1.call-start
scs
__scs_entry_jumppad:
0x0: {  	(pc) =	sbr.rel $0x88, $3  }
0x1: {  	(tag) =	ssettag $0x0;
	lr =	simm.s32 $0x1  }
0x2: {  	[smem:$0x3F95] =	sst lr;
	_ =	strace $0xD0000000  }
0x3: {  	_ = 	snop  }
0x4: {  	_ = 	snop  }
0x5: {  	_ = 	snop  }
0x6: {  	_ = 	snop  }
0x7: {  	_ = 	snop  }
__scs_overlays_trampoline_lowered:
0x8: {  	[smem:$0x3FA4] =	sst s0  }
0x9: {  	[smem:$0x3FA5] =	sst s1  }
0xa: {  	[smem:$0x3FA6] =	sst s2  }
0xb: {  	[smem:$0x3FA7] =	sst s3  }
0xc: {  	[smem:$0x3FA8] =	sst s4  }
0xd: {  	[smem:$0x3FA9] =	sst s5  }
0xe: {  	[smem:$0x3FAA] =	sst s6  }
0xf: {  	[smem:$0x3FAB] =	sst s7  }
0x10: {  	[smem:$0x3FAC] =	sst s8  }
0x11: {  	[smem:$0x3FAD] =	sst s9;
	s0 =	simm.s32 @!p0 $0x0  }
0x12: {  	s1 =	sld [smem:$0x3F93];
	s0 =	simm.s32 @p0 $0x1  }
0x13: {  	[smem:$0x3FAE] =	sst s0;
	s0 =	simm.s32 @!p1 $0x0  }
0x14: {  	s2 =	sld [smem:$0x3F92];
	s0 =	simm.s32 @p1 $0x1  }
0x15: {  	[smem:$0x3FAF] =	sst s0;
	s0 =	simm.s32 @!p2 $0x0  }
0x16: {  	s3 =	sld [smem:$0x3FDB];
	s0 =	simm.s32 @p2 $0x1  }
0x17: {  	s4 =	simm.s32 $0x1BF5;
	[smem:$0x3FB1] =	sst s0  }
0x18: {  	s0 =	sld [smem:$0x3F94];
	_ =	swait.ge [sflag:s4], $0x0  }
0x19: {  	s7 =	sld [smem:$0x3F95]  }
0x1a: {  	s8 =	sadd.s32 $0xFFFFE003, lr  }
0x1b: {  	s9 =	sadd.s32 $0xFFFFFEF7, lr;
	s5 =	simm.s32 $0xFFFFFFFF;
	p2 =	slt.u32 s8, $0xFFFFF086  }
0x1c: {  	p1 =	slt.u32 s9, $0xF7A;
	s5 =	simm.s32 @!p2 $0x0  }
0x1d: {  	s5 =	simm.s32 @p1 $0x1;
	p0 =	seq.s32 s7, s2  }
0x1e: {  	s7 =	smul.u32 @!p0 $0xF7A, s2;
	p2 =	seq.s32 @!p0 s5, $0x0  }
0x1f: {  	s9 =	smul.u32 $0xF7A, s1;
	s8 =	simm.s32 @!p0 $0x1BF5;
	p2 =	por !p2, p0  }
0x20: {  	[sflag:s8] =	ssyncset.s32 @!p0 $0xFFFFF086;
	s6 =	sadd.s32 @!p0 s3, s7;
	s7 =	simm.s32 @!p0 $0x108  }
0x21: {  	s3 =	sadd.s32 s3, s9;
	s6 =	sadd.s32 @!p0 $0x88, s6;
	s7 =	simm.s32 @p2 $0x1082  }
0x22: {  	[simem:s7], [sflag:s8] =	dma.local @!p0 [hbm:s6], $0xF7A  }
0x23: {  	s9 =	sor.u32 $0xD0000000, s2;
	s6 =	simm.s32 $0x108;
	_ =	swait.ge @!p0 [sflag:s8], $0x0  }
0x24: {  	s3 =	sadd.s32 $0x88, s3;
	s6 =	simm.s32 @!p1 $0x1082;
	[sflag:s4] =	ssyncset.s32 $0xFFFFF086  }
0x25: {  	[simem:s6], [sflag:s4] =	dma.local [hbm:s3], $0xF7A  }
0x26: {  	[smem:$0x3F95] =	sst s1;
	(tag) =	ssettag s2;
	_ =	strace s9  }
0x27: {  	s1 =	sld [smem:$0x3FA5]  }
0x28: {  	s2 =	sld [smem:$0x3FA6]  }
0x29: {  	s4 =	sld [smem:$0x3FA8]  }
0x2a: {  	p0 =	seq.s32 s5, $0x0;
	s5 =	sld [smem:$0x3FA9]  }
0x2b: {  	s6 =	sld [smem:$0x3FAA]  }
0x2c: {  	s7 =	sld [smem:$0x3FAB]  }
0x2d: {  	s3 =	simm.s32 $0x108;
	s8 =	sld [smem:$0x3FAC]  }
0x2e: {  	s3 =	simm.s32 @!p0 $0x1082;
	s9 =	sld [smem:$0x3FAD]  }
0x2f: {  	lr =	sadd.s32 s0, s3;
	s0 =	sld [smem:$0x3FA4]  }
0x30: {  	s3 =	sld [smem:$0x3FA7]  }
0x31: {  	[smem:$0x3FB0] =	sst s10  }
0x32: {  	s10 =	sld [smem:$0x3FAE];
	_ =	sdelay $0x3  }
0x33: {  	p0 =	seq.s32 s10, $0x1;
	s10 =	sld [smem:$0x3FB0];
	_ =	sdelay $0x3  }
0x34: {  	[smem:$0x3FB0] =	sst s10  }
0x35: {  	s10 =	sld [smem:$0x3FAF];
	_ =	sdelay $0x3  }
0x36: {  	p1 =	seq.s32 s10, $0x1;
	s10 =	sld [smem:$0x3FB0];
	_ =	sdelay $0x3  }
0x37: {  	[smem:$0x3FB0] =	sst s10  }
0x38: {  	s10 =	sld [smem:$0x3FB1]  }
0x39: {  	_ = 	snop;
	(pc) =	sbr.ind lr, $3  }
0x3a: {  	_ = 	snop  }
0x3b: {  	_ = 	snop  }
0x3c: {  	p2 =	seq.s32 s10, $0x1;
	s10 =	sld [smem:$0x3FB0]  }
0x3d: {  	_ =	shalt  }
0x3e: {  	_ =	shalt  }
0x3f: {  	_ =	shalt  }
0x40: {  	_ =	shalt  }
0x41: {  	_ =	shalt  }
0x42: {  	_ =	shalt  }
0x43: {  	_ =	shalt  }
0x44: {  	_ =	shalt  }
0x45: {  	_ =	shalt  }
0x46: {  	_ =	shalt  }
0x47: {  	_ =	shalt  }
0x48: {  	_ =	shalt  }
0x49: {  	_ =	shalt  }
0x4a: {  	_ =	shalt  }
0x4b: {  	_ =	shalt  }
0x4c: {  	_ =	shalt  }
0x4d: {  	_ =	shalt  }
0x4e: {  	_ =	shalt  }
0x4f: {  	_ =	shalt  }
0x50: {  	_ =	shalt  }
0x51: {  	_ =	shalt  }
0x52: {  	_ =	shalt  }
0x53: {  	_ =	shalt  }
0x54: {  	_ =	shalt  }
0x55: {  	_ =	shalt  }
0x56: {  	_ =	shalt  }
0x57: {  	_ =	shalt  }
0x58: {  	_ =	shalt  }
0x59: {  	_ =	shalt  }
0x5a: {  	_ =	shalt  }
0x5b: {  	_ =	shalt  }
0x5c: {  	_ =	shalt  }
0x5d: {  	_ =	shalt  }
0x5e: {  	_ =	shalt  }
0x5f: {  	_ =	shalt  }
0x60: {  	_ =	shalt  }
0x61: {  	_ =	shalt  }
0x62: {  	_ =	shalt  }
0x63: {  	_ =	shalt  }
0x64: {  	_ =	shalt  }
0x65: {  	_ =	shalt  }
0x66: {  	_ =	shalt  }
0x67: {  	_ =	shalt  }
0x68: {  	_ =	shalt  }
0x69: {  	_ =	shalt  }
0x6a: {  	_ =	shalt  }
0x6b: {  	_ =	shalt  }
0x6c: {  	_ =	shalt  }
0x6d: {  	_ =	shalt  }
0x6e: {  	_ =	shalt  }
0x6f: {  	_ =	shalt  }
0x70: {  	_ =	shalt  }
0x71: {  	_ =	shalt  }
0x72: {  	_ =	shalt  }
0x73: {  	_ =	shalt  }
0x74: {  	_ =	shalt  }
0x75: {  	_ =	shalt  }
0x76: {  	_ =	shalt  }
0x77: {  	_ =	shalt  }
0x78: {  	_ =	shalt  }
0x79: {  	_ =	shalt  }
0x7a: {  	_ =	shalt  }
0x7b: {  	_ =	shalt  }
0x7c: {  	_ =	shalt  }
0x7d: {  	_ =	shalt  }
0x7e: {  	_ =	shalt  }
0x7f: {  	_ =	shalt  }
0x80: {  	_ =	shalt  }
0x81: {  	_ =	shalt  }
0x82: {  	_ =	shalt  }
0x83: {  	_ =	shalt  }
0x84: {  	_ =	shalt  }
0x85: {  	_ =	shalt  }
0x86: {  	_ =	shalt  }
0x87: {  	_ =	shalt  }
.Lfunc_end0:
.L_simem_size_0:
called_computation.4_lowered:
.L_overlay_start_0:
0x88: {  	s2 =	sld [smem:$0x3FD9]  }
0x89: {  	s3 =	sld [smem:$0x3FFE];
	_ =	sdelay $0x1  }
0x8a: {  	s1 =	srdreg.scid  }
0x8b: {  	s0 =	sand.u32 $0x1, s1  }
0x8c: {  	s17 =	sshll.u32 s0, $0xA;
	s2 =	sadd.s32 s3, s2  }
0x8d: {  	s2 =	sadd.s32 s2, s17  }
0x8e: {  	[smem:$0x3FBC] =	sst s2  }
0x8f: {  	_ = 	snop  }
0x90: {  	s2 =	sld [smem:$0x3FD0];
	(tm) =	ssettm $0x1  }
0x91: {  	s18 =	sld [smem:$0x3FFB];
	_ =	sdelay $0x3  }
0x92: {  	_ =	strace s18  }
0x93: {  	s3 =	sld [smem:$0x3FFC];
	_ =	sdelay $0x3  }
0x94: {  	_ =	strace s3  }
0x95: {  	s3 =	sld [smem:$0x3FFD];
	_ =	sdelay $0x3  }
0x96: {  	_ =	strace s3  }
0x97: {  	_ =	strace $0x8FFFFFFF  }
0x98: {  	s19 =	sld [smem:$0x3FDB];
	_ =	sdelay $0x1  }
0x99: {  	s4 =	simm.s32 $_scs_section_size  }
0x9a: {  	s5 =	simm.s32 $_size__tile_overlayer_lowered;
	s6 =	simm.s32 $_tile_overlayer_lowered  }
0x9b: {  	s22 =	simm.s32 $0x1BFF;
	s21 =	sshll.u32 s6, $0x1;
	s3 =	sadd.s32 s4, s19  }
0x9c: {  	s7 =	simm.s32 $0x0;
	s20 =	sshll.u32 s5, $0x1;
	s5 =	sadd.s32 s21, s3  }
0x9d: {  	[timem:s7], [sflag:s22] =	dma.local [hbm:s5], s20  }
0x9e: {  	_ =	swait.ge [sflag:s22], s20  }
0x9f: {  	s4 =	ssub.s32 $0x0, s20;
	[sflag:s22] =	ssyncset.done $0x0  }
0xa0: {  	[sflag:s22] =	ssyncadd.s32 s4;
	_ =	sdelay $0x1  }
0xa1: {  	s23 =	simm.s32 $0x1B8B  }
0xa2: {  	_ =	swait.ge [sflag:s23], $0x1  }
0xa3: {  	[sflag:s23] =	ssyncset.done $0x0  }
0xa4: {  	s25 =	simm.s32 $0x1B8E;
	s24 =	sld [smem:$0x3FFE];
	[sflag:s23] =	ssyncadd.s32 $0xFFFFFFFF  }
0xa5: {  	s26 =	simm.s32 $execute0_lowered;
	[smem:$0x3FD2] =	sst s25  }
0xa6: {  	s5 =	sshll.u32 s26, $0x1;
	_ =	strace $0x8000004F;
	[dreg:$0x1] =	wrdreg $0xFFFFFFFF  }
0xa7: {  	s28 =	simm.s32 $_size_execute0_lowered;
	s3 =	sadd.s32 s3, s5;
	[dreg:$0x0] =	wrdreg $0x0  }
0xa8: {  	s5 =	sshll.u32 s28, $0x1;
	[dreg:$0x2] =	wrdreg s3  }
0xa9: {  	[dreg:$0x3] =	wrdreg s5  }
0xaa: {  	[dreg:$0x4] =	wrdreg $0xC0  }
0xab: {  	_ =	task [dreg:s7], $0x5FFFF  }
0xac: {  	[dreg:$0x1] =	wrdreg $0xFFFFFFFF  }
0xad: {  	[dreg:$0x0] =	wrdreg $0x60  }
0xae: {  	[dreg:$0x2] =	wrdreg s24  }
0xaf: {  	[dreg:$0x3] =	wrdreg s2  }
0xb0: {  	[dreg:$0x4] =	wrdreg $0x100400  }
0xb1: {  	[dreg:$0x5] =	wrdreg $0xA  }
0xb2: {  	_ =	task.clear_ibuf [dreg:s7], $0x6FFFF;
	_ =	strace $0x9000004F  }
0xb3: {  	s29 =	simm.s32 $0xA;
	_ =	strace $0x80000051  }
0xb4: {  	_ =	swait.ge [sflag:s29], $0x1  }
0xb5: {  	[sflag:s29] =	ssyncadd.s32 $0xFFFFFFFF  }
0xb6: {  	_ =	strace $0x90000051  }
0xb7: {  	_ =	sfence  }
0xb8: {  	s30 =	sld [smem:$0x0];
	_ =	sdelay $0x2  }
0xb9: {  	s31 =	sshll.u32 s1, $0xD;
	s1 =	sshrl.u32 s1, $0x2  }
0xba: {  	s3 =	sand.u32 $0x4000, s31;
	s1 =	sadd.s32 s1, s30  }
0xbb: {  	s0 =	sor.u32 s3, s0;
	s1 =	sshll.u32 s1, $0x11  }
0xbc: {  	s0 =	sor.u32 s1, s0  }
0xbd: {  	s0 =	sadd.s32 $0x8F2B, s0  }
0xbe: {  	[sflag:s0] =	ssyncadd.remote.s32 $0x1  }
0xbf: {  	_ =	sfence.sel $0xFFFF  }
0xc0: {  	[dreg:$0x0] =	wrdreg $0xFFFFFFFF;
	(pc) =	sbr.abs _section_cstart, $3  }
0xc1: {  	[dreg:$0x1] =	wrdreg $0xFFFFFFFF  }
0xc2: {  	_ =	task.clear_ibuf [dreg:s7], $0x2FFFF;
	_ =	strace $0x9FFFFFFF  }
0xc3: {  	(tm) =	ssettm $0x7FFFFFFF  }
tec
execute0_lowered:
.L_overlay_start_1:
0x0: {  	(tag) =	ssettag $0x1  }
0x1: {  	s1 =	rddreg [dreg:$0x0]  }
0x2: {  	s0 =	srdreg.scid;
	s5 =	rddreg [dreg:$0x1]  }
0x3: {  	s11 =	stileid.u32;
	s2 =	rddreg [dreg:$0x2];
	s14 =	simm.s32 $0x1  }
0x4: {  	s15 =	simm.s32 $0x2;
	s16 =	simm.s32 $0x3;
	s17 =	simm.s32 $0x50  }
0x5: {  	s18 =	simm.s32 $0x9C40;
	s28 =	simm.s32 $0x6;
	s7 =	smul.u32 $0x9C4, s11  }
0x6: {  	s31 =	simm.s32 $0x7;
	s30 =	simm.s32 $0x9;
	s8 =	smul.u32 $0x1400, s11  }
0x7: {  	s29 =	simm.s32 $0x0;
	s0 =	sand.u32 $0x1, s0;
	s22 =	smul.u32 $0xA000, s11  }
0x8: {  	s3 =	sshll.u32 s0, $0x4;
	s9 =	smul.u32 $0x14000, s0;
	s0 =	ssub.s32 $0x2, s0  }
0x9: {  	s4 =	sor.u32 s11, s3;
	s3 =	simm.s32 $0x0;
	s19 =	sadd.s32 s7, s1  }
0xa: {  	s21 =	sshrl.u32 s0, $0x1;
	s23 =	sadd.s32 s22, s2;
	s24 =	sshrl.u32 s22, $0x3  }
0xb: {  	s22 =	simm.s32 $0x8;
	s6 =	smul.u32 $0x9C4, s4;
	[smem:$0x7FF] =	sst s3  }
0xc: {  	s4 =	sadd.s32 $0x14EC00, s1;
	s20 =	sadd.s32 s8, s9;
	s0 =	ssub.s32 s0, s21  }
0xd: {  	s5 =	sadd.s32 s5, s24;
	s13 =	sshrl.u32 s23, $0x3;
	s21 =	simm.s32 $0xC440  }
0xe: {  	s23 =	simm.s32 $0xD840;
	s24 =	simm.s32 $0xB;
	_ =	strace $0x80000050  }
0xf: {  	[dreg:$0x5] =	wrdreg s5;
	s10 =	sadd.s32 s6, s1;
	s1 =	sadd.s32 s20, s1  }
.Ltmp0:
0x10: {  	s6 =	sadd.s32 $0x3000, s19;
	s19 =	simm.s32 $0xB040;
	(pc) =	sbr.rel .LBB2_1-.Ltmp0, $4  }
0x11: {  	s20 =	simm.s32 $0xA;
	[dreg:$0x4] =	wrdreg s6;
	s6 =	sshll.u32 s11, $0x6  }
0x12: {  	s26 =	sadd.s32 $0xF800, s10;
	s10 =	sadd.s32 $0x19EC00, s1;
	s11 =	smax.u32 s0, $0x1  }
0x13: {  	s0 =	simm.s32 $0x4;
	s25 =	sor.u32 $0x1C02, s6;
	[dreg:$0x7] =	wrdreg s26  }
0x14: {  	s26 =	simm.s32 $0x5;
	[dreg:$0x6] =	wrdreg s25;
	s25 =	simm.s32 $0xEC40  }
.LBB2_4:
0x15: {  	_ =	swait.ge [sflag:s26], $0x1400  }
0x16: {  	[sflag:s26] =	ssyncset.done $0x0  }
0x17: {  	[sflag:s26] =	ssyncadd.s32 $0xFFFFEC00  }
0x18: {  	[spmem:s2] =	stream.indirect.scatter.add.f32 [tilespmem:s25], [sflag:$0xA], $0x40, s7, s17, $0xb8;
	[tilespmem:$0x1A040] =	vst v63  }
0x19: {  	_ =	swait.ge [sflag:s30], $0x1400  }
0x1a: {  	[sflag:s30] =	ssyncset.done $0x0  }
0x1b: {  	[sflag:s30] =	ssyncadd.s32 $0xFFFFEC00  }
0x1c: {  	_ =	swait.ge [sflag:s20], $0x1400  }
0x1d: {  	s29 =	sadd.s32 $0x1, s29;
	[sflag:s20] =	ssyncset.done $0x0  }
0x1e: {  	p0 =	sne.s32 s29, s11;
	[sflag:s20] =	ssyncadd.s32 $0xFFFFEC00  }
.Ltmp1:
0x1f: {  	s1 =	sor.u32 $0x1C0B, s6;
	[bflag:$0x0] =	sbarrier.arrive $0xFFFF;
	(pc) =	sbr.rel @!p0 .LBB2_5-.Ltmp1, $4  }
0x20: {  	[hbm:s10], [sflag:s1] =	dma.local [spmem:s13], $0x1400  }
0x21: {  	_ =	swait.ge [sflag:s24], $0x1400  }
0x22: {  	[sflag:s24] =	ssyncset.done $0x0  }
0x23: {  	[sflag:s24] =	ssyncadd.s32 $0xFFFFEC00  }
.LBB2_1:
0x24: {  	s1 =	rddreg [dreg:$0x4]  }
0x25: {  	s9 =	rddreg [dreg:$0x5]  }
0x26: {  	s7 =	simm.s32 $0x4E20;
	s5 =	rddreg [dreg:$0x6]  }
0x27: {  	[tilespmem:s7], [sflag:$0x1] =	stream.linear.gather [hbm4b:s1+s3], $0x4E20, $0x38;
	[tilespmem:$0x1A040] =	vst v63  }
0x28: {  	[spmem:s13], [sflag:s5] =	dma.local [hbm:s9], $0x1400  }
0x29: {  	s1 =	rddreg [dreg:$0x7]  }
0x2a: {  	[tilespmem:s3], [sflag:$0x3] =	stream.linear.gather [hbm4b:s1+s3], $0x4E20, $0x38;
	[tilespmem:$0x1A040] =	vst v63  }
0x2b: {  	_ =	swait.ge [sflag:s14], $0x4E20  }
0x2c: {  	[sflag:s14] =	ssyncset.done $0x0  }
0x2d: {  	[sflag:s14] =	ssyncadd.s32 $0xFFFFB1E0  }
0x2e: {  	_ =	swait.ge [sflag:s15], $0x1400  }
0x2f: {  	[sflag:s15] =	ssyncset.done $0x0  }
0x30: {  	[sflag:s15] =	ssyncadd.s32 $0xFFFFEC00  }
0x31: {  	_ =	swait.ge [sflag:s16], $0x4E20  }
0x32: {  	[sflag:s16] =	ssyncset.done $0x0  }
0x33: {  	[sflag:s16] =	ssyncadd.s32 $0xFFFFB1E0  }
0x34: {  	[bflag:$0x0] =	sbarrier.arrive $0xFFFF  }
0x35: {  	[tilespmem:s18], [sflag:$0x1] =	stream.indirect.gather [hbm4b:s4+s17], $0x40, s3, s17, $0xb8;
	[tilespmem:$0x1A040] =	vst v63  }
0x36: {  	_ = 	snop  }
0x37: {  	[tilespmem:s19], [sflag:$0x2] =	stream.indirect.gather [hbm4b:s4+s17], $0x40, s17, s17, $0xb8;
	[tilespmem:$0x1A040] =	vst v63  }
0x38: {  	s12 =	simm.s32 $0xA0  }
0x39: {  	[tilespmem:s21], [sflag:$0x3] =	stream.indirect.gather [hbm4b:s4+s17], $0x40, s12, s17, $0xb8;
	[tilespmem:$0x1A040] =	vst v63  }
0x3a: {  	s5 =	simm.s32 $0xF0  }
0x3b: {  	[tilespmem:s23], [sflag:$0x4] =	stream.indirect.gather [hbm4b:s4+s17], $0x40, s5, s17, $0xb8;
	[tilespmem:$0x1A040] =	vst v63  }
0x3c: {  	_ =	swait.ge [sflag:s14], $0x1400  }
0x3d: {  	[sflag:s14] =	ssyncset.done $0x0  }
0x3e: {  	[sflag:s14] =	ssyncadd.s32 $0xFFFFEC00  }
0x3f: {  	[spmem:s2] =	stream.indirect.scatter.add.f32 [tilespmem:s18], [sflag:$0x6], $0x40, s7, s17, $0xb8;
	[tilespmem:$0x1A040] =	vst v63  }
0x40: {  	s7 =	simm.s32 $0x140  }
0x41: {  	[tilespmem:s25], [sflag:$0x5] =	stream.indirect.gather [hbm4b:s4+s17], $0x40, s7, s17, $0xb8;
	[tilespmem:$0x1A040] =	vst v63  }
0x42: {  	_ =	swait.ge [sflag:s15], $0x1400  }
0x43: {  	[sflag:s15] =	ssyncset.done $0x0  }
0x44: {  	s8 =	simm.s32 $0x4E70;
	[sflag:s15] =	ssyncadd.s32 $0xFFFFEC00  }
0x45: {  	[spmem:s2] =	stream.indirect.scatter.add.f32 [tilespmem:s19], [sflag:$0x7], $0x40, s8, s17, $0xb8;
	[tilespmem:$0x1A040] =	vst v63  }
0x46: {  	_ =	swait.ge [sflag:s28], $0x1400  }
0x47: {  	[sflag:s28] =	ssyncset.done $0x0  }
0x48: {  	s9 =	simm.s32 $0x190;
	[sflag:s28] =	ssyncadd.s32 $0xFFFFEC00  }
0x49: {  	[tilespmem:s18], [sflag:$0x1] =	stream.indirect.gather [hbm4b:s4+s17], $0x40, s9, s17, $0xb8;
	[tilespmem:$0x1A040] =	vst v63  }
0x4a: {  	_ =	swait.ge [sflag:s16], $0x1400  }
0x4b: {  	[sflag:s16] =	ssyncset.done $0x0  }
0x4c: {  	s12 =	simm.s32 $0x4EC0;
	[sflag:s16] =	ssyncadd.s32 $0xFFFFEC00  }
0x4d: {  	[spmem:s2] =	stream.indirect.scatter.add.f32 [tilespmem:s21], [sflag:$0x8], $0x40, s12, s17, $0xb8;
	[tilespmem:$0x1A040] =	vst v63  }
0x4e: {  	_ =	swait.ge [sflag:s31], $0x1400  }
0x4f: {  	[sflag:s31] =	ssyncset.done $0x0  }
0x50: {  	s5 =	simm.s32 $0x1E0;
	[sflag:s31] =	ssyncadd.s32 $0xFFFFEC00  }
0x51: {  	[tilespmem:s19], [sflag:$0x2] =	stream.indirect.gather [hbm4b:s4+s17], $0x40, s5, s17, $0xb8;
	[tilespmem:$0x1A040] =	vst v63  }
0x52: {  	_ =	swait.ge [sflag:s0], $0x1400  }
0x53: {  	[sflag:s0] =	ssyncset.done $0x0  }
0x54: {  	s7 =	simm.s32 $0x4F10;
	[sflag:s0] =	ssyncadd.s32 $0xFFFFEC00  }
0x55: {  	[spmem:s2] =	stream.indirect.scatter.add.f32 [tilespmem:s23], [sflag:$0x9], $0x40, s7, s17, $0xb8;
	[tilespmem:$0x1A040] =	vst v63  }
0x56: {  	_ =	swait.ge [sflag:s22], $0x1400  }
0x57: {  	[sflag:s22] =	ssyncset.done $0x0  }
0x58: {  	s8 =	simm.s32 $0x230;
	[sflag:s22] =	ssyncadd.s32 $0xFFFFEC00  }
0x59: {  	[tilespmem:s21], [sflag:$0x3] =	stream.indirect.gather [hbm4b:s4+s17], $0x40, s8, s17, $0xb8;
	[tilespmem:$0x1A040] =	vst v63  }
0x5a: {  	_ =	swait.ge [sflag:s26], $0x1400  }
0x5b: {  	[sflag:s26] =	ssyncset.done $0x0  }
0x5c: {  	s9 =	simm.s32 $0x4F60;
	[sflag:s26] =	ssyncadd.s32 $0xFFFFEC00  }
0x5d: {  	[spmem:s2] =	stream.indirect.scatter.add.f32 [tilespmem:s25], [sflag:$0xA], $0x40, s9, s17, $0xb8;
	[tilespmem:$0x1A040] =	vst v63  }
0x5e: {  	_ =	swait.ge [sflag:s30], $0x1400  }
0x5f: {  	[sflag:s30] =	ssyncset.done $0x0  }
0x60: {  	s1 =	simm.s32 $0x0;
	s12 =	simm.s32 $0x280;
	[sflag:s30] =	ssyncadd.s32 $0xFFFFEC00  }
0x61: {  	[tilespmem:s23], [sflag:$0x4] =	stream.indirect.gather [hbm4b:s4+s17], $0x40, s12, s17, $0xb8;
	[tilespmem:$0x1A040] =	vst v63  }
.LBB2_2:
0x62: {  	_ =	swait.ge [sflag:s14], $0x1400  }
0x63: {  	s5 =	sshra.s32 s1, $0x2;
	[sflag:s14] =	ssyncset.done $0x0  }
0x64: {  	s7 =	sadd.s32 $0x4FB0, s5;
	[sflag:s14] =	ssyncadd.s32 $0xFFFFEC00  }
0x65: {  	[spmem:s2] =	stream.indirect.scatter.add.f32 [tilespmem:s18], [sflag:$0x6], $0x40, s7, s17, $0xb8;
	[tilespmem:$0x1A040] =	vst v63  }
0x66: {  	_ =	swait.ge [sflag:s20], $0x1400  }
0x67: {  	[sflag:s20] =	ssyncset.done $0x0  }
0x68: {  	s8 =	sadd.s32 $0x2D0, s5;
	[sflag:s20] =	ssyncadd.s32 $0xFFFFEC00  }
0x69: {  	[tilespmem:s25], [sflag:$0x5] =	stream.indirect.gather [hbm4b:s4+s17], $0x40, s8, s17, $0xb8;
	[tilespmem:$0x1A040] =	vst v63  }
0x6a: {  	_ =	swait.ge [sflag:s15], $0x1400  }
0x6b: {  	[sflag:s15] =	ssyncset.done $0x0  }
0x6c: {  	s9 =	sadd.s32 $0x5000, s5;
	[sflag:s15] =	ssyncadd.s32 $0xFFFFEC00  }
0x6d: {  	[spmem:s2] =	stream.indirect.scatter.add.f32 [tilespmem:s19], [sflag:$0x7], $0x40, s9, s17, $0xb8;
	[tilespmem:$0x1A040] =	vst v63  }
0x6e: {  	_ =	swait.ge [sflag:s28], $0x1400  }
0x6f: {  	p0 =	seq.s32 s1, $0x12C00;
	[sflag:s28] =	ssyncset.done $0x0  }
0x70: {  	s7 =	simm.s32 @p0 $0x3;
	[sflag:s28] =	ssyncadd.s32 $0xFFFFEC00  }
0x71: {  	_ =	swait.ge @p0 [sflag:s7], $0x1400  }
0x72: {  	[sflag:s7] =	ssyncset.done @p0 $0x0  }
0x73: {  	[sflag:s7] =	ssyncadd.s32 @p0 $0xFFFFEC00;
	s7 =	sshra.s32 @p0 s1, $0x2  }
0x74: {  	s12 =	simm.s32 @p0 $0xC440;
	s8 =	simm.s32 @p0 $0x50;
	s7 =	sadd.s32 @p0 $0x5050, s7  }
0x75: {  	[spmem:s2] =	stream.indirect.scatter.add.f32 @p0 [tilespmem:s12], [sflag:$0x8], $0x40, s7, s8, $0xb8;
	[tilespmem:$0x1A040] =	vst v63  }
0x76: {  	s7 =	simm.s32 @p0 $0x7  }
0x77: {  	_ =	swait.ge @p0 [sflag:s7], $0x1400  }
0x78: {  	[sflag:s7] =	ssyncset.done @p0 $0x0  }
0x79: {  	[sflag:s7] =	ssyncadd.s32 @p0 $0xFFFFEC00;
	s7 =	sshra.s32 @!p0 s1, $0x2  }
0x7a: {  	s9 =	simm.s32 @!p0 $0x9C40;
	s12 =	simm.s32 @!p0 $0x50;
	s8 =	sadd.s32 @!p0 $0x320, s7  }
0x7b: {  	[tilespmem:s9], [sflag:$0x1] =	stream.indirect.gather @!p0 [hbm4b:s4+s12], $0x40, s8, s12, $0xb8;
	[tilespmem:$0x1A040] =	vst v63  }
0x7c: {  	s8 =	simm.s32 @!p0 $0x3  }
0x7d: {  	_ =	swait.ge @!p0 [sflag:s8], $0x1400  }
0x7e: {  	[sflag:s8] =	ssyncset.done @!p0 $0x0  }
0x7f: {  	s9 =	simm.s32 @!p0 $0xC440;
	[sflag:s8] =	ssyncadd.s32 @!p0 $0xFFFFEC00;
	s8 =	sadd.s32 @!p0 $0x5050, s7  }
0x80: {  	[spmem:s2] =	stream.indirect.scatter.add.f32 @!p0 [tilespmem:s9], [sflag:$0x8], $0x40, s8, s12, $0xb8;
	[tilespmem:$0x1A040] =	vst v63  }
0x81: {  	s8 =	simm.s32 @!p0 $0x7  }
0x82: {  	_ =	swait.ge @!p0 [sflag:s8], $0x1400  }
0x83: {  	[sflag:s8] =	ssyncset.done @!p0 $0x0  }
0x84: {  	s7 =	sadd.s32 @!p0 $0x370, s7;
	[sflag:s8] =	ssyncadd.s32 @!p0 $0xFFFFEC00;
	s8 =	simm.s32 @!p0 $0xB040  }
0x85: {  	[tilespmem:s8], [sflag:$0x2] =	stream.indirect.gather @!p0 [hbm4b:s4+s12], $0x40, s7, s12, $0xb8;
	[tilespmem:$0x1A040] =	vst v63  }
0x86: {  	_ =	swait.ge [sflag:s0], $0x1400  }
0x87: {  	[sflag:s0] =	ssyncset.done $0x0  }
.Ltmp2:
0x88: {  	s12 =	sadd.s32 $0x50A0, s5;
	[sflag:s0] =	ssyncadd.s32 $0xFFFFEC00;
	(pc) =	sbr.rel @p0 .LBB2_4-.Ltmp2, $4  }
0x89: {  	[spmem:s2] =	stream.indirect.scatter.add.f32 [tilespmem:s23], [sflag:$0x9], $0x40, s12, s17, $0xb8;
	[tilespmem:$0x1A040] =	vst v63  }
0x8a: {  	_ =	swait.ge [sflag:s22], $0x1400  }
0x8b: {  	[sflag:s22] =	ssyncset.done $0x0  }
0x8c: {  	s7 =	sadd.s32 $0x50F0, s5;
	[sflag:s22] =	ssyncadd.s32 $0xFFFFEC00  }
0x8d: {  	s8 =	sadd.s32 $0x3C0, s5  }
0x8e: {  	[tilespmem:s21], [sflag:$0x3] =	stream.indirect.gather [hbm4b:s4+s17], $0x40, s8, s17, $0xb8;
	[tilespmem:$0x1A040] =	vst v63  }
0x8f: {  	_ =	swait.ge [sflag:s26], $0x1400  }
0x90: {  	[sflag:s26] =	ssyncset.done $0x0  }
0x91: {  	[sflag:s26] =	ssyncadd.s32 $0xFFFFEC00  }
0x92: {  	[spmem:s2] =	stream.indirect.scatter.add.f32 [tilespmem:s25], [sflag:$0xA], $0x40, s7, s17, $0xb8;
	[tilespmem:$0x1A040] =	vst v63  }
.Ltmp3:
0x93: {  	_ = 	snop;
	(pc) =	sbr.rel .LBB2_2-.Ltmp3, $4  }
0x94: {  	_ =	swait.ge [sflag:s30], $0x1400  }
0x95: {  	[sflag:s30] =	ssyncset.done $0x0  }
0x96: {  	s12 =	sadd.s32 $0x410, s5;
	s1 =	sadd.s32 $0x640, s1;
	[sflag:s30] =	ssyncadd.s32 $0xFFFFEC00  }
0x97: {  	[tilespmem:s23], [sflag:$0x4] =	stream.indirect.gather [hbm4b:s4+s17], $0x40, s12, s17, $0xb8;
	[tilespmem:$0x1A040] =	vst v63  }
.LBB2_5:
0x98: {  	_ =	sfence.sel $0x180000  }
0x99: {  	[bflag:$0x0] =	sbarrier.arrive $0xFFFF  }
0x9a: {  	_ =	strace $0x90000050  }
0x9b: {  	s0 =	stileid.u32;
	[bflag:$0x2] =	sbarrier.arrive $0xFFFF  }
0x9c: {  	p0 =	sne.s32 s0, $0x0;
	s0 =	rddreg [dreg:$0x3]  }
0x9d: {  	s0 =	sadd.s32 @!p0 $0x100000, s0  }
0x9e: {  	[sflag:s0] =	ssyncadd.tile.s32 @!p0 $0x1;
	_ =	shalt  }
.Lfunc_end2:
_tile_overlayer_lowered:
.L_overlay_start_2:
0x9f: {  	(tag) =	ssettag $0x2  }
0xa0: {  	s0 =	rddreg [dreg:$0x0];
	s2 =	stileid.u32  }
0xa1: {  	s1 =	rddreg [dreg:$0x1];
	p0 =	sne.s32 s2, $0x0  }
0xa2: {  	s3 =	rddreg [dreg:$0x2];
	[bflag:$0x3] =	sbarrier.arrive $0xFFFF;
	s2 =	simm.s32 @!p0 $0x1C0B  }
0xa3: {  	[timem:s3], [sflag:s2] =	dma.local @!p0 [hbm:s0], s1  }
0xa4: {  	s0 =	simm.s32 @!p0 $0xB  }
0xa5: {  	_ =	swait.ge @!p0 [sflag:s0], s1  }
0xa6: {  	s1 =	ssub.s32 @!p0 $0x0, s1;
	[sflag:s0] =	ssyncset.done @!p0 $0x0  }
0xa7: {  	[sflag:s0] =	ssyncadd.s32 @!p0 s1  }
0xa8: {  	[bflag:$0x3] =	sbarrier.arrive $0xFFFF  }
0xa9: {  	_ =	shalt  }

// kernel: kernel.27.cloned.1.call-start
scs
__scs_entry_jumppad:
0x0: {  	(pc) =	sbr.rel $0x88, $3  }
0x1: {  	(tag) =	ssettag $0x0;
	lr =	simm.s32 $0x1  }
0x2: {  	[smem:$0x3F95] =	sst lr;
	_ =	strace $0xD0000000  }
0x3: {  	_ = 	snop  }
0x4: {  	_ = 	snop  }
0x5: {  	_ = 	snop  }
0x6: {  	_ = 	snop  }
0x7: {  	_ = 	snop  }
__scs_overlays_trampoline_lowered:
0x8: {  	[smem:$0x3FA4] =	sst s0  }
0x9: {  	[smem:$0x3FA5] =	sst s1  }
0xa: {  	[smem:$0x3FA6] =	sst s2  }
0xb: {  	[smem:$0x3FA7] =	sst s3  }
0xc: {  	[smem:$0x3FA8] =	sst s4  }
0xd: {  	[smem:$0x3FA9] =	sst s5  }
0xe: {  	[smem:$0x3FAA] =	sst s6  }
0xf: {  	[smem:$0x3FAB] =	sst s7  }
0x10: {  	[smem:$0x3FAC] =	sst s8  }
0x11: {  	[smem:$0x3FAD] =	sst s9;
	s0 =	simm.s32 @!p0 $0x0  }
0x12: {  	s1 =	sld [smem:$0x3F93];
	s0 =	simm.s32 @p0 $0x1  }
0x13: {  	[smem:$0x3FAE] =	sst s0;
	s0 =	simm.s32 @!p1 $0x0  }
0x14: {  	s2 =	sld [smem:$0x3F92];
	s0 =	simm.s32 @p1 $0x1  }
0x15: {  	[smem:$0x3FAF] =	sst s0;
	s0 =	simm.s32 @!p2 $0x0  }
0x16: {  	s3 =	sld [smem:$0x3FDB];
	s0 =	simm.s32 @p2 $0x1  }
0x17: {  	s4 =	simm.s32 $0x1BF5;
	[smem:$0x3FB1] =	sst s0  }
0x18: {  	s0 =	sld [smem:$0x3F94];
	_ =	swait.ge [sflag:s4], $0x0  }
0x19: {  	s7 =	sld [smem:$0x3F95]  }
0x1a: {  	s8 =	sadd.s32 $0xFFFFE003, lr  }
0x1b: {  	s9 =	sadd.s32 $0xFFFFFEF7, lr;
	s5 =	simm.s32 $0xFFFFFFFF;
	p2 =	slt.u32 s8, $0xFFFFF086  }
0x1c: {  	p1 =	slt.u32 s9, $0xF7A;
	s5 =	simm.s32 @!p2 $0x0  }
0x1d: {  	s5 =	simm.s32 @p1 $0x1;
	p0 =	seq.s32 s7, s2  }
0x1e: {  	s7 =	smul.u32 @!p0 $0xF7A, s2;
	p2 =	seq.s32 @!p0 s5, $0x0  }
0x1f: {  	s9 =	smul.u32 $0xF7A, s1;
	s8 =	simm.s32 @!p0 $0x1BF5;
	p2 =	por !p2, p0  }
0x20: {  	[sflag:s8] =	ssyncset.s32 @!p0 $0xFFFFF086;
	s6 =	sadd.s32 @!p0 s3, s7;
	s7 =	simm.s32 @!p0 $0x108  }
0x21: {  	s3 =	sadd.s32 s3, s9;
	s6 =	sadd.s32 @!p0 $0x88, s6;
	s7 =	simm.s32 @p2 $0x1082  }
0x22: {  	[simem:s7], [sflag:s8] =	dma.local @!p0 [hbm:s6], $0xF7A  }
0x23: {  	s9 =	sor.u32 $0xD0000000, s2;
	s6 =	simm.s32 $0x108;
	_ =	swait.ge @!p0 [sflag:s8], $0x0  }
0x24: {  	s3 =	sadd.s32 $0x88, s3;
	s6 =	simm.s32 @!p1 $0x1082;
	[sflag:s4] =	ssyncset.s32 $0xFFFFF086  }
0x25: {  	[simem:s6], [sflag:s4] =	dma.local [hbm:s3], $0xF7A  }
0x26: {  	[smem:$0x3F95] =	sst s1;
	(tag) =	ssettag s2;
	_ =	strace s9  }
0x27: {  	s1 =	sld [smem:$0x3FA5]  }
0x28: {  	s2 =	sld [smem:$0x3FA6]  }
0x29: {  	s4 =	sld [smem:$0x3FA8]  }
0x2a: {  	p0 =	seq.s32 s5, $0x0;
	s5 =	sld [smem:$0x3FA9]  }
0x2b: {  	s6 =	sld [smem:$0x3FAA]  }
0x2c: {  	s7 =	sld [smem:$0x3FAB]  }
0x2d: {  	s3 =	simm.s32 $0x108;
	s8 =	sld [smem:$0x3FAC]  }
0x2e: {  	s3 =	simm.s32 @!p0 $0x1082;
	s9 =	sld [smem:$0x3FAD]  }
0x2f: {  	lr =	sadd.s32 s0, s3;
	s0 =	sld [smem:$0x3FA4]  }
0x30: {  	s3 =	sld [smem:$0x3FA7]  }
0x31: {  	[smem:$0x3FB0] =	sst s10  }
0x32: {  	s10 =	sld [smem:$0x3FAE];
	_ =	sdelay $0x3  }
0x33: {  	p0 =	seq.s32 s10, $0x1;
	s10 =	sld [smem:$0x3FB0];
	_ =	sdelay $0x3  }
0x34: {  	[smem:$0x3FB0] =	sst s10  }
0x35: {  	s10 =	sld [smem:$0x3FAF];
	_ =	sdelay $0x3  }
0x36: {  	p1 =	seq.s32 s10, $0x1;
	s10 =	sld [smem:$0x3FB0];
	_ =	sdelay $0x3  }
0x37: {  	[smem:$0x3FB0] =	sst s10  }
0x38: {  	s10 =	sld [smem:$0x3FB1]  }
0x39: {  	_ = 	snop;
	(pc) =	sbr.ind lr, $3  }
0x3a: {  	_ = 	snop  }
0x3b: {  	_ = 	snop  }
0x3c: {  	p2 =	seq.s32 s10, $0x1;
	s10 =	sld [smem:$0x3FB0]  }
0x3d: {  	_ =	shalt  }
0x3e: {  	_ =	shalt  }
0x3f: {  	_ =	shalt  }
0x40: {  	_ =	shalt  }
0x41: {  	_ =	shalt  }
0x42: {  	_ =	shalt  }
0x43: {  	_ =	shalt  }
0x44: {  	_ =	shalt  }
0x45: {  	_ =	shalt  }
0x46: {  	_ =	shalt  }
0x47: {  	_ =	shalt  }
0x48: {  	_ =	shalt  }
0x49: {  	_ =	shalt  }
0x4a: {  	_ =	shalt  }
0x4b: {  	_ =	shalt  }
0x4c: {  	_ =	shalt  }
0x4d: {  	_ =	shalt  }
0x4e: {  	_ =	shalt  }
0x4f: {  	_ =	shalt  }
0x50: {  	_ =	shalt  }
0x51: {  	_ =	shalt  }
0x52: {  	_ =	shalt  }
0x53: {  	_ =	shalt  }
0x54: {  	_ =	shalt  }
0x55: {  	_ =	shalt  }
0x56: {  	_ =	shalt  }
0x57: {  	_ =	shalt  }
0x58: {  	_ =	shalt  }
0x59: {  	_ =	shalt  }
0x5a: {  	_ =	shalt  }
0x5b: {  	_ =	shalt  }
0x5c: {  	_ =	shalt  }
0x5d: {  	_ =	shalt  }
0x5e: {  	_ =	shalt  }
0x5f: {  	_ =	shalt  }
0x60: {  	_ =	shalt  }
0x61: {  	_ =	shalt  }
0x62: {  	_ =	shalt  }
0x63: {  	_ =	shalt  }
0x64: {  	_ =	shalt  }
0x65: {  	_ =	shalt  }
0x66: {  	_ =	shalt  }
0x67: {  	_ =	shalt  }
0x68: {  	_ =	shalt  }
0x69: {  	_ =	shalt  }
0x6a: {  	_ =	shalt  }
0x6b: {  	_ =	shalt  }
0x6c: {  	_ =	shalt  }
0x6d: {  	_ =	shalt  }
0x6e: {  	_ =	shalt  }
0x6f: {  	_ =	shalt  }
0x70: {  	_ =	shalt  }
0x71: {  	_ =	shalt  }
0x72: {  	_ =	shalt  }
0x73: {  	_ =	shalt  }
0x74: {  	_ =	shalt  }
0x75: {  	_ =	shalt  }
0x76: {  	_ =	shalt  }
0x77: {  	_ =	shalt  }
0x78: {  	_ =	shalt  }
0x79: {  	_ =	shalt  }
0x7a: {  	_ =	shalt  }
0x7b: {  	_ =	shalt  }
0x7c: {  	_ =	shalt  }
0x7d: {  	_ =	shalt  }
0x7e: {  	_ =	shalt  }
0x7f: {  	_ =	shalt  }
0x80: {  	_ =	shalt  }
0x81: {  	_ =	shalt  }
0x82: {  	_ =	shalt  }
0x83: {  	_ =	shalt  }
0x84: {  	_ =	shalt  }
0x85: {  	_ =	shalt  }
0x86: {  	_ =	shalt  }
0x87: {  	_ =	shalt  }
.Lfunc_end0:
.L_simem_size_0:
called_computation.5_lowered:
.L_overlay_start_0:
0x88: {  	s2 =	sld [smem:$0x3FD9]  }
0x89: {  	s3 =	sld [smem:$0x3FFE];
	_ =	sdelay $0x1  }
0x8a: {  	s1 =	srdreg.scid  }
0x8b: {  	s0 =	sand.u32 $0x1, s1  }
0x8c: {  	s17 =	sshll.u32 s0, $0xA;
	s2 =	sadd.s32 s3, s2  }
0x8d: {  	s2 =	sadd.s32 s2, s17  }
0x8e: {  	[smem:$0x3FBC] =	sst s2  }
0x8f: {  	_ = 	snop  }
0x90: {  	s2 =	sld [smem:$0x3FD0];
	(tm) =	ssettm $0x1  }
0x91: {  	s18 =	sld [smem:$0x3FFB];
	_ =	sdelay $0x3  }
0x92: {  	_ =	strace s18  }
0x93: {  	s3 =	sld [smem:$0x3FFC];
	_ =	sdelay $0x3  }
0x94: {  	_ =	strace s3  }
0x95: {  	s3 =	sld [smem:$0x3FFD];
	_ =	sdelay $0x3  }
0x96: {  	_ =	strace s3  }
0x97: {  	_ =	strace $0x8FFFFFFF  }
0x98: {  	s19 =	sld [smem:$0x3FDB];
	_ =	sdelay $0x1  }
0x99: {  	s4 =	simm.s32 $_scs_section_size  }
0x9a: {  	s5 =	simm.s32 $_size__tile_overlayer_lowered;
	s6 =	simm.s32 $_tile_overlayer_lowered  }
0x9b: {  	s22 =	simm.s32 $0x1BFF;
	s21 =	sshll.u32 s6, $0x1;
	s3 =	sadd.s32 s4, s19  }
0x9c: {  	s7 =	simm.s32 $0x0;
	s20 =	sshll.u32 s5, $0x1;
	s5 =	sadd.s32 s21, s3  }
0x9d: {  	[timem:s7], [sflag:s22] =	dma.local [hbm:s5], s20  }
0x9e: {  	_ =	swait.ge [sflag:s22], s20  }
0x9f: {  	s4 =	ssub.s32 $0x0, s20;
	[sflag:s22] =	ssyncset.done $0x0  }
0xa0: {  	[sflag:s22] =	ssyncadd.s32 s4;
	_ =	sdelay $0x1  }
0xa1: {  	s23 =	simm.s32 $0x1B8B  }
0xa2: {  	_ =	swait.ge [sflag:s23], $0x1  }
0xa3: {  	[sflag:s23] =	ssyncset.done $0x0  }
0xa4: {  	s25 =	simm.s32 $0x1B8E;
	s24 =	sld [smem:$0x3FFE];
	[sflag:s23] =	ssyncadd.s32 $0xFFFFFFFF  }
0xa5: {  	s26 =	simm.s32 $execute0_lowered;
	[smem:$0x3FD2] =	sst s25  }
0xa6: {  	s5 =	sshll.u32 s26, $0x1;
	_ =	strace $0x80000055;
	[dreg:$0x1] =	wrdreg $0xFFFFFFFF  }
0xa7: {  	s28 =	simm.s32 $_size_execute0_lowered;
	s3 =	sadd.s32 s3, s5;
	[dreg:$0x0] =	wrdreg $0x0  }
0xa8: {  	s5 =	sshll.u32 s28, $0x1;
	[dreg:$0x2] =	wrdreg s3  }
0xa9: {  	[dreg:$0x3] =	wrdreg s5  }
0xaa: {  	[dreg:$0x4] =	wrdreg $0xC0  }
0xab: {  	_ =	task [dreg:s7], $0x5FFFF  }
0xac: {  	[dreg:$0x1] =	wrdreg $0xFFFFFFFF  }
0xad: {  	[dreg:$0x0] =	wrdreg $0x60  }
0xae: {  	[dreg:$0x2] =	wrdreg s24  }
0xaf: {  	[dreg:$0x3] =	wrdreg s2  }
0xb0: {  	[dreg:$0x4] =	wrdreg $0x100400  }
0xb1: {  	[dreg:$0x5] =	wrdreg $0x9  }
0xb2: {  	_ =	task.clear_ibuf [dreg:s7], $0x6FFFF;
	_ =	strace $0x90000055  }
0xb3: {  	s29 =	simm.s32 $0x9;
	_ =	strace $0x80000057  }
0xb4: {  	_ =	swait.ge [sflag:s29], $0x1  }
0xb5: {  	[sflag:s29] =	ssyncadd.s32 $0xFFFFFFFF  }
0xb6: {  	_ =	strace $0x90000057  }
0xb7: {  	_ =	sfence  }
0xb8: {  	s30 =	sld [smem:$0x0];
	_ =	sdelay $0x2  }
0xb9: {  	s31 =	sshll.u32 s1, $0xD;
	s1 =	sshrl.u32 s1, $0x2  }
0xba: {  	s3 =	sand.u32 $0x4000, s31;
	s1 =	sadd.s32 s1, s30  }
0xbb: {  	s0 =	sor.u32 s3, s0;
	s1 =	sshll.u32 s1, $0x11  }
0xbc: {  	s0 =	sor.u32 s1, s0  }
0xbd: {  	s0 =	sadd.s32 $0x8F2B, s0  }
0xbe: {  	[sflag:s0] =	ssyncadd.remote.s32 $0x1  }
0xbf: {  	_ =	sfence.sel $0xFFFF  }
0xc0: {  	[dreg:$0x0] =	wrdreg $0xFFFFFFFF;
	(pc) =	sbr.abs _section_cstart, $3  }
0xc1: {  	[dreg:$0x1] =	wrdreg $0xFFFFFFFF  }
0xc2: {  	_ =	task.clear_ibuf [dreg:s7], $0x2FFFF;
	_ =	strace $0x9FFFFFFF  }
0xc3: {  	(tm) =	ssettm $0x7FFFFFFF  }
tec
execute0_lowered:
.L_overlay_start_1:
0x0: {  	(tag) =	ssettag $0x1  }
0x1: {  	s0 =	srdreg.scid  }
0x2: {  	s1 =	rddreg [dreg:$0x0];
	s11 =	stileid.u32  }
0x3: {  	s5 =	rddreg [dreg:$0x1];
	s14 =	simm.s32 $0x1;
	s15 =	simm.s32 $0x2  }
0x4: {  	s16 =	simm.s32 $0x3;
	s17 =	simm.s32 $0x50;
	s18 =	simm.s32 $0x9C40  }
0x5: {  	s28 =	simm.s32 $0x6;
	s31 =	simm.s32 $0x7;
	s7 =	smul.u32 $0x9C4, s11  }
0x6: {  	s30 =	simm.s32 $0x9;
	s29 =	simm.s32 $0x0;
	s8 =	smul.u32 $0x1400, s11  }
0x7: {  	s0 =	sand.u32 $0x1, s0;
	s4 =	sadd.s32 $0xCE00, s1;
	s22 =	smul.u32 $0xA000, s11  }
0x8: {  	s2 =	sshll.u32 s0, $0x4;
	s9 =	smul.u32 $0x14000, s0;
	s0 =	ssub.s32 $0x2, s0  }
0x9: {  	s3 =	sor.u32 s11, s2;
	s2 =	rddreg [dreg:$0x2];
	s19 =	sadd.s32 s7, s1  }
0xa: {  	s21 =	sshrl.u32 s0, $0x1;
	s24 =	sshrl.u32 s22, $0x3;
	s6 =	smul.u32 $0x9C4, s3  }
0xb: {  	s3 =	simm.s32 $0x0;
	s20 =	sadd.s32 s8, s9;
	s0 =	ssub.s32 s0, s21  }
0xc: {  	s23 =	sadd.s32 s22, s2;
	s5 =	sadd.s32 s5, s24;
	s21 =	simm.s32 $0xC440  }
0xd: {  	s22 =	simm.s32 $0x8;
	s24 =	simm.s32 $0xB;
	[smem:$0x7FF] =	sst s3  }
0xe: {  	s13 =	sshrl.u32 s23, $0x3;
	s23 =	simm.s32 $0xD840;
	_ =	strace $0x80000056  }
0xf: {  	s10 =	sadd.s32 s6, s1;
	s1 =	sadd.s32 s20, s1;
	s6 =	sadd.s32 $0x3000, s19  }
.Ltmp0:
0x10: {  	[dreg:$0x5] =	wrdreg s5;
	s19 =	simm.s32 $0xB040;
	(pc) =	sbr.rel .LBB2_1-.Ltmp0, $4  }
0x11: {  	s20 =	simm.s32 $0xA;
	[dreg:$0x4] =	wrdreg s6;
	s6 =	sshll.u32 s11, $0x6  }
0x12: {  	s26 =	sadd.s32 $0x13B200, s10;
	s10 =	sadd.s32 $0x5CE00, s1;
	s11 =	smax.u32 s0, $0x1  }
0x13: {  	s0 =	simm.s32 $0x4;
	s25 =	sor.u32 $0x1C02, s6;
	[dreg:$0x7] =	wrdreg s26  }
0x14: {  	s26 =	simm.s32 $0x5;
	[dreg:$0x6] =	wrdreg s25;
	s25 =	simm.s32 $0xEC40  }
.LBB2_4:
0x15: {  	_ =	swait.ge [sflag:s26], $0x1400  }
0x16: {  	[sflag:s26] =	ssyncset.done $0x0  }
0x17: {  	[sflag:s26] =	ssyncadd.s32 $0xFFFFEC00  }
0x18: {  	[spmem:s2] =	stream.indirect.scatter.add.f32 [tilespmem:s25], [sflag:$0xA], $0x40, s7, s17, $0xb8;
	[tilespmem:$0x1A040] =	vst v63  }
0x19: {  	_ =	swait.ge [sflag:s30], $0x1400  }
0x1a: {  	[sflag:s30] =	ssyncset.done $0x0  }
0x1b: {  	[sflag:s30] =	ssyncadd.s32 $0xFFFFEC00  }
0x1c: {  	_ =	swait.ge [sflag:s20], $0x1400  }
0x1d: {  	s29 =	sadd.s32 $0x1, s29;
	[sflag:s20] =	ssyncset.done $0x0  }
0x1e: {  	p0 =	sne.s32 s29, s11;
	[sflag:s20] =	ssyncadd.s32 $0xFFFFEC00  }
.Ltmp1:
0x1f: {  	s1 =	sor.u32 $0x1C0B, s6;
	[bflag:$0x0] =	sbarrier.arrive $0xFFFF;
	(pc) =	sbr.rel @!p0 .LBB2_5-.Ltmp1, $4  }
0x20: {  	[hbm:s10], [sflag:s1] =	dma.local [spmem:s13], $0x1400  }
0x21: {  	_ =	swait.ge [sflag:s24], $0x1400  }
0x22: {  	[sflag:s24] =	ssyncset.done $0x0  }
0x23: {  	[sflag:s24] =	ssyncadd.s32 $0xFFFFEC00  }
.LBB2_1:
0x24: {  	s1 =	rddreg [dreg:$0x4]  }
0x25: {  	s9 =	rddreg [dreg:$0x5]  }
0x26: {  	s7 =	simm.s32 $0x4E20;
	s5 =	rddreg [dreg:$0x6]  }
0x27: {  	[tilespmem:s7], [sflag:$0x1] =	stream.linear.gather [hbm4b:s1+s3], $0x4E20, $0x38;
	[tilespmem:$0x1A040] =	vst v63  }
0x28: {  	[spmem:s13], [sflag:s5] =	dma.local [hbm:s9], $0x1400  }
0x29: {  	s1 =	rddreg [dreg:$0x7]  }
0x2a: {  	[tilespmem:s3], [sflag:$0x3] =	stream.linear.gather [hbm4b:s1+s3], $0x4E20, $0x38;
	[tilespmem:$0x1A040] =	vst v63  }
0x2b: {  	_ =	swait.ge [sflag:s14], $0x4E20  }
0x2c: {  	[sflag:s14] =	ssyncset.done $0x0  }
0x2d: {  	[sflag:s14] =	ssyncadd.s32 $0xFFFFB1E0  }
0x2e: {  	_ =	swait.ge [sflag:s15], $0x1400  }
0x2f: {  	[sflag:s15] =	ssyncset.done $0x0  }
0x30: {  	[sflag:s15] =	ssyncadd.s32 $0xFFFFEC00  }
0x31: {  	_ =	swait.ge [sflag:s16], $0x4E20  }
0x32: {  	[sflag:s16] =	ssyncset.done $0x0  }
0x33: {  	[sflag:s16] =	ssyncadd.s32 $0xFFFFB1E0  }
0x34: {  	[bflag:$0x0] =	sbarrier.arrive $0xFFFF  }
0x35: {  	[tilespmem:s18], [sflag:$0x1] =	stream.indirect.gather [hbm4b:s4+s17], $0x40, s3, s17, $0xb8;
	[tilespmem:$0x1A040] =	vst v63  }
0x36: {  	_ = 	snop  }
0x37: {  	[tilespmem:s19], [sflag:$0x2] =	stream.indirect.gather [hbm4b:s4+s17], $0x40, s17, s17, $0xb8;
	[tilespmem:$0x1A040] =	vst v63  }
0x38: {  	s12 =	simm.s32 $0xA0  }
0x39: {  	[tilespmem:s21], [sflag:$0x3] =	stream.indirect.gather [hbm4b:s4+s17], $0x40, s12, s17, $0xb8;
	[tilespmem:$0x1A040] =	vst v63  }
0x3a: {  	s5 =	simm.s32 $0xF0  }
0x3b: {  	[tilespmem:s23], [sflag:$0x4] =	stream.indirect.gather [hbm4b:s4+s17], $0x40, s5, s17, $0xb8;
	[tilespmem:$0x1A040] =	vst v63  }
0x3c: {  	_ =	swait.ge [sflag:s14], $0x1400  }
0x3d: {  	[sflag:s14] =	ssyncset.done $0x0  }
0x3e: {  	[sflag:s14] =	ssyncadd.s32 $0xFFFFEC00  }
0x3f: {  	[spmem:s2] =	stream.indirect.scatter.add.f32 [tilespmem:s18], [sflag:$0x6], $0x40, s7, s17, $0xb8;
	[tilespmem:$0x1A040] =	vst v63  }
0x40: {  	s7 =	simm.s32 $0x140  }
0x41: {  	[tilespmem:s25], [sflag:$0x5] =	stream.indirect.gather [hbm4b:s4+s17], $0x40, s7, s17, $0xb8;
	[tilespmem:$0x1A040] =	vst v63  }
0x42: {  	_ =	swait.ge [sflag:s15], $0x1400  }
0x43: {  	[sflag:s15] =	ssyncset.done $0x0  }
0x44: {  	s8 =	simm.s32 $0x4E70;
	[sflag:s15] =	ssyncadd.s32 $0xFFFFEC00  }
0x45: {  	[spmem:s2] =	stream.indirect.scatter.add.f32 [tilespmem:s19], [sflag:$0x7], $0x40, s8, s17, $0xb8;
	[tilespmem:$0x1A040] =	vst v63  }
0x46: {  	_ =	swait.ge [sflag:s28], $0x1400  }
0x47: {  	[sflag:s28] =	ssyncset.done $0x0  }
0x48: {  	s9 =	simm.s32 $0x190;
	[sflag:s28] =	ssyncadd.s32 $0xFFFFEC00  }
0x49: {  	[tilespmem:s18], [sflag:$0x1] =	stream.indirect.gather [hbm4b:s4+s17], $0x40, s9, s17, $0xb8;
	[tilespmem:$0x1A040] =	vst v63  }
0x4a: {  	_ =	swait.ge [sflag:s16], $0x1400  }
0x4b: {  	[sflag:s16] =	ssyncset.done $0x0  }
0x4c: {  	s12 =	simm.s32 $0x4EC0;
	[sflag:s16] =	ssyncadd.s32 $0xFFFFEC00  }
0x4d: {  	[spmem:s2] =	stream.indirect.scatter.add.f32 [tilespmem:s21], [sflag:$0x8], $0x40, s12, s17, $0xb8;
	[tilespmem:$0x1A040] =	vst v63  }
0x4e: {  	_ =	swait.ge [sflag:s31], $0x1400  }
0x4f: {  	[sflag:s31] =	ssyncset.done $0x0  }
0x50: {  	s5 =	simm.s32 $0x1E0;
	[sflag:s31] =	ssyncadd.s32 $0xFFFFEC00  }
0x51: {  	[tilespmem:s19], [sflag:$0x2] =	stream.indirect.gather [hbm4b:s4+s17], $0x40, s5, s17, $0xb8;
	[tilespmem:$0x1A040] =	vst v63  }
0x52: {  	_ =	swait.ge [sflag:s0], $0x1400  }
0x53: {  	[sflag:s0] =	ssyncset.done $0x0  }
0x54: {  	s7 =	simm.s32 $0x4F10;
	[sflag:s0] =	ssyncadd.s32 $0xFFFFEC00  }
0x55: {  	[spmem:s2] =	stream.indirect.scatter.add.f32 [tilespmem:s23], [sflag:$0x9], $0x40, s7, s17, $0xb8;
	[tilespmem:$0x1A040] =	vst v63  }
0x56: {  	_ =	swait.ge [sflag:s22], $0x1400  }
0x57: {  	[sflag:s22] =	ssyncset.done $0x0  }
0x58: {  	s8 =	simm.s32 $0x230;
	[sflag:s22] =	ssyncadd.s32 $0xFFFFEC00  }
0x59: {  	[tilespmem:s21], [sflag:$0x3] =	stream.indirect.gather [hbm4b:s4+s17], $0x40, s8, s17, $0xb8;
	[tilespmem:$0x1A040] =	vst v63  }
0x5a: {  	_ =	swait.ge [sflag:s26], $0x1400  }
0x5b: {  	[sflag:s26] =	ssyncset.done $0x0  }
0x5c: {  	s9 =	simm.s32 $0x4F60;
	[sflag:s26] =	ssyncadd.s32 $0xFFFFEC00  }
0x5d: {  	[spmem:s2] =	stream.indirect.scatter.add.f32 [tilespmem:s25], [sflag:$0xA], $0x40, s9, s17, $0xb8;
	[tilespmem:$0x1A040] =	vst v63  }
0x5e: {  	_ =	swait.ge [sflag:s30], $0x1400  }
0x5f: {  	[sflag:s30] =	ssyncset.done $0x0  }
0x60: {  	s1 =	simm.s32 $0x0;
	s12 =	simm.s32 $0x280;
	[sflag:s30] =	ssyncadd.s32 $0xFFFFEC00  }
0x61: {  	[tilespmem:s23], [sflag:$0x4] =	stream.indirect.gather [hbm4b:s4+s17], $0x40, s12, s17, $0xb8;
	[tilespmem:$0x1A040] =	vst v63  }
.LBB2_2:
0x62: {  	_ =	swait.ge [sflag:s14], $0x1400  }
0x63: {  	s5 =	sshra.s32 s1, $0x2;
	[sflag:s14] =	ssyncset.done $0x0  }
0x64: {  	s7 =	sadd.s32 $0x4FB0, s5;
	[sflag:s14] =	ssyncadd.s32 $0xFFFFEC00  }
0x65: {  	[spmem:s2] =	stream.indirect.scatter.add.f32 [tilespmem:s18], [sflag:$0x6], $0x40, s7, s17, $0xb8;
	[tilespmem:$0x1A040] =	vst v63  }
0x66: {  	_ =	swait.ge [sflag:s20], $0x1400  }
0x67: {  	[sflag:s20] =	ssyncset.done $0x0  }
0x68: {  	s8 =	sadd.s32 $0x2D0, s5;
	[sflag:s20] =	ssyncadd.s32 $0xFFFFEC00  }
0x69: {  	[tilespmem:s25], [sflag:$0x5] =	stream.indirect.gather [hbm4b:s4+s17], $0x40, s8, s17, $0xb8;
	[tilespmem:$0x1A040] =	vst v63  }
0x6a: {  	_ =	swait.ge [sflag:s15], $0x1400  }
0x6b: {  	[sflag:s15] =	ssyncset.done $0x0  }
0x6c: {  	s9 =	sadd.s32 $0x5000, s5;
	[sflag:s15] =	ssyncadd.s32 $0xFFFFEC00  }
0x6d: {  	[spmem:s2] =	stream.indirect.scatter.add.f32 [tilespmem:s19], [sflag:$0x7], $0x40, s9, s17, $0xb8;
	[tilespmem:$0x1A040] =	vst v63  }
0x6e: {  	_ =	swait.ge [sflag:s28], $0x1400  }
0x6f: {  	p0 =	seq.s32 s1, $0x12C00;
	[sflag:s28] =	ssyncset.done $0x0  }
0x70: {  	s7 =	simm.s32 @p0 $0x3;
	[sflag:s28] =	ssyncadd.s32 $0xFFFFEC00  }
0x71: {  	_ =	swait.ge @p0 [sflag:s7], $0x1400  }
0x72: {  	[sflag:s7] =	ssyncset.done @p0 $0x0  }
0x73: {  	[sflag:s7] =	ssyncadd.s32 @p0 $0xFFFFEC00;
	s7 =	sshra.s32 @p0 s1, $0x2  }
0x74: {  	s12 =	simm.s32 @p0 $0xC440;
	s8 =	simm.s32 @p0 $0x50;
	s7 =	sadd.s32 @p0 $0x5050, s7  }
0x75: {  	[spmem:s2] =	stream.indirect.scatter.add.f32 @p0 [tilespmem:s12], [sflag:$0x8], $0x40, s7, s8, $0xb8;
	[tilespmem:$0x1A040] =	vst v63  }
0x76: {  	s7 =	simm.s32 @p0 $0x7  }
0x77: {  	_ =	swait.ge @p0 [sflag:s7], $0x1400  }
0x78: {  	[sflag:s7] =	ssyncset.done @p0 $0x0  }
0x79: {  	[sflag:s7] =	ssyncadd.s32 @p0 $0xFFFFEC00;
	s7 =	sshra.s32 @!p0 s1, $0x2  }
0x7a: {  	s9 =	simm.s32 @!p0 $0x9C40;
	s12 =	simm.s32 @!p0 $0x50;
	s8 =	sadd.s32 @!p0 $0x320, s7  }
0x7b: {  	[tilespmem:s9], [sflag:$0x1] =	stream.indirect.gather @!p0 [hbm4b:s4+s12], $0x40, s8, s12, $0xb8;
	[tilespmem:$0x1A040] =	vst v63  }
0x7c: {  	s8 =	simm.s32 @!p0 $0x3  }
0x7d: {  	_ =	swait.ge @!p0 [sflag:s8], $0x1400  }
0x7e: {  	[sflag:s8] =	ssyncset.done @!p0 $0x0  }
0x7f: {  	s9 =	simm.s32 @!p0 $0xC440;
	[sflag:s8] =	ssyncadd.s32 @!p0 $0xFFFFEC00;
	s8 =	sadd.s32 @!p0 $0x5050, s7  }
0x80: {  	[spmem:s2] =	stream.indirect.scatter.add.f32 @!p0 [tilespmem:s9], [sflag:$0x8], $0x40, s8, s12, $0xb8;
	[tilespmem:$0x1A040] =	vst v63  }
0x81: {  	s8 =	simm.s32 @!p0 $0x7  }
0x82: {  	_ =	swait.ge @!p0 [sflag:s8], $0x1400  }
0x83: {  	[sflag:s8] =	ssyncset.done @!p0 $0x0  }
0x84: {  	s7 =	sadd.s32 @!p0 $0x370, s7;
	[sflag:s8] =	ssyncadd.s32 @!p0 $0xFFFFEC00;
	s8 =	simm.s32 @!p0 $0xB040  }
0x85: {  	[tilespmem:s8], [sflag:$0x2] =	stream.indirect.gather @!p0 [hbm4b:s4+s12], $0x40, s7, s12, $0xb8;
	[tilespmem:$0x1A040] =	vst v63  }
0x86: {  	_ =	swait.ge [sflag:s0], $0x1400  }
0x87: {  	[sflag:s0] =	ssyncset.done $0x0  }
.Ltmp2:
0x88: {  	s12 =	sadd.s32 $0x50A0, s5;
	[sflag:s0] =	ssyncadd.s32 $0xFFFFEC00;
	(pc) =	sbr.rel @p0 .LBB2_4-.Ltmp2, $4  }
0x89: {  	[spmem:s2] =	stream.indirect.scatter.add.f32 [tilespmem:s23], [sflag:$0x9], $0x40, s12, s17, $0xb8;
	[tilespmem:$0x1A040] =	vst v63  }
0x8a: {  	_ =	swait.ge [sflag:s22], $0x1400  }
0x8b: {  	[sflag:s22] =	ssyncset.done $0x0  }
0x8c: {  	s7 =	sadd.s32 $0x50F0, s5;
	[sflag:s22] =	ssyncadd.s32 $0xFFFFEC00  }
0x8d: {  	s8 =	sadd.s32 $0x3C0, s5  }
0x8e: {  	[tilespmem:s21], [sflag:$0x3] =	stream.indirect.gather [hbm4b:s4+s17], $0x40, s8, s17, $0xb8;
	[tilespmem:$0x1A040] =	vst v63  }
0x8f: {  	_ =	swait.ge [sflag:s26], $0x1400  }
0x90: {  	[sflag:s26] =	ssyncset.done $0x0  }
0x91: {  	[sflag:s26] =	ssyncadd.s32 $0xFFFFEC00  }
0x92: {  	[spmem:s2] =	stream.indirect.scatter.add.f32 [tilespmem:s25], [sflag:$0xA], $0x40, s7, s17, $0xb8;
	[tilespmem:$0x1A040] =	vst v63  }
.Ltmp3:
0x93: {  	_ = 	snop;
	(pc) =	sbr.rel .LBB2_2-.Ltmp3, $4  }
0x94: {  	_ =	swait.ge [sflag:s30], $0x1400  }
0x95: {  	[sflag:s30] =	ssyncset.done $0x0  }
0x96: {  	s12 =	sadd.s32 $0x410, s5;
	s1 =	sadd.s32 $0x640, s1;
	[sflag:s30] =	ssyncadd.s32 $0xFFFFEC00  }
0x97: {  	[tilespmem:s23], [sflag:$0x4] =	stream.indirect.gather [hbm4b:s4+s17], $0x40, s12, s17, $0xb8;
	[tilespmem:$0x1A040] =	vst v63  }
.LBB2_5:
0x98: {  	_ =	sfence.sel $0x180000  }
0x99: {  	[bflag:$0x0] =	sbarrier.arrive $0xFFFF  }
0x9a: {  	_ =	strace $0x90000056  }
0x9b: {  	s0 =	stileid.u32;
	[bflag:$0x2] =	sbarrier.arrive $0xFFFF  }
0x9c: {  	p0 =	sne.s32 s0, $0x0;
	s0 =	rddreg [dreg:$0x3]  }
0x9d: {  	s0 =	sadd.s32 @!p0 $0x100000, s0  }
0x9e: {  	[sflag:s0] =	ssyncadd.tile.s32 @!p0 $0x1;
	_ =	shalt  }
.Lfunc_end2:
_tile_overlayer_lowered:
.L_overlay_start_2:
0x9f: {  	(tag) =	ssettag $0x2  }
0xa0: {  	s0 =	rddreg [dreg:$0x0];
	s2 =	stileid.u32  }
0xa1: {  	s1 =	rddreg [dreg:$0x1];
	p0 =	sne.s32 s2, $0x0  }
0xa2: {  	s3 =	rddreg [dreg:$0x2];
	[bflag:$0x3] =	sbarrier.arrive $0xFFFF;
	s2 =	simm.s32 @!p0 $0x1C0B  }
0xa3: {  	[timem:s3], [sflag:s2] =	dma.local @!p0 [hbm:s0], s1  }
0xa4: {  	s0 =	simm.s32 @!p0 $0xB  }
0xa5: {  	_ =	swait.ge @!p0 [sflag:s0], s1  }
0xa6: {  	s1 =	ssub.s32 @!p0 $0x0, s1;
	[sflag:s0] =	ssyncset.done @!p0 $0x0  }
0xa7: {  	[sflag:s0] =	ssyncadd.s32 @!p0 s1  }
0xa8: {  	[bflag:$0x3] =	sbarrier.arrive $0xFFFF  }
0xa9: {  	_ =	shalt  }

</sc_bundles>
